<compile_context>
chip_gen: v7x
topology: tpu7x:2x2x1
jax: 0.10.2.dev20260603
libtpu: 0.0.44.dev20260713+nightly
codegen_flags: <defaults>
</compile_context>

<pallas_src>
import functools

import jax
import jax.numpy as jnp
from jax import lax
from jax.experimental import pallas as pl
from jax.experimental.pallas import tpu as pltpu
from jax.experimental.pallas import tpu_sc as plsc

_B, _D1, _D2 = 64, 8192, 128
_DTC = 3584
_DSC = _D1 - _DTC


_UNROLL = 8


def _tc_body(x_ref, oval_ref, oidx_ref):
    d1 = x_ref.shape[1]
    rows_per_iter = 8 * _UNROLL
    n_iter = d1 // rows_per_iter

    sub_iota = lax.broadcasted_iota(jnp.int32, (8, _D2), 0)

    def step(i, carry):
        rm, ri = carry
        v64 = x_ref[0, pl.ds(i * rows_per_iter, rows_per_iter), :]
        vv = v64.reshape(_UNROLL, 8, _D2)
        base = i * rows_per_iter
        for k in range(_UNROLL):
            v = vv[k]
            lt = v < rm
            ri = jnp.where(lt, sub_iota + (base + k * 8), ri)
            rm = jnp.where(lt, v, rm)
        return rm, ri

    rm0 = jnp.full((8, _D2), jnp.inf, dtype=jnp.float32)
    ri0 = jnp.zeros((8, _D2), dtype=jnp.int32)
    rm, ri = lax.fori_loop(0, n_iter, step, (rm0, ri0))

    m = jnp.min(rm, axis=0)
    idx = jnp.min(jnp.where(rm == m[None, :], ri, 2**30), axis=0)
    oval_ref[0, 0] = m
    oidx_ref[0, 0] = idx


def _tc_argmin(x):
    val3, idx3 = pl.pallas_call(
        _tc_body,
        grid=(_B,),
        in_specs=[pl.BlockSpec((1, _DTC, _D2), lambda i: (i, 0, 0))],
        out_specs=[
            pl.BlockSpec((1, 1, _D2), lambda i: (i, 0, 0)),
            pl.BlockSpec((1, 1, _D2), lambda i: (i, 0, 0)),
        ],
        out_shape=[
            jax.ShapeDtypeStruct((_B, 1, _D2), jnp.float32),
            jax.ShapeDtypeStruct((_B, 1, _D2), jnp.int32),
        ],
    )(x)
    return val3, idx3



_NC, _NS, _L = 2, 16, 16
_NW = _NC * _NS
_BPW = _B // _NW
_C = 384
_NCHUNK = _DSC // _C
_G = _D2 // _L


def _sc_body(x_hbm, oidx_hbm, oval_hbm, buf0, buf1, outi, outf, sem0, sem1):
    wid = lax.axis_index("s") * _NC + lax.axis_index("c")
    bufs = (buf0, buf1)
    sems = (sem0, sem1)

    def chunk_src(b, g):
        return x_hbm.at[b, pl.ds(_DTC + g * _C, _C), :]

    for bi in range(_BPW):
        b = wid * _BPW + bi
        pltpu.make_async_copy(chunk_src(b, 0), buf0, sem0).start()
        pltpu.make_async_copy(chunk_src(b, 1), buf1, sem1).start()

        def row_body(d, carry, buf, g):
            vals = carry[:_G]
            idxs = carry[_G:]
            new_vals, new_idxs = [], []
            base = _DTC + g * _C + 2 * d
            d1vec = jnp.full((_L,), base, dtype=jnp.int32)
            d2vec = jnp.full((_L,), base + 1, dtype=jnp.int32)
            for l in range(_G):
                v1 = buf[2 * d, pl.ds(l * _L, _L)]
                v2 = buf[2 * d + 1, pl.ds(l * _L, _L)]
                p2 = v2 < v1
                mv = jnp.minimum(v1, v2)
                mi = jnp.where(p2, d2vec, d1vec)
                q = mv < vals[l]
                new_idxs.append(jnp.where(q, mi, idxs[l]))
                new_vals.append(jnp.minimum(vals[l], mv))
            return tuple(new_vals) + tuple(new_idxs)

        def pair_body(p, carry):
            for j in range(2):
                g = p * 2 + j
                buf, sem = bufs[j], sems[j]
                pltpu.make_async_copy(chunk_src(b, g), buf, sem).wait()
                carry = lax.fori_loop(
                    0, _C // 2, functools.partial(row_body, buf=buf, g=g),
                    carry, unroll=4)

                @pl.when(g + 2 < _NCHUNK)
                def _():
                    pltpu.make_async_copy(chunk_src(b, g + 2), buf, sem).start()
            return carry

        init = tuple(jnp.full((_L,), jnp.inf, dtype=jnp.float32)
                     for _ in range(_G))
        init += tuple(jnp.zeros((_L,), dtype=jnp.int32) for _ in range(_G))
        carry = lax.fori_loop(0, _NCHUNK // 2, pair_body, init)
        if _NCHUNK % 2:
            g = _NCHUNK - 1
            pltpu.make_async_copy(chunk_src(b, g), buf0, sem0).wait()
            carry = lax.fori_loop(
                0, _C // 2, functools.partial(row_body, buf=buf0, g=g),
                carry, unroll=4)

        for l in range(_G):
            outf[bi, pl.ds(l * _L, _L)] = carry[l]
            outi[bi, pl.ds(l * _L, _L)] = carry[_G + l]

    pltpu.sync_copy(outi, oidx_hbm.at[pl.ds(wid * _BPW, _BPW), :])
    pltpu.sync_copy(outf, oval_hbm.at[pl.ds(wid * _BPW, _BPW), :])


def _sc_argmin(x):
    mesh = plsc.VectorSubcoreMesh(core_axis_name="c", subcore_axis_name="s")
    f = pl.kernel(
        _sc_body,
        out_type=(
            jax.ShapeDtypeStruct((_B, _D2), jnp.int32),
            jax.ShapeDtypeStruct((_B, _D2), jnp.float32),
        ),
        mesh=mesh,
        scratch_types=[
            pltpu.VMEM((_C, _D2), jnp.float32),
            pltpu.VMEM((_C, _D2), jnp.float32),
            pltpu.VMEM((_BPW, _D2), jnp.int32),
            pltpu.VMEM((_BPW, _D2), jnp.float32),
            pltpu.SemaphoreType.DMA,
            pltpu.SemaphoreType.DMA,
        ],
    )
    return f(x)




def _merge_body(tv_ref, ti_ref, sv_ref, si_ref, o_ref):
    sc_wins = sv_ref[...] < tv_ref[:, 0, :]
    o_ref[...] = jnp.where(sc_wins, si_ref[...], ti_ref[:, 0, :])


def _merge(tval, tidx, sval, sidx):
    return pl.pallas_call(
        _merge_body,
        out_shape=jax.ShapeDtypeStruct((_B, _D2), jnp.int32),
    )(tval, tidx, sval, sidx)


def kernel(x):
    sidx, sval = _sc_argmin(x)
    tval, tidx = _tc_argmin(x)
    return _merge(tval, tidx, sval, sidx)

# --- scband reference (transcript-rebuilt; emitter-appended) ---
"""Pipeline reference for scband-model-new-73315091744901 (READ-ONLY COPY).

The authoritative reference and input builder live on the scoring server;
editing this copy changes nothing except your own understanding.
"""

import jax, jax.numpy as jnp
import numpy as np

def setup_inputs(seed: int = 0) -> dict:
    key = jax.random.key(seed)
    x = jax.random.normal(key, (64, 8192, 128), dtype=jnp.float32)
    return {"x": x}

def reference(x) -> jnp.ndarray:
    # Faithful translation of the custom CUDA argmin kernel with dim=1.
    # The kernel reduces over dimension 1 of a [B, D1, D2] tensor, returning
    # int32 indices of the minimum along that axis; ties resolve to the
    # smallest index, which matches jnp.argmin semantics.
    return jnp.argmin(x, axis=1).astype(jnp.int32)

if __name__ == "__main__":
    import jax
    _d = setup_inputs()
    print(jax.jit(kernel)(*tuple(_d.values())))

</pallas_src>

<mosaic_0001>
#map = affine_map<(d0, d1) -> (0, 0, 0)>
#map1 = affine_map<(d0, d1) -> (0, 0)>
module attributes {stable_mosaic.version = 14 : i64} {
  func.func @_sc_body(%arg0: i32, %arg1: i32, %arg2: memref<64x8192x128xf32, #tpu.memory_space<hbm>>, %arg3: memref<64x128xi32, #tpu.memory_space<hbm>>, %arg4: memref<64x128xf32, #tpu.memory_space<hbm>>, %arg5: memref<384x128xf32, #tpu.memory_space<vmem>>, %arg6: memref<384x128xf32, #tpu.memory_space<vmem>>, %arg7: memref<2x128xi32, #tpu.memory_space<vmem>>, %arg8: memref<2x128xf32, #tpu.memory_space<vmem>>, %arg9: memref<!tpu.dma_semaphore, #tpu.memory_space<semaphore_mem>>, %arg10: memref<!tpu.dma_semaphore, #tpu.memory_space<semaphore_mem>>) attributes {dimension_semantics = [#tpu.dimension_semantics<core_parallel>, #tpu.dimension_semantics<subcore_parallel>], iteration_bounds = array<i64: 2, 16>, scalar_prefetch = 0 : i64, scratch_operands = 6 : i64, tpu.core_type = #tpu.core_type<sc_vector_subcore>, window_params = [{transform_indices = #map}, {transform_indices = #map1}, {transform_indices = #map1}]} {
    %mul3A = arith.constant 2 : i32
    %mul3A_0 = arith.muli %arg1, %mul3A : i32
    %add3A = arith.addi %mul3A_0, %arg0 : i32
    %mul3A_1 = arith.constant 2 : i32
    %mul3A_2 = arith.muli %add3A, %mul3A_1 : i32
    %add3A_3 = arith.constant 0 : i32
    %add3A_4 = arith.addi %mul3A_2, %add3A_3 : i32
    %dma_start3A = arith.constant 3584 : i32
    %dma_start3A_5 = arith.constant 0 : i32
    %dma_start3A_6 = tpu.memref_slice %arg2[%add3A_4, %dma_start3A, %dma_start3A_5] : memref<64x8192x128xf32, #tpu.memory_space<hbm>> -> memref<1x384x128xf32, #tpu.memory_space<hbm>>
    %dma_start3A_7 = tpu.memref_squeeze %dma_start3A_6 : memref<1x384x128xf32, #tpu.memory_space<hbm>> -> memref<384x128xf32, #tpu.memory_space<hbm>>
    %dma_start3A_8 = arith.constant 3584 : i32
    %dma_start3A_9 = arith.constant 0 : i32
    %dma_start3A_10 = tpu.memref_slice %arg2[%add3A_4, %dma_start3A_8, %dma_start3A_9] : memref<64x8192x128xf32, #tpu.memory_space<hbm>> -> memref<1x384x128xf32, #tpu.memory_space<hbm>>
    %dma_start3A_11 = tpu.memref_squeeze %dma_start3A_10 : memref<1x384x128xf32, #tpu.memory_space<hbm>> -> memref<384x128xf32, #tpu.memory_space<hbm>>
    tpu.enqueue_dma source(%dma_start3A_11 : memref<384x128xf32, #tpu.memory_space<hbm>>) target(%arg5 : memref<384x128xf32, #tpu.memory_space<vmem>>) target_semaphore(%arg9 : memref<!tpu.dma_semaphore, #tpu.memory_space<semaphore_mem>>)
    %dma_start3A_12 = arith.constant 3968 : i32
    %dma_start3A_13 = arith.constant 0 : i32
    %dma_start3A_14 = tpu.memref_slice %arg2[%add3A_4, %dma_start3A_12, %dma_start3A_13] : memref<64x8192x128xf32, #tpu.memory_space<hbm>> -> memref<1x384x128xf32, #tpu.memory_space<hbm>>
    %dma_start3A_15 = tpu.memref_squeeze %dma_start3A_14 : memref<1x384x128xf32, #tpu.memory_space<hbm>> -> memref<384x128xf32, #tpu.memory_space<hbm>>
    %dma_start3A_16 = arith.constant 3968 : i32
    %dma_start3A_17 = arith.constant 0 : i32
    %dma_start3A_18 = tpu.memref_slice %arg2[%add3A_4, %dma_start3A_16, %dma_start3A_17] : memref<64x8192x128xf32, #tpu.memory_space<hbm>> -> memref<1x384x128xf32, #tpu.memory_space<hbm>>
    %dma_start3A_19 = tpu.memref_squeeze %dma_start3A_18 : memref<1x384x128xf32, #tpu.memory_space<hbm>> -> memref<384x128xf32, #tpu.memory_space<hbm>>
    tpu.enqueue_dma source(%dma_start3A_19 : memref<384x128xf32, #tpu.memory_space<hbm>>) target(%arg6 : memref<384x128xf32, #tpu.memory_space<vmem>>) target_semaphore(%arg10 : memref<!tpu.dma_semaphore, #tpu.memory_space<semaphore_mem>>)
    %broadcast_in_dim3A = arith.constant 0x7F800000 : f32
    %broadcast_in_dim3A_20 = vector.broadcast %broadcast_in_dim3A : f32 to vector<16xf32>
    %broadcast_in_dim3A_21 = arith.constant 0x7F800000 : f32
    %broadcast_in_dim3A_22 = vector.broadcast %broadcast_in_dim3A_21 : f32 to vector<16xf32>
    %broadcast_in_dim3A_23 = arith.constant 0x7F800000 : f32
    %broadcast_in_dim3A_24 = vector.broadcast %broadcast_in_dim3A_23 : f32 to vector<16xf32>
    %broadcast_in_dim3A_25 = arith.constant 0x7F800000 : f32
    %broadcast_in_dim3A_26 = vector.broadcast %broadcast_in_dim3A_25 : f32 to vector<16xf32>
    %broadcast_in_dim3A_27 = arith.constant 0x7F800000 : f32
    %broadcast_in_dim3A_28 = vector.broadcast %broadcast_in_dim3A_27 : f32 to vector<16xf32>
    %broadcast_in_dim3A_29 = arith.constant 0x7F800000 : f32
    %broadcast_in_dim3A_30 = vector.broadcast %broadcast_in_dim3A_29 : f32 to vector<16xf32>
    %broadcast_in_dim3A_31 = arith.constant 0x7F800000 : f32
    %broadcast_in_dim3A_32 = vector.broadcast %broadcast_in_dim3A_31 : f32 to vector<16xf32>
    %broadcast_in_dim3A_33 = arith.constant 0x7F800000 : f32
    %broadcast_in_dim3A_34 = vector.broadcast %broadcast_in_dim3A_33 : f32 to vector<16xf32>
    %broadcast_in_dim3A_35 = arith.constant 0 : i32
    %broadcast_in_dim3A_36 = vector.broadcast %broadcast_in_dim3A_35 : i32 to vector<16xi32>
    %broadcast_in_dim3A_37 = arith.constant 0 : i32
    %broadcast_in_dim3A_38 = vector.broadcast %broadcast_in_dim3A_37 : i32 to vector<16xi32>
    %broadcast_in_dim3A_39 = arith.constant 0 : i32
    %broadcast_in_dim3A_40 = vector.broadcast %broadcast_in_dim3A_39 : i32 to vector<16xi32>
    %broadcast_in_dim3A_41 = arith.constant 0 : i32
    %broadcast_in_dim3A_42 = vector.broadcast %broadcast_in_dim3A_41 : i32 to vector<16xi32>
    %broadcast_in_dim3A_43 = arith.constant 0 : i32
    %broadcast_in_dim3A_44 = vector.broadcast %broadcast_in_dim3A_43 : i32 to vector<16xi32>
    %broadcast_in_dim3A_45 = arith.constant 0 : i32
    %broadcast_in_dim3A_46 = vector.broadcast %broadcast_in_dim3A_45 : i32 to vector<16xi32>
    %broadcast_in_dim3A_47 = arith.constant 0 : i32
    %broadcast_in_dim3A_48 = vector.broadcast %broadcast_in_dim3A_47 : i32 to vector<16xi32>
    %broadcast_in_dim3A_49 = arith.constant 0 : i32
    %broadcast_in_dim3A_50 = vector.broadcast %broadcast_in_dim3A_49 : i32 to vector<16xi32>
    %scan3A = arith.constant 0 : i32
    %scan3A_51 = arith.constant 6 : i32
    %scan3A_52 = arith.addi %scan3A, %scan3A_51 : i32
    %scan3A_53 = arith.constant 1 : i32
    %scan3A_54:16 = scf.for %scan3A_309 = %scan3A to %scan3A_52 step %scan3A_53 iter_args(%scan3A_310 = %broadcast_in_dim3A_20, %scan3A_311 = %broadcast_in_dim3A_22, %scan3A_312 = %broadcast_in_dim3A_24, %scan3A_313 = %broadcast_in_dim3A_26, %scan3A_314 = %broadcast_in_dim3A_28, %scan3A_315 = %broadcast_in_dim3A_30, %scan3A_316 = %broadcast_in_dim3A_32, %scan3A_317 = %broadcast_in_dim3A_34, %scan3A_318 = %broadcast_in_dim3A_36, %scan3A_319 = %broadcast_in_dim3A_38, %scan3A_320 = %broadcast_in_dim3A_40, %scan3A_321 = %broadcast_in_dim3A_42, %scan3A_322 = %broadcast_in_dim3A_44, %scan3A_323 = %broadcast_in_dim3A_46, %scan3A_324 = %broadcast_in_dim3A_48, %scan3A_325 = %broadcast_in_dim3A_50) -> (vector<16xf32>, vector<16xf32>, vector<16xf32>, vector<16xf32>, vector<16xf32>, vector<16xf32>, vector<16xf32>, vector<16xf32>, vector<16xi32>, vector<16xi32>, vector<16xi32>, vector<16xi32>, vector<16xi32>, vector<16xi32>, vector<16xi32>, vector<16xi32>)  : i32 {
      %mul3A_326 = arith.constant 2 : i32
      %mul3A_327 = arith.muli %scan3A_309, %mul3A_326 : i32
      %add3A_328 = arith.constant 0 : i32
      %add3A_329 = arith.addi %mul3A_327, %add3A_328 : i32
      %mul3A_330 = arith.constant 384 : i32
      %mul3A_331 = arith.muli %add3A_329, %mul3A_330 : i32
      %add3A_332 = arith.constant 3584 : i32
      %add3A_333 = arith.addi %add3A_332, %mul3A_331 : i32
      %dma_wait3A = arith.constant 0 : i32
      %dma_wait3A_334 = tpu.memref_slice %arg2[%add3A_4, %add3A_333, %dma_wait3A] : memref<64x8192x128xf32, #tpu.memory_space<hbm>> -> memref<1x384x128xf32, #tpu.memory_space<hbm>>
      %dma_wait3A_335 = tpu.memref_squeeze %dma_wait3A_334 : memref<1x384x128xf32, #tpu.memory_space<hbm>> -> memref<384x128xf32, #tpu.memory_space<hbm>>
      %dma_wait3A_336 = arith.constant 0 : i32
      %dma_wait3A_337 = tpu.memref_slice %arg2[%add3A_4, %add3A_333, %dma_wait3A_336] : memref<64x8192x128xf32, #tpu.memory_space<hbm>> -> memref<1x384x128xf32, #tpu.memory_space<hbm>>
      %dma_wait3A_338 = tpu.memref_squeeze %dma_wait3A_337 : memref<1x384x128xf32, #tpu.memory_space<hbm>> -> memref<384x128xf32, #tpu.memory_space<hbm>>
      tpu.wait_dma2 semaphore(%arg9 : memref<!tpu.dma_semaphore, #tpu.memory_space<semaphore_mem>>) src(%dma_wait3A_338 : memref<384x128xf32, #tpu.memory_space<hbm>>) dst(%arg5 : memref<384x128xf32, #tpu.memory_space<vmem>>)
      %scan3A_339 = arith.constant 0 : i32
      %scan3A_340 = arith.constant 192 : i32
      %scan3A_341 = arith.addi %scan3A_339, %scan3A_340 : i32
      %scan3A_342 = arith.constant 4 : i32
      %scan3A_343:16 = scf.for %scan3A_376 = %scan3A_339 to %scan3A_341 step %scan3A_342 iter_args(%scan3A_377 = %scan3A_310, %scan3A_378 = %scan3A_311, %scan3A_379 = %scan3A_312, %scan3A_380 = %scan3A_313, %scan3A_381 = %scan3A_314, %scan3A_382 = %scan3A_315, %scan3A_383 = %scan3A_316, %scan3A_384 = %scan3A_317, %scan3A_385 = %scan3A_318, %scan3A_386 = %scan3A_319, %scan3A_387 = %scan3A_320, %scan3A_388 = %scan3A_321, %scan3A_389 = %scan3A_322, %scan3A_390 = %scan3A_323, %scan3A_391 = %scan3A_324, %scan3A_392 = %scan3A_325) -> (vector<16xf32>, vector<16xf32>, vector<16xf32>, vector<16xf32>, vector<16xf32>, vector<16xf32>, vector<16xf32>, vector<16xf32>, vector<16xi32>, vector<16xi32>, vector<16xi32>, vector<16xi32>, vector<16xi32>, vector<16xi32>, vector<16xi32>, vector<16xi32>)  : i32 {
        %mul3A_393 = arith.constant 384 : i32
        %mul3A_394 = arith.muli %add3A_329, %mul3A_393 : i32
        %add3A_395 = arith.constant 3584 : i32
        %add3A_396 = arith.addi %add3A_395, %mul3A_394 : i32
        %mul3A_397 = arith.constant 2 : i32
        %mul3A_398 = arith.muli %mul3A_397, %scan3A_376 : i32
        %add3A_399 = arith.addi %add3A_396, %mul3A_398 : i32
        %broadcast_in_dim3A_400 = vector.broadcast %add3A_399 : i32 to vector<16xi32>
        %add3A_401 = arith.constant 1 : i32
        %add3A_402 = arith.addi %add3A_399, %add3A_401 : i32
        %broadcast_in_dim3A_403 = vector.broadcast %add3A_402 : i32 to vector<16xi32>
        %mul3A_404 = arith.constant 2 : i32
        %mul3A_405 = arith.muli %mul3A_404, %scan3A_376 : i32
        %get3A = arith.index_cast %mul3A_405 : i32 to index
        %get3A_406 = arith.constant 0 : index
        %get3A_407 = tpu.vector_load %arg5[%get3A, %get3A_406] {strides = array<i32>} : memref<384x128xf32, #tpu.memory_space<vmem>>, vector<1x16xf32>,
        %get3A_408 = vector.shape_cast %get3A_407 : vector<1x16xf32> to vector<16xf32>
        %mul3A_409 = arith.constant 2 : i32
        %mul3A_410 = arith.muli %mul3A_409, %scan3A_376 : i32
        %add3A_411 = arith.constant 1 : i32
        %add3A_412 = arith.addi %mul3A_410, %add3A_411 : i32
        %get3A_413 = arith.index_cast %add3A_412 : i32 to index
        %get3A_414 = arith.constant 0 : index
        %get3A_415 = tpu.vector_load %arg5[%get3A_413, %get3A_414] {strides = array<i32>} : memref<384x128xf32, #tpu.memory_space<vmem>>, vector<1x16xf32>,
        %get3A_416 = vector.shape_cast %get3A_415 : vector<1x16xf32> to vector<16xf32>
        %lt3A_417 = arith.cmpf olt, %get3A_416, %get3A_408 : vector<16xf32>
        %min3A = arith.minimumf %get3A_408, %get3A_416 : vector<16xf32>
        %select_n3A = arith.select %lt3A_417, %broadcast_in_dim3A_403, %broadcast_in_dim3A_400 : vector<16xi1>, vector<16xi32>
        %lt3A_418 = arith.cmpf olt, %min3A, %scan3A_377 : vector<16xf32>
        %select_n3A_419 = arith.select %lt3A_418, %select_n3A, %scan3A_385 : vector<16xi1>, vector<16xi32>
        %min3A_420 = arith.minimumf %scan3A_377, %min3A : vector<16xf32>
        %mul3A_421 = arith.constant 2 : i32
        %mul3A_422 = arith.muli %mul3A_421, %scan3A_376 : i32
        %get3A_423 = arith.index_cast %mul3A_422 : i32 to index
        %get3A_424 = arith.constant 16 : index
        %get3A_425 = tpu.vector_load %arg5[%get3A_423, %get3A_424] {strides = array<i32>} : memref<384x128xf32, #tpu.memory_space<vmem>>, vector<1x16xf32>,
        %get3A_426 = vector.shape_cast %get3A_425 : vector<1x16xf32> to vector<16xf32>
        %mul3A_427 = arith.constant 2 : i32
        %mul3A_428 = arith.muli %mul3A_427, %scan3A_376 : i32
        %add3A_429 = arith.constant 1 : i32
        %add3A_430 = arith.addi %mul3A_428, %add3A_429 : i32
        %get3A_431 = arith.index_cast %add3A_430 : i32 to index
        %get3A_432 = arith.constant 16 : index
        %get3A_433 = tpu.vector_load %arg5[%get3A_431, %get3A_432] {strides = array<i32>} : memref<384x128xf32, #tpu.memory_space<vmem>>, vector<1x16xf32>,
        %get3A_434 = vector.shape_cast %get3A_433 : vector<1x16xf32> to vector<16xf32>
        %lt3A_435 = arith.cmpf olt, %get3A_434, %get3A_426 : vector<16xf32>
        %min3A_436 = arith.minimumf %get3A_426, %get3A_434 : vector<16xf32>
        %select_n3A_437 = arith.select %lt3A_435, %broadcast_in_dim3A_403, %broadcast_in_dim3A_400 : vector<16xi1>, vector<16xi32>
        %lt3A_438 = arith.cmpf olt, %min3A_436, %scan3A_378 : vector<16xf32>
        %select_n3A_439 = arith.select %lt3A_438, %select_n3A_437, %scan3A_386 : vector<16xi1>, vector<16xi32>
        %min3A_440 = arith.minimumf %scan3A_378, %min3A_436 : vector<16xf32>
        %mul3A_441 = arith.constant 2 : i32
        %mul3A_442 = arith.muli %mul3A_441, %scan3A_376 : i32
        %get3A_443 = arith.index_cast %mul3A_442 : i32 to index
        %get3A_444 = arith.constant 32 : index
        %get3A_445 = tpu.vector_load %arg5[%get3A_443, %get3A_444] {strides = array<i32>} : memref<384x128xf32, #tpu.memory_space<vmem>>, vector<1x16xf32>,
        %get3A_446 = vector.shape_cast %get3A_445 : vector<1x16xf32> to vector<16xf32>
        %mul3A_447 = arith.constant 2 : i32
        %mul3A_448 = arith.muli %mul3A_447, %scan3A_376 : i32
        %add3A_449 = arith.constant 1 : i32
        %add3A_450 = arith.addi %mul3A_448, %add3A_449 : i32
        %get3A_451 = arith.index_cast %add3A_450 : i32 to index
        %get3A_452 = arith.constant 32 : index
        %get3A_453 = tpu.vector_load %arg5[%get3A_451, %get3A_452] {strides = array<i32>} : memref<384x128xf32, #tpu.memory_space<vmem>>, vector<1x16xf32>,
        %get3A_454 = vector.shape_cast %get3A_453 : vector<1x16xf32> to vector<16xf32>
        %lt3A_455 = arith.cmpf olt, %get3A_454, %get3A_446 : vector<16xf32>
        %min3A_456 = arith.minimumf %get3A_446, %get3A_454 : vector<16xf32>
        %select_n3A_457 = arith.select %lt3A_455, %broadcast_in_dim3A_403, %broadcast_in_dim3A_400 : vector<16xi1>, vector<16xi32>
        %lt3A_458 = arith.cmpf olt, %min3A_456, %scan3A_379 : vector<16xf32>
        %select_n3A_459 = arith.select %lt3A_458, %select_n3A_457, %scan3A_387 : vector<16xi1>, vector<16xi32>
        %min3A_460 = arith.minimumf %scan3A_379, %min3A_456 : vector<16xf32>
        %mul3A_461 = arith.constant 2 : i32
        %mul3A_462 = arith.muli %mul3A_461, %scan3A_376 : i32
        %get3A_463 = arith.index_cast %mul3A_462 : i32 to index
        %get3A_464 = arith.constant 48 : index
        %get3A_465 = tpu.vector_load %arg5[%get3A_463, %get3A_464] {strides = array<i32>} : memref<384x128xf32, #tpu.memory_space<vmem>>, vector<1x16xf32>,
        %get3A_466 = vector.shape_cast %get3A_465 : vector<1x16xf32> to vector<16xf32>
        %mul3A_467 = arith.constant 2 : i32
        %mul3A_468 = arith.muli %mul3A_467, %scan3A_376 : i32
        %add3A_469 = arith.constant 1 : i32
        %add3A_470 = arith.addi %mul3A_468, %add3A_469 : i32
        %get3A_471 = arith.index_cast %add3A_470 : i32 to index
        %get3A_472 = arith.constant 48 : index
        %get3A_473 = tpu.vector_load %arg5[%get3A_471, %get3A_472] {strides = array<i32>} : memref<384x128xf32, #tpu.memory_space<vmem>>, vector<1x16xf32>,
        %get3A_474 = vector.shape_cast %get3A_473 : vector<1x16xf32> to vector<16xf32>
        %lt3A_475 = arith.cmpf olt, %get3A_474, %get3A_466 : vector<16xf32>
        %min3A_476 = arith.minimumf %get3A_466, %get3A_474 : vector<16xf32>
        %select_n3A_477 = arith.select %lt3A_475, %broadcast_in_dim3A_403, %broadcast_in_dim3A_400 : vector<16xi1>, vector<16xi32>
        %lt3A_478 = arith.cmpf olt, %min3A_476, %scan3A_380 : vector<16xf32>
        %select_n3A_479 = arith.select %lt3A_478, %select_n3A_477, %scan3A_388 : vector<16xi1>, vector<16xi32>
        %min3A_480 = arith.minimumf %scan3A_380, %min3A_476 : vector<16xf32>
        %mul3A_481 = arith.constant 2 : i32
        %mul3A_482 = arith.muli %mul3A_481, %scan3A_376 : i32
        %get3A_483 = arith.index_cast %mul3A_482 : i32 to index
        %get3A_484 = arith.constant 64 : index
        %get3A_485 = tpu.vector_load %arg5[%get3A_483, %get3A_484] {strides = array<i32>} : memref<384x128xf32, #tpu.memory_space<vmem>>, vector<1x16xf32>,
        %get3A_486 = vector.shape_cast %get3A_485 : vector<1x16xf32> to vector<16xf32>
        %mul3A_487 = arith.constant 2 : i32
        %mul3A_488 = arith.muli %mul3A_487, %scan3A_376 : i32
        %add3A_489 = arith.constant 1 : i32
        %add3A_490 = arith.addi %mul3A_488, %add3A_489 : i32
        %get3A_491 = arith.index_cast %add3A_490 : i32 to index
        %get3A_492 = arith.constant 64 : index
        %get3A_493 = tpu.vector_load %arg5[%get3A_491, %get3A_492] {strides = array<i32>} : memref<384x128xf32, #tpu.memory_space<vmem>>, vector<1x16xf32>,
        %get3A_494 = vector.shape_cast %get3A_493 : vector<1x16xf32> to vector<16xf32>
        %lt3A_495 = arith.cmpf olt, %get3A_494, %get3A_486 : vector<16xf32>
        %min3A_496 = arith.minimumf %get3A_486, %get3A_494 : vector<16xf32>
        %select_n3A_497 = arith.select %lt3A_495, %broadcast_in_dim3A_403, %broadcast_in_dim3A_400 : vector<16xi1>, vector<16xi32>
        %lt3A_498 = arith.cmpf olt, %min3A_496, %scan3A_381 : vector<16xf32>
        %select_n3A_499 = arith.select %lt3A_498, %select_n3A_497, %scan3A_389 : vector<16xi1>, vector<16xi32>
        %min3A_500 = arith.minimumf %scan3A_381, %min3A_496 : vector<16xf32>
        %mul3A_501 = arith.constant 2 : i32
        %mul3A_502 = arith.muli %mul3A_501, %scan3A_376 : i32
        %get3A_503 = arith.index_cast %mul3A_502 : i32 to index
        %get3A_504 = arith.constant 80 : index
        %get3A_505 = tpu.vector_load %arg5[%get3A_503, %get3A_504] {strides = array<i32>} : memref<384x128xf32, #tpu.memory_space<vmem>>, vector<1x16xf32>,
        %get3A_506 = vector.shape_cast %get3A_505 : vector<1x16xf32> to vector<16xf32>
        %mul3A_507 = arith.constant 2 : i32
        %mul3A_508 = arith.muli %mul3A_507, %scan3A_376 : i32
        %add3A_509 = arith.constant 1 : i32
        %add3A_510 = arith.addi %mul3A_508, %add3A_509 : i32
        %get3A_511 = arith.index_cast %add3A_510 : i32 to index
        %get3A_512 = arith.constant 80 : index
        %get3A_513 = tpu.vector_load %arg5[%get3A_511, %get3A_512] {strides = array<i32>} : memref<384x128xf32, #tpu.memory_space<vmem>>, vector<1x16xf32>,
        %get3A_514 = vector.shape_cast %get3A_513 : vector<1x16xf32> to vector<16xf32>
        %lt3A_515 = arith.cmpf olt, %get3A_514, %get3A_506 : vector<16xf32>
        %min3A_516 = arith.minimumf %get3A_506, %get3A_514 : vector<16xf32>
        %select_n3A_517 = arith.select %lt3A_515, %broadcast_in_dim3A_403, %broadcast_in_dim3A_400 : vector<16xi1>, vector<16xi32>
        %lt3A_518 = arith.cmpf olt, %min3A_516, %scan3A_382 : vector<16xf32>
        %select_n3A_519 = arith.select %lt3A_518, %select_n3A_517, %scan3A_390 : vector<16xi1>, vector<16xi32>
        %min3A_520 = arith.minimumf %scan3A_382, %min3A_516 : vector<16xf32>
        %mul3A_521 = arith.constant 2 : i32
        %mul3A_522 = arith.muli %mul3A_521, %scan3A_376 : i32
        %get3A_523 = arith.index_cast %mul3A_522 : i32 to index
        %get3A_524 = arith.constant 96 : index
        %get3A_525 = tpu.vector_load %arg5[%get3A_523, %get3A_524] {strides = array<i32>} : memref<384x128xf32, #tpu.memory_space<vmem>>, vector<1x16xf32>,
        %get3A_526 = vector.shape_cast %get3A_525 : vector<1x16xf32> to vector<16xf32>
        %mul3A_527 = arith.constant 2 : i32
        %mul3A_528 = arith.muli %mul3A_527, %scan3A_376 : i32
        %add3A_529 = arith.constant 1 : i32
        %add3A_530 = arith.addi %mul3A_528, %add3A_529 : i32
        %get3A_531 = arith.index_cast %add3A_530 : i32 to index
        %get3A_532 = arith.constant 96 : index
        %get3A_533 = tpu.vector_load %arg5[%get3A_531, %get3A_532] {strides = array<i32>} : memref<384x128xf32, #tpu.memory_space<vmem>>, vector<1x16xf32>,
        %get3A_534 = vector.shape_cast %get3A_533 : vector<1x16xf32> to vector<16xf32>
        %lt3A_535 = arith.cmpf olt, %get3A_534, %get3A_526 : vector<16xf32>
        %min3A_536 = arith.minimumf %get3A_526, %get3A_534 : vector<16xf32>
        %select_n3A_537 = arith.select %lt3A_535, %broadcast_in_dim3A_403, %broadcast_in_dim3A_400 : vector<16xi1>, vector<16xi32>
        %lt3A_538 = arith.cmpf olt, %min3A_536, %scan3A_383 : vector<16xf32>
        %select_n3A_539 = arith.select %lt3A_538, %select_n3A_537, %scan3A_391 : vector<16xi1>, vector<16xi32>
        %min3A_540 = arith.minimumf %scan3A_383, %min3A_536 : vector<16xf32>
        %mul3A_541 = arith.constant 2 : i32
        %mul3A_542 = arith.muli %mul3A_541, %scan3A_376 : i32
        %get3A_543 = arith.index_cast %mul3A_542 : i32 to index
        %get3A_544 = arith.constant 112 : index
        %get3A_545 = tpu.vector_load %arg5[%get3A_543, %get3A_544] {strides = array<i32>} : memref<384x128xf32, #tpu.memory_space<vmem>>, vector<1x16xf32>,
        %get3A_546 = vector.shape_cast %get3A_545 : vector<1x16xf32> to vector<16xf32>
        %mul3A_547 = arith.constant 2 : i32
        %mul3A_548 = arith.muli %mul3A_547, %scan3A_376 : i32
        %add3A_549 = arith.constant 1 : i32
        %add3A_550 = arith.addi %mul3A_548, %add3A_549 : i32
        %get3A_551 = arith.index_cast %add3A_550 : i32 to index
        %get3A_552 = arith.constant 112 : index
        %get3A_553 = tpu.vector_load %arg5[%get3A_551, %get3A_552] {strides = array<i32>} : memref<384x128xf32, #tpu.memory_space<vmem>>, vector<1x16xf32>,
        %get3A_554 = vector.shape_cast %get3A_553 : vector<1x16xf32> to vector<16xf32>
        %lt3A_555 = arith.cmpf olt, %get3A_554, %get3A_546 : vector<16xf32>
        %min3A_556 = arith.minimumf %get3A_546, %get3A_554 : vector<16xf32>
        %select_n3A_557 = arith.select %lt3A_555, %broadcast_in_dim3A_403, %broadcast_in_dim3A_400 : vector<16xi1>, vector<16xi32>
        %lt3A_558 = arith.cmpf olt, %min3A_556, %scan3A_384 : vector<16xf32>
        %select_n3A_559 = arith.select %lt3A_558, %select_n3A_557, %scan3A_392 : vector<16xi1>, vector<16xi32>
        %min3A_560 = arith.minimumf %scan3A_384, %min3A_556 : vector<16xf32>
        %scan3A_561 = arith.constant 1 : i32
        %scan3A_562 = arith.addi %scan3A_376, %scan3A_561 : i32
        %mul3A_563 = arith.constant 384 : i32
        %mul3A_564 = arith.muli %add3A_329, %mul3A_563 : i32
        %add3A_565 = arith.constant 3584 : i32
        %add3A_566 = arith.addi %add3A_565, %mul3A_564 : i32
        %mul3A_567 = arith.constant 2 : i32
        %mul3A_568 = arith.muli %mul3A_567, %scan3A_562 : i32
        %add3A_569 = arith.addi %add3A_566, %mul3A_568 : i32
        %broadcast_in_dim3A_570 = vector.broadcast %add3A_569 : i32 to vector<16xi32>
        %add3A_571 = arith.constant 1 : i32
        %add3A_572 = arith.addi %add3A_569, %add3A_571 : i32
        %broadcast_in_dim3A_573 = vector.broadcast %add3A_572 : i32 to vector<16xi32>
        %mul3A_574 = arith.constant 2 : i32
        %mul3A_575 = arith.muli %mul3A_574, %scan3A_562 : i32
        %get3A_576 = arith.index_cast %mul3A_575 : i32 to index
        %get3A_577 = arith.constant 0 : index
        %get3A_578 = tpu.vector_load %arg5[%get3A_576, %get3A_577] {strides = array<i32>} : memref<384x128xf32, #tpu.memory_space<vmem>>, vector<1x16xf32>,
        %get3A_579 = vector.shape_cast %get3A_578 : vector<1x16xf32> to vector<16xf32>
        %mul3A_580 = arith.constant 2 : i32
        %mul3A_581 = arith.muli %mul3A_580, %scan3A_562 : i32
        %add3A_582 = arith.constant 1 : i32
        %add3A_583 = arith.addi %mul3A_581, %add3A_582 : i32
        %get3A_584 = arith.index_cast %add3A_583 : i32 to index
        %get3A_585 = arith.constant 0 : index
        %get3A_586 = tpu.vector_load %arg5[%get3A_584, %get3A_585] {strides = array<i32>} : memref<384x128xf32, #tpu.memory_space<vmem>>, vector<1x16xf32>,
        %get3A_587 = vector.shape_cast %get3A_586 : vector<1x16xf32> to vector<16xf32>
        %lt3A_588 = arith.cmpf olt, %get3A_587, %get3A_579 : vector<16xf32>
        %min3A_589 = arith.minimumf %get3A_579, %get3A_587 : vector<16xf32>
        %select_n3A_590 = arith.select %lt3A_588, %broadcast_in_dim3A_573, %broadcast_in_dim3A_570 : vector<16xi1>, vector<16xi32>
        %lt3A_591 = arith.cmpf olt, %min3A_589, %min3A_420 : vector<16xf32>
        %select_n3A_592 = arith.select %lt3A_591, %select_n3A_590, %select_n3A_419 : vector<16xi1>, vector<16xi32>
        %min3A_593 = arith.minimumf %min3A_420, %min3A_589 : vector<16xf32>
        %mul3A_594 = arith.constant 2 : i32
        %mul3A_595 = arith.muli %mul3A_594, %scan3A_562 : i32
        %get3A_596 = arith.index_cast %mul3A_595 : i32 to index
        %get3A_597 = arith.constant 16 : index
        %get3A_598 = tpu.vector_load %arg5[%get3A_596, %get3A_597] {strides = array<i32>} : memref<384x128xf32, #tpu.memory_space<vmem>>, vector<1x16xf32>,
        %get3A_599 = vector.shape_cast %get3A_598 : vector<1x16xf32> to vector<16xf32>
        %mul3A_600 = arith.constant 2 : i32
        %mul3A_601 = arith.muli %mul3A_600, %scan3A_562 : i32
        %add3A_602 = arith.constant 1 : i32
        %add3A_603 = arith.addi %mul3A_601, %add3A_602 : i32
        %get3A_604 = arith.index_cast %add3A_603 : i32 to index
        %get3A_605 = arith.constant 16 : index
        %get3A_606 = tpu.vector_load %arg5[%get3A_604, %get3A_605] {strides = array<i32>} : memref<384x128xf32, #tpu.memory_space<vmem>>, vector<1x16xf32>,
        %get3A_607 = vector.shape_cast %get3A_606 : vector<1x16xf32> to vector<16xf32>
        %lt3A_608 = arith.cmpf olt, %get3A_607, %get3A_599 : vector<16xf32>
        %min3A_609 = arith.minimumf %get3A_599, %get3A_607 : vector<16xf32>
        %select_n3A_610 = arith.select %lt3A_608, %broadcast_in_dim3A_573, %broadcast_in_dim3A_570 : vector<16xi1>, vector<16xi32>
        %lt3A_611 = arith.cmpf olt, %min3A_609, %min3A_440 : vector<16xf32>
        %select_n3A_612 = arith.select %lt3A_611, %select_n3A_610, %select_n3A_439 : vector<16xi1>, vector<16xi32>
        %min3A_613 = arith.minimumf %min3A_440, %min3A_609 : vector<16xf32>
        %mul3A_614 = arith.constant 2 : i32
        %mul3A_615 = arith.muli %mul3A_614, %scan3A_562 : i32
        %get3A_616 = arith.index_cast %mul3A_615 : i32 to index
        %get3A_617 = arith.constant 32 : index
        %get3A_618 = tpu.vector_load %arg5[%get3A_616, %get3A_617] {strides = array<i32>} : memref<384x128xf32, #tpu.memory_space<vmem>>, vector<1x16xf32>,
        %get3A_619 = vector.shape_cast %get3A_618 : vector<1x16xf32> to vector<16xf32>
        %mul3A_620 = arith.constant 2 : i32
        %mul3A_621 = arith.muli %mul3A_620, %scan3A_562 : i32
        %add3A_622 = arith.constant 1 : i32
        %add3A_623 = arith.addi %mul3A_621, %add3A_622 : i32
        %get3A_624 = arith.index_cast %add3A_623 : i32 to index
        %get3A_625 = arith.constant 32 : index
        %get3A_626 = tpu.vector_load %arg5[%get3A_624, %get3A_625] {strides = array<i32>} : memref<384x128xf32, #tpu.memory_space<vmem>>, vector<1x16xf32>,
        %get3A_627 = vector.shape_cast %get3A_626 : vector<1x16xf32> to vector<16xf32>
        %lt3A_628 = arith.cmpf olt, %get3A_627, %get3A_619 : vector<16xf32>
        %min3A_629 = arith.minimumf %get3A_619, %get3A_627 : vector<16xf32>
        %select_n3A_630 = arith.select %lt3A_628, %broadcast_in_dim3A_573, %broadcast_in_dim3A_570 : vector<16xi1>, vector<16xi32>
        %lt3A_631 = arith.cmpf olt, %min3A_629, %min3A_460 : vector<16xf32>
        %select_n3A_632 = arith.select %lt3A_631, %select_n3A_630, %select_n3A_459 : vector<16xi1>, vector<16xi32>
        %min3A_633 = arith.minimumf %min3A_460, %min3A_629 : vector<16xf32>
        %mul3A_634 = arith.constant 2 : i32
        %mul3A_635 = arith.muli %mul3A_634, %scan3A_562 : i32
        %get3A_636 = arith.index_cast %mul3A_635 : i32 to index
        %get3A_637 = arith.constant 48 : index
        %get3A_638 = tpu.vector_load %arg5[%get3A_636, %get3A_637] {strides = array<i32>} : memref<384x128xf32, #tpu.memory_space<vmem>>, vector<1x16xf32>,
        %get3A_639 = vector.shape_cast %get3A_638 : vector<1x16xf32> to vector<16xf32>
        %mul3A_640 = arith.constant 2 : i32
        %mul3A_641 = arith.muli %mul3A_640, %scan3A_562 : i32
        %add3A_642 = arith.constant 1 : i32
        %add3A_643 = arith.addi %mul3A_641, %add3A_642 : i32
        %get3A_644 = arith.index_cast %add3A_643 : i32 to index
        %get3A_645 = arith.constant 48 : index
        %get3A_646 = tpu.vector_load %arg5[%get3A_644, %get3A_645] {strides = array<i32>} : memref<384x128xf32, #tpu.memory_space<vmem>>, vector<1x16xf32>,
        %get3A_647 = vector.shape_cast %get3A_646 : vector<1x16xf32> to vector<16xf32>
        %lt3A_648 = arith.cmpf olt, %get3A_647, %get3A_639 : vector<16xf32>
        %min3A_649 = arith.minimumf %get3A_639, %get3A_647 : vector<16xf32>
        %select_n3A_650 = arith.select %lt3A_648, %broadcast_in_dim3A_573, %broadcast_in_dim3A_570 : vector<16xi1>, vector<16xi32>
        %lt3A_651 = arith.cmpf olt, %min3A_649, %min3A_480 : vector<16xf32>
        %select_n3A_652 = arith.select %lt3A_651, %select_n3A_650, %select_n3A_479 : vector<16xi1>, vector<16xi32>
        %min3A_653 = arith.minimumf %min3A_480, %min3A_649 : vector<16xf32>
        %mul3A_654 = arith.constant 2 : i32
        %mul3A_655 = arith.muli %mul3A_654, %scan3A_562 : i32
        %get3A_656 = arith.index_cast %mul3A_655 : i32 to index
        %get3A_657 = arith.constant 64 : index
        %get3A_658 = tpu.vector_load %arg5[%get3A_656, %get3A_657] {strides = array<i32>} : memref<384x128xf32, #tpu.memory_space<vmem>>, vector<1x16xf32>,
        %get3A_659 = vector.shape_cast %get3A_658 : vector<1x16xf32> to vector<16xf32>
        %mul3A_660 = arith.constant 2 : i32
        %mul3A_661 = arith.muli %mul3A_660, %scan3A_562 : i32
        %add3A_662 = arith.constant 1 : i32
        %add3A_663 = arith.addi %mul3A_661, %add3A_662 : i32
        %get3A_664 = arith.index_cast %add3A_663 : i32 to index
        %get3A_665 = arith.constant 64 : index
        %get3A_666 = tpu.vector_load %arg5[%get3A_664, %get3A_665] {strides = array<i32>} : memref<384x128xf32, #tpu.memory_space<vmem>>, vector<1x16xf32>,
        %get3A_667 = vector.shape_cast %get3A_666 : vector<1x16xf32> to vector<16xf32>
        %lt3A_668 = arith.cmpf olt, %get3A_667, %get3A_659 : vector<16xf32>
        %min3A_669 = arith.minimumf %get3A_659, %get3A_667 : vector<16xf32>
        %select_n3A_670 = arith.select %lt3A_668, %broadcast_in_dim3A_573, %broadcast_in_dim3A_570 : vector<16xi1>, vector<16xi32>
        %lt3A_671 = arith.cmpf olt, %min3A_669, %min3A_500 : vector<16xf32>
        %select_n3A_672 = arith.select %lt3A_671, %select_n3A_670, %select_n3A_499 : vector<16xi1>, vector<16xi32>
        %min3A_673 = arith.minimumf %min3A_500, %min3A_669 : vector<16xf32>
        %mul3A_674 = arith.constant 2 : i32
        %mul3A_675 = arith.muli %mul3A_674, %scan3A_562 : i32
        %get3A_676 = arith.index_cast %mul3A_675 : i32 to index
        %get3A_677 = arith.constant 80 : index
        %get3A_678 = tpu.vector_load %arg5[%get3A_676, %get3A_677] {strides = array<i32>} : memref<384x128xf32, #tpu.memory_space<vmem>>, vector<1x16xf32>,
        %get3A_679 = vector.shape_cast %get3A_678 : vector<1x16xf32> to vector<16xf32>
        %mul3A_680 = arith.constant 2 : i32
        %mul3A_681 = arith.muli %mul3A_680, %scan3A_562 : i32
        %add3A_682 = arith.constant 1 : i32
        %add3A_683 = arith.addi %mul3A_681, %add3A_682 : i32
        %get3A_684 = arith.index_cast %add3A_683 : i32 to index
        %get3A_685 = arith.constant 80 : index
        %get3A_686 = tpu.vector_load %arg5[%get3A_684, %get3A_685] {strides = array<i32>} : memref<384x128xf32, #tpu.memory_space<vmem>>, vector<1x16xf32>,
        %get3A_687 = vector.shape_cast %get3A_686 : vector<1x16xf32> to vector<16xf32>
        %lt3A_688 = arith.cmpf olt, %get3A_687, %get3A_679 : vector<16xf32>
        %min3A_689 = arith.minimumf %get3A_679, %get3A_687 : vector<16xf32>
        %select_n3A_690 = arith.select %lt3A_688, %broadcast_in_dim3A_573, %broadcast_in_dim3A_570 : vector<16xi1>, vector<16xi32>
        %lt3A_691 = arith.cmpf olt, %min3A_689, %min3A_520 : vector<16xf32>
        %select_n3A_692 = arith.select %lt3A_691, %select_n3A_690, %select_n3A_519 : vector<16xi1>, vector<16xi32>
        %min3A_693 = arith.minimumf %min3A_520, %min3A_689 : vector<16xf32>
        %mul3A_694 = arith.constant 2 : i32
        %mul3A_695 = arith.muli %mul3A_694, %scan3A_562 : i32
        %get3A_696 = arith.index_cast %mul3A_695 : i32 to index
        %get3A_697 = arith.constant 96 : index
        %get3A_698 = tpu.vector_load %arg5[%get3A_696, %get3A_697] {strides = array<i32>} : memref<384x128xf32, #tpu.memory_space<vmem>>, vector<1x16xf32>,
        %get3A_699 = vector.shape_cast %get3A_698 : vector<1x16xf32> to vector<16xf32>
        %mul3A_700 = arith.constant 2 : i32
        %mul3A_701 = arith.muli %mul3A_700, %scan3A_562 : i32
        %add3A_702 = arith.constant 1 : i32
        %add3A_703 = arith.addi %mul3A_701, %add3A_702 : i32
        %get3A_704 = arith.index_cast %add3A_703 : i32 to index
        %get3A_705 = arith.constant 96 : index
        %get3A_706 = tpu.vector_load %arg5[%get3A_704, %get3A_705] {strides = array<i32>} : memref<384x128xf32, #tpu.memory_space<vmem>>, vector<1x16xf32>,
        %get3A_707 = vector.shape_cast %get3A_706 : vector<1x16xf32> to vector<16xf32>
        %lt3A_708 = arith.cmpf olt, %get3A_707, %get3A_699 : vector<16xf32>
        %min3A_709 = arith.minimumf %get3A_699, %get3A_707 : vector<16xf32>
        %select_n3A_710 = arith.select %lt3A_708, %broadcast_in_dim3A_573, %broadcast_in_dim3A_570 : vector<16xi1>, vector<16xi32>
        %lt3A_711 = arith.cmpf olt, %min3A_709, %min3A_540 : vector<16xf32>
        %select_n3A_712 = arith.select %lt3A_711, %select_n3A_710, %select_n3A_539 : vector<16xi1>, vector<16xi32>
        %min3A_713 = arith.minimumf %min3A_540, %min3A_709 : vector<16xf32>
        %mul3A_714 = arith.constant 2 : i32
        %mul3A_715 = arith.muli %mul3A_714, %scan3A_562 : i32
        %get3A_716 = arith.index_cast %mul3A_715 : i32 to index
        %get3A_717 = arith.constant 112 : index
        %get3A_718 = tpu.vector_load %arg5[%get3A_716, %get3A_717] {strides = array<i32>} : memref<384x128xf32, #tpu.memory_space<vmem>>, vector<1x16xf32>,
        %get3A_719 = vector.shape_cast %get3A_718 : vector<1x16xf32> to vector<16xf32>
        %mul3A_720 = arith.constant 2 : i32
        %mul3A_721 = arith.muli %mul3A_720, %scan3A_562 : i32
        %add3A_722 = arith.constant 1 : i32
        %add3A_723 = arith.addi %mul3A_721, %add3A_722 : i32
        %get3A_724 = arith.index_cast %add3A_723 : i32 to index
        %get3A_725 = arith.constant 112 : index
        %get3A_726 = tpu.vector_load %arg5[%get3A_724, %get3A_725] {strides = array<i32>} : memref<384x128xf32, #tpu.memory_space<vmem>>, vector<1x16xf32>,
        %get3A_727 = vector.shape_cast %get3A_726 : vector<1x16xf32> to vector<16xf32>
        %lt3A_728 = arith.cmpf olt, %get3A_727, %get3A_719 : vector<16xf32>
        %min3A_729 = arith.minimumf %get3A_719, %get3A_727 : vector<16xf32>
        %select_n3A_730 = arith.select %lt3A_728, %broadcast_in_dim3A_573, %broadcast_in_dim3A_570 : vector<16xi1>, vector<16xi32>
        %lt3A_731 = arith.cmpf olt, %min3A_729, %min3A_560 : vector<16xf32>
        %select_n3A_732 = arith.select %lt3A_731, %select_n3A_730, %select_n3A_559 : vector<16xi1>, vector<16xi32>
        %min3A_733 = arith.minimumf %min3A_560, %min3A_729 : vector<16xf32>
        %scan3A_734 = arith.constant 2 : i32
        %scan3A_735 = arith.addi %scan3A_376, %scan3A_734 : i32
        %mul3A_736 = arith.constant 384 : i32
        %mul3A_737 = arith.muli %add3A_329, %mul3A_736 : i32
        %add3A_738 = arith.constant 3584 : i32
        %add3A_739 = arith.addi %add3A_738, %mul3A_737 : i32
        %mul3A_740 = arith.constant 2 : i32
        %mul3A_741 = arith.muli %mul3A_740, %scan3A_735 : i32
        %add3A_742 = arith.addi %add3A_739, %mul3A_741 : i32
        %broadcast_in_dim3A_743 = vector.broadcast %add3A_742 : i32 to vector<16xi32>
        %add3A_744 = arith.constant 1 : i32
        %add3A_745 = arith.addi %add3A_742, %add3A_744 : i32
        %broadcast_in_dim3A_746 = vector.broadcast %add3A_745 : i32 to vector<16xi32>
        %mul3A_747 = arith.constant 2 : i32
        %mul3A_748 = arith.muli %mul3A_747, %scan3A_735 : i32
        %get3A_749 = arith.index_cast %mul3A_748 : i32 to index
        %get3A_750 = arith.constant 0 : index
        %get3A_751 = tpu.vector_load %arg5[%get3A_749, %get3A_750] {strides = array<i32>} : memref<384x128xf32, #tpu.memory_space<vmem>>, vector<1x16xf32>,
        %get3A_752 = vector.shape_cast %get3A_751 : vector<1x16xf32> to vector<16xf32>
        %mul3A_753 = arith.constant 2 : i32
        %mul3A_754 = arith.muli %mul3A_753, %scan3A_735 : i32
        %add3A_755 = arith.constant 1 : i32
        %add3A_756 = arith.addi %mul3A_754, %add3A_755 : i32
        %get3A_757 = arith.index_cast %add3A_756 : i32 to index
        %get3A_758 = arith.constant 0 : index
        %get3A_759 = tpu.vector_load %arg5[%get3A_757, %get3A_758] {strides = array<i32>} : memref<384x128xf32, #tpu.memory_space<vmem>>, vector<1x16xf32>,
        %get3A_760 = vector.shape_cast %get3A_759 : vector<1x16xf32> to vector<16xf32>
        %lt3A_761 = arith.cmpf olt, %get3A_760, %get3A_752 : vector<16xf32>
        %min3A_762 = arith.minimumf %get3A_752, %get3A_760 : vector<16xf32>
        %select_n3A_763 = arith.select %lt3A_761, %broadcast_in_dim3A_746, %broadcast_in_dim3A_743 : vector<16xi1>, vector<16xi32>
        %lt3A_764 = arith.cmpf olt, %min3A_762, %min3A_593 : vector<16xf32>
        %select_n3A_765 = arith.select %lt3A_764, %select_n3A_763, %select_n3A_592 : vector<16xi1>, vector<16xi32>
        %min3A_766 = arith.minimumf %min3A_593, %min3A_762 : vector<16xf32>
        %mul3A_767 = arith.constant 2 : i32
        %mul3A_768 = arith.muli %mul3A_767, %scan3A_735 : i32
        %get3A_769 = arith.index_cast %mul3A_768 : i32 to index
        %get3A_770 = arith.constant 16 : index
        %get3A_771 = tpu.vector_load %arg5[%get3A_769, %get3A_770] {strides = array<i32>} : memref<384x128xf32, #tpu.memory_space<vmem>>, vector<1x16xf32>,
        %get3A_772 = vector.shape_cast %get3A_771 : vector<1x16xf32> to vector<16xf32>
        %mul3A_773 = arith.constant 2 : i32
        %mul3A_774 = arith.muli %mul3A_773, %scan3A_735 : i32
        %add3A_775 = arith.constant 1 : i32
        %add3A_776 = arith.addi %mul3A_774, %add3A_775 : i32
        %get3A_777 = arith.index_cast %add3A_776 : i32 to index
        %get3A_778 = arith.constant 16 : index
        %get3A_779 = tpu.vector_load %arg5[%get3A_777, %get3A_778] {strides = array<i32>} : memref<384x128xf32, #tpu.memory_space<vmem>>, vector<1x16xf32>,
        %get3A_780 = vector.shape_cast %get3A_779 : vector<1x16xf32> to vector<16xf32>
        %lt3A_781 = arith.cmpf olt, %get3A_780, %get3A_772 : vector<16xf32>
        %min3A_782 = arith.minimumf %get3A_772, %get3A_780 : vector<16xf32>
        %select_n3A_783 = arith.select %lt3A_781, %broadcast_in_dim3A_746, %broadcast_in_dim3A_743 : vector<16xi1>, vector<16xi32>
        %lt3A_784 = arith.cmpf olt, %min3A_782, %min3A_613 : vector<16xf32>
        %select_n3A_785 = arith.select %lt3A_784, %select_n3A_783, %select_n3A_612 : vector<16xi1>, vector<16xi32>
        %min3A_786 = arith.minimumf %min3A_613, %min3A_782 : vector<16xf32>
        %mul3A_787 = arith.constant 2 : i32
        %mul3A_788 = arith.muli %mul3A_787, %scan3A_735 : i32
        %get3A_789 = arith.index_cast %mul3A_788 : i32 to index
        %get3A_790 = arith.constant 32 : index
        %get3A_791 = tpu.vector_load %arg5[%get3A_789, %get3A_790] {strides = array<i32>} : memref<384x128xf32, #tpu.memory_space<vmem>>, vector<1x16xf32>,
        %get3A_792 = vector.shape_cast %get3A_791 : vector<1x16xf32> to vector<16xf32>
        %mul3A_793 = arith.constant 2 : i32
        %mul3A_794 = arith.muli %mul3A_793, %scan3A_735 : i32
        %add3A_795 = arith.constant 1 : i32
        %add3A_796 = arith.addi %mul3A_794, %add3A_795 : i32
        %get3A_797 = arith.index_cast %add3A_796 : i32 to index
        %get3A_798 = arith.constant 32 : index
        %get3A_799 = tpu.vector_load %arg5[%get3A_797, %get3A_798] {strides = array<i32>} : memref<384x128xf32, #tpu.memory_space<vmem>>, vector<1x16xf32>,
        %get3A_800 = vector.shape_cast %get3A_799 : vector<1x16xf32> to vector<16xf32>
        %lt3A_801 = arith.cmpf olt, %get3A_800, %get3A_792 : vector<16xf32>
        %min3A_802 = arith.minimumf %get3A_792, %get3A_800 : vector<16xf32>
        %select_n3A_803 = arith.select %lt3A_801, %broadcast_in_dim3A_746, %broadcast_in_dim3A_743 : vector<16xi1>, vector<16xi32>
        %lt3A_804 = arith.cmpf olt, %min3A_802, %min3A_633 : vector<16xf32>
        %select_n3A_805 = arith.select %lt3A_804, %select_n3A_803, %select_n3A_632 : vector<16xi1>, vector<16xi32>
        %min3A_806 = arith.minimumf %min3A_633, %min3A_802 : vector<16xf32>
        %mul3A_807 = arith.constant 2 : i32
        %mul3A_808 = arith.muli %mul3A_807, %scan3A_735 : i32
        %get3A_809 = arith.index_cast %mul3A_808 : i32 to index
        %get3A_810 = arith.constant 48 : index
        %get3A_811 = tpu.vector_load %arg5[%get3A_809, %get3A_810] {strides = array<i32>} : memref<384x128xf32, #tpu.memory_space<vmem>>, vector<1x16xf32>,
        %get3A_812 = vector.shape_cast %get3A_811 : vector<1x16xf32> to vector<16xf32>
        %mul3A_813 = arith.constant 2 : i32
        %mul3A_814 = arith.muli %mul3A_813, %scan3A_735 : i32
        %add3A_815 = arith.constant 1 : i32
        %add3A_816 = arith.addi %mul3A_814, %add3A_815 : i32
        %get3A_817 = arith.index_cast %add3A_816 : i32 to index
        %get3A_818 = arith.constant 48 : index
        %get3A_819 = tpu.vector_load %arg5[%get3A_817, %get3A_818] {strides = array<i32>} : memref<384x128xf32, #tpu.memory_space<vmem>>, vector<1x16xf32>,
        %get3A_820 = vector.shape_cast %get3A_819 : vector<1x16xf32> to vector<16xf32>
        %lt3A_821 = arith.cmpf olt, %get3A_820, %get3A_812 : vector<16xf32>
        %min3A_822 = arith.minimumf %get3A_812, %get3A_820 : vector<16xf32>
        %select_n3A_823 = arith.select %lt3A_821, %broadcast_in_dim3A_746, %broadcast_in_dim3A_743 : vector<16xi1>, vector<16xi32>
        %lt3A_824 = arith.cmpf olt, %min3A_822, %min3A_653 : vector<16xf32>
        %select_n3A_825 = arith.select %lt3A_824, %select_n3A_823, %select_n3A_652 : vector<16xi1>, vector<16xi32>
        %min3A_826 = arith.minimumf %min3A_653, %min3A_822 : vector<16xf32>
        %mul3A_827 = arith.constant 2 : i32
        %mul3A_828 = arith.muli %mul3A_827, %scan3A_735 : i32
        %get3A_829 = arith.index_cast %mul3A_828 : i32 to index
        %get3A_830 = arith.constant 64 : index
        %get3A_831 = tpu.vector_load %arg5[%get3A_829, %get3A_830] {strides = array<i32>} : memref<384x128xf32, #tpu.memory_space<vmem>>, vector<1x16xf32>,
        %get3A_832 = vector.shape_cast %get3A_831 : vector<1x16xf32> to vector<16xf32>
        %mul3A_833 = arith.constant 2 : i32
        %mul3A_834 = arith.muli %mul3A_833, %scan3A_735 : i32
        %add3A_835 = arith.constant 1 : i32
        %add3A_836 = arith.addi %mul3A_834, %add3A_835 : i32
        %get3A_837 = arith.index_cast %add3A_836 : i32 to index
        %get3A_838 = arith.constant 64 : index
        %get3A_839 = tpu.vector_load %arg5[%get3A_837, %get3A_838] {strides = array<i32>} : memref<384x128xf32, #tpu.memory_space<vmem>>, vector<1x16xf32>,
        %get3A_840 = vector.shape_cast %get3A_839 : vector<1x16xf32> to vector<16xf32>
        %lt3A_841 = arith.cmpf olt, %get3A_840, %get3A_832 : vector<16xf32>
        %min3A_842 = arith.minimumf %get3A_832, %get3A_840 : vector<16xf32>
        %select_n3A_843 = arith.select %lt3A_841, %broadcast_in_dim3A_746, %broadcast_in_dim3A_743 : vector<16xi1>, vector<16xi32>
        %lt3A_844 = arith.cmpf olt, %min3A_842, %min3A_673 : vector<16xf32>
        %select_n3A_845 = arith.select %lt3A_844, %select_n3A_843, %select_n3A_672 : vector<16xi1>, vector<16xi32>
        %min3A_846 = arith.minimumf %min3A_673, %min3A_842 : vector<16xf32>
        %mul3A_847 = arith.constant 2 : i32
        %mul3A_848 = arith.muli %mul3A_847, %scan3A_735 : i32
        %get3A_849 = arith.index_cast %mul3A_848 : i32 to index
        %get3A_850 = arith.constant 80 : index
        %get3A_851 = tpu.vector_load %arg5[%get3A_849, %get3A_850] {strides = array<i32>} : memref<384x128xf32, #tpu.memory_space<vmem>>, vector<1x16xf32>,
        %get3A_852 = vector.shape_cast %get3A_851 : vector<1x16xf32> to vector<16xf32>
        %mul3A_853 = arith.constant 2 : i32
        %mul3A_854 = arith.muli %mul3A_853, %scan3A_735 : i32
        %add3A_855 = arith.constant 1 : i32
        %add3A_856 = arith.addi %mul3A_854, %add3A_855 : i32
        %get3A_857 = arith.index_cast %add3A_856 : i32 to index
        %get3A_858 = arith.constant 80 : index
        %get3A_859 = tpu.vector_load %arg5[%get3A_857, %get3A_858] {strides = array<i32>} : memref<384x128xf32, #tpu.memory_space<vmem>>, vector<1x16xf32>,
        %get3A_860 = vector.shape_cast %get3A_859 : vector<1x16xf32> to vector<16xf32>
        %lt3A_861 = arith.cmpf olt, %get3A_860, %get3A_852 : vector<16xf32>
        %min3A_862 = arith.minimumf %get3A_852, %get3A_860 : vector<16xf32>
        %select_n3A_863 = arith.select %lt3A_861, %broadcast_in_dim3A_746, %broadcast_in_dim3A_743 : vector<16xi1>, vector<16xi32>
        %lt3A_864 = arith.cmpf olt, %min3A_862, %min3A_693 : vector<16xf32>
        %select_n3A_865 = arith.select %lt3A_864, %select_n3A_863, %select_n3A_692 : vector<16xi1>, vector<16xi32>
        %min3A_866 = arith.minimumf %min3A_693, %min3A_862 : vector<16xf32>
        %mul3A_867 = arith.constant 2 : i32
        %mul3A_868 = arith.muli %mul3A_867, %scan3A_735 : i32
        %get3A_869 = arith.index_cast %mul3A_868 : i32 to index
        %get3A_870 = arith.constant 96 : index
        %get3A_871 = tpu.vector_load %arg5[%get3A_869, %get3A_870] {strides = array<i32>} : memref<384x128xf32, #tpu.memory_space<vmem>>, vector<1x16xf32>,
        %get3A_872 = vector.shape_cast %get3A_871 : vector<1x16xf32> to vector<16xf32>
        %mul3A_873 = arith.constant 2 : i32
        %mul3A_874 = arith.muli %mul3A_873, %scan3A_735 : i32
        %add3A_875 = arith.constant 1 : i32
        %add3A_876 = arith.addi %mul3A_874, %add3A_875 : i32
        %get3A_877 = arith.index_cast %add3A_876 : i32 to index
        %get3A_878 = arith.constant 96 : index
        %get3A_879 = tpu.vector_load %arg5[%get3A_877, %get3A_878] {strides = array<i32>} : memref<384x128xf32, #tpu.memory_space<vmem>>, vector<1x16xf32>,
        %get3A_880 = vector.shape_cast %get3A_879 : vector<1x16xf32> to vector<16xf32>
        %lt3A_881 = arith.cmpf olt, %get3A_880, %get3A_872 : vector<16xf32>
        %min3A_882 = arith.minimumf %get3A_872, %get3A_880 : vector<16xf32>
        %select_n3A_883 = arith.select %lt3A_881, %broadcast_in_dim3A_746, %broadcast_in_dim3A_743 : vector<16xi1>, vector<16xi32>
        %lt3A_884 = arith.cmpf olt, %min3A_882, %min3A_713 : vector<16xf32>
        %select_n3A_885 = arith.select %lt3A_884, %select_n3A_883, %select_n3A_712 : vector<16xi1>, vector<16xi32>
        %min3A_886 = arith.minimumf %min3A_713, %min3A_882 : vector<16xf32>
        %mul3A_887 = arith.constant 2 : i32
        %mul3A_888 = arith.muli %mul3A_887, %scan3A_735 : i32
        %get3A_889 = arith.index_cast %mul3A_888 : i32 to index
        %get3A_890 = arith.constant 112 : index
        %get3A_891 = tpu.vector_load %arg5[%get3A_889, %get3A_890] {strides = array<i32>} : memref<384x128xf32, #tpu.memory_space<vmem>>, vector<1x16xf32>,
        %get3A_892 = vector.shape_cast %get3A_891 : vector<1x16xf32> to vector<16xf32>
        %mul3A_893 = arith.constant 2 : i32
        %mul3A_894 = arith.muli %mul3A_893, %scan3A_735 : i32
        %add3A_895 = arith.constant 1 : i32
        %add3A_896 = arith.addi %mul3A_894, %add3A_895 : i32
        %get3A_897 = arith.index_cast %add3A_896 : i32 to index
        %get3A_898 = arith.constant 112 : index
        %get3A_899 = tpu.vector_load %arg5[%get3A_897, %get3A_898] {strides = array<i32>} : memref<384x128xf32, #tpu.memory_space<vmem>>, vector<1x16xf32>,
        %get3A_900 = vector.shape_cast %get3A_899 : vector<1x16xf32> to vector<16xf32>
        %lt3A_901 = arith.cmpf olt, %get3A_900, %get3A_892 : vector<16xf32>
        %min3A_902 = arith.minimumf %get3A_892, %get3A_900 : vector<16xf32>
        %select_n3A_903 = arith.select %lt3A_901, %broadcast_in_dim3A_746, %broadcast_in_dim3A_743 : vector<16xi1>, vector<16xi32>
        %lt3A_904 = arith.cmpf olt, %min3A_902, %min3A_733 : vector<16xf32>
        %select_n3A_905 = arith.select %lt3A_904, %select_n3A_903, %select_n3A_732 : vector<16xi1>, vector<16xi32>
        %min3A_906 = arith.minimumf %min3A_733, %min3A_902 : vector<16xf32>
        %scan3A_907 = arith.constant 3 : i32
        %scan3A_908 = arith.addi %scan3A_376, %scan3A_907 : i32
        %mul3A_909 = arith.constant 384 : i32
        %mul3A_910 = arith.muli %add3A_329, %mul3A_909 : i32
        %add3A_911 = arith.constant 3584 : i32
        %add3A_912 = arith.addi %add3A_911, %mul3A_910 : i32
        %mul3A_913 = arith.constant 2 : i32
        %mul3A_914 = arith.muli %mul3A_913, %scan3A_908 : i32
        %add3A_915 = arith.addi %add3A_912, %mul3A_914 : i32
        %broadcast_in_dim3A_916 = vector.broadcast %add3A_915 : i32 to vector<16xi32>
        %add3A_917 = arith.constant 1 : i32
        %add3A_918 = arith.addi %add3A_915, %add3A_917 : i32
        %broadcast_in_dim3A_919 = vector.broadcast %add3A_918 : i32 to vector<16xi32>
        %mul3A_920 = arith.constant 2 : i32
        %mul3A_921 = arith.muli %mul3A_920, %scan3A_908 : i32
        %get3A_922 = arith.index_cast %mul3A_921 : i32 to index
        %get3A_923 = arith.constant 0 : index
        %get3A_924 = tpu.vector_load %arg5[%get3A_922, %get3A_923] {strides = array<i32>} : memref<384x128xf32, #tpu.memory_space<vmem>>, vector<1x16xf32>,
        %get3A_925 = vector.shape_cast %get3A_924 : vector<1x16xf32> to vector<16xf32>
        %mul3A_926 = arith.constant 2 : i32
        %mul3A_927 = arith.muli %mul3A_926, %scan3A_908 : i32
        %add3A_928 = arith.constant 1 : i32
        %add3A_929 = arith.addi %mul3A_927, %add3A_928 : i32
        %get3A_930 = arith.index_cast %add3A_929 : i32 to index
        %get3A_931 = arith.constant 0 : index
        %get3A_932 = tpu.vector_load %arg5[%get3A_930, %get3A_931] {strides = array<i32>} : memref<384x128xf32, #tpu.memory_space<vmem>>, vector<1x16xf32>,
        %get3A_933 = vector.shape_cast %get3A_932 : vector<1x16xf32> to vector<16xf32>
        %lt3A_934 = arith.cmpf olt, %get3A_933, %get3A_925 : vector<16xf32>
        %min3A_935 = arith.minimumf %get3A_925, %get3A_933 : vector<16xf32>
        %select_n3A_936 = arith.select %lt3A_934, %broadcast_in_dim3A_919, %broadcast_in_dim3A_916 : vector<16xi1>, vector<16xi32>
        %lt3A_937 = arith.cmpf olt, %min3A_935, %min3A_766 : vector<16xf32>
        %select_n3A_938 = arith.select %lt3A_937, %select_n3A_936, %select_n3A_765 : vector<16xi1>, vector<16xi32>
        %min3A_939 = arith.minimumf %min3A_766, %min3A_935 : vector<16xf32>
        %mul3A_940 = arith.constant 2 : i32
        %mul3A_941 = arith.muli %mul3A_940, %scan3A_908 : i32
        %get3A_942 = arith.index_cast %mul3A_941 : i32 to index
        %get3A_943 = arith.constant 16 : index
        %get3A_944 = tpu.vector_load %arg5[%get3A_942, %get3A_943] {strides = array<i32>} : memref<384x128xf32, #tpu.memory_space<vmem>>, vector<1x16xf32>,
        %get3A_945 = vector.shape_cast %get3A_944 : vector<1x16xf32> to vector<16xf32>
        %mul3A_946 = arith.constant 2 : i32
        %mul3A_947 = arith.muli %mul3A_946, %scan3A_908 : i32
        %add3A_948 = arith.constant 1 : i32
        %add3A_949 = arith.addi %mul3A_947, %add3A_948 : i32
        %get3A_950 = arith.index_cast %add3A_949 : i32 to index
        %get3A_951 = arith.constant 16 : index
        %get3A_952 = tpu.vector_load %arg5[%get3A_950, %get3A_951] {strides = array<i32>} : memref<384x128xf32, #tpu.memory_space<vmem>>, vector<1x16xf32>,
        %get3A_953 = vector.shape_cast %get3A_952 : vector<1x16xf32> to vector<16xf32>
        %lt3A_954 = arith.cmpf olt, %get3A_953, %get3A_945 : vector<16xf32>
        %min3A_955 = arith.minimumf %get3A_945, %get3A_953 : vector<16xf32>
        %select_n3A_956 = arith.select %lt3A_954, %broadcast_in_dim3A_919, %broadcast_in_dim3A_916 : vector<16xi1>, vector<16xi32>
        %lt3A_957 = arith.cmpf olt, %min3A_955, %min3A_786 : vector<16xf32>
        %select_n3A_958 = arith.select %lt3A_957, %select_n3A_956, %select_n3A_785 : vector<16xi1>, vector<16xi32>
        %min3A_959 = arith.minimumf %min3A_786, %min3A_955 : vector<16xf32>
        %mul3A_960 = arith.constant 2 : i32
        %mul3A_961 = arith.muli %mul3A_960, %scan3A_908 : i32
        %get3A_962 = arith.index_cast %mul3A_961 : i32 to index
        %get3A_963 = arith.constant 32 : index
        %get3A_964 = tpu.vector_load %arg5[%get3A_962, %get3A_963] {strides = array<i32>} : memref<384x128xf32, #tpu.memory_space<vmem>>, vector<1x16xf32>,
        %get3A_965 = vector.shape_cast %get3A_964 : vector<1x16xf32> to vector<16xf32>
        %mul3A_966 = arith.constant 2 : i32
        %mul3A_967 = arith.muli %mul3A_966, %scan3A_908 : i32
        %add3A_968 = arith.constant 1 : i32
        %add3A_969 = arith.addi %mul3A_967, %add3A_968 : i32
        %get3A_970 = arith.index_cast %add3A_969 : i32 to index
        %get3A_971 = arith.constant 32 : index
        %get3A_972 = tpu.vector_load %arg5[%get3A_970, %get3A_971] {strides = array<i32>} : memref<384x128xf32, #tpu.memory_space<vmem>>, vector<1x16xf32>,
        %get3A_973 = vector.shape_cast %get3A_972 : vector<1x16xf32> to vector<16xf32>
        %lt3A_974 = arith.cmpf olt, %get3A_973, %get3A_965 : vector<16xf32>
        %min3A_975 = arith.minimumf %get3A_965, %get3A_973 : vector<16xf32>
        %select_n3A_976 = arith.select %lt3A_974, %broadcast_in_dim3A_919, %broadcast_in_dim3A_916 : vector<16xi1>, vector<16xi32>
        %lt3A_977 = arith.cmpf olt, %min3A_975, %min3A_806 : vector<16xf32>
        %select_n3A_978 = arith.select %lt3A_977, %select_n3A_976, %select_n3A_805 : vector<16xi1>, vector<16xi32>
        %min3A_979 = arith.minimumf %min3A_806, %min3A_975 : vector<16xf32>
        %mul3A_980 = arith.constant 2 : i32
        %mul3A_981 = arith.muli %mul3A_980, %scan3A_908 : i32
        %get3A_982 = arith.index_cast %mul3A_981 : i32 to index
        %get3A_983 = arith.constant 48 : index
        %get3A_984 = tpu.vector_load %arg5[%get3A_982, %get3A_983] {strides = array<i32>} : memref<384x128xf32, #tpu.memory_space<vmem>>, vector<1x16xf32>,
        %get3A_985 = vector.shape_cast %get3A_984 : vector<1x16xf32> to vector<16xf32>
        %mul3A_986 = arith.constant 2 : i32
        %mul3A_987 = arith.muli %mul3A_986, %scan3A_908 : i32
        %add3A_988 = arith.constant 1 : i32
        %add3A_989 = arith.addi %mul3A_987, %add3A_988 : i32
        %get3A_990 = arith.index_cast %add3A_989 : i32 to index
        %get3A_991 = arith.constant 48 : index
        %get3A_992 = tpu.vector_load %arg5[%get3A_990, %get3A_991] {strides = array<i32>} : memref<384x128xf32, #tpu.memory_space<vmem>>, vector<1x16xf32>,
        %get3A_993 = vector.shape_cast %get3A_992 : vector<1x16xf32> to vector<16xf32>
        %lt3A_994 = arith.cmpf olt, %get3A_993, %get3A_985 : vector<16xf32>
        %min3A_995 = arith.minimumf %get3A_985, %get3A_993 : vector<16xf32>
        %select_n3A_996 = arith.select %lt3A_994, %broadcast_in_dim3A_919, %broadcast_in_dim3A_916 : vector<16xi1>, vector<16xi32>
        %lt3A_997 = arith.cmpf olt, %min3A_995, %min3A_826 : vector<16xf32>
        %select_n3A_998 = arith.select %lt3A_997, %select_n3A_996, %select_n3A_825 : vector<16xi1>, vector<16xi32>
        %min3A_999 = arith.minimumf %min3A_826, %min3A_995 : vector<16xf32>
        %mul3A_1000 = arith.constant 2 : i32
        %mul3A_1001 = arith.muli %mul3A_1000, %scan3A_908 : i32
        %get3A_1002 = arith.index_cast %mul3A_1001 : i32 to index
        %get3A_1003 = arith.constant 64 : index
        %get3A_1004 = tpu.vector_load %arg5[%get3A_1002, %get3A_1003] {strides = array<i32>} : memref<384x128xf32, #tpu.memory_space<vmem>>, vector<1x16xf32>,
        %get3A_1005 = vector.shape_cast %get3A_1004 : vector<1x16xf32> to vector<16xf32>
        %mul3A_1006 = arith.constant 2 : i32
        %mul3A_1007 = arith.muli %mul3A_1006, %scan3A_908 : i32
        %add3A_1008 = arith.constant 1 : i32
        %add3A_1009 = arith.addi %mul3A_1007, %add3A_1008 : i32
        %get3A_1010 = arith.index_cast %add3A_1009 : i32 to index
        %get3A_1011 = arith.constant 64 : index
        %get3A_1012 = tpu.vector_load %arg5[%get3A_1010, %get3A_1011] {strides = array<i32>} : memref<384x128xf32, #tpu.memory_space<vmem>>, vector<1x16xf32>,
        %get3A_1013 = vector.shape_cast %get3A_1012 : vector<1x16xf32> to vector<16xf32>
        %lt3A_1014 = arith.cmpf olt, %get3A_1013, %get3A_1005 : vector<16xf32>
        %min3A_1015 = arith.minimumf %get3A_1005, %get3A_1013 : vector<16xf32>
        %select_n3A_1016 = arith.select %lt3A_1014, %broadcast_in_dim3A_919, %broadcast_in_dim3A_916 : vector<16xi1>, vector<16xi32>
        %lt3A_1017 = arith.cmpf olt, %min3A_1015, %min3A_846 : vector<16xf32>
        %select_n3A_1018 = arith.select %lt3A_1017, %select_n3A_1016, %select_n3A_845 : vector<16xi1>, vector<16xi32>
        %min3A_1019 = arith.minimumf %min3A_846, %min3A_1015 : vector<16xf32>
        %mul3A_1020 = arith.constant 2 : i32
        %mul3A_1021 = arith.muli %mul3A_1020, %scan3A_908 : i32
        %get3A_1022 = arith.index_cast %mul3A_1021 : i32 to index
        %get3A_1023 = arith.constant 80 : index
        %get3A_1024 = tpu.vector_load %arg5[%get3A_1022, %get3A_1023] {strides = array<i32>} : memref<384x128xf32, #tpu.memory_space<vmem>>, vector<1x16xf32>,
        %get3A_1025 = vector.shape_cast %get3A_1024 : vector<1x16xf32> to vector<16xf32>
        %mul3A_1026 = arith.constant 2 : i32
        %mul3A_1027 = arith.muli %mul3A_1026, %scan3A_908 : i32
        %add3A_1028 = arith.constant 1 : i32
        %add3A_1029 = arith.addi %mul3A_1027, %add3A_1028 : i32
        %get3A_1030 = arith.index_cast %add3A_1029 : i32 to index
        %get3A_1031 = arith.constant 80 : index
        %get3A_1032 = tpu.vector_load %arg5[%get3A_1030, %get3A_1031] {strides = array<i32>} : memref<384x128xf32, #tpu.memory_space<vmem>>, vector<1x16xf32>,
        %get3A_1033 = vector.shape_cast %get3A_1032 : vector<1x16xf32> to vector<16xf32>
        %lt3A_1034 = arith.cmpf olt, %get3A_1033, %get3A_1025 : vector<16xf32>
        %min3A_1035 = arith.minimumf %get3A_1025, %get3A_1033 : vector<16xf32>
        %select_n3A_1036 = arith.select %lt3A_1034, %broadcast_in_dim3A_919, %broadcast_in_dim3A_916 : vector<16xi1>, vector<16xi32>
        %lt3A_1037 = arith.cmpf olt, %min3A_1035, %min3A_866 : vector<16xf32>
        %select_n3A_1038 = arith.select %lt3A_1037, %select_n3A_1036, %select_n3A_865 : vector<16xi1>, vector<16xi32>
        %min3A_1039 = arith.minimumf %min3A_866, %min3A_1035 : vector<16xf32>
        %mul3A_1040 = arith.constant 2 : i32
        %mul3A_1041 = arith.muli %mul3A_1040, %scan3A_908 : i32
        %get3A_1042 = arith.index_cast %mul3A_1041 : i32 to index
        %get3A_1043 = arith.constant 96 : index
        %get3A_1044 = tpu.vector_load %arg5[%get3A_1042, %get3A_1043] {strides = array<i32>} : memref<384x128xf32, #tpu.memory_space<vmem>>, vector<1x16xf32>,
        %get3A_1045 = vector.shape_cast %get3A_1044 : vector<1x16xf32> to vector<16xf32>
        %mul3A_1046 = arith.constant 2 : i32
        %mul3A_1047 = arith.muli %mul3A_1046, %scan3A_908 : i32
        %add3A_1048 = arith.constant 1 : i32
        %add3A_1049 = arith.addi %mul3A_1047, %add3A_1048 : i32
        %get3A_1050 = arith.index_cast %add3A_1049 : i32 to index
        %get3A_1051 = arith.constant 96 : index
        %get3A_1052 = tpu.vector_load %arg5[%get3A_1050, %get3A_1051] {strides = array<i32>} : memref<384x128xf32, #tpu.memory_space<vmem>>, vector<1x16xf32>,
        %get3A_1053 = vector.shape_cast %get3A_1052 : vector<1x16xf32> to vector<16xf32>
        %lt3A_1054 = arith.cmpf olt, %get3A_1053, %get3A_1045 : vector<16xf32>
        %min3A_1055 = arith.minimumf %get3A_1045, %get3A_1053 : vector<16xf32>
        %select_n3A_1056 = arith.select %lt3A_1054, %broadcast_in_dim3A_919, %broadcast_in_dim3A_916 : vector<16xi1>, vector<16xi32>
        %lt3A_1057 = arith.cmpf olt, %min3A_1055, %min3A_886 : vector<16xf32>
        %select_n3A_1058 = arith.select %lt3A_1057, %select_n3A_1056, %select_n3A_885 : vector<16xi1>, vector<16xi32>
        %min3A_1059 = arith.minimumf %min3A_886, %min3A_1055 : vector<16xf32>
        %mul3A_1060 = arith.constant 2 : i32
        %mul3A_1061 = arith.muli %mul3A_1060, %scan3A_908 : i32
        %get3A_1062 = arith.index_cast %mul3A_1061 : i32 to index
        %get3A_1063 = arith.constant 112 : index
        %get3A_1064 = tpu.vector_load %arg5[%get3A_1062, %get3A_1063] {strides = array<i32>} : memref<384x128xf32, #tpu.memory_space<vmem>>, vector<1x16xf32>,
        %get3A_1065 = vector.shape_cast %get3A_1064 : vector<1x16xf32> to vector<16xf32>
        %mul3A_1066 = arith.constant 2 : i32
        %mul3A_1067 = arith.muli %mul3A_1066, %scan3A_908 : i32
        %add3A_1068 = arith.constant 1 : i32
        %add3A_1069 = arith.addi %mul3A_1067, %add3A_1068 : i32
        %get3A_1070 = arith.index_cast %add3A_1069 : i32 to index
        %get3A_1071 = arith.constant 112 : index
        %get3A_1072 = tpu.vector_load %arg5[%get3A_1070, %get3A_1071] {strides = array<i32>} : memref<384x128xf32, #tpu.memory_space<vmem>>, vector<1x16xf32>,
        %get3A_1073 = vector.shape_cast %get3A_1072 : vector<1x16xf32> to vector<16xf32>
        %lt3A_1074 = arith.cmpf olt, %get3A_1073, %get3A_1065 : vector<16xf32>
        %min3A_1075 = arith.minimumf %get3A_1065, %get3A_1073 : vector<16xf32>
        %select_n3A_1076 = arith.select %lt3A_1074, %broadcast_in_dim3A_919, %broadcast_in_dim3A_916 : vector<16xi1>, vector<16xi32>
        %lt3A_1077 = arith.cmpf olt, %min3A_1075, %min3A_906 : vector<16xf32>
        %select_n3A_1078 = arith.select %lt3A_1077, %select_n3A_1076, %select_n3A_905 : vector<16xi1>, vector<16xi32>
        %min3A_1079 = arith.minimumf %min3A_906, %min3A_1075 : vector<16xf32>
        scf.yield %min3A_939, %min3A_959, %min3A_979, %min3A_999, %min3A_1019, %min3A_1039, %min3A_1059, %min3A_1079, %select_n3A_938, %select_n3A_958, %select_n3A_978, %select_n3A_998, %select_n3A_1018, %select_n3A_1038, %select_n3A_1058, %select_n3A_1078 : vector<16xf32>, vector<16xf32>, vector<16xf32>, vector<16xf32>, vector<16xf32>, vector<16xf32>, vector<16xf32>, vector<16xf32>, vector<16xi32>, vector<16xi32>, vector<16xi32>, vector<16xi32>, vector<16xi32>, vector<16xi32>, vector<16xi32>, vector<16xi32>
      }
      %scan3A_344 = arith.constant 192 : i32
      %add3A_345 = arith.constant 2 : i32
      %add3A_346 = arith.addi %add3A_329, %add3A_345 : i32
      %lt3A = arith.constant 12 : i32
      %lt3A_347 = arith.cmpi slt, %add3A_346, %lt3A : i32
      %convert_element_type3A = arith.extui %lt3A_347 : i1 to i32
      %cond3A = arith.constant 0 : i32
      %cond3A_348 = arith.cmpi ne, %convert_element_type3A, %cond3A : i32
      scf.if %cond3A_348 {
        %add3A_376 = arith.constant 2 : i32
        %add3A_377 = arith.addi %add3A_329, %add3A_376 : i32
        %mul3A_378 = arith.constant 384 : i32
        %mul3A_379 = arith.muli %add3A_377, %mul3A_378 : i32
        %add3A_380 = arith.constant 3584 : i32
        %add3A_381 = arith.addi %add3A_380, %mul3A_379 : i32
        %dma_start3A_382 = arith.constant 0 : i32
        %dma_start3A_383 = tpu.memref_slice %arg2[%add3A_4, %add3A_381, %dma_start3A_382] : memref<64x8192x128xf32, #tpu.memory_space<hbm>> -> memref<1x384x128xf32, #tpu.memory_space<hbm>>
        %dma_start3A_384 = tpu.memref_squeeze %dma_start3A_383 : memref<1x384x128xf32, #tpu.memory_space<hbm>> -> memref<384x128xf32, #tpu.memory_space<hbm>>
        %dma_start3A_385 = arith.constant 0 : i32
        %dma_start3A_386 = tpu.memref_slice %arg2[%add3A_4, %add3A_381, %dma_start3A_385] : memref<64x8192x128xf32, #tpu.memory_space<hbm>> -> memref<1x384x128xf32, #tpu.memory_space<hbm>>
        %dma_start3A_387 = tpu.memref_squeeze %dma_start3A_386 : memref<1x384x128xf32, #tpu.memory_space<hbm>> -> memref<384x128xf32, #tpu.memory_space<hbm>>
        tpu.enqueue_dma source(%dma_start3A_387 : memref<384x128xf32, #tpu.memory_space<hbm>>) target(%arg5 : memref<384x128xf32, #tpu.memory_space<vmem>>) target_semaphore(%arg9 : memref<!tpu.dma_semaphore, #tpu.memory_space<semaphore_mem>>)
      } else {
      }
      %mul3A_349 = arith.constant 2 : i32
      %mul3A_350 = arith.muli %scan3A_309, %mul3A_349 : i32
      %add3A_351 = arith.constant 1 : i32
      %add3A_352 = arith.addi %mul3A_350, %add3A_351 : i32
      %mul3A_353 = arith.constant 384 : i32
      %mul3A_354 = arith.muli %add3A_352, %mul3A_353 : i32
      %add3A_355 = arith.constant 3584 : i32
      %add3A_356 = arith.addi %add3A_355, %mul3A_354 : i32
      %dma_wait3A_357 = arith.constant 0 : i32
      %dma_wait3A_358 = tpu.memref_slice %arg2[%add3A_4, %add3A_356, %dma_wait3A_357] : memref<64x8192x128xf32, #tpu.memory_space<hbm>> -> memref<1x384x128xf32, #tpu.memory_space<hbm>>
      %dma_wait3A_359 = tpu.memref_squeeze %dma_wait3A_358 : memref<1x384x128xf32, #tpu.memory_space<hbm>> -> memref<384x128xf32, #tpu.memory_space<hbm>>
      %dma_wait3A_360 = arith.constant 0 : i32
      %dma_wait3A_361 = tpu.memref_slice %arg2[%add3A_4, %add3A_356, %dma_wait3A_360] : memref<64x8192x128xf32, #tpu.memory_space<hbm>> -> memref<1x384x128xf32, #tpu.memory_space<hbm>>
      %dma_wait3A_362 = tpu.memref_squeeze %dma_wait3A_361 : memref<1x384x128xf32, #tpu.memory_space<hbm>> -> memref<384x128xf32, #tpu.memory_space<hbm>>
      tpu.wait_dma2 semaphore(%arg10 : memref<!tpu.dma_semaphore, #tpu.memory_space<semaphore_mem>>) src(%dma_wait3A_362 : memref<384x128xf32, #tpu.memory_space<hbm>>) dst(%arg6 : memref<384x128xf32, #tpu.memory_space<vmem>>)
      %scan3A_363 = arith.constant 0 : i32
      %scan3A_364 = arith.constant 192 : i32
      %scan3A_365 = arith.addi %scan3A_363, %scan3A_364 : i32
      %scan3A_366 = arith.constant 4 : i32
      %scan3A_367:16 = scf.for %scan3A_376 = %scan3A_363 to %scan3A_365 step %scan3A_366 iter_args(%scan3A_377 = %scan3A_343#0, %scan3A_378 = %scan3A_343#1, %scan3A_379 = %scan3A_343#2, %scan3A_380 = %scan3A_343#3, %scan3A_381 = %scan3A_343#4, %scan3A_382 = %scan3A_343#5, %scan3A_383 = %scan3A_343#6, %scan3A_384 = %scan3A_343#7, %scan3A_385 = %scan3A_343#8, %scan3A_386 = %scan3A_343#9, %scan3A_387 = %scan3A_343#10, %scan3A_388 = %scan3A_343#11, %scan3A_389 = %scan3A_343#12, %scan3A_390 = %scan3A_343#13, %scan3A_391 = %scan3A_343#14, %scan3A_392 = %scan3A_343#15) -> (vector<16xf32>, vector<16xf32>, vector<16xf32>, vector<16xf32>, vector<16xf32>, vector<16xf32>, vector<16xf32>, vector<16xf32>, vector<16xi32>, vector<16xi32>, vector<16xi32>, vector<16xi32>, vector<16xi32>, vector<16xi32>, vector<16xi32>, vector<16xi32>)  : i32 {
        %mul3A_393 = arith.constant 384 : i32
        %mul3A_394 = arith.muli %add3A_352, %mul3A_393 : i32
        %add3A_395 = arith.constant 3584 : i32
        %add3A_396 = arith.addi %add3A_395, %mul3A_394 : i32
        %mul3A_397 = arith.constant 2 : i32
        %mul3A_398 = arith.muli %mul3A_397, %scan3A_376 : i32
        %add3A_399 = arith.addi %add3A_396, %mul3A_398 : i32
        %broadcast_in_dim3A_400 = vector.broadcast %add3A_399 : i32 to vector<16xi32>
        %add3A_401 = arith.constant 1 : i32
        %add3A_402 = arith.addi %add3A_399, %add3A_401 : i32
        %broadcast_in_dim3A_403 = vector.broadcast %add3A_402 : i32 to vector<16xi32>
        %mul3A_404 = arith.constant 2 : i32
        %mul3A_405 = arith.muli %mul3A_404, %scan3A_376 : i32
        %get3A = arith.index_cast %mul3A_405 : i32 to index
        %get3A_406 = arith.constant 0 : index
        %get3A_407 = tpu.vector_load %arg6[%get3A, %get3A_406] {strides = array<i32>} : memref<384x128xf32, #tpu.memory_space<vmem>>, vector<1x16xf32>,
        %get3A_408 = vector.shape_cast %get3A_407 : vector<1x16xf32> to vector<16xf32>
        %mul3A_409 = arith.constant 2 : i32
        %mul3A_410 = arith.muli %mul3A_409, %scan3A_376 : i32
        %add3A_411 = arith.constant 1 : i32
        %add3A_412 = arith.addi %mul3A_410, %add3A_411 : i32
        %get3A_413 = arith.index_cast %add3A_412 : i32 to index
        %get3A_414 = arith.constant 0 : index
        %get3A_415 = tpu.vector_load %arg6[%get3A_413, %get3A_414] {strides = array<i32>} : memref<384x128xf32, #tpu.memory_space<vmem>>, vector<1x16xf32>,
        %get3A_416 = vector.shape_cast %get3A_415 : vector<1x16xf32> to vector<16xf32>
        %lt3A_417 = arith.cmpf olt, %get3A_416, %get3A_408 : vector<16xf32>
        %min3A = arith.minimumf %get3A_408, %get3A_416 : vector<16xf32>
        %select_n3A = arith.select %lt3A_417, %broadcast_in_dim3A_403, %broadcast_in_dim3A_400 : vector<16xi1>, vector<16xi32>
        %lt3A_418 = arith.cmpf olt, %min3A, %scan3A_377 : vector<16xf32>
        %select_n3A_419 = arith.select %lt3A_418, %select_n3A, %scan3A_385 : vector<16xi1>, vector<16xi32>
        %min3A_420 = arith.minimumf %scan3A_377, %min3A : vector<16xf32>
        %mul3A_421 = arith.constant 2 : i32
        %mul3A_422 = arith.muli %mul3A_421, %scan3A_376 : i32
        %get3A_423 = arith.index_cast %mul3A_422 : i32 to index
        %get3A_424 = arith.constant 16 : index
        %get3A_425 = tpu.vector_load %arg6[%get3A_423, %get3A_424] {strides = array<i32>} : memref<384x128xf32, #tpu.memory_space<vmem>>, vector<1x16xf32>,
        %get3A_426 = vector.shape_cast %get3A_425 : vector<1x16xf32> to vector<16xf32>
        %mul3A_427 = arith.constant 2 : i32
        %mul3A_428 = arith.muli %mul3A_427, %scan3A_376 : i32
        %add3A_429 = arith.constant 1 : i32
        %add3A_430 = arith.addi %mul3A_428, %add3A_429 : i32
        %get3A_431 = arith.index_cast %add3A_430 : i32 to index
        %get3A_432 = arith.constant 16 : index
        %get3A_433 = tpu.vector_load %arg6[%get3A_431, %get3A_432] {strides = array<i32>} : memref<384x128xf32, #tpu.memory_space<vmem>>, vector<1x16xf32>,
        %get3A_434 = vector.shape_cast %get3A_433 : vector<1x16xf32> to vector<16xf32>
        %lt3A_435 = arith.cmpf olt, %get3A_434, %get3A_426 : vector<16xf32>
        %min3A_436 = arith.minimumf %get3A_426, %get3A_434 : vector<16xf32>
        %select_n3A_437 = arith.select %lt3A_435, %broadcast_in_dim3A_403, %broadcast_in_dim3A_400 : vector<16xi1>, vector<16xi32>
        %lt3A_438 = arith.cmpf olt, %min3A_436, %scan3A_378 : vector<16xf32>
        %select_n3A_439 = arith.select %lt3A_438, %select_n3A_437, %scan3A_386 : vector<16xi1>, vector<16xi32>
        %min3A_440 = arith.minimumf %scan3A_378, %min3A_436 : vector<16xf32>
        %mul3A_441 = arith.constant 2 : i32
        %mul3A_442 = arith.muli %mul3A_441, %scan3A_376 : i32
        %get3A_443 = arith.index_cast %mul3A_442 : i32 to index
        %get3A_444 = arith.constant 32 : index
        %get3A_445 = tpu.vector_load %arg6[%get3A_443, %get3A_444] {strides = array<i32>} : memref<384x128xf32, #tpu.memory_space<vmem>>, vector<1x16xf32>,
        %get3A_446 = vector.shape_cast %get3A_445 : vector<1x16xf32> to vector<16xf32>
        %mul3A_447 = arith.constant 2 : i32
        %mul3A_448 = arith.muli %mul3A_447, %scan3A_376 : i32
        %add3A_449 = arith.constant 1 : i32
        %add3A_450 = arith.addi %mul3A_448, %add3A_449 : i32
        %get3A_451 = arith.index_cast %add3A_450 : i32 to index
        %get3A_452 = arith.constant 32 : index
        %get3A_453 = tpu.vector_load %arg6[%get3A_451, %get3A_452] {strides = array<i32>} : memref<384x128xf32, #tpu.memory_space<vmem>>, vector<1x16xf32>,
        %get3A_454 = vector.shape_cast %get3A_453 : vector<1x16xf32> to vector<16xf32>
        %lt3A_455 = arith.cmpf olt, %get3A_454, %get3A_446 : vector<16xf32>
        %min3A_456 = arith.minimumf %get3A_446, %get3A_454 : vector<16xf32>
        %select_n3A_457 = arith.select %lt3A_455, %broadcast_in_dim3A_403, %broadcast_in_dim3A_400 : vector<16xi1>, vector<16xi32>
        %lt3A_458 = arith.cmpf olt, %min3A_456, %scan3A_379 : vector<16xf32>
        %select_n3A_459 = arith.select %lt3A_458, %select_n3A_457, %scan3A_387 : vector<16xi1>, vector<16xi32>
        %min3A_460 = arith.minimumf %scan3A_379, %min3A_456 : vector<16xf32>
        %mul3A_461 = arith.constant 2 : i32
        %mul3A_462 = arith.muli %mul3A_461, %scan3A_376 : i32
        %get3A_463 = arith.index_cast %mul3A_462 : i32 to index
        %get3A_464 = arith.constant 48 : index
        %get3A_465 = tpu.vector_load %arg6[%get3A_463, %get3A_464] {strides = array<i32>} : memref<384x128xf32, #tpu.memory_space<vmem>>, vector<1x16xf32>,
        %get3A_466 = vector.shape_cast %get3A_465 : vector<1x16xf32> to vector<16xf32>
        %mul3A_467 = arith.constant 2 : i32
        %mul3A_468 = arith.muli %mul3A_467, %scan3A_376 : i32
        %add3A_469 = arith.constant 1 : i32
        %add3A_470 = arith.addi %mul3A_468, %add3A_469 : i32
        %get3A_471 = arith.index_cast %add3A_470 : i32 to index
        %get3A_472 = arith.constant 48 : index
        %get3A_473 = tpu.vector_load %arg6[%get3A_471, %get3A_472] {strides = array<i32>} : memref<384x128xf32, #tpu.memory_space<vmem>>, vector<1x16xf32>,
        %get3A_474 = vector.shape_cast %get3A_473 : vector<1x16xf32> to vector<16xf32>
        %lt3A_475 = arith.cmpf olt, %get3A_474, %get3A_466 : vector<16xf32>
        %min3A_476 = arith.minimumf %get3A_466, %get3A_474 : vector<16xf32>
        %select_n3A_477 = arith.select %lt3A_475, %broadcast_in_dim3A_403, %broadcast_in_dim3A_400 : vector<16xi1>, vector<16xi32>
        %lt3A_478 = arith.cmpf olt, %min3A_476, %scan3A_380 : vector<16xf32>
        %select_n3A_479 = arith.select %lt3A_478, %select_n3A_477, %scan3A_388 : vector<16xi1>, vector<16xi32>
        %min3A_480 = arith.minimumf %scan3A_380, %min3A_476 : vector<16xf32>
        %mul3A_481 = arith.constant 2 : i32
        %mul3A_482 = arith.muli %mul3A_481, %scan3A_376 : i32
        %get3A_483 = arith.index_cast %mul3A_482 : i32 to index
        %get3A_484 = arith.constant 64 : index
        %get3A_485 = tpu.vector_load %arg6[%get3A_483, %get3A_484] {strides = array<i32>} : memref<384x128xf32, #tpu.memory_space<vmem>>, vector<1x16xf32>,
        %get3A_486 = vector.shape_cast %get3A_485 : vector<1x16xf32> to vector<16xf32>
        %mul3A_487 = arith.constant 2 : i32
        %mul3A_488 = arith.muli %mul3A_487, %scan3A_376 : i32
        %add3A_489 = arith.constant 1 : i32
        %add3A_490 = arith.addi %mul3A_488, %add3A_489 : i32
        %get3A_491 = arith.index_cast %add3A_490 : i32 to index
        %get3A_492 = arith.constant 64 : index
        %get3A_493 = tpu.vector_load %arg6[%get3A_491, %get3A_492] {strides = array<i32>} : memref<384x128xf32, #tpu.memory_space<vmem>>, vector<1x16xf32>,
        %get3A_494 = vector.shape_cast %get3A_493 : vector<1x16xf32> to vector<16xf32>
        %lt3A_495 = arith.cmpf olt, %get3A_494, %get3A_486 : vector<16xf32>
        %min3A_496 = arith.minimumf %get3A_486, %get3A_494 : vector<16xf32>
        %select_n3A_497 = arith.select %lt3A_495, %broadcast_in_dim3A_403, %broadcast_in_dim3A_400 : vector<16xi1>, vector<16xi32>
        %lt3A_498 = arith.cmpf olt, %min3A_496, %scan3A_381 : vector<16xf32>
        %select_n3A_499 = arith.select %lt3A_498, %select_n3A_497, %scan3A_389 : vector<16xi1>, vector<16xi32>
        %min3A_500 = arith.minimumf %scan3A_381, %min3A_496 : vector<16xf32>
        %mul3A_501 = arith.constant 2 : i32
        %mul3A_502 = arith.muli %mul3A_501, %scan3A_376 : i32
        %get3A_503 = arith.index_cast %mul3A_502 : i32 to index
        %get3A_504 = arith.constant 80 : index
        %get3A_505 = tpu.vector_load %arg6[%get3A_503, %get3A_504] {strides = array<i32>} : memref<384x128xf32, #tpu.memory_space<vmem>>, vector<1x16xf32>,
        %get3A_506 = vector.shape_cast %get3A_505 : vector<1x16xf32> to vector<16xf32>
        %mul3A_507 = arith.constant 2 : i32
        %mul3A_508 = arith.muli %mul3A_507, %scan3A_376 : i32
        %add3A_509 = arith.constant 1 : i32
        %add3A_510 = arith.addi %mul3A_508, %add3A_509 : i32
        %get3A_511 = arith.index_cast %add3A_510 : i32 to index
        %get3A_512 = arith.constant 80 : index
        %get3A_513 = tpu.vector_load %arg6[%get3A_511, %get3A_512] {strides = array<i32>} : memref<384x128xf32, #tpu.memory_space<vmem>>, vector<1x16xf32>,
        %get3A_514 = vector.shape_cast %get3A_513 : vector<1x16xf32> to vector<16xf32>
        %lt3A_515 = arith.cmpf olt, %get3A_514, %get3A_506 : vector<16xf32>
        %min3A_516 = arith.minimumf %get3A_506, %get3A_514 : vector<16xf32>
        %select_n3A_517 = arith.select %lt3A_515, %broadcast_in_dim3A_403, %broadcast_in_dim3A_400 : vector<16xi1>, vector<16xi32>
        %lt3A_518 = arith.cmpf olt, %min3A_516, %scan3A_382 : vector<16xf32>
        %select_n3A_519 = arith.select %lt3A_518, %select_n3A_517, %scan3A_390 : vector<16xi1>, vector<16xi32>
        %min3A_520 = arith.minimumf %scan3A_382, %min3A_516 : vector<16xf32>
        %mul3A_521 = arith.constant 2 : i32
        %mul3A_522 = arith.muli %mul3A_521, %scan3A_376 : i32
        %get3A_523 = arith.index_cast %mul3A_522 : i32 to index
        %get3A_524 = arith.constant 96 : index
        %get3A_525 = tpu.vector_load %arg6[%get3A_523, %get3A_524] {strides = array<i32>} : memref<384x128xf32, #tpu.memory_space<vmem>>, vector<1x16xf32>,
        %get3A_526 = vector.shape_cast %get3A_525 : vector<1x16xf32> to vector<16xf32>
        %mul3A_527 = arith.constant 2 : i32
        %mul3A_528 = arith.muli %mul3A_527, %scan3A_376 : i32
        %add3A_529 = arith.constant 1 : i32
        %add3A_530 = arith.addi %mul3A_528, %add3A_529 : i32
        %get3A_531 = arith.index_cast %add3A_530 : i32 to index
        %get3A_532 = arith.constant 96 : index
        %get3A_533 = tpu.vector_load %arg6[%get3A_531, %get3A_532] {strides = array<i32>} : memref<384x128xf32, #tpu.memory_space<vmem>>, vector<1x16xf32>,
        %get3A_534 = vector.shape_cast %get3A_533 : vector<1x16xf32> to vector<16xf32>
        %lt3A_535 = arith.cmpf olt, %get3A_534, %get3A_526 : vector<16xf32>
        %min3A_536 = arith.minimumf %get3A_526, %get3A_534 : vector<16xf32>
        %select_n3A_537 = arith.select %lt3A_535, %broadcast_in_dim3A_403, %broadcast_in_dim3A_400 : vector<16xi1>, vector<16xi32>
        %lt3A_538 = arith.cmpf olt, %min3A_536, %scan3A_383 : vector<16xf32>
        %select_n3A_539 = arith.select %lt3A_538, %select_n3A_537, %scan3A_391 : vector<16xi1>, vector<16xi32>
        %min3A_540 = arith.minimumf %scan3A_383, %min3A_536 : vector<16xf32>
        %mul3A_541 = arith.constant 2 : i32
        %mul3A_542 = arith.muli %mul3A_541, %scan3A_376 : i32
        %get3A_543 = arith.index_cast %mul3A_542 : i32 to index
        %get3A_544 = arith.constant 112 : index
        %get3A_545 = tpu.vector_load %arg6[%get3A_543, %get3A_544] {strides = array<i32>} : memref<384x128xf32, #tpu.memory_space<vmem>>, vector<1x16xf32>,
        %get3A_546 = vector.shape_cast %get3A_545 : vector<1x16xf32> to vector<16xf32>
        %mul3A_547 = arith.constant 2 : i32
        %mul3A_548 = arith.muli %mul3A_547, %scan3A_376 : i32
        %add3A_549 = arith.constant 1 : i32
        %add3A_550 = arith.addi %mul3A_548, %add3A_549 : i32
        %get3A_551 = arith.index_cast %add3A_550 : i32 to index
        %get3A_552 = arith.constant 112 : index
        %get3A_553 = tpu.vector_load %arg6[%get3A_551, %get3A_552] {strides = array<i32>} : memref<384x128xf32, #tpu.memory_space<vmem>>, vector<1x16xf32>,
        %get3A_554 = vector.shape_cast %get3A_553 : vector<1x16xf32> to vector<16xf32>
        %lt3A_555 = arith.cmpf olt, %get3A_554, %get3A_546 : vector<16xf32>
        %min3A_556 = arith.minimumf %get3A_546, %get3A_554 : vector<16xf32>
        %select_n3A_557 = arith.select %lt3A_555, %broadcast_in_dim3A_403, %broadcast_in_dim3A_400 : vector<16xi1>, vector<16xi32>
        %lt3A_558 = arith.cmpf olt, %min3A_556, %scan3A_384 : vector<16xf32>
        %select_n3A_559 = arith.select %lt3A_558, %select_n3A_557, %scan3A_392 : vector<16xi1>, vector<16xi32>
        %min3A_560 = arith.minimumf %scan3A_384, %min3A_556 : vector<16xf32>
        %scan3A_561 = arith.constant 1 : i32
        %scan3A_562 = arith.addi %scan3A_376, %scan3A_561 : i32
        %mul3A_563 = arith.constant 384 : i32
        %mul3A_564 = arith.muli %add3A_352, %mul3A_563 : i32
        %add3A_565 = arith.constant 3584 : i32
        %add3A_566 = arith.addi %add3A_565, %mul3A_564 : i32
        %mul3A_567 = arith.constant 2 : i32
        %mul3A_568 = arith.muli %mul3A_567, %scan3A_562 : i32
        %add3A_569 = arith.addi %add3A_566, %mul3A_568 : i32
        %broadcast_in_dim3A_570 = vector.broadcast %add3A_569 : i32 to vector<16xi32>
        %add3A_571 = arith.constant 1 : i32
        %add3A_572 = arith.addi %add3A_569, %add3A_571 : i32
        %broadcast_in_dim3A_573 = vector.broadcast %add3A_572 : i32 to vector<16xi32>
        %mul3A_574 = arith.constant 2 : i32
        %mul3A_575 = arith.muli %mul3A_574, %scan3A_562 : i32
        %get3A_576 = arith.index_cast %mul3A_575 : i32 to index
        %get3A_577 = arith.constant 0 : index
        %get3A_578 = tpu.vector_load %arg6[%get3A_576, %get3A_577] {strides = array<i32>} : memref<384x128xf32, #tpu.memory_space<vmem>>, vector<1x16xf32>,
        %get3A_579 = vector.shape_cast %get3A_578 : vector<1x16xf32> to vector<16xf32>
        %mul3A_580 = arith.constant 2 : i32
        %mul3A_581 = arith.muli %mul3A_580, %scan3A_562 : i32
        %add3A_582 = arith.constant 1 : i32
        %add3A_583 = arith.addi %mul3A_581, %add3A_582 : i32
        %get3A_584 = arith.index_cast %add3A_583 : i32 to index
        %get3A_585 = arith.constant 0 : index
        %get3A_586 = tpu.vector_load %arg6[%get3A_584, %get3A_585] {strides = array<i32>} : memref<384x128xf32, #tpu.memory_space<vmem>>, vector<1x16xf32>,
        %get3A_587 = vector.shape_cast %get3A_586 : vector<1x16xf32> to vector<16xf32>
        %lt3A_588 = arith.cmpf olt, %get3A_587, %get3A_579 : vector<16xf32>
        %min3A_589 = arith.minimumf %get3A_579, %get3A_587 : vector<16xf32>
        %select_n3A_590 = arith.select %lt3A_588, %broadcast_in_dim3A_573, %broadcast_in_dim3A_570 : vector<16xi1>, vector<16xi32>
        %lt3A_591 = arith.cmpf olt, %min3A_589, %min3A_420 : vector<16xf32>
        %select_n3A_592 = arith.select %lt3A_591, %select_n3A_590, %select_n3A_419 : vector<16xi1>, vector<16xi32>
        %min3A_593 = arith.minimumf %min3A_420, %min3A_589 : vector<16xf32>
        %mul3A_594 = arith.constant 2 : i32
        %mul3A_595 = arith.muli %mul3A_594, %scan3A_562 : i32
        %get3A_596 = arith.index_cast %mul3A_595 : i32 to index
        %get3A_597 = arith.constant 16 : index
        %get3A_598 = tpu.vector_load %arg6[%get3A_596, %get3A_597] {strides = array<i32>} : memref<384x128xf32, #tpu.memory_space<vmem>>, vector<1x16xf32>,
        %get3A_599 = vector.shape_cast %get3A_598 : vector<1x16xf32> to vector<16xf32>
        %mul3A_600 = arith.constant 2 : i32
        %mul3A_601 = arith.muli %mul3A_600, %scan3A_562 : i32
        %add3A_602 = arith.constant 1 : i32
        %add3A_603 = arith.addi %mul3A_601, %add3A_602 : i32
        %get3A_604 = arith.index_cast %add3A_603 : i32 to index
        %get3A_605 = arith.constant 16 : index
        %get3A_606 = tpu.vector_load %arg6[%get3A_604, %get3A_605] {strides = array<i32>} : memref<384x128xf32, #tpu.memory_space<vmem>>, vector<1x16xf32>,
        %get3A_607 = vector.shape_cast %get3A_606 : vector<1x16xf32> to vector<16xf32>
        %lt3A_608 = arith.cmpf olt, %get3A_607, %get3A_599 : vector<16xf32>
        %min3A_609 = arith.minimumf %get3A_599, %get3A_607 : vector<16xf32>
        %select_n3A_610 = arith.select %lt3A_608, %broadcast_in_dim3A_573, %broadcast_in_dim3A_570 : vector<16xi1>, vector<16xi32>
        %lt3A_611 = arith.cmpf olt, %min3A_609, %min3A_440 : vector<16xf32>
        %select_n3A_612 = arith.select %lt3A_611, %select_n3A_610, %select_n3A_439 : vector<16xi1>, vector<16xi32>
        %min3A_613 = arith.minimumf %min3A_440, %min3A_609 : vector<16xf32>
        %mul3A_614 = arith.constant 2 : i32
        %mul3A_615 = arith.muli %mul3A_614, %scan3A_562 : i32
        %get3A_616 = arith.index_cast %mul3A_615 : i32 to index
        %get3A_617 = arith.constant 32 : index
        %get3A_618 = tpu.vector_load %arg6[%get3A_616, %get3A_617] {strides = array<i32>} : memref<384x128xf32, #tpu.memory_space<vmem>>, vector<1x16xf32>,
        %get3A_619 = vector.shape_cast %get3A_618 : vector<1x16xf32> to vector<16xf32>
        %mul3A_620 = arith.constant 2 : i32
        %mul3A_621 = arith.muli %mul3A_620, %scan3A_562 : i32
        %add3A_622 = arith.constant 1 : i32
        %add3A_623 = arith.addi %mul3A_621, %add3A_622 : i32
        %get3A_624 = arith.index_cast %add3A_623 : i32 to index
        %get3A_625 = arith.constant 32 : index
        %get3A_626 = tpu.vector_load %arg6[%get3A_624, %get3A_625] {strides = array<i32>} : memref<384x128xf32, #tpu.memory_space<vmem>>, vector<1x16xf32>,
        %get3A_627 = vector.shape_cast %get3A_626 : vector<1x16xf32> to vector<16xf32>
        %lt3A_628 = arith.cmpf olt, %get3A_627, %get3A_619 : vector<16xf32>
        %min3A_629 = arith.minimumf %get3A_619, %get3A_627 : vector<16xf32>
        %select_n3A_630 = arith.select %lt3A_628, %broadcast_in_dim3A_573, %broadcast_in_dim3A_570 : vector<16xi1>, vector<16xi32>
        %lt3A_631 = arith.cmpf olt, %min3A_629, %min3A_460 : vector<16xf32>
        %select_n3A_632 = arith.select %lt3A_631, %select_n3A_630, %select_n3A_459 : vector<16xi1>, vector<16xi32>
        %min3A_633 = arith.minimumf %min3A_460, %min3A_629 : vector<16xf32>
        %mul3A_634 = arith.constant 2 : i32
        %mul3A_635 = arith.muli %mul3A_634, %scan3A_562 : i32
        %get3A_636 = arith.index_cast %mul3A_635 : i32 to index
        %get3A_637 = arith.constant 48 : index
        %get3A_638 = tpu.vector_load %arg6[%get3A_636, %get3A_637] {strides = array<i32>} : memref<384x128xf32, #tpu.memory_space<vmem>>, vector<1x16xf32>,
        %get3A_639 = vector.shape_cast %get3A_638 : vector<1x16xf32> to vector<16xf32>
        %mul3A_640 = arith.constant 2 : i32
        %mul3A_641 = arith.muli %mul3A_640, %scan3A_562 : i32
        %add3A_642 = arith.constant 1 : i32
        %add3A_643 = arith.addi %mul3A_641, %add3A_642 : i32
        %get3A_644 = arith.index_cast %add3A_643 : i32 to index
        %get3A_645 = arith.constant 48 : index
        %get3A_646 = tpu.vector_load %arg6[%get3A_644, %get3A_645] {strides = array<i32>} : memref<384x128xf32, #tpu.memory_space<vmem>>, vector<1x16xf32>,
        %get3A_647 = vector.shape_cast %get3A_646 : vector<1x16xf32> to vector<16xf32>
        %lt3A_648 = arith.cmpf olt, %get3A_647, %get3A_639 : vector<16xf32>
        %min3A_649 = arith.minimumf %get3A_639, %get3A_647 : vector<16xf32>
        %select_n3A_650 = arith.select %lt3A_648, %broadcast_in_dim3A_573, %broadcast_in_dim3A_570 : vector<16xi1>, vector<16xi32>
        %lt3A_651 = arith.cmpf olt, %min3A_649, %min3A_480 : vector<16xf32>
        %select_n3A_652 = arith.select %lt3A_651, %select_n3A_650, %select_n3A_479 : vector<16xi1>, vector<16xi32>
        %min3A_653 = arith.minimumf %min3A_480, %min3A_649 : vector<16xf32>
        %mul3A_654 = arith.constant 2 : i32
        %mul3A_655 = arith.muli %mul3A_654, %scan3A_562 : i32
        %get3A_656 = arith.index_cast %mul3A_655 : i32 to index
        %get3A_657 = arith.constant 64 : index
        %get3A_658 = tpu.vector_load %arg6[%get3A_656, %get3A_657] {strides = array<i32>} : memref<384x128xf32, #tpu.memory_space<vmem>>, vector<1x16xf32>,
        %get3A_659 = vector.shape_cast %get3A_658 : vector<1x16xf32> to vector<16xf32>
        %mul3A_660 = arith.constant 2 : i32
        %mul3A_661 = arith.muli %mul3A_660, %scan3A_562 : i32
        %add3A_662 = arith.constant 1 : i32
        %add3A_663 = arith.addi %mul3A_661, %add3A_662 : i32
        %get3A_664 = arith.index_cast %add3A_663 : i32 to index
        %get3A_665 = arith.constant 64 : index
        %get3A_666 = tpu.vector_load %arg6[%get3A_664, %get3A_665] {strides = array<i32>} : memref<384x128xf32, #tpu.memory_space<vmem>>, vector<1x16xf32>,
        %get3A_667 = vector.shape_cast %get3A_666 : vector<1x16xf32> to vector<16xf32>
        %lt3A_668 = arith.cmpf olt, %get3A_667, %get3A_659 : vector<16xf32>
        %min3A_669 = arith.minimumf %get3A_659, %get3A_667 : vector<16xf32>
        %select_n3A_670 = arith.select %lt3A_668, %broadcast_in_dim3A_573, %broadcast_in_dim3A_570 : vector<16xi1>, vector<16xi32>
        %lt3A_671 = arith.cmpf olt, %min3A_669, %min3A_500 : vector<16xf32>
        %select_n3A_672 = arith.select %lt3A_671, %select_n3A_670, %select_n3A_499 : vector<16xi1>, vector<16xi32>
        %min3A_673 = arith.minimumf %min3A_500, %min3A_669 : vector<16xf32>
        %mul3A_674 = arith.constant 2 : i32
        %mul3A_675 = arith.muli %mul3A_674, %scan3A_562 : i32
        %get3A_676 = arith.index_cast %mul3A_675 : i32 to index
        %get3A_677 = arith.constant 80 : index
        %get3A_678 = tpu.vector_load %arg6[%get3A_676, %get3A_677] {strides = array<i32>} : memref<384x128xf32, #tpu.memory_space<vmem>>, vector<1x16xf32>,
        %get3A_679 = vector.shape_cast %get3A_678 : vector<1x16xf32> to vector<16xf32>
        %mul3A_680 = arith.constant 2 : i32
        %mul3A_681 = arith.muli %mul3A_680, %scan3A_562 : i32
        %add3A_682 = arith.constant 1 : i32
        %add3A_683 = arith.addi %mul3A_681, %add3A_682 : i32
        %get3A_684 = arith.index_cast %add3A_683 : i32 to index
        %get3A_685 = arith.constant 80 : index
        %get3A_686 = tpu.vector_load %arg6[%get3A_684, %get3A_685] {strides = array<i32>} : memref<384x128xf32, #tpu.memory_space<vmem>>, vector<1x16xf32>,
        %get3A_687 = vector.shape_cast %get3A_686 : vector<1x16xf32> to vector<16xf32>
        %lt3A_688 = arith.cmpf olt, %get3A_687, %get3A_679 : vector<16xf32>
        %min3A_689 = arith.minimumf %get3A_679, %get3A_687 : vector<16xf32>
        %select_n3A_690 = arith.select %lt3A_688, %broadcast_in_dim3A_573, %broadcast_in_dim3A_570 : vector<16xi1>, vector<16xi32>
        %lt3A_691 = arith.cmpf olt, %min3A_689, %min3A_520 : vector<16xf32>
        %select_n3A_692 = arith.select %lt3A_691, %select_n3A_690, %select_n3A_519 : vector<16xi1>, vector<16xi32>
        %min3A_693 = arith.minimumf %min3A_520, %min3A_689 : vector<16xf32>
        %mul3A_694 = arith.constant 2 : i32
        %mul3A_695 = arith.muli %mul3A_694, %scan3A_562 : i32
        %get3A_696 = arith.index_cast %mul3A_695 : i32 to index
        %get3A_697 = arith.constant 96 : index
        %get3A_698 = tpu.vector_load %arg6[%get3A_696, %get3A_697] {strides = array<i32>} : memref<384x128xf32, #tpu.memory_space<vmem>>, vector<1x16xf32>,
        %get3A_699 = vector.shape_cast %get3A_698 : vector<1x16xf32> to vector<16xf32>
        %mul3A_700 = arith.constant 2 : i32
        %mul3A_701 = arith.muli %mul3A_700, %scan3A_562 : i32
        %add3A_702 = arith.constant 1 : i32
        %add3A_703 = arith.addi %mul3A_701, %add3A_702 : i32
        %get3A_704 = arith.index_cast %add3A_703 : i32 to index
        %get3A_705 = arith.constant 96 : index
        %get3A_706 = tpu.vector_load %arg6[%get3A_704, %get3A_705] {strides = array<i32>} : memref<384x128xf32, #tpu.memory_space<vmem>>, vector<1x16xf32>,
        %get3A_707 = vector.shape_cast %get3A_706 : vector<1x16xf32> to vector<16xf32>
        %lt3A_708 = arith.cmpf olt, %get3A_707, %get3A_699 : vector<16xf32>
        %min3A_709 = arith.minimumf %get3A_699, %get3A_707 : vector<16xf32>
        %select_n3A_710 = arith.select %lt3A_708, %broadcast_in_dim3A_573, %broadcast_in_dim3A_570 : vector<16xi1>, vector<16xi32>
        %lt3A_711 = arith.cmpf olt, %min3A_709, %min3A_540 : vector<16xf32>
        %select_n3A_712 = arith.select %lt3A_711, %select_n3A_710, %select_n3A_539 : vector<16xi1>, vector<16xi32>
        %min3A_713 = arith.minimumf %min3A_540, %min3A_709 : vector<16xf32>
        %mul3A_714 = arith.constant 2 : i32
        %mul3A_715 = arith.muli %mul3A_714, %scan3A_562 : i32
        %get3A_716 = arith.index_cast %mul3A_715 : i32 to index
        %get3A_717 = arith.constant 112 : index
        %get3A_718 = tpu.vector_load %arg6[%get3A_716, %get3A_717] {strides = array<i32>} : memref<384x128xf32, #tpu.memory_space<vmem>>, vector<1x16xf32>,
        %get3A_719 = vector.shape_cast %get3A_718 : vector<1x16xf32> to vector<16xf32>
        %mul3A_720 = arith.constant 2 : i32
        %mul3A_721 = arith.muli %mul3A_720, %scan3A_562 : i32
        %add3A_722 = arith.constant 1 : i32
        %add3A_723 = arith.addi %mul3A_721, %add3A_722 : i32
        %get3A_724 = arith.index_cast %add3A_723 : i32 to index
        %get3A_725 = arith.constant 112 : index
        %get3A_726 = tpu.vector_load %arg6[%get3A_724, %get3A_725] {strides = array<i32>} : memref<384x128xf32, #tpu.memory_space<vmem>>, vector<1x16xf32>,
        %get3A_727 = vector.shape_cast %get3A_726 : vector<1x16xf32> to vector<16xf32>
        %lt3A_728 = arith.cmpf olt, %get3A_727, %get3A_719 : vector<16xf32>
        %min3A_729 = arith.minimumf %get3A_719, %get3A_727 : vector<16xf32>
        %select_n3A_730 = arith.select %lt3A_728, %broadcast_in_dim3A_573, %broadcast_in_dim3A_570 : vector<16xi1>, vector<16xi32>
        %lt3A_731 = arith.cmpf olt, %min3A_729, %min3A_560 : vector<16xf32>
        %select_n3A_732 = arith.select %lt3A_731, %select_n3A_730, %select_n3A_559 : vector<16xi1>, vector<16xi32>
        %min3A_733 = arith.minimumf %min3A_560, %min3A_729 : vector<16xf32>
        %scan3A_734 = arith.constant 2 : i32
        %scan3A_735 = arith.addi %scan3A_376, %scan3A_734 : i32
        %mul3A_736 = arith.constant 384 : i32
        %mul3A_737 = arith.muli %add3A_352, %mul3A_736 : i32
        %add3A_738 = arith.constant 3584 : i32
        %add3A_739 = arith.addi %add3A_738, %mul3A_737 : i32
        %mul3A_740 = arith.constant 2 : i32
        %mul3A_741 = arith.muli %mul3A_740, %scan3A_735 : i32
        %add3A_742 = arith.addi %add3A_739, %mul3A_741 : i32
        %broadcast_in_dim3A_743 = vector.broadcast %add3A_742 : i32 to vector<16xi32>
        %add3A_744 = arith.constant 1 : i32
        %add3A_745 = arith.addi %add3A_742, %add3A_744 : i32
        %broadcast_in_dim3A_746 = vector.broadcast %add3A_745 : i32 to vector<16xi32>
        %mul3A_747 = arith.constant 2 : i32
        %mul3A_748 = arith.muli %mul3A_747, %scan3A_735 : i32
        %get3A_749 = arith.index_cast %mul3A_748 : i32 to index
        %get3A_750 = arith.constant 0 : index
        %get3A_751 = tpu.vector_load %arg6[%get3A_749, %get3A_750] {strides = array<i32>} : memref<384x128xf32, #tpu.memory_space<vmem>>, vector<1x16xf32>,
        %get3A_752 = vector.shape_cast %get3A_751 : vector<1x16xf32> to vector<16xf32>
        %mul3A_753 = arith.constant 2 : i32
        %mul3A_754 = arith.muli %mul3A_753, %scan3A_735 : i32
        %add3A_755 = arith.constant 1 : i32
        %add3A_756 = arith.addi %mul3A_754, %add3A_755 : i32
        %get3A_757 = arith.index_cast %add3A_756 : i32 to index
        %get3A_758 = arith.constant 0 : index
        %get3A_759 = tpu.vector_load %arg6[%get3A_757, %get3A_758] {strides = array<i32>} : memref<384x128xf32, #tpu.memory_space<vmem>>, vector<1x16xf32>,
        %get3A_760 = vector.shape_cast %get3A_759 : vector<1x16xf32> to vector<16xf32>
        %lt3A_761 = arith.cmpf olt, %get3A_760, %get3A_752 : vector<16xf32>
        %min3A_762 = arith.minimumf %get3A_752, %get3A_760 : vector<16xf32>
        %select_n3A_763 = arith.select %lt3A_761, %broadcast_in_dim3A_746, %broadcast_in_dim3A_743 : vector<16xi1>, vector<16xi32>
        %lt3A_764 = arith.cmpf olt, %min3A_762, %min3A_593 : vector<16xf32>
        %select_n3A_765 = arith.select %lt3A_764, %select_n3A_763, %select_n3A_592 : vector<16xi1>, vector<16xi32>
        %min3A_766 = arith.minimumf %min3A_593, %min3A_762 : vector<16xf32>
        %mul3A_767 = arith.constant 2 : i32
        %mul3A_768 = arith.muli %mul3A_767, %scan3A_735 : i32
        %get3A_769 = arith.index_cast %mul3A_768 : i32 to index
        %get3A_770 = arith.constant 16 : index
        %get3A_771 = tpu.vector_load %arg6[%get3A_769, %get3A_770] {strides = array<i32>} : memref<384x128xf32, #tpu.memory_space<vmem>>, vector<1x16xf32>,
        %get3A_772 = vector.shape_cast %get3A_771 : vector<1x16xf32> to vector<16xf32>
        %mul3A_773 = arith.constant 2 : i32
        %mul3A_774 = arith.muli %mul3A_773, %scan3A_735 : i32
        %add3A_775 = arith.constant 1 : i32
        %add3A_776 = arith.addi %mul3A_774, %add3A_775 : i32
        %get3A_777 = arith.index_cast %add3A_776 : i32 to index
        %get3A_778 = arith.constant 16 : index
        %get3A_779 = tpu.vector_load %arg6[%get3A_777, %get3A_778] {strides = array<i32>} : memref<384x128xf32, #tpu.memory_space<vmem>>, vector<1x16xf32>,
        %get3A_780 = vector.shape_cast %get3A_779 : vector<1x16xf32> to vector<16xf32>
        %lt3A_781 = arith.cmpf olt, %get3A_780, %get3A_772 : vector<16xf32>
        %min3A_782 = arith.minimumf %get3A_772, %get3A_780 : vector<16xf32>
        %select_n3A_783 = arith.select %lt3A_781, %broadcast_in_dim3A_746, %broadcast_in_dim3A_743 : vector<16xi1>, vector<16xi32>
        %lt3A_784 = arith.cmpf olt, %min3A_782, %min3A_613 : vector<16xf32>
        %select_n3A_785 = arith.select %lt3A_784, %select_n3A_783, %select_n3A_612 : vector<16xi1>, vector<16xi32>
        %min3A_786 = arith.minimumf %min3A_613, %min3A_782 : vector<16xf32>
        %mul3A_787 = arith.constant 2 : i32
        %mul3A_788 = arith.muli %mul3A_787, %scan3A_735 : i32
        %get3A_789 = arith.index_cast %mul3A_788 : i32 to index
        %get3A_790 = arith.constant 32 : index
        %get3A_791 = tpu.vector_load %arg6[%get3A_789, %get3A_790] {strides = array<i32>} : memref<384x128xf32, #tpu.memory_space<vmem>>, vector<1x16xf32>,
        %get3A_792 = vector.shape_cast %get3A_791 : vector<1x16xf32> to vector<16xf32>
        %mul3A_793 = arith.constant 2 : i32
        %mul3A_794 = arith.muli %mul3A_793, %scan3A_735 : i32
        %add3A_795 = arith.constant 1 : i32
        %add3A_796 = arith.addi %mul3A_794, %add3A_795 : i32
        %get3A_797 = arith.index_cast %add3A_796 : i32 to index
        %get3A_798 = arith.constant 32 : index
        %get3A_799 = tpu.vector_load %arg6[%get3A_797, %get3A_798] {strides = array<i32>} : memref<384x128xf32, #tpu.memory_space<vmem>>, vector<1x16xf32>,
        %get3A_800 = vector.shape_cast %get3A_799 : vector<1x16xf32> to vector<16xf32>
        %lt3A_801 = arith.cmpf olt, %get3A_800, %get3A_792 : vector<16xf32>
        %min3A_802 = arith.minimumf %get3A_792, %get3A_800 : vector<16xf32>
        %select_n3A_803 = arith.select %lt3A_801, %broadcast_in_dim3A_746, %broadcast_in_dim3A_743 : vector<16xi1>, vector<16xi32>
        %lt3A_804 = arith.cmpf olt, %min3A_802, %min3A_633 : vector<16xf32>
        %select_n3A_805 = arith.select %lt3A_804, %select_n3A_803, %select_n3A_632 : vector<16xi1>, vector<16xi32>
        %min3A_806 = arith.minimumf %min3A_633, %min3A_802 : vector<16xf32>
        %mul3A_807 = arith.constant 2 : i32
        %mul3A_808 = arith.muli %mul3A_807, %scan3A_735 : i32
        %get3A_809 = arith.index_cast %mul3A_808 : i32 to index
        %get3A_810 = arith.constant 48 : index
        %get3A_811 = tpu.vector_load %arg6[%get3A_809, %get3A_810] {strides = array<i32>} : memref<384x128xf32, #tpu.memory_space<vmem>>, vector<1x16xf32>,
        %get3A_812 = vector.shape_cast %get3A_811 : vector<1x16xf32> to vector<16xf32>
        %mul3A_813 = arith.constant 2 : i32
        %mul3A_814 = arith.muli %mul3A_813, %scan3A_735 : i32
        %add3A_815 = arith.constant 1 : i32
        %add3A_816 = arith.addi %mul3A_814, %add3A_815 : i32
        %get3A_817 = arith.index_cast %add3A_816 : i32 to index
        %get3A_818 = arith.constant 48 : index
        %get3A_819 = tpu.vector_load %arg6[%get3A_817, %get3A_818] {strides = array<i32>} : memref<384x128xf32, #tpu.memory_space<vmem>>, vector<1x16xf32>,
        %get3A_820 = vector.shape_cast %get3A_819 : vector<1x16xf32> to vector<16xf32>
        %lt3A_821 = arith.cmpf olt, %get3A_820, %get3A_812 : vector<16xf32>
        %min3A_822 = arith.minimumf %get3A_812, %get3A_820 : vector<16xf32>
        %select_n3A_823 = arith.select %lt3A_821, %broadcast_in_dim3A_746, %broadcast_in_dim3A_743 : vector<16xi1>, vector<16xi32>
        %lt3A_824 = arith.cmpf olt, %min3A_822, %min3A_653 : vector<16xf32>
        %select_n3A_825 = arith.select %lt3A_824, %select_n3A_823, %select_n3A_652 : vector<16xi1>, vector<16xi32>
        %min3A_826 = arith.minimumf %min3A_653, %min3A_822 : vector<16xf32>
        %mul3A_827 = arith.constant 2 : i32
        %mul3A_828 = arith.muli %mul3A_827, %scan3A_735 : i32
        %get3A_829 = arith.index_cast %mul3A_828 : i32 to index
        %get3A_830 = arith.constant 64 : index
        %get3A_831 = tpu.vector_load %arg6[%get3A_829, %get3A_830] {strides = array<i32>} : memref<384x128xf32, #tpu.memory_space<vmem>>, vector<1x16xf32>,
        %get3A_832 = vector.shape_cast %get3A_831 : vector<1x16xf32> to vector<16xf32>
        %mul3A_833 = arith.constant 2 : i32
        %mul3A_834 = arith.muli %mul3A_833, %scan3A_735 : i32
        %add3A_835 = arith.constant 1 : i32
        %add3A_836 = arith.addi %mul3A_834, %add3A_835 : i32
        %get3A_837 = arith.index_cast %add3A_836 : i32 to index
        %get3A_838 = arith.constant 64 : index
        %get3A_839 = tpu.vector_load %arg6[%get3A_837, %get3A_838] {strides = array<i32>} : memref<384x128xf32, #tpu.memory_space<vmem>>, vector<1x16xf32>,
        %get3A_840 = vector.shape_cast %get3A_839 : vector<1x16xf32> to vector<16xf32>
        %lt3A_841 = arith.cmpf olt, %get3A_840, %get3A_832 : vector<16xf32>
        %min3A_842 = arith.minimumf %get3A_832, %get3A_840 : vector<16xf32>
        %select_n3A_843 = arith.select %lt3A_841, %broadcast_in_dim3A_746, %broadcast_in_dim3A_743 : vector<16xi1>, vector<16xi32>
        %lt3A_844 = arith.cmpf olt, %min3A_842, %min3A_673 : vector<16xf32>
        %select_n3A_845 = arith.select %lt3A_844, %select_n3A_843, %select_n3A_672 : vector<16xi1>, vector<16xi32>
        %min3A_846 = arith.minimumf %min3A_673, %min3A_842 : vector<16xf32>
        %mul3A_847 = arith.constant 2 : i32
        %mul3A_848 = arith.muli %mul3A_847, %scan3A_735 : i32
        %get3A_849 = arith.index_cast %mul3A_848 : i32 to index
        %get3A_850 = arith.constant 80 : index
        %get3A_851 = tpu.vector_load %arg6[%get3A_849, %get3A_850] {strides = array<i32>} : memref<384x128xf32, #tpu.memory_space<vmem>>, vector<1x16xf32>,
        %get3A_852 = vector.shape_cast %get3A_851 : vector<1x16xf32> to vector<16xf32>
        %mul3A_853 = arith.constant 2 : i32
        %mul3A_854 = arith.muli %mul3A_853, %scan3A_735 : i32
        %add3A_855 = arith.constant 1 : i32
        %add3A_856 = arith.addi %mul3A_854, %add3A_855 : i32
        %get3A_857 = arith.index_cast %add3A_856 : i32 to index
        %get3A_858 = arith.constant 80 : index
        %get3A_859 = tpu.vector_load %arg6[%get3A_857, %get3A_858] {strides = array<i32>} : memref<384x128xf32, #tpu.memory_space<vmem>>, vector<1x16xf32>,
        %get3A_860 = vector.shape_cast %get3A_859 : vector<1x16xf32> to vector<16xf32>
        %lt3A_861 = arith.cmpf olt, %get3A_860, %get3A_852 : vector<16xf32>
        %min3A_862 = arith.minimumf %get3A_852, %get3A_860 : vector<16xf32>
        %select_n3A_863 = arith.select %lt3A_861, %broadcast_in_dim3A_746, %broadcast_in_dim3A_743 : vector<16xi1>, vector<16xi32>
        %lt3A_864 = arith.cmpf olt, %min3A_862, %min3A_693 : vector<16xf32>
        %select_n3A_865 = arith.select %lt3A_864, %select_n3A_863, %select_n3A_692 : vector<16xi1>, vector<16xi32>
        %min3A_866 = arith.minimumf %min3A_693, %min3A_862 : vector<16xf32>
        %mul3A_867 = arith.constant 2 : i32
        %mul3A_868 = arith.muli %mul3A_867, %scan3A_735 : i32
        %get3A_869 = arith.index_cast %mul3A_868 : i32 to index
        %get3A_870 = arith.constant 96 : index
        %get3A_871 = tpu.vector_load %arg6[%get3A_869, %get3A_870] {strides = array<i32>} : memref<384x128xf32, #tpu.memory_space<vmem>>, vector<1x16xf32>,
        %get3A_872 = vector.shape_cast %get3A_871 : vector<1x16xf32> to vector<16xf32>
        %mul3A_873 = arith.constant 2 : i32
        %mul3A_874 = arith.muli %mul3A_873, %scan3A_735 : i32
        %add3A_875 = arith.constant 1 : i32
        %add3A_876 = arith.addi %mul3A_874, %add3A_875 : i32
        %get3A_877 = arith.index_cast %add3A_876 : i32 to index
        %get3A_878 = arith.constant 96 : index
        %get3A_879 = tpu.vector_load %arg6[%get3A_877, %get3A_878] {strides = array<i32>} : memref<384x128xf32, #tpu.memory_space<vmem>>, vector<1x16xf32>,
        %get3A_880 = vector.shape_cast %get3A_879 : vector<1x16xf32> to vector<16xf32>
        %lt3A_881 = arith.cmpf olt, %get3A_880, %get3A_872 : vector<16xf32>
        %min3A_882 = arith.minimumf %get3A_872, %get3A_880 : vector<16xf32>
        %select_n3A_883 = arith.select %lt3A_881, %broadcast_in_dim3A_746, %broadcast_in_dim3A_743 : vector<16xi1>, vector<16xi32>
        %lt3A_884 = arith.cmpf olt, %min3A_882, %min3A_713 : vector<16xf32>
        %select_n3A_885 = arith.select %lt3A_884, %select_n3A_883, %select_n3A_712 : vector<16xi1>, vector<16xi32>
        %min3A_886 = arith.minimumf %min3A_713, %min3A_882 : vector<16xf32>
        %mul3A_887 = arith.constant 2 : i32
        %mul3A_888 = arith.muli %mul3A_887, %scan3A_735 : i32
        %get3A_889 = arith.index_cast %mul3A_888 : i32 to index
        %get3A_890 = arith.constant 112 : index
        %get3A_891 = tpu.vector_load %arg6[%get3A_889, %get3A_890] {strides = array<i32>} : memref<384x128xf32, #tpu.memory_space<vmem>>, vector<1x16xf32>,
        %get3A_892 = vector.shape_cast %get3A_891 : vector<1x16xf32> to vector<16xf32>
        %mul3A_893 = arith.constant 2 : i32
        %mul3A_894 = arith.muli %mul3A_893, %scan3A_735 : i32
        %add3A_895 = arith.constant 1 : i32
        %add3A_896 = arith.addi %mul3A_894, %add3A_895 : i32
        %get3A_897 = arith.index_cast %add3A_896 : i32 to index
        %get3A_898 = arith.constant 112 : index
        %get3A_899 = tpu.vector_load %arg6[%get3A_897, %get3A_898] {strides = array<i32>} : memref<384x128xf32, #tpu.memory_space<vmem>>, vector<1x16xf32>,
        %get3A_900 = vector.shape_cast %get3A_899 : vector<1x16xf32> to vector<16xf32>
        %lt3A_901 = arith.cmpf olt, %get3A_900, %get3A_892 : vector<16xf32>
        %min3A_902 = arith.minimumf %get3A_892, %get3A_900 : vector<16xf32>
        %select_n3A_903 = arith.select %lt3A_901, %broadcast_in_dim3A_746, %broadcast_in_dim3A_743 : vector<16xi1>, vector<16xi32>
        %lt3A_904 = arith.cmpf olt, %min3A_902, %min3A_733 : vector<16xf32>
        %select_n3A_905 = arith.select %lt3A_904, %select_n3A_903, %select_n3A_732 : vector<16xi1>, vector<16xi32>
        %min3A_906 = arith.minimumf %min3A_733, %min3A_902 : vector<16xf32>
        %scan3A_907 = arith.constant 3 : i32
        %scan3A_908 = arith.addi %scan3A_376, %scan3A_907 : i32
        %mul3A_909 = arith.constant 384 : i32
        %mul3A_910 = arith.muli %add3A_352, %mul3A_909 : i32
        %add3A_911 = arith.constant 3584 : i32
        %add3A_912 = arith.addi %add3A_911, %mul3A_910 : i32
        %mul3A_913 = arith.constant 2 : i32
        %mul3A_914 = arith.muli %mul3A_913, %scan3A_908 : i32
        %add3A_915 = arith.addi %add3A_912, %mul3A_914 : i32
        %broadcast_in_dim3A_916 = vector.broadcast %add3A_915 : i32 to vector<16xi32>
        %add3A_917 = arith.constant 1 : i32
        %add3A_918 = arith.addi %add3A_915, %add3A_917 : i32
        %broadcast_in_dim3A_919 = vector.broadcast %add3A_918 : i32 to vector<16xi32>
        %mul3A_920 = arith.constant 2 : i32
        %mul3A_921 = arith.muli %mul3A_920, %scan3A_908 : i32
        %get3A_922 = arith.index_cast %mul3A_921 : i32 to index
        %get3A_923 = arith.constant 0 : index
        %get3A_924 = tpu.vector_load %arg6[%get3A_922, %get3A_923] {strides = array<i32>} : memref<384x128xf32, #tpu.memory_space<vmem>>, vector<1x16xf32>,
        %get3A_925 = vector.shape_cast %get3A_924 : vector<1x16xf32> to vector<16xf32>
        %mul3A_926 = arith.constant 2 : i32
        %mul3A_927 = arith.muli %mul3A_926, %scan3A_908 : i32
        %add3A_928 = arith.constant 1 : i32
        %add3A_929 = arith.addi %mul3A_927, %add3A_928 : i32
        %get3A_930 = arith.index_cast %add3A_929 : i32 to index
        %get3A_931 = arith.constant 0 : index
        %get3A_932 = tpu.vector_load %arg6[%get3A_930, %get3A_931] {strides = array<i32>} : memref<384x128xf32, #tpu.memory_space<vmem>>, vector<1x16xf32>,
        %get3A_933 = vector.shape_cast %get3A_932 : vector<1x16xf32> to vector<16xf32>
        %lt3A_934 = arith.cmpf olt, %get3A_933, %get3A_925 : vector<16xf32>
        %min3A_935 = arith.minimumf %get3A_925, %get3A_933 : vector<16xf32>
        %select_n3A_936 = arith.select %lt3A_934, %broadcast_in_dim3A_919, %broadcast_in_dim3A_916 : vector<16xi1>, vector<16xi32>
        %lt3A_937 = arith.cmpf olt, %min3A_935, %min3A_766 : vector<16xf32>
        %select_n3A_938 = arith.select %lt3A_937, %select_n3A_936, %select_n3A_765 : vector<16xi1>, vector<16xi32>
        %min3A_939 = arith.minimumf %min3A_766, %min3A_935 : vector<16xf32>
        %mul3A_940 = arith.constant 2 : i32
        %mul3A_941 = arith.muli %mul3A_940, %scan3A_908 : i32
        %get3A_942 = arith.index_cast %mul3A_941 : i32 to index
        %get3A_943 = arith.constant 16 : index
        %get3A_944 = tpu.vector_load %arg6[%get3A_942, %get3A_943] {strides = array<i32>} : memref<384x128xf32, #tpu.memory_space<vmem>>, vector<1x16xf32>,
        %get3A_945 = vector.shape_cast %get3A_944 : vector<1x16xf32> to vector<16xf32>
        %mul3A_946 = arith.constant 2 : i32
        %mul3A_947 = arith.muli %mul3A_946, %scan3A_908 : i32
        %add3A_948 = arith.constant 1 : i32
        %add3A_949 = arith.addi %mul3A_947, %add3A_948 : i32
        %get3A_950 = arith.index_cast %add3A_949 : i32 to index
        %get3A_951 = arith.constant 16 : index
        %get3A_952 = tpu.vector_load %arg6[%get3A_950, %get3A_951] {strides = array<i32>} : memref<384x128xf32, #tpu.memory_space<vmem>>, vector<1x16xf32>,
        %get3A_953 = vector.shape_cast %get3A_952 : vector<1x16xf32> to vector<16xf32>
        %lt3A_954 = arith.cmpf olt, %get3A_953, %get3A_945 : vector<16xf32>
        %min3A_955 = arith.minimumf %get3A_945, %get3A_953 : vector<16xf32>
        %select_n3A_956 = arith.select %lt3A_954, %broadcast_in_dim3A_919, %broadcast_in_dim3A_916 : vector<16xi1>, vector<16xi32>
        %lt3A_957 = arith.cmpf olt, %min3A_955, %min3A_786 : vector<16xf32>
        %select_n3A_958 = arith.select %lt3A_957, %select_n3A_956, %select_n3A_785 : vector<16xi1>, vector<16xi32>
        %min3A_959 = arith.minimumf %min3A_786, %min3A_955 : vector<16xf32>
        %mul3A_960 = arith.constant 2 : i32
        %mul3A_961 = arith.muli %mul3A_960, %scan3A_908 : i32
        %get3A_962 = arith.index_cast %mul3A_961 : i32 to index
        %get3A_963 = arith.constant 32 : index
        %get3A_964 = tpu.vector_load %arg6[%get3A_962, %get3A_963] {strides = array<i32>} : memref<384x128xf32, #tpu.memory_space<vmem>>, vector<1x16xf32>,
        %get3A_965 = vector.shape_cast %get3A_964 : vector<1x16xf32> to vector<16xf32>
        %mul3A_966 = arith.constant 2 : i32
        %mul3A_967 = arith.muli %mul3A_966, %scan3A_908 : i32
        %add3A_968 = arith.constant 1 : i32
        %add3A_969 = arith.addi %mul3A_967, %add3A_968 : i32
        %get3A_970 = arith.index_cast %add3A_969 : i32 to index
        %get3A_971 = arith.constant 32 : index
        %get3A_972 = tpu.vector_load %arg6[%get3A_970, %get3A_971] {strides = array<i32>} : memref<384x128xf32, #tpu.memory_space<vmem>>, vector<1x16xf32>,
        %get3A_973 = vector.shape_cast %get3A_972 : vector<1x16xf32> to vector<16xf32>
        %lt3A_974 = arith.cmpf olt, %get3A_973, %get3A_965 : vector<16xf32>
        %min3A_975 = arith.minimumf %get3A_965, %get3A_973 : vector<16xf32>
        %select_n3A_976 = arith.select %lt3A_974, %broadcast_in_dim3A_919, %broadcast_in_dim3A_916 : vector<16xi1>, vector<16xi32>
        %lt3A_977 = arith.cmpf olt, %min3A_975, %min3A_806 : vector<16xf32>
        %select_n3A_978 = arith.select %lt3A_977, %select_n3A_976, %select_n3A_805 : vector<16xi1>, vector<16xi32>
        %min3A_979 = arith.minimumf %min3A_806, %min3A_975 : vector<16xf32>
        %mul3A_980 = arith.constant 2 : i32
        %mul3A_981 = arith.muli %mul3A_980, %scan3A_908 : i32
        %get3A_982 = arith.index_cast %mul3A_981 : i32 to index
        %get3A_983 = arith.constant 48 : index
        %get3A_984 = tpu.vector_load %arg6[%get3A_982, %get3A_983] {strides = array<i32>} : memref<384x128xf32, #tpu.memory_space<vmem>>, vector<1x16xf32>,
        %get3A_985 = vector.shape_cast %get3A_984 : vector<1x16xf32> to vector<16xf32>
        %mul3A_986 = arith.constant 2 : i32
        %mul3A_987 = arith.muli %mul3A_986, %scan3A_908 : i32
        %add3A_988 = arith.constant 1 : i32
        %add3A_989 = arith.addi %mul3A_987, %add3A_988 : i32
        %get3A_990 = arith.index_cast %add3A_989 : i32 to index
        %get3A_991 = arith.constant 48 : index
        %get3A_992 = tpu.vector_load %arg6[%get3A_990, %get3A_991] {strides = array<i32>} : memref<384x128xf32, #tpu.memory_space<vmem>>, vector<1x16xf32>,
        %get3A_993 = vector.shape_cast %get3A_992 : vector<1x16xf32> to vector<16xf32>
        %lt3A_994 = arith.cmpf olt, %get3A_993, %get3A_985 : vector<16xf32>
        %min3A_995 = arith.minimumf %get3A_985, %get3A_993 : vector<16xf32>
        %select_n3A_996 = arith.select %lt3A_994, %broadcast_in_dim3A_919, %broadcast_in_dim3A_916 : vector<16xi1>, vector<16xi32>
        %lt3A_997 = arith.cmpf olt, %min3A_995, %min3A_826 : vector<16xf32>
        %select_n3A_998 = arith.select %lt3A_997, %select_n3A_996, %select_n3A_825 : vector<16xi1>, vector<16xi32>
        %min3A_999 = arith.minimumf %min3A_826, %min3A_995 : vector<16xf32>
        %mul3A_1000 = arith.constant 2 : i32
        %mul3A_1001 = arith.muli %mul3A_1000, %scan3A_908 : i32
        %get3A_1002 = arith.index_cast %mul3A_1001 : i32 to index
        %get3A_1003 = arith.constant 64 : index
        %get3A_1004 = tpu.vector_load %arg6[%get3A_1002, %get3A_1003] {strides = array<i32>} : memref<384x128xf32, #tpu.memory_space<vmem>>, vector<1x16xf32>,
        %get3A_1005 = vector.shape_cast %get3A_1004 : vector<1x16xf32> to vector<16xf32>
        %mul3A_1006 = arith.constant 2 : i32
        %mul3A_1007 = arith.muli %mul3A_1006, %scan3A_908 : i32
        %add3A_1008 = arith.constant 1 : i32
        %add3A_1009 = arith.addi %mul3A_1007, %add3A_1008 : i32
        %get3A_1010 = arith.index_cast %add3A_1009 : i32 to index
        %get3A_1011 = arith.constant 64 : index
        %get3A_1012 = tpu.vector_load %arg6[%get3A_1010, %get3A_1011] {strides = array<i32>} : memref<384x128xf32, #tpu.memory_space<vmem>>, vector<1x16xf32>,
        %get3A_1013 = vector.shape_cast %get3A_1012 : vector<1x16xf32> to vector<16xf32>
        %lt3A_1014 = arith.cmpf olt, %get3A_1013, %get3A_1005 : vector<16xf32>
        %min3A_1015 = arith.minimumf %get3A_1005, %get3A_1013 : vector<16xf32>
        %select_n3A_1016 = arith.select %lt3A_1014, %broadcast_in_dim3A_919, %broadcast_in_dim3A_916 : vector<16xi1>, vector<16xi32>
        %lt3A_1017 = arith.cmpf olt, %min3A_1015, %min3A_846 : vector<16xf32>
        %select_n3A_1018 = arith.select %lt3A_1017, %select_n3A_1016, %select_n3A_845 : vector<16xi1>, vector<16xi32>
        %min3A_1019 = arith.minimumf %min3A_846, %min3A_1015 : vector<16xf32>
        %mul3A_1020 = arith.constant 2 : i32
        %mul3A_1021 = arith.muli %mul3A_1020, %scan3A_908 : i32
        %get3A_1022 = arith.index_cast %mul3A_1021 : i32 to index
        %get3A_1023 = arith.constant 80 : index
        %get3A_1024 = tpu.vector_load %arg6[%get3A_1022, %get3A_1023] {strides = array<i32>} : memref<384x128xf32, #tpu.memory_space<vmem>>, vector<1x16xf32>,
        %get3A_1025 = vector.shape_cast %get3A_1024 : vector<1x16xf32> to vector<16xf32>
        %mul3A_1026 = arith.constant 2 : i32
        %mul3A_1027 = arith.muli %mul3A_1026, %scan3A_908 : i32
        %add3A_1028 = arith.constant 1 : i32
        %add3A_1029 = arith.addi %mul3A_1027, %add3A_1028 : i32
        %get3A_1030 = arith.index_cast %add3A_1029 : i32 to index
        %get3A_1031 = arith.constant 80 : index
        %get3A_1032 = tpu.vector_load %arg6[%get3A_1030, %get3A_1031] {strides = array<i32>} : memref<384x128xf32, #tpu.memory_space<vmem>>, vector<1x16xf32>,
        %get3A_1033 = vector.shape_cast %get3A_1032 : vector<1x16xf32> to vector<16xf32>
        %lt3A_1034 = arith.cmpf olt, %get3A_1033, %get3A_1025 : vector<16xf32>
        %min3A_1035 = arith.minimumf %get3A_1025, %get3A_1033 : vector<16xf32>
        %select_n3A_1036 = arith.select %lt3A_1034, %broadcast_in_dim3A_919, %broadcast_in_dim3A_916 : vector<16xi1>, vector<16xi32>
        %lt3A_1037 = arith.cmpf olt, %min3A_1035, %min3A_866 : vector<16xf32>
        %select_n3A_1038 = arith.select %lt3A_1037, %select_n3A_1036, %select_n3A_865 : vector<16xi1>, vector<16xi32>
        %min3A_1039 = arith.minimumf %min3A_866, %min3A_1035 : vector<16xf32>
        %mul3A_1040 = arith.constant 2 : i32
        %mul3A_1041 = arith.muli %mul3A_1040, %scan3A_908 : i32
        %get3A_1042 = arith.index_cast %mul3A_1041 : i32 to index
        %get3A_1043 = arith.constant 96 : index
        %get3A_1044 = tpu.vector_load %arg6[%get3A_1042, %get3A_1043] {strides = array<i32>} : memref<384x128xf32, #tpu.memory_space<vmem>>, vector<1x16xf32>,
        %get3A_1045 = vector.shape_cast %get3A_1044 : vector<1x16xf32> to vector<16xf32>
        %mul3A_1046 = arith.constant 2 : i32
        %mul3A_1047 = arith.muli %mul3A_1046, %scan3A_908 : i32
        %add3A_1048 = arith.constant 1 : i32
        %add3A_1049 = arith.addi %mul3A_1047, %add3A_1048 : i32
        %get3A_1050 = arith.index_cast %add3A_1049 : i32 to index
        %get3A_1051 = arith.constant 96 : index
        %get3A_1052 = tpu.vector_load %arg6[%get3A_1050, %get3A_1051] {strides = array<i32>} : memref<384x128xf32, #tpu.memory_space<vmem>>, vector<1x16xf32>,
        %get3A_1053 = vector.shape_cast %get3A_1052 : vector<1x16xf32> to vector<16xf32>
        %lt3A_1054 = arith.cmpf olt, %get3A_1053, %get3A_1045 : vector<16xf32>
        %min3A_1055 = arith.minimumf %get3A_1045, %get3A_1053 : vector<16xf32>
        %select_n3A_1056 = arith.select %lt3A_1054, %broadcast_in_dim3A_919, %broadcast_in_dim3A_916 : vector<16xi1>, vector<16xi32>
        %lt3A_1057 = arith.cmpf olt, %min3A_1055, %min3A_886 : vector<16xf32>
        %select_n3A_1058 = arith.select %lt3A_1057, %select_n3A_1056, %select_n3A_885 : vector<16xi1>, vector<16xi32>
        %min3A_1059 = arith.minimumf %min3A_886, %min3A_1055 : vector<16xf32>
        %mul3A_1060 = arith.constant 2 : i32
        %mul3A_1061 = arith.muli %mul3A_1060, %scan3A_908 : i32
        %get3A_1062 = arith.index_cast %mul3A_1061 : i32 to index
        %get3A_1063 = arith.constant 112 : index
        %get3A_1064 = tpu.vector_load %arg6[%get3A_1062, %get3A_1063] {strides = array<i32>} : memref<384x128xf32, #tpu.memory_space<vmem>>, vector<1x16xf32>,
        %get3A_1065 = vector.shape_cast %get3A_1064 : vector<1x16xf32> to vector<16xf32>
        %mul3A_1066 = arith.constant 2 : i32
        %mul3A_1067 = arith.muli %mul3A_1066, %scan3A_908 : i32
        %add3A_1068 = arith.constant 1 : i32
        %add3A_1069 = arith.addi %mul3A_1067, %add3A_1068 : i32
        %get3A_1070 = arith.index_cast %add3A_1069 : i32 to index
        %get3A_1071 = arith.constant 112 : index
        %get3A_1072 = tpu.vector_load %arg6[%get3A_1070, %get3A_1071] {strides = array<i32>} : memref<384x128xf32, #tpu.memory_space<vmem>>, vector<1x16xf32>,
        %get3A_1073 = vector.shape_cast %get3A_1072 : vector<1x16xf32> to vector<16xf32>
        %lt3A_1074 = arith.cmpf olt, %get3A_1073, %get3A_1065 : vector<16xf32>
        %min3A_1075 = arith.minimumf %get3A_1065, %get3A_1073 : vector<16xf32>
        %select_n3A_1076 = arith.select %lt3A_1074, %broadcast_in_dim3A_919, %broadcast_in_dim3A_916 : vector<16xi1>, vector<16xi32>
        %lt3A_1077 = arith.cmpf olt, %min3A_1075, %min3A_906 : vector<16xf32>
        %select_n3A_1078 = arith.select %lt3A_1077, %select_n3A_1076, %select_n3A_905 : vector<16xi1>, vector<16xi32>
        %min3A_1079 = arith.minimumf %min3A_906, %min3A_1075 : vector<16xf32>
        scf.yield %min3A_939, %min3A_959, %min3A_979, %min3A_999, %min3A_1019, %min3A_1039, %min3A_1059, %min3A_1079, %select_n3A_938, %select_n3A_958, %select_n3A_978, %select_n3A_998, %select_n3A_1018, %select_n3A_1038, %select_n3A_1058, %select_n3A_1078 : vector<16xf32>, vector<16xf32>, vector<16xf32>, vector<16xf32>, vector<16xf32>, vector<16xf32>, vector<16xf32>, vector<16xf32>, vector<16xi32>, vector<16xi32>, vector<16xi32>, vector<16xi32>, vector<16xi32>, vector<16xi32>, vector<16xi32>, vector<16xi32>
      }
      %scan3A_368 = arith.constant 192 : i32
      %add3A_369 = arith.constant 2 : i32
      %add3A_370 = arith.addi %add3A_352, %add3A_369 : i32
      %lt3A_371 = arith.constant 12 : i32
      %lt3A_372 = arith.cmpi slt, %add3A_370, %lt3A_371 : i32
      %convert_element_type3A_373 = arith.extui %lt3A_372 : i1 to i32
      %cond3A_374 = arith.constant 0 : i32
      %cond3A_375 = arith.cmpi ne, %convert_element_type3A_373, %cond3A_374 : i32
      scf.if %cond3A_375 {
        %add3A_376 = arith.constant 2 : i32
        %add3A_377 = arith.addi %add3A_352, %add3A_376 : i32
        %mul3A_378 = arith.constant 384 : i32
        %mul3A_379 = arith.muli %add3A_377, %mul3A_378 : i32
        %add3A_380 = arith.constant 3584 : i32
        %add3A_381 = arith.addi %add3A_380, %mul3A_379 : i32
        %dma_start3A_382 = arith.constant 0 : i32
        %dma_start3A_383 = tpu.memref_slice %arg2[%add3A_4, %add3A_381, %dma_start3A_382] : memref<64x8192x128xf32, #tpu.memory_space<hbm>> -> memref<1x384x128xf32, #tpu.memory_space<hbm>>
        %dma_start3A_384 = tpu.memref_squeeze %dma_start3A_383 : memref<1x384x128xf32, #tpu.memory_space<hbm>> -> memref<384x128xf32, #tpu.memory_space<hbm>>
        %dma_start3A_385 = arith.constant 0 : i32
        %dma_start3A_386 = tpu.memref_slice %arg2[%add3A_4, %add3A_381, %dma_start3A_385] : memref<64x8192x128xf32, #tpu.memory_space<hbm>> -> memref<1x384x128xf32, #tpu.memory_space<hbm>>
        %dma_start3A_387 = tpu.memref_squeeze %dma_start3A_386 : memref<1x384x128xf32, #tpu.memory_space<hbm>> -> memref<384x128xf32, #tpu.memory_space<hbm>>
        tpu.enqueue_dma source(%dma_start3A_387 : memref<384x128xf32, #tpu.memory_space<hbm>>) target(%arg6 : memref<384x128xf32, #tpu.memory_space<vmem>>) target_semaphore(%arg10 : memref<!tpu.dma_semaphore, #tpu.memory_space<semaphore_mem>>)
      } else {
      }
      scf.yield %scan3A_367#0, %scan3A_367#1, %scan3A_367#2, %scan3A_367#3, %scan3A_367#4, %scan3A_367#5, %scan3A_367#6, %scan3A_367#7, %scan3A_367#8, %scan3A_367#9, %scan3A_367#10, %scan3A_367#11, %scan3A_367#12, %scan3A_367#13, %scan3A_367#14, %scan3A_367#15 : vector<16xf32>, vector<16xf32>, vector<16xf32>, vector<16xf32>, vector<16xf32>, vector<16xf32>, vector<16xf32>, vector<16xf32>, vector<16xi32>, vector<16xi32>, vector<16xi32>, vector<16xi32>, vector<16xi32>, vector<16xi32>, vector<16xi32>, vector<16xi32>
    }
    %scan3A_55 = arith.constant 6 : i32
    %swap3A = arith.constant 0 : i32
    %swap3A_56 = arith.index_cast %swap3A : i32 to index
    %swap3A_57 = arith.constant 0 : index
    %swap3A_58 = tpu.vector_load %arg8[%swap3A_56, %swap3A_57] {strides = array<i32>} : memref<2x128xf32, #tpu.memory_space<vmem>>, vector<1x16xf32>,
    %swap3A_59 = vector.shape_cast %swap3A_58 : vector<1x16xf32> to vector<16xf32>
    %swap3A_60 = vector.shape_cast %scan3A_54#0 : vector<16xf32> to vector<1x16xf32>
    tpu.vector_store %arg8[%swap3A_56, %swap3A_57], %swap3A_60 {strides = array<i32>} : memref<2x128xf32, #tpu.memory_space<vmem>>, vector<1x16xf32>,
    %swap3A_61 = arith.constant 0 : i32
    %swap3A_62 = arith.index_cast %swap3A_61 : i32 to index
    %swap3A_63 = arith.constant 0 : index
    %swap3A_64 = tpu.vector_load %arg7[%swap3A_62, %swap3A_63] {strides = array<i32>} : memref<2x128xi32, #tpu.memory_space<vmem>>, vector<1x16xi32>,
    %swap3A_65 = vector.shape_cast %swap3A_64 : vector<1x16xi32> to vector<16xi32>
    %swap3A_66 = vector.shape_cast %scan3A_54#8 : vector<16xi32> to vector<1x16xi32>
    tpu.vector_store %arg7[%swap3A_62, %swap3A_63], %swap3A_66 {strides = array<i32>} : memref<2x128xi32, #tpu.memory_space<vmem>>, vector<1x16xi32>,
    %swap3A_67 = arith.constant 0 : i32
    %swap3A_68 = arith.index_cast %swap3A_67 : i32 to index
    %swap3A_69 = arith.constant 16 : index
    %swap3A_70 = tpu.vector_load %arg8[%swap3A_68, %swap3A_69] {strides = array<i32>} : memref<2x128xf32, #tpu.memory_space<vmem>>, vector<1x16xf32>,
    %swap3A_71 = vector.shape_cast %swap3A_70 : vector<1x16xf32> to vector<16xf32>
    %swap3A_72 = vector.shape_cast %scan3A_54#1 : vector<16xf32> to vector<1x16xf32>
    tpu.vector_store %arg8[%swap3A_68, %swap3A_69], %swap3A_72 {strides = array<i32>} : memref<2x128xf32, #tpu.memory_space<vmem>>, vector<1x16xf32>,
    %swap3A_73 = arith.constant 0 : i32
    %swap3A_74 = arith.index_cast %swap3A_73 : i32 to index
    %swap3A_75 = arith.constant 16 : index
    %swap3A_76 = tpu.vector_load %arg7[%swap3A_74, %swap3A_75] {strides = array<i32>} : memref<2x128xi32, #tpu.memory_space<vmem>>, vector<1x16xi32>,
    %swap3A_77 = vector.shape_cast %swap3A_76 : vector<1x16xi32> to vector<16xi32>
    %swap3A_78 = vector.shape_cast %scan3A_54#9 : vector<16xi32> to vector<1x16xi32>
    tpu.vector_store %arg7[%swap3A_74, %swap3A_75], %swap3A_78 {strides = array<i32>} : memref<2x128xi32, #tpu.memory_space<vmem>>, vector<1x16xi32>,
    %swap3A_79 = arith.constant 0 : i32
    %swap3A_80 = arith.index_cast %swap3A_79 : i32 to index
    %swap3A_81 = arith.constant 32 : index
    %swap3A_82 = tpu.vector_load %arg8[%swap3A_80, %swap3A_81] {strides = array<i32>} : memref<2x128xf32, #tpu.memory_space<vmem>>, vector<1x16xf32>,
    %swap3A_83 = vector.shape_cast %swap3A_82 : vector<1x16xf32> to vector<16xf32>
    %swap3A_84 = vector.shape_cast %scan3A_54#2 : vector<16xf32> to vector<1x16xf32>
    tpu.vector_store %arg8[%swap3A_80, %swap3A_81], %swap3A_84 {strides = array<i32>} : memref<2x128xf32, #tpu.memory_space<vmem>>, vector<1x16xf32>,
    %swap3A_85 = arith.constant 0 : i32
    %swap3A_86 = arith.index_cast %swap3A_85 : i32 to index
    %swap3A_87 = arith.constant 32 : index
    %swap3A_88 = tpu.vector_load %arg7[%swap3A_86, %swap3A_87] {strides = array<i32>} : memref<2x128xi32, #tpu.memory_space<vmem>>, vector<1x16xi32>,
    %swap3A_89 = vector.shape_cast %swap3A_88 : vector<1x16xi32> to vector<16xi32>
    %swap3A_90 = vector.shape_cast %scan3A_54#10 : vector<16xi32> to vector<1x16xi32>
    tpu.vector_store %arg7[%swap3A_86, %swap3A_87], %swap3A_90 {strides = array<i32>} : memref<2x128xi32, #tpu.memory_space<vmem>>, vector<1x16xi32>,
    %swap3A_91 = arith.constant 0 : i32
    %swap3A_92 = arith.index_cast %swap3A_91 : i32 to index
    %swap3A_93 = arith.constant 48 : index
    %swap3A_94 = tpu.vector_load %arg8[%swap3A_92, %swap3A_93] {strides = array<i32>} : memref<2x128xf32, #tpu.memory_space<vmem>>, vector<1x16xf32>,
    %swap3A_95 = vector.shape_cast %swap3A_94 : vector<1x16xf32> to vector<16xf32>
    %swap3A_96 = vector.shape_cast %scan3A_54#3 : vector<16xf32> to vector<1x16xf32>
    tpu.vector_store %arg8[%swap3A_92, %swap3A_93], %swap3A_96 {strides = array<i32>} : memref<2x128xf32, #tpu.memory_space<vmem>>, vector<1x16xf32>,
    %swap3A_97 = arith.constant 0 : i32
    %swap3A_98 = arith.index_cast %swap3A_97 : i32 to index
    %swap3A_99 = arith.constant 48 : index
    %swap3A_100 = tpu.vector_load %arg7[%swap3A_98, %swap3A_99] {strides = array<i32>} : memref<2x128xi32, #tpu.memory_space<vmem>>, vector<1x16xi32>,
    %swap3A_101 = vector.shape_cast %swap3A_100 : vector<1x16xi32> to vector<16xi32>
    %swap3A_102 = vector.shape_cast %scan3A_54#11 : vector<16xi32> to vector<1x16xi32>
    tpu.vector_store %arg7[%swap3A_98, %swap3A_99], %swap3A_102 {strides = array<i32>} : memref<2x128xi32, #tpu.memory_space<vmem>>, vector<1x16xi32>,
    %swap3A_103 = arith.constant 0 : i32
    %swap3A_104 = arith.index_cast %swap3A_103 : i32 to index
    %swap3A_105 = arith.constant 64 : index
    %swap3A_106 = tpu.vector_load %arg8[%swap3A_104, %swap3A_105] {strides = array<i32>} : memref<2x128xf32, #tpu.memory_space<vmem>>, vector<1x16xf32>,
    %swap3A_107 = vector.shape_cast %swap3A_106 : vector<1x16xf32> to vector<16xf32>
    %swap3A_108 = vector.shape_cast %scan3A_54#4 : vector<16xf32> to vector<1x16xf32>
    tpu.vector_store %arg8[%swap3A_104, %swap3A_105], %swap3A_108 {strides = array<i32>} : memref<2x128xf32, #tpu.memory_space<vmem>>, vector<1x16xf32>,
    %swap3A_109 = arith.constant 0 : i32
    %swap3A_110 = arith.index_cast %swap3A_109 : i32 to index
    %swap3A_111 = arith.constant 64 : index
    %swap3A_112 = tpu.vector_load %arg7[%swap3A_110, %swap3A_111] {strides = array<i32>} : memref<2x128xi32, #tpu.memory_space<vmem>>, vector<1x16xi32>,
    %swap3A_113 = vector.shape_cast %swap3A_112 : vector<1x16xi32> to vector<16xi32>
    %swap3A_114 = vector.shape_cast %scan3A_54#12 : vector<16xi32> to vector<1x16xi32>
    tpu.vector_store %arg7[%swap3A_110, %swap3A_111], %swap3A_114 {strides = array<i32>} : memref<2x128xi32, #tpu.memory_space<vmem>>, vector<1x16xi32>,
    %swap3A_115 = arith.constant 0 : i32
    %swap3A_116 = arith.index_cast %swap3A_115 : i32 to index
    %swap3A_117 = arith.constant 80 : index
    %swap3A_118 = tpu.vector_load %arg8[%swap3A_116, %swap3A_117] {strides = array<i32>} : memref<2x128xf32, #tpu.memory_space<vmem>>, vector<1x16xf32>,
    %swap3A_119 = vector.shape_cast %swap3A_118 : vector<1x16xf32> to vector<16xf32>
    %swap3A_120 = vector.shape_cast %scan3A_54#5 : vector<16xf32> to vector<1x16xf32>
    tpu.vector_store %arg8[%swap3A_116, %swap3A_117], %swap3A_120 {strides = array<i32>} : memref<2x128xf32, #tpu.memory_space<vmem>>, vector<1x16xf32>,
    %swap3A_121 = arith.constant 0 : i32
    %swap3A_122 = arith.index_cast %swap3A_121 : i32 to index
    %swap3A_123 = arith.constant 80 : index
    %swap3A_124 = tpu.vector_load %arg7[%swap3A_122, %swap3A_123] {strides = array<i32>} : memref<2x128xi32, #tpu.memory_space<vmem>>, vector<1x16xi32>,
    %swap3A_125 = vector.shape_cast %swap3A_124 : vector<1x16xi32> to vector<16xi32>
    %swap3A_126 = vector.shape_cast %scan3A_54#13 : vector<16xi32> to vector<1x16xi32>
    tpu.vector_store %arg7[%swap3A_122, %swap3A_123], %swap3A_126 {strides = array<i32>} : memref<2x128xi32, #tpu.memory_space<vmem>>, vector<1x16xi32>,
    %swap3A_127 = arith.constant 0 : i32
    %swap3A_128 = arith.index_cast %swap3A_127 : i32 to index
    %swap3A_129 = arith.constant 96 : index
    %swap3A_130 = tpu.vector_load %arg8[%swap3A_128, %swap3A_129] {strides = array<i32>} : memref<2x128xf32, #tpu.memory_space<vmem>>, vector<1x16xf32>,
    %swap3A_131 = vector.shape_cast %swap3A_130 : vector<1x16xf32> to vector<16xf32>
    %swap3A_132 = vector.shape_cast %scan3A_54#6 : vector<16xf32> to vector<1x16xf32>
    tpu.vector_store %arg8[%swap3A_128, %swap3A_129], %swap3A_132 {strides = array<i32>} : memref<2x128xf32, #tpu.memory_space<vmem>>, vector<1x16xf32>,
    %swap3A_133 = arith.constant 0 : i32
    %swap3A_134 = arith.index_cast %swap3A_133 : i32 to index
    %swap3A_135 = arith.constant 96 : index
    %swap3A_136 = tpu.vector_load %arg7[%swap3A_134, %swap3A_135] {strides = array<i32>} : memref<2x128xi32, #tpu.memory_space<vmem>>, vector<1x16xi32>,
    %swap3A_137 = vector.shape_cast %swap3A_136 : vector<1x16xi32> to vector<16xi32>
    %swap3A_138 = vector.shape_cast %scan3A_54#14 : vector<16xi32> to vector<1x16xi32>
    tpu.vector_store %arg7[%swap3A_134, %swap3A_135], %swap3A_138 {strides = array<i32>} : memref<2x128xi32, #tpu.memory_space<vmem>>, vector<1x16xi32>,
    %swap3A_139 = arith.constant 0 : i32
    %swap3A_140 = arith.index_cast %swap3A_139 : i32 to index
    %swap3A_141 = arith.constant 112 : index
    %swap3A_142 = tpu.vector_load %arg8[%swap3A_140, %swap3A_141] {strides = array<i32>} : memref<2x128xf32, #tpu.memory_space<vmem>>, vector<1x16xf32>,
    %swap3A_143 = vector.shape_cast %swap3A_142 : vector<1x16xf32> to vector<16xf32>
    %swap3A_144 = vector.shape_cast %scan3A_54#7 : vector<16xf32> to vector<1x16xf32>
    tpu.vector_store %arg8[%swap3A_140, %swap3A_141], %swap3A_144 {strides = array<i32>} : memref<2x128xf32, #tpu.memory_space<vmem>>, vector<1x16xf32>,
    %swap3A_145 = arith.constant 0 : i32
    %swap3A_146 = arith.index_cast %swap3A_145 : i32 to index
    %swap3A_147 = arith.constant 112 : index
    %swap3A_148 = tpu.vector_load %arg7[%swap3A_146, %swap3A_147] {strides = array<i32>} : memref<2x128xi32, #tpu.memory_space<vmem>>, vector<1x16xi32>,
    %swap3A_149 = vector.shape_cast %swap3A_148 : vector<1x16xi32> to vector<16xi32>
    %swap3A_150 = vector.shape_cast %scan3A_54#15 : vector<16xi32> to vector<1x16xi32>
    tpu.vector_store %arg7[%swap3A_146, %swap3A_147], %swap3A_150 {strides = array<i32>} : memref<2x128xi32, #tpu.memory_space<vmem>>, vector<1x16xi32>,
    %mul3A_151 = arith.constant 2 : i32
    %mul3A_152 = arith.muli %add3A, %mul3A_151 : i32
    %add3A_153 = arith.constant 1 : i32
    %add3A_154 = arith.addi %mul3A_152, %add3A_153 : i32
    %dma_start3A_155 = arith.constant 3584 : i32
    %dma_start3A_156 = arith.constant 0 : i32
    %dma_start3A_157 = tpu.memref_slice %arg2[%add3A_154, %dma_start3A_155, %dma_start3A_156] : memref<64x8192x128xf32, #tpu.memory_space<hbm>> -> memref<1x384x128xf32, #tpu.memory_space<hbm>>
    %dma_start3A_158 = tpu.memref_squeeze %dma_start3A_157 : memref<1x384x128xf32, #tpu.memory_space<hbm>> -> memref<384x128xf32, #tpu.memory_space<hbm>>
    %dma_start3A_159 = arith.constant 3584 : i32
    %dma_start3A_160 = arith.constant 0 : i32
    %dma_start3A_161 = tpu.memref_slice %arg2[%add3A_154, %dma_start3A_159, %dma_start3A_160] : memref<64x8192x128xf32, #tpu.memory_space<hbm>> -> memref<1x384x128xf32, #tpu.memory_space<hbm>>
    %dma_start3A_162 = tpu.memref_squeeze %dma_start3A_161 : memref<1x384x128xf32, #tpu.memory_space<hbm>> -> memref<384x128xf32, #tpu.memory_space<hbm>>
    tpu.enqueue_dma source(%dma_start3A_162 : memref<384x128xf32, #tpu.memory_space<hbm>>) target(%arg5 : memref<384x128xf32, #tpu.memory_space<vmem>>) target_semaphore(%arg9 : memref<!tpu.dma_semaphore, #tpu.memory_space<semaphore_mem>>)
    %dma_start3A_163 = arith.constant 3968 : i32
    %dma_start3A_164 = arith.constant 0 : i32
    %dma_start3A_165 = tpu.memref_slice %arg2[%add3A_154, %dma_start3A_163, %dma_start3A_164] : memref<64x8192x128xf32, #tpu.memory_space<hbm>> -> memref<1x384x128xf32, #tpu.memory_space<hbm>>
    %dma_start3A_166 = tpu.memref_squeeze %dma_start3A_165 : memref<1x384x128xf32, #tpu.memory_space<hbm>> -> memref<384x128xf32, #tpu.memory_space<hbm>>
    %dma_start3A_167 = arith.constant 3968 : i32
    %dma_start3A_168 = arith.constant 0 : i32
    %dma_start3A_169 = tpu.memref_slice %arg2[%add3A_154, %dma_start3A_167, %dma_start3A_168] : memref<64x8192x128xf32, #tpu.memory_space<hbm>> -> memref<1x384x128xf32, #tpu.memory_space<hbm>>
    %dma_start3A_170 = tpu.memref_squeeze %dma_start3A_169 : memref<1x384x128xf32, #tpu.memory_space<hbm>> -> memref<384x128xf32, #tpu.memory_space<hbm>>
    tpu.enqueue_dma source(%dma_start3A_170 : memref<384x128xf32, #tpu.memory_space<hbm>>) target(%arg6 : memref<384x128xf32, #tpu.memory_space<vmem>>) target_semaphore(%arg10 : memref<!tpu.dma_semaphore, #tpu.memory_space<semaphore_mem>>)
    %broadcast_in_dim3A_171 = arith.constant 0x7F800000 : f32
    %broadcast_in_dim3A_172 = vector.broadcast %broadcast_in_dim3A_171 : f32 to vector<16xf32>
    %broadcast_in_dim3A_173 = arith.constant 0x7F800000 : f32
    %broadcast_in_dim3A_174 = vector.broadcast %broadcast_in_dim3A_173 : f32 to vector<16xf32>
    %broadcast_in_dim3A_175 = arith.constant 0x7F800000 : f32
    %broadcast_in_dim3A_176 = vector.broadcast %broadcast_in_dim3A_175 : f32 to vector<16xf32>
    %broadcast_in_dim3A_177 = arith.constant 0x7F800000 : f32
    %broadcast_in_dim3A_178 = vector.broadcast %broadcast_in_dim3A_177 : f32 to vector<16xf32>
    %broadcast_in_dim3A_179 = arith.constant 0x7F800000 : f32
    %broadcast_in_dim3A_180 = vector.broadcast %broadcast_in_dim3A_179 : f32 to vector<16xf32>
    %broadcast_in_dim3A_181 = arith.constant 0x7F800000 : f32
    %broadcast_in_dim3A_182 = vector.broadcast %broadcast_in_dim3A_181 : f32 to vector<16xf32>
    %broadcast_in_dim3A_183 = arith.constant 0x7F800000 : f32
    %broadcast_in_dim3A_184 = vector.broadcast %broadcast_in_dim3A_183 : f32 to vector<16xf32>
    %broadcast_in_dim3A_185 = arith.constant 0x7F800000 : f32
    %broadcast_in_dim3A_186 = vector.broadcast %broadcast_in_dim3A_185 : f32 to vector<16xf32>
    %broadcast_in_dim3A_187 = arith.constant 0 : i32
    %broadcast_in_dim3A_188 = vector.broadcast %broadcast_in_dim3A_187 : i32 to vector<16xi32>
    %broadcast_in_dim3A_189 = arith.constant 0 : i32
    %broadcast_in_dim3A_190 = vector.broadcast %broadcast_in_dim3A_189 : i32 to vector<16xi32>
    %broadcast_in_dim3A_191 = arith.constant 0 : i32
    %broadcast_in_dim3A_192 = vector.broadcast %broadcast_in_dim3A_191 : i32 to vector<16xi32>
    %broadcast_in_dim3A_193 = arith.constant 0 : i32
    %broadcast_in_dim3A_194 = vector.broadcast %broadcast_in_dim3A_193 : i32 to vector<16xi32>
    %broadcast_in_dim3A_195 = arith.constant 0 : i32
    %broadcast_in_dim3A_196 = vector.broadcast %broadcast_in_dim3A_195 : i32 to vector<16xi32>
    %broadcast_in_dim3A_197 = arith.constant 0 : i32
    %broadcast_in_dim3A_198 = vector.broadcast %broadcast_in_dim3A_197 : i32 to vector<16xi32>
    %broadcast_in_dim3A_199 = arith.constant 0 : i32
    %broadcast_in_dim3A_200 = vector.broadcast %broadcast_in_dim3A_199 : i32 to vector<16xi32>
    %broadcast_in_dim3A_201 = arith.constant 0 : i32
    %broadcast_in_dim3A_202 = vector.broadcast %broadcast_in_dim3A_201 : i32 to vector<16xi32>
    %scan3A_203 = arith.constant 0 : i32
    %scan3A_204 = arith.constant 6 : i32
    %scan3A_205 = arith.addi %scan3A_203, %scan3A_204 : i32
    %scan3A_206 = arith.constant 1 : i32
    %scan3A_207:16 = scf.for %scan3A_309 = %scan3A_203 to %scan3A_205 step %scan3A_206 iter_args(%scan3A_310 = %broadcast_in_dim3A_172, %scan3A_311 = %broadcast_in_dim3A_174, %scan3A_312 = %broadcast_in_dim3A_176, %scan3A_313 = %broadcast_in_dim3A_178, %scan3A_314 = %broadcast_in_dim3A_180, %scan3A_315 = %broadcast_in_dim3A_182, %scan3A_316 = %broadcast_in_dim3A_184, %scan3A_317 = %broadcast_in_dim3A_186, %scan3A_318 = %broadcast_in_dim3A_188, %scan3A_319 = %broadcast_in_dim3A_190, %scan3A_320 = %broadcast_in_dim3A_192, %scan3A_321 = %broadcast_in_dim3A_194, %scan3A_322 = %broadcast_in_dim3A_196, %scan3A_323 = %broadcast_in_dim3A_198, %scan3A_324 = %broadcast_in_dim3A_200, %scan3A_325 = %broadcast_in_dim3A_202) -> (vector<16xf32>, vector<16xf32>, vector<16xf32>, vector<16xf32>, vector<16xf32>, vector<16xf32>, vector<16xf32>, vector<16xf32>, vector<16xi32>, vector<16xi32>, vector<16xi32>, vector<16xi32>, vector<16xi32>, vector<16xi32>, vector<16xi32>, vector<16xi32>)  : i32 {
      %mul3A_326 = arith.constant 2 : i32
      %mul3A_327 = arith.muli %scan3A_309, %mul3A_326 : i32
      %add3A_328 = arith.constant 0 : i32
      %add3A_329 = arith.addi %mul3A_327, %add3A_328 : i32
      %mul3A_330 = arith.constant 384 : i32
      %mul3A_331 = arith.muli %add3A_329, %mul3A_330 : i32
      %add3A_332 = arith.constant 3584 : i32
      %add3A_333 = arith.addi %add3A_332, %mul3A_331 : i32
      %dma_wait3A = arith.constant 0 : i32
      %dma_wait3A_334 = tpu.memref_slice %arg2[%add3A_154, %add3A_333, %dma_wait3A] : memref<64x8192x128xf32, #tpu.memory_space<hbm>> -> memref<1x384x128xf32, #tpu.memory_space<hbm>>
      %dma_wait3A_335 = tpu.memref_squeeze %dma_wait3A_334 : memref<1x384x128xf32, #tpu.memory_space<hbm>> -> memref<384x128xf32, #tpu.memory_space<hbm>>
      %dma_wait3A_336 = arith.constant 0 : i32
      %dma_wait3A_337 = tpu.memref_slice %arg2[%add3A_154, %add3A_333, %dma_wait3A_336] : memref<64x8192x128xf32, #tpu.memory_space<hbm>> -> memref<1x384x128xf32, #tpu.memory_space<hbm>>
      %dma_wait3A_338 = tpu.memref_squeeze %dma_wait3A_337 : memref<1x384x128xf32, #tpu.memory_space<hbm>> -> memref<384x128xf32, #tpu.memory_space<hbm>>
      tpu.wait_dma2 semaphore(%arg9 : memref<!tpu.dma_semaphore, #tpu.memory_space<semaphore_mem>>) src(%dma_wait3A_338 : memref<384x128xf32, #tpu.memory_space<hbm>>) dst(%arg5 : memref<384x128xf32, #tpu.memory_space<vmem>>)
      %scan3A_339 = arith.constant 0 : i32
      %scan3A_340 = arith.constant 192 : i32
      %scan3A_341 = arith.addi %scan3A_339, %scan3A_340 : i32
      %scan3A_342 = arith.constant 4 : i32
      %scan3A_343:16 = scf.for %scan3A_376 = %scan3A_339 to %scan3A_341 step %scan3A_342 iter_args(%scan3A_377 = %scan3A_310, %scan3A_378 = %scan3A_311, %scan3A_379 = %scan3A_312, %scan3A_380 = %scan3A_313, %scan3A_381 = %scan3A_314, %scan3A_382 = %scan3A_315, %scan3A_383 = %scan3A_316, %scan3A_384 = %scan3A_317, %scan3A_385 = %scan3A_318, %scan3A_386 = %scan3A_319, %scan3A_387 = %scan3A_320, %scan3A_388 = %scan3A_321, %scan3A_389 = %scan3A_322, %scan3A_390 = %scan3A_323, %scan3A_391 = %scan3A_324, %scan3A_392 = %scan3A_325) -> (vector<16xf32>, vector<16xf32>, vector<16xf32>, vector<16xf32>, vector<16xf32>, vector<16xf32>, vector<16xf32>, vector<16xf32>, vector<16xi32>, vector<16xi32>, vector<16xi32>, vector<16xi32>, vector<16xi32>, vector<16xi32>, vector<16xi32>, vector<16xi32>)  : i32 {
        %mul3A_393 = arith.constant 384 : i32
        %mul3A_394 = arith.muli %add3A_329, %mul3A_393 : i32
        %add3A_395 = arith.constant 3584 : i32
        %add3A_396 = arith.addi %add3A_395, %mul3A_394 : i32
        %mul3A_397 = arith.constant 2 : i32
        %mul3A_398 = arith.muli %mul3A_397, %scan3A_376 : i32
        %add3A_399 = arith.addi %add3A_396, %mul3A_398 : i32
        %broadcast_in_dim3A_400 = vector.broadcast %add3A_399 : i32 to vector<16xi32>
        %add3A_401 = arith.constant 1 : i32
        %add3A_402 = arith.addi %add3A_399, %add3A_401 : i32
        %broadcast_in_dim3A_403 = vector.broadcast %add3A_402 : i32 to vector<16xi32>
        %mul3A_404 = arith.constant 2 : i32
        %mul3A_405 = arith.muli %mul3A_404, %scan3A_376 : i32
        %get3A = arith.index_cast %mul3A_405 : i32 to index
        %get3A_406 = arith.constant 0 : index
        %get3A_407 = tpu.vector_load %arg5[%get3A, %get3A_406] {strides = array<i32>} : memref<384x128xf32, #tpu.memory_space<vmem>>, vector<1x16xf32>,
        %get3A_408 = vector.shape_cast %get3A_407 : vector<1x16xf32> to vector<16xf32>
        %mul3A_409 = arith.constant 2 : i32
        %mul3A_410 = arith.muli %mul3A_409, %scan3A_376 : i32
        %add3A_411 = arith.constant 1 : i32
        %add3A_412 = arith.addi %mul3A_410, %add3A_411 : i32
        %get3A_413 = arith.index_cast %add3A_412 : i32 to index
        %get3A_414 = arith.constant 0 : index
        %get3A_415 = tpu.vector_load %arg5[%get3A_413, %get3A_414] {strides = array<i32>} : memref<384x128xf32, #tpu.memory_space<vmem>>, vector<1x16xf32>,
        %get3A_416 = vector.shape_cast %get3A_415 : vector<1x16xf32> to vector<16xf32>
        %lt3A_417 = arith.cmpf olt, %get3A_416, %get3A_408 : vector<16xf32>
        %min3A = arith.minimumf %get3A_408, %get3A_416 : vector<16xf32>
        %select_n3A = arith.select %lt3A_417, %broadcast_in_dim3A_403, %broadcast_in_dim3A_400 : vector<16xi1>, vector<16xi32>
        %lt3A_418 = arith.cmpf olt, %min3A, %scan3A_377 : vector<16xf32>
        %select_n3A_419 = arith.select %lt3A_418, %select_n3A, %scan3A_385 : vector<16xi1>, vector<16xi32>
        %min3A_420 = arith.minimumf %scan3A_377, %min3A : vector<16xf32>
        %mul3A_421 = arith.constant 2 : i32
        %mul3A_422 = arith.muli %mul3A_421, %scan3A_376 : i32
        %get3A_423 = arith.index_cast %mul3A_422 : i32 to index
        %get3A_424 = arith.constant 16 : index
        %get3A_425 = tpu.vector_load %arg5[%get3A_423, %get3A_424] {strides = array<i32>} : memref<384x128xf32, #tpu.memory_space<vmem>>, vector<1x16xf32>,
        %get3A_426 = vector.shape_cast %get3A_425 : vector<1x16xf32> to vector<16xf32>
        %mul3A_427 = arith.constant 2 : i32
        %mul3A_428 = arith.muli %mul3A_427, %scan3A_376 : i32
        %add3A_429 = arith.constant 1 : i32
        %add3A_430 = arith.addi %mul3A_428, %add3A_429 : i32
        %get3A_431 = arith.index_cast %add3A_430 : i32 to index
        %get3A_432 = arith.constant 16 : index
        %get3A_433 = tpu.vector_load %arg5[%get3A_431, %get3A_432] {strides = array<i32>} : memref<384x128xf32, #tpu.memory_space<vmem>>, vector<1x16xf32>,
        %get3A_434 = vector.shape_cast %get3A_433 : vector<1x16xf32> to vector<16xf32>
        %lt3A_435 = arith.cmpf olt, %get3A_434, %get3A_426 : vector<16xf32>
        %min3A_436 = arith.minimumf %get3A_426, %get3A_434 : vector<16xf32>
        %select_n3A_437 = arith.select %lt3A_435, %broadcast_in_dim3A_403, %broadcast_in_dim3A_400 : vector<16xi1>, vector<16xi32>
        %lt3A_438 = arith.cmpf olt, %min3A_436, %scan3A_378 : vector<16xf32>
        %select_n3A_439 = arith.select %lt3A_438, %select_n3A_437, %scan3A_386 : vector<16xi1>, vector<16xi32>
        %min3A_440 = arith.minimumf %scan3A_378, %min3A_436 : vector<16xf32>
        %mul3A_441 = arith.constant 2 : i32
        %mul3A_442 = arith.muli %mul3A_441, %scan3A_376 : i32
        %get3A_443 = arith.index_cast %mul3A_442 : i32 to index
        %get3A_444 = arith.constant 32 : index
        %get3A_445 = tpu.vector_load %arg5[%get3A_443, %get3A_444] {strides = array<i32>} : memref<384x128xf32, #tpu.memory_space<vmem>>, vector<1x16xf32>,
        %get3A_446 = vector.shape_cast %get3A_445 : vector<1x16xf32> to vector<16xf32>
        %mul3A_447 = arith.constant 2 : i32
        %mul3A_448 = arith.muli %mul3A_447, %scan3A_376 : i32
        %add3A_449 = arith.constant 1 : i32
        %add3A_450 = arith.addi %mul3A_448, %add3A_449 : i32
        %get3A_451 = arith.index_cast %add3A_450 : i32 to index
        %get3A_452 = arith.constant 32 : index
        %get3A_453 = tpu.vector_load %arg5[%get3A_451, %get3A_452] {strides = array<i32>} : memref<384x128xf32, #tpu.memory_space<vmem>>, vector<1x16xf32>,
        %get3A_454 = vector.shape_cast %get3A_453 : vector<1x16xf32> to vector<16xf32>
        %lt3A_455 = arith.cmpf olt, %get3A_454, %get3A_446 : vector<16xf32>
        %min3A_456 = arith.minimumf %get3A_446, %get3A_454 : vector<16xf32>
        %select_n3A_457 = arith.select %lt3A_455, %broadcast_in_dim3A_403, %broadcast_in_dim3A_400 : vector<16xi1>, vector<16xi32>
        %lt3A_458 = arith.cmpf olt, %min3A_456, %scan3A_379 : vector<16xf32>
        %select_n3A_459 = arith.select %lt3A_458, %select_n3A_457, %scan3A_387 : vector<16xi1>, vector<16xi32>
        %min3A_460 = arith.minimumf %scan3A_379, %min3A_456 : vector<16xf32>
        %mul3A_461 = arith.constant 2 : i32
        %mul3A_462 = arith.muli %mul3A_461, %scan3A_376 : i32
        %get3A_463 = arith.index_cast %mul3A_462 : i32 to index
        %get3A_464 = arith.constant 48 : index
        %get3A_465 = tpu.vector_load %arg5[%get3A_463, %get3A_464] {strides = array<i32>} : memref<384x128xf32, #tpu.memory_space<vmem>>, vector<1x16xf32>,
        %get3A_466 = vector.shape_cast %get3A_465 : vector<1x16xf32> to vector<16xf32>
        %mul3A_467 = arith.constant 2 : i32
        %mul3A_468 = arith.muli %mul3A_467, %scan3A_376 : i32
        %add3A_469 = arith.constant 1 : i32
        %add3A_470 = arith.addi %mul3A_468, %add3A_469 : i32
        %get3A_471 = arith.index_cast %add3A_470 : i32 to index
        %get3A_472 = arith.constant 48 : index
        %get3A_473 = tpu.vector_load %arg5[%get3A_471, %get3A_472] {strides = array<i32>} : memref<384x128xf32, #tpu.memory_space<vmem>>, vector<1x16xf32>,
        %get3A_474 = vector.shape_cast %get3A_473 : vector<1x16xf32> to vector<16xf32>
        %lt3A_475 = arith.cmpf olt, %get3A_474, %get3A_466 : vector<16xf32>
        %min3A_476 = arith.minimumf %get3A_466, %get3A_474 : vector<16xf32>
        %select_n3A_477 = arith.select %lt3A_475, %broadcast_in_dim3A_403, %broadcast_in_dim3A_400 : vector<16xi1>, vector<16xi32>
        %lt3A_478 = arith.cmpf olt, %min3A_476, %scan3A_380 : vector<16xf32>
        %select_n3A_479 = arith.select %lt3A_478, %select_n3A_477, %scan3A_388 : vector<16xi1>, vector<16xi32>
        %min3A_480 = arith.minimumf %scan3A_380, %min3A_476 : vector<16xf32>
        %mul3A_481 = arith.constant 2 : i32
        %mul3A_482 = arith.muli %mul3A_481, %scan3A_376 : i32
        %get3A_483 = arith.index_cast %mul3A_482 : i32 to index
        %get3A_484 = arith.constant 64 : index
        %get3A_485 = tpu.vector_load %arg5[%get3A_483, %get3A_484] {strides = array<i32>} : memref<384x128xf32, #tpu.memory_space<vmem>>, vector<1x16xf32>,
        %get3A_486 = vector.shape_cast %get3A_485 : vector<1x16xf32> to vector<16xf32>
        %mul3A_487 = arith.constant 2 : i32
        %mul3A_488 = arith.muli %mul3A_487, %scan3A_376 : i32
        %add3A_489 = arith.constant 1 : i32
        %add3A_490 = arith.addi %mul3A_488, %add3A_489 : i32
        %get3A_491 = arith.index_cast %add3A_490 : i32 to index
        %get3A_492 = arith.constant 64 : index
        %get3A_493 = tpu.vector_load %arg5[%get3A_491, %get3A_492] {strides = array<i32>} : memref<384x128xf32, #tpu.memory_space<vmem>>, vector<1x16xf32>,
        %get3A_494 = vector.shape_cast %get3A_493 : vector<1x16xf32> to vector<16xf32>
        %lt3A_495 = arith.cmpf olt, %get3A_494, %get3A_486 : vector<16xf32>
        %min3A_496 = arith.minimumf %get3A_486, %get3A_494 : vector<16xf32>
        %select_n3A_497 = arith.select %lt3A_495, %broadcast_in_dim3A_403, %broadcast_in_dim3A_400 : vector<16xi1>, vector<16xi32>
        %lt3A_498 = arith.cmpf olt, %min3A_496, %scan3A_381 : vector<16xf32>
        %select_n3A_499 = arith.select %lt3A_498, %select_n3A_497, %scan3A_389 : vector<16xi1>, vector<16xi32>
        %min3A_500 = arith.minimumf %scan3A_381, %min3A_496 : vector<16xf32>
        %mul3A_501 = arith.constant 2 : i32
        %mul3A_502 = arith.muli %mul3A_501, %scan3A_376 : i32
        %get3A_503 = arith.index_cast %mul3A_502 : i32 to index
        %get3A_504 = arith.constant 80 : index
        %get3A_505 = tpu.vector_load %arg5[%get3A_503, %get3A_504] {strides = array<i32>} : memref<384x128xf32, #tpu.memory_space<vmem>>, vector<1x16xf32>,
        %get3A_506 = vector.shape_cast %get3A_505 : vector<1x16xf32> to vector<16xf32>
        %mul3A_507 = arith.constant 2 : i32
        %mul3A_508 = arith.muli %mul3A_507, %scan3A_376 : i32
        %add3A_509 = arith.constant 1 : i32
        %add3A_510 = arith.addi %mul3A_508, %add3A_509 : i32
        %get3A_511 = arith.index_cast %add3A_510 : i32 to index
        %get3A_512 = arith.constant 80 : index
        %get3A_513 = tpu.vector_load %arg5[%get3A_511, %get3A_512] {strides = array<i32>} : memref<384x128xf32, #tpu.memory_space<vmem>>, vector<1x16xf32>,
        %get3A_514 = vector.shape_cast %get3A_513 : vector<1x16xf32> to vector<16xf32>
        %lt3A_515 = arith.cmpf olt, %get3A_514, %get3A_506 : vector<16xf32>
        %min3A_516 = arith.minimumf %get3A_506, %get3A_514 : vector<16xf32>
        %select_n3A_517 = arith.select %lt3A_515, %broadcast_in_dim3A_403, %broadcast_in_dim3A_400 : vector<16xi1>, vector<16xi32>
        %lt3A_518 = arith.cmpf olt, %min3A_516, %scan3A_382 : vector<16xf32>
        %select_n3A_519 = arith.select %lt3A_518, %select_n3A_517, %scan3A_390 : vector<16xi1>, vector<16xi32>
        %min3A_520 = arith.minimumf %scan3A_382, %min3A_516 : vector<16xf32>
        %mul3A_521 = arith.constant 2 : i32
        %mul3A_522 = arith.muli %mul3A_521, %scan3A_376 : i32
        %get3A_523 = arith.index_cast %mul3A_522 : i32 to index
        %get3A_524 = arith.constant 96 : index
        %get3A_525 = tpu.vector_load %arg5[%get3A_523, %get3A_524] {strides = array<i32>} : memref<384x128xf32, #tpu.memory_space<vmem>>, vector<1x16xf32>,
        %get3A_526 = vector.shape_cast %get3A_525 : vector<1x16xf32> to vector<16xf32>
        %mul3A_527 = arith.constant 2 : i32
        %mul3A_528 = arith.muli %mul3A_527, %scan3A_376 : i32
        %add3A_529 = arith.constant 1 : i32
        %add3A_530 = arith.addi %mul3A_528, %add3A_529 : i32
        %get3A_531 = arith.index_cast %add3A_530 : i32 to index
        %get3A_532 = arith.constant 96 : index
        %get3A_533 = tpu.vector_load %arg5[%get3A_531, %get3A_532] {strides = array<i32>} : memref<384x128xf32, #tpu.memory_space<vmem>>, vector<1x16xf32>,
        %get3A_534 = vector.shape_cast %get3A_533 : vector<1x16xf32> to vector<16xf32>
        %lt3A_535 = arith.cmpf olt, %get3A_534, %get3A_526 : vector<16xf32>
        %min3A_536 = arith.minimumf %get3A_526, %get3A_534 : vector<16xf32>
        %select_n3A_537 = arith.select %lt3A_535, %broadcast_in_dim3A_403, %broadcast_in_dim3A_400 : vector<16xi1>, vector<16xi32>
        %lt3A_538 = arith.cmpf olt, %min3A_536, %scan3A_383 : vector<16xf32>
        %select_n3A_539 = arith.select %lt3A_538, %select_n3A_537, %scan3A_391 : vector<16xi1>, vector<16xi32>
        %min3A_540 = arith.minimumf %scan3A_383, %min3A_536 : vector<16xf32>
        %mul3A_541 = arith.constant 2 : i32
        %mul3A_542 = arith.muli %mul3A_541, %scan3A_376 : i32
        %get3A_543 = arith.index_cast %mul3A_542 : i32 to index
        %get3A_544 = arith.constant 112 : index
        %get3A_545 = tpu.vector_load %arg5[%get3A_543, %get3A_544] {strides = array<i32>} : memref<384x128xf32, #tpu.memory_space<vmem>>, vector<1x16xf32>,
        %get3A_546 = vector.shape_cast %get3A_545 : vector<1x16xf32> to vector<16xf32>
        %mul3A_547 = arith.constant 2 : i32
        %mul3A_548 = arith.muli %mul3A_547, %scan3A_376 : i32
        %add3A_549 = arith.constant 1 : i32
        %add3A_550 = arith.addi %mul3A_548, %add3A_549 : i32
        %get3A_551 = arith.index_cast %add3A_550 : i32 to index
        %get3A_552 = arith.constant 112 : index
        %get3A_553 = tpu.vector_load %arg5[%get3A_551, %get3A_552] {strides = array<i32>} : memref<384x128xf32, #tpu.memory_space<vmem>>, vector<1x16xf32>,
        %get3A_554 = vector.shape_cast %get3A_553 : vector<1x16xf32> to vector<16xf32>
        %lt3A_555 = arith.cmpf olt, %get3A_554, %get3A_546 : vector<16xf32>
        %min3A_556 = arith.minimumf %get3A_546, %get3A_554 : vector<16xf32>
        %select_n3A_557 = arith.select %lt3A_555, %broadcast_in_dim3A_403, %broadcast_in_dim3A_400 : vector<16xi1>, vector<16xi32>
        %lt3A_558 = arith.cmpf olt, %min3A_556, %scan3A_384 : vector<16xf32>
        %select_n3A_559 = arith.select %lt3A_558, %select_n3A_557, %scan3A_392 : vector<16xi1>, vector<16xi32>
        %min3A_560 = arith.minimumf %scan3A_384, %min3A_556 : vector<16xf32>
        %scan3A_561 = arith.constant 1 : i32
        %scan3A_562 = arith.addi %scan3A_376, %scan3A_561 : i32
        %mul3A_563 = arith.constant 384 : i32
        %mul3A_564 = arith.muli %add3A_329, %mul3A_563 : i32
        %add3A_565 = arith.constant 3584 : i32
        %add3A_566 = arith.addi %add3A_565, %mul3A_564 : i32
        %mul3A_567 = arith.constant 2 : i32
        %mul3A_568 = arith.muli %mul3A_567, %scan3A_562 : i32
        %add3A_569 = arith.addi %add3A_566, %mul3A_568 : i32
        %broadcast_in_dim3A_570 = vector.broadcast %add3A_569 : i32 to vector<16xi32>
        %add3A_571 = arith.constant 1 : i32
        %add3A_572 = arith.addi %add3A_569, %add3A_571 : i32
        %broadcast_in_dim3A_573 = vector.broadcast %add3A_572 : i32 to vector<16xi32>
        %mul3A_574 = arith.constant 2 : i32
        %mul3A_575 = arith.muli %mul3A_574, %scan3A_562 : i32
        %get3A_576 = arith.index_cast %mul3A_575 : i32 to index
        %get3A_577 = arith.constant 0 : index
        %get3A_578 = tpu.vector_load %arg5[%get3A_576, %get3A_577] {strides = array<i32>} : memref<384x128xf32, #tpu.memory_space<vmem>>, vector<1x16xf32>,
        %get3A_579 = vector.shape_cast %get3A_578 : vector<1x16xf32> to vector<16xf32>
        %mul3A_580 = arith.constant 2 : i32
        %mul3A_581 = arith.muli %mul3A_580, %scan3A_562 : i32
        %add3A_582 = arith.constant 1 : i32
        %add3A_583 = arith.addi %mul3A_581, %add3A_582 : i32
        %get3A_584 = arith.index_cast %add3A_583 : i32 to index
        %get3A_585 = arith.constant 0 : index
        %get3A_586 = tpu.vector_load %arg5[%get3A_584, %get3A_585] {strides = array<i32>} : memref<384x128xf32, #tpu.memory_space<vmem>>, vector<1x16xf32>,
        %get3A_587 = vector.shape_cast %get3A_586 : vector<1x16xf32> to vector<16xf32>
        %lt3A_588 = arith.cmpf olt, %get3A_587, %get3A_579 : vector<16xf32>
        %min3A_589 = arith.minimumf %get3A_579, %get3A_587 : vector<16xf32>
        %select_n3A_590 = arith.select %lt3A_588, %broadcast_in_dim3A_573, %broadcast_in_dim3A_570 : vector<16xi1>, vector<16xi32>
        %lt3A_591 = arith.cmpf olt, %min3A_589, %min3A_420 : vector<16xf32>
        %select_n3A_592 = arith.select %lt3A_591, %select_n3A_590, %select_n3A_419 : vector<16xi1>, vector<16xi32>
        %min3A_593 = arith.minimumf %min3A_420, %min3A_589 : vector<16xf32>
        %mul3A_594 = arith.constant 2 : i32
        %mul3A_595 = arith.muli %mul3A_594, %scan3A_562 : i32
        %get3A_596 = arith.index_cast %mul3A_595 : i32 to index
        %get3A_597 = arith.constant 16 : index
        %get3A_598 = tpu.vector_load %arg5[%get3A_596, %get3A_597] {strides = array<i32>} : memref<384x128xf32, #tpu.memory_space<vmem>>, vector<1x16xf32>,
        %get3A_599 = vector.shape_cast %get3A_598 : vector<1x16xf32> to vector<16xf32>
        %mul3A_600 = arith.constant 2 : i32
        %mul3A_601 = arith.muli %mul3A_600, %scan3A_562 : i32
        %add3A_602 = arith.constant 1 : i32
        %add3A_603 = arith.addi %mul3A_601, %add3A_602 : i32
        %get3A_604 = arith.index_cast %add3A_603 : i32 to index
        %get3A_605 = arith.constant 16 : index
        %get3A_606 = tpu.vector_load %arg5[%get3A_604, %get3A_605] {strides = array<i32>} : memref<384x128xf32, #tpu.memory_space<vmem>>, vector<1x16xf32>,
        %get3A_607 = vector.shape_cast %get3A_606 : vector<1x16xf32> to vector<16xf32>
        %lt3A_608 = arith.cmpf olt, %get3A_607, %get3A_599 : vector<16xf32>
        %min3A_609 = arith.minimumf %get3A_599, %get3A_607 : vector<16xf32>
        %select_n3A_610 = arith.select %lt3A_608, %broadcast_in_dim3A_573, %broadcast_in_dim3A_570 : vector<16xi1>, vector<16xi32>
        %lt3A_611 = arith.cmpf olt, %min3A_609, %min3A_440 : vector<16xf32>
        %select_n3A_612 = arith.select %lt3A_611, %select_n3A_610, %select_n3A_439 : vector<16xi1>, vector<16xi32>
        %min3A_613 = arith.minimumf %min3A_440, %min3A_609 : vector<16xf32>
        %mul3A_614 = arith.constant 2 : i32
        %mul3A_615 = arith.muli %mul3A_614, %scan3A_562 : i32
        %get3A_616 = arith.index_cast %mul3A_615 : i32 to index
        %get3A_617 = arith.constant 32 : index
        %get3A_618 = tpu.vector_load %arg5[%get3A_616, %get3A_617] {strides = array<i32>} : memref<384x128xf32, #tpu.memory_space<vmem>>, vector<1x16xf32>,
        %get3A_619 = vector.shape_cast %get3A_618 : vector<1x16xf32> to vector<16xf32>
        %mul3A_620 = arith.constant 2 : i32
        %mul3A_621 = arith.muli %mul3A_620, %scan3A_562 : i32
        %add3A_622 = arith.constant 1 : i32
        %add3A_623 = arith.addi %mul3A_621, %add3A_622 : i32
        %get3A_624 = arith.index_cast %add3A_623 : i32 to index
        %get3A_625 = arith.constant 32 : index
        %get3A_626 = tpu.vector_load %arg5[%get3A_624, %get3A_625] {strides = array<i32>} : memref<384x128xf32, #tpu.memory_space<vmem>>, vector<1x16xf32>,
        %get3A_627 = vector.shape_cast %get3A_626 : vector<1x16xf32> to vector<16xf32>
        %lt3A_628 = arith.cmpf olt, %get3A_627, %get3A_619 : vector<16xf32>
        %min3A_629 = arith.minimumf %get3A_619, %get3A_627 : vector<16xf32>
        %select_n3A_630 = arith.select %lt3A_628, %broadcast_in_dim3A_573, %broadcast_in_dim3A_570 : vector<16xi1>, vector<16xi32>
        %lt3A_631 = arith.cmpf olt, %min3A_629, %min3A_460 : vector<16xf32>
        %select_n3A_632 = arith.select %lt3A_631, %select_n3A_630, %select_n3A_459 : vector<16xi1>, vector<16xi32>
        %min3A_633 = arith.minimumf %min3A_460, %min3A_629 : vector<16xf32>
        %mul3A_634 = arith.constant 2 : i32
        %mul3A_635 = arith.muli %mul3A_634, %scan3A_562 : i32
        %get3A_636 = arith.index_cast %mul3A_635 : i32 to index
        %get3A_637 = arith.constant 48 : index
        %get3A_638 = tpu.vector_load %arg5[%get3A_636, %get3A_637] {strides = array<i32>} : memref<384x128xf32, #tpu.memory_space<vmem>>, vector<1x16xf32>,
        %get3A_639 = vector.shape_cast %get3A_638 : vector<1x16xf32> to vector<16xf32>
        %mul3A_640 = arith.constant 2 : i32
        %mul3A_641 = arith.muli %mul3A_640, %scan3A_562 : i32
        %add3A_642 = arith.constant 1 : i32
        %add3A_643 = arith.addi %mul3A_641, %add3A_642 : i32
        %get3A_644 = arith.index_cast %add3A_643 : i32 to index
        %get3A_645 = arith.constant 48 : index
        %get3A_646 = tpu.vector_load %arg5[%get3A_644, %get3A_645] {strides = array<i32>} : memref<384x128xf32, #tpu.memory_space<vmem>>, vector<1x16xf32>,
        %get3A_647 = vector.shape_cast %get3A_646 : vector<1x16xf32> to vector<16xf32>
        %lt3A_648 = arith.cmpf olt, %get3A_647, %get3A_639 : vector<16xf32>
        %min3A_649 = arith.minimumf %get3A_639, %get3A_647 : vector<16xf32>
        %select_n3A_650 = arith.select %lt3A_648, %broadcast_in_dim3A_573, %broadcast_in_dim3A_570 : vector<16xi1>, vector<16xi32>
        %lt3A_651 = arith.cmpf olt, %min3A_649, %min3A_480 : vector<16xf32>
        %select_n3A_652 = arith.select %lt3A_651, %select_n3A_650, %select_n3A_479 : vector<16xi1>, vector<16xi32>
        %min3A_653 = arith.minimumf %min3A_480, %min3A_649 : vector<16xf32>
        %mul3A_654 = arith.constant 2 : i32
        %mul3A_655 = arith.muli %mul3A_654, %scan3A_562 : i32
        %get3A_656 = arith.index_cast %mul3A_655 : i32 to index
        %get3A_657 = arith.constant 64 : index
        %get3A_658 = tpu.vector_load %arg5[%get3A_656, %get3A_657] {strides = array<i32>} : memref<384x128xf32, #tpu.memory_space<vmem>>, vector<1x16xf32>,
        %get3A_659 = vector.shape_cast %get3A_658 : vector<1x16xf32> to vector<16xf32>
        %mul3A_660 = arith.constant 2 : i32
        %mul3A_661 = arith.muli %mul3A_660, %scan3A_562 : i32
        %add3A_662 = arith.constant 1 : i32
        %add3A_663 = arith.addi %mul3A_661, %add3A_662 : i32
        %get3A_664 = arith.index_cast %add3A_663 : i32 to index
        %get3A_665 = arith.constant 64 : index
        %get3A_666 = tpu.vector_load %arg5[%get3A_664, %get3A_665] {strides = array<i32>} : memref<384x128xf32, #tpu.memory_space<vmem>>, vector<1x16xf32>,
        %get3A_667 = vector.shape_cast %get3A_666 : vector<1x16xf32> to vector<16xf32>
        %lt3A_668 = arith.cmpf olt, %get3A_667, %get3A_659 : vector<16xf32>
        %min3A_669 = arith.minimumf %get3A_659, %get3A_667 : vector<16xf32>
        %select_n3A_670 = arith.select %lt3A_668, %broadcast_in_dim3A_573, %broadcast_in_dim3A_570 : vector<16xi1>, vector<16xi32>
        %lt3A_671 = arith.cmpf olt, %min3A_669, %min3A_500 : vector<16xf32>
        %select_n3A_672 = arith.select %lt3A_671, %select_n3A_670, %select_n3A_499 : vector<16xi1>, vector<16xi32>
        %min3A_673 = arith.minimumf %min3A_500, %min3A_669 : vector<16xf32>
        %mul3A_674 = arith.constant 2 : i32
        %mul3A_675 = arith.muli %mul3A_674, %scan3A_562 : i32
        %get3A_676 = arith.index_cast %mul3A_675 : i32 to index
        %get3A_677 = arith.constant 80 : index
        %get3A_678 = tpu.vector_load %arg5[%get3A_676, %get3A_677] {strides = array<i32>} : memref<384x128xf32, #tpu.memory_space<vmem>>, vector<1x16xf32>,
        %get3A_679 = vector.shape_cast %get3A_678 : vector<1x16xf32> to vector<16xf32>
        %mul3A_680 = arith.constant 2 : i32
        %mul3A_681 = arith.muli %mul3A_680, %scan3A_562 : i32
        %add3A_682 = arith.constant 1 : i32
        %add3A_683 = arith.addi %mul3A_681, %add3A_682 : i32
        %get3A_684 = arith.index_cast %add3A_683 : i32 to index
        %get3A_685 = arith.constant 80 : index
        %get3A_686 = tpu.vector_load %arg5[%get3A_684, %get3A_685] {strides = array<i32>} : memref<384x128xf32, #tpu.memory_space<vmem>>, vector<1x16xf32>,
        %get3A_687 = vector.shape_cast %get3A_686 : vector<1x16xf32> to vector<16xf32>
        %lt3A_688 = arith.cmpf olt, %get3A_687, %get3A_679 : vector<16xf32>
        %min3A_689 = arith.minimumf %get3A_679, %get3A_687 : vector<16xf32>
        %select_n3A_690 = arith.select %lt3A_688, %broadcast_in_dim3A_573, %broadcast_in_dim3A_570 : vector<16xi1>, vector<16xi32>
        %lt3A_691 = arith.cmpf olt, %min3A_689, %min3A_520 : vector<16xf32>
        %select_n3A_692 = arith.select %lt3A_691, %select_n3A_690, %select_n3A_519 : vector<16xi1>, vector<16xi32>
        %min3A_693 = arith.minimumf %min3A_520, %min3A_689 : vector<16xf32>
        %mul3A_694 = arith.constant 2 : i32
        %mul3A_695 = arith.muli %mul3A_694, %scan3A_562 : i32
        %get3A_696 = arith.index_cast %mul3A_695 : i32 to index
        %get3A_697 = arith.constant 96 : index
        %get3A_698 = tpu.vector_load %arg5[%get3A_696, %get3A_697] {strides = array<i32>} : memref<384x128xf32, #tpu.memory_space<vmem>>, vector<1x16xf32>,
        %get3A_699 = vector.shape_cast %get3A_698 : vector<1x16xf32> to vector<16xf32>
        %mul3A_700 = arith.constant 2 : i32
        %mul3A_701 = arith.muli %mul3A_700, %scan3A_562 : i32
        %add3A_702 = arith.constant 1 : i32
        %add3A_703 = arith.addi %mul3A_701, %add3A_702 : i32
        %get3A_704 = arith.index_cast %add3A_703 : i32 to index
        %get3A_705 = arith.constant 96 : index
        %get3A_706 = tpu.vector_load %arg5[%get3A_704, %get3A_705] {strides = array<i32>} : memref<384x128xf32, #tpu.memory_space<vmem>>, vector<1x16xf32>,
        %get3A_707 = vector.shape_cast %get3A_706 : vector<1x16xf32> to vector<16xf32>
        %lt3A_708 = arith.cmpf olt, %get3A_707, %get3A_699 : vector<16xf32>
        %min3A_709 = arith.minimumf %get3A_699, %get3A_707 : vector<16xf32>
        %select_n3A_710 = arith.select %lt3A_708, %broadcast_in_dim3A_573, %broadcast_in_dim3A_570 : vector<16xi1>, vector<16xi32>
        %lt3A_711 = arith.cmpf olt, %min3A_709, %min3A_540 : vector<16xf32>
        %select_n3A_712 = arith.select %lt3A_711, %select_n3A_710, %select_n3A_539 : vector<16xi1>, vector<16xi32>
        %min3A_713 = arith.minimumf %min3A_540, %min3A_709 : vector<16xf32>
        %mul3A_714 = arith.constant 2 : i32
        %mul3A_715 = arith.muli %mul3A_714, %scan3A_562 : i32
        %get3A_716 = arith.index_cast %mul3A_715 : i32 to index
        %get3A_717 = arith.constant 112 : index
        %get3A_718 = tpu.vector_load %arg5[%get3A_716, %get3A_717] {strides = array<i32>} : memref<384x128xf32, #tpu.memory_space<vmem>>, vector<1x16xf32>,
        %get3A_719 = vector.shape_cast %get3A_718 : vector<1x16xf32> to vector<16xf32>
        %mul3A_720 = arith.constant 2 : i32
        %mul3A_721 = arith.muli %mul3A_720, %scan3A_562 : i32
        %add3A_722 = arith.constant 1 : i32
        %add3A_723 = arith.addi %mul3A_721, %add3A_722 : i32
        %get3A_724 = arith.index_cast %add3A_723 : i32 to index
        %get3A_725 = arith.constant 112 : index
        %get3A_726 = tpu.vector_load %arg5[%get3A_724, %get3A_725] {strides = array<i32>} : memref<384x128xf32, #tpu.memory_space<vmem>>, vector<1x16xf32>,
        %get3A_727 = vector.shape_cast %get3A_726 : vector<1x16xf32> to vector<16xf32>
        %lt3A_728 = arith.cmpf olt, %get3A_727, %get3A_719 : vector<16xf32>
        %min3A_729 = arith.minimumf %get3A_719, %get3A_727 : vector<16xf32>
        %select_n3A_730 = arith.select %lt3A_728, %broadcast_in_dim3A_573, %broadcast_in_dim3A_570 : vector<16xi1>, vector<16xi32>
        %lt3A_731 = arith.cmpf olt, %min3A_729, %min3A_560 : vector<16xf32>
        %select_n3A_732 = arith.select %lt3A_731, %select_n3A_730, %select_n3A_559 : vector<16xi1>, vector<16xi32>
        %min3A_733 = arith.minimumf %min3A_560, %min3A_729 : vector<16xf32>
        %scan3A_734 = arith.constant 2 : i32
        %scan3A_735 = arith.addi %scan3A_376, %scan3A_734 : i32
        %mul3A_736 = arith.constant 384 : i32
        %mul3A_737 = arith.muli %add3A_329, %mul3A_736 : i32
        %add3A_738 = arith.constant 3584 : i32
        %add3A_739 = arith.addi %add3A_738, %mul3A_737 : i32
        %mul3A_740 = arith.constant 2 : i32
        %mul3A_741 = arith.muli %mul3A_740, %scan3A_735 : i32
        %add3A_742 = arith.addi %add3A_739, %mul3A_741 : i32
        %broadcast_in_dim3A_743 = vector.broadcast %add3A_742 : i32 to vector<16xi32>
        %add3A_744 = arith.constant 1 : i32
        %add3A_745 = arith.addi %add3A_742, %add3A_744 : i32
        %broadcast_in_dim3A_746 = vector.broadcast %add3A_745 : i32 to vector<16xi32>
        %mul3A_747 = arith.constant 2 : i32
        %mul3A_748 = arith.muli %mul3A_747, %scan3A_735 : i32
        %get3A_749 = arith.index_cast %mul3A_748 : i32 to index
        %get3A_750 = arith.constant 0 : index
        %get3A_751 = tpu.vector_load %arg5[%get3A_749, %get3A_750] {strides = array<i32>} : memref<384x128xf32, #tpu.memory_space<vmem>>, vector<1x16xf32>,
        %get3A_752 = vector.shape_cast %get3A_751 : vector<1x16xf32> to vector<16xf32>
        %mul3A_753 = arith.constant 2 : i32
        %mul3A_754 = arith.muli %mul3A_753, %scan3A_735 : i32
        %add3A_755 = arith.constant 1 : i32
        %add3A_756 = arith.addi %mul3A_754, %add3A_755 : i32
        %get3A_757 = arith.index_cast %add3A_756 : i32 to index
        %get3A_758 = arith.constant 0 : index
        %get3A_759 = tpu.vector_load %arg5[%get3A_757, %get3A_758] {strides = array<i32>} : memref<384x128xf32, #tpu.memory_space<vmem>>, vector<1x16xf32>,
        %get3A_760 = vector.shape_cast %get3A_759 : vector<1x16xf32> to vector<16xf32>
        %lt3A_761 = arith.cmpf olt, %get3A_760, %get3A_752 : vector<16xf32>
        %min3A_762 = arith.minimumf %get3A_752, %get3A_760 : vector<16xf32>
        %select_n3A_763 = arith.select %lt3A_761, %broadcast_in_dim3A_746, %broadcast_in_dim3A_743 : vector<16xi1>, vector<16xi32>
        %lt3A_764 = arith.cmpf olt, %min3A_762, %min3A_593 : vector<16xf32>
        %select_n3A_765 = arith.select %lt3A_764, %select_n3A_763, %select_n3A_592 : vector<16xi1>, vector<16xi32>
        %min3A_766 = arith.minimumf %min3A_593, %min3A_762 : vector<16xf32>
        %mul3A_767 = arith.constant 2 : i32
        %mul3A_768 = arith.muli %mul3A_767, %scan3A_735 : i32
        %get3A_769 = arith.index_cast %mul3A_768 : i32 to index
        %get3A_770 = arith.constant 16 : index
        %get3A_771 = tpu.vector_load %arg5[%get3A_769, %get3A_770] {strides = array<i32>} : memref<384x128xf32, #tpu.memory_space<vmem>>, vector<1x16xf32>,
        %get3A_772 = vector.shape_cast %get3A_771 : vector<1x16xf32> to vector<16xf32>
        %mul3A_773 = arith.constant 2 : i32
        %mul3A_774 = arith.muli %mul3A_773, %scan3A_735 : i32
        %add3A_775 = arith.constant 1 : i32
        %add3A_776 = arith.addi %mul3A_774, %add3A_775 : i32
        %get3A_777 = arith.index_cast %add3A_776 : i32 to index
        %get3A_778 = arith.constant 16 : index
        %get3A_779 = tpu.vector_load %arg5[%get3A_777, %get3A_778] {strides = array<i32>} : memref<384x128xf32, #tpu.memory_space<vmem>>, vector<1x16xf32>,
        %get3A_780 = vector.shape_cast %get3A_779 : vector<1x16xf32> to vector<16xf32>
        %lt3A_781 = arith.cmpf olt, %get3A_780, %get3A_772 : vector<16xf32>
        %min3A_782 = arith.minimumf %get3A_772, %get3A_780 : vector<16xf32>
        %select_n3A_783 = arith.select %lt3A_781, %broadcast_in_dim3A_746, %broadcast_in_dim3A_743 : vector<16xi1>, vector<16xi32>
        %lt3A_784 = arith.cmpf olt, %min3A_782, %min3A_613 : vector<16xf32>
        %select_n3A_785 = arith.select %lt3A_784, %select_n3A_783, %select_n3A_612 : vector<16xi1>, vector<16xi32>
        %min3A_786 = arith.minimumf %min3A_613, %min3A_782 : vector<16xf32>
        %mul3A_787 = arith.constant 2 : i32
        %mul3A_788 = arith.muli %mul3A_787, %scan3A_735 : i32
        %get3A_789 = arith.index_cast %mul3A_788 : i32 to index
        %get3A_790 = arith.constant 32 : index
        %get3A_791 = tpu.vector_load %arg5[%get3A_789, %get3A_790] {strides = array<i32>} : memref<384x128xf32, #tpu.memory_space<vmem>>, vector<1x16xf32>,
        %get3A_792 = vector.shape_cast %get3A_791 : vector<1x16xf32> to vector<16xf32>
        %mul3A_793 = arith.constant 2 : i32
        %mul3A_794 = arith.muli %mul3A_793, %scan3A_735 : i32
        %add3A_795 = arith.constant 1 : i32
        %add3A_796 = arith.addi %mul3A_794, %add3A_795 : i32
        %get3A_797 = arith.index_cast %add3A_796 : i32 to index
        %get3A_798 = arith.constant 32 : index
        %get3A_799 = tpu.vector_load %arg5[%get3A_797, %get3A_798] {strides = array<i32>} : memref<384x128xf32, #tpu.memory_space<vmem>>, vector<1x16xf32>,
        %get3A_800 = vector.shape_cast %get3A_799 : vector<1x16xf32> to vector<16xf32>
        %lt3A_801 = arith.cmpf olt, %get3A_800, %get3A_792 : vector<16xf32>
        %min3A_802 = arith.minimumf %get3A_792, %get3A_800 : vector<16xf32>
        %select_n3A_803 = arith.select %lt3A_801, %broadcast_in_dim3A_746, %broadcast_in_dim3A_743 : vector<16xi1>, vector<16xi32>
        %lt3A_804 = arith.cmpf olt, %min3A_802, %min3A_633 : vector<16xf32>
        %select_n3A_805 = arith.select %lt3A_804, %select_n3A_803, %select_n3A_632 : vector<16xi1>, vector<16xi32>
        %min3A_806 = arith.minimumf %min3A_633, %min3A_802 : vector<16xf32>
        %mul3A_807 = arith.constant 2 : i32
        %mul3A_808 = arith.muli %mul3A_807, %scan3A_735 : i32
        %get3A_809 = arith.index_cast %mul3A_808 : i32 to index
        %get3A_810 = arith.constant 48 : index
        %get3A_811 = tpu.vector_load %arg5[%get3A_809, %get3A_810] {strides = array<i32>} : memref<384x128xf32, #tpu.memory_space<vmem>>, vector<1x16xf32>,
        %get3A_812 = vector.shape_cast %get3A_811 : vector<1x16xf32> to vector<16xf32>
        %mul3A_813 = arith.constant 2 : i32
        %mul3A_814 = arith.muli %mul3A_813, %scan3A_735 : i32
        %add3A_815 = arith.constant 1 : i32
        %add3A_816 = arith.addi %mul3A_814, %add3A_815 : i32
        %get3A_817 = arith.index_cast %add3A_816 : i32 to index
        %get3A_818 = arith.constant 48 : index
        %get3A_819 = tpu.vector_load %arg5[%get3A_817, %get3A_818] {strides = array<i32>} : memref<384x128xf32, #tpu.memory_space<vmem>>, vector<1x16xf32>,
        %get3A_820 = vector.shape_cast %get3A_819 : vector<1x16xf32> to vector<16xf32>
        %lt3A_821 = arith.cmpf olt, %get3A_820, %get3A_812 : vector<16xf32>
        %min3A_822 = arith.minimumf %get3A_812, %get3A_820 : vector<16xf32>
        %select_n3A_823 = arith.select %lt3A_821, %broadcast_in_dim3A_746, %broadcast_in_dim3A_743 : vector<16xi1>, vector<16xi32>
        %lt3A_824 = arith.cmpf olt, %min3A_822, %min3A_653 : vector<16xf32>
        %select_n3A_825 = arith.select %lt3A_824, %select_n3A_823, %select_n3A_652 : vector<16xi1>, vector<16xi32>
        %min3A_826 = arith.minimumf %min3A_653, %min3A_822 : vector<16xf32>
        %mul3A_827 = arith.constant 2 : i32
        %mul3A_828 = arith.muli %mul3A_827, %scan3A_735 : i32
        %get3A_829 = arith.index_cast %mul3A_828 : i32 to index
        %get3A_830 = arith.constant 64 : index
        %get3A_831 = tpu.vector_load %arg5[%get3A_829, %get3A_830] {strides = array<i32>} : memref<384x128xf32, #tpu.memory_space<vmem>>, vector<1x16xf32>,
        %get3A_832 = vector.shape_cast %get3A_831 : vector<1x16xf32> to vector<16xf32>
        %mul3A_833 = arith.constant 2 : i32
        %mul3A_834 = arith.muli %mul3A_833, %scan3A_735 : i32
        %add3A_835 = arith.constant 1 : i32
        %add3A_836 = arith.addi %mul3A_834, %add3A_835 : i32
        %get3A_837 = arith.index_cast %add3A_836 : i32 to index
        %get3A_838 = arith.constant 64 : index
        %get3A_839 = tpu.vector_load %arg5[%get3A_837, %get3A_838] {strides = array<i32>} : memref<384x128xf32, #tpu.memory_space<vmem>>, vector<1x16xf32>,
        %get3A_840 = vector.shape_cast %get3A_839 : vector<1x16xf32> to vector<16xf32>
        %lt3A_841 = arith.cmpf olt, %get3A_840, %get3A_832 : vector<16xf32>
        %min3A_842 = arith.minimumf %get3A_832, %get3A_840 : vector<16xf32>
        %select_n3A_843 = arith.select %lt3A_841, %broadcast_in_dim3A_746, %broadcast_in_dim3A_743 : vector<16xi1>, vector<16xi32>
        %lt3A_844 = arith.cmpf olt, %min3A_842, %min3A_673 : vector<16xf32>
        %select_n3A_845 = arith.select %lt3A_844, %select_n3A_843, %select_n3A_672 : vector<16xi1>, vector<16xi32>
        %min3A_846 = arith.minimumf %min3A_673, %min3A_842 : vector<16xf32>
        %mul3A_847 = arith.constant 2 : i32
        %mul3A_848 = arith.muli %mul3A_847, %scan3A_735 : i32
        %get3A_849 = arith.index_cast %mul3A_848 : i32 to index
        %get3A_850 = arith.constant 80 : index
        %get3A_851 = tpu.vector_load %arg5[%get3A_849, %get3A_850] {strides = array<i32>} : memref<384x128xf32, #tpu.memory_space<vmem>>, vector<1x16xf32>,
        %get3A_852 = vector.shape_cast %get3A_851 : vector<1x16xf32> to vector<16xf32>
        %mul3A_853 = arith.constant 2 : i32
        %mul3A_854 = arith.muli %mul3A_853, %scan3A_735 : i32
        %add3A_855 = arith.constant 1 : i32
        %add3A_856 = arith.addi %mul3A_854, %add3A_855 : i32
        %get3A_857 = arith.index_cast %add3A_856 : i32 to index
        %get3A_858 = arith.constant 80 : index
        %get3A_859 = tpu.vector_load %arg5[%get3A_857, %get3A_858] {strides = array<i32>} : memref<384x128xf32, #tpu.memory_space<vmem>>, vector<1x16xf32>,
        %get3A_860 = vector.shape_cast %get3A_859 : vector<1x16xf32> to vector<16xf32>
        %lt3A_861 = arith.cmpf olt, %get3A_860, %get3A_852 : vector<16xf32>
        %min3A_862 = arith.minimumf %get3A_852, %get3A_860 : vector<16xf32>
        %select_n3A_863 = arith.select %lt3A_861, %broadcast_in_dim3A_746, %broadcast_in_dim3A_743 : vector<16xi1>, vector<16xi32>
        %lt3A_864 = arith.cmpf olt, %min3A_862, %min3A_693 : vector<16xf32>
        %select_n3A_865 = arith.select %lt3A_864, %select_n3A_863, %select_n3A_692 : vector<16xi1>, vector<16xi32>
        %min3A_866 = arith.minimumf %min3A_693, %min3A_862 : vector<16xf32>
        %mul3A_867 = arith.constant 2 : i32
        %mul3A_868 = arith.muli %mul3A_867, %scan3A_735 : i32
        %get3A_869 = arith.index_cast %mul3A_868 : i32 to index
        %get3A_870 = arith.constant 96 : index
        %get3A_871 = tpu.vector_load %arg5[%get3A_869, %get3A_870] {strides = array<i32>} : memref<384x128xf32, #tpu.memory_space<vmem>>, vector<1x16xf32>,
        %get3A_872 = vector.shape_cast %get3A_871 : vector<1x16xf32> to vector<16xf32>
        %mul3A_873 = arith.constant 2 : i32
        %mul3A_874 = arith.muli %mul3A_873, %scan3A_735 : i32
        %add3A_875 = arith.constant 1 : i32
        %add3A_876 = arith.addi %mul3A_874, %add3A_875 : i32
        %get3A_877 = arith.index_cast %add3A_876 : i32 to index
        %get3A_878 = arith.constant 96 : index
        %get3A_879 = tpu.vector_load %arg5[%get3A_877, %get3A_878] {strides = array<i32>} : memref<384x128xf32, #tpu.memory_space<vmem>>, vector<1x16xf32>,
        %get3A_880 = vector.shape_cast %get3A_879 : vector<1x16xf32> to vector<16xf32>
        %lt3A_881 = arith.cmpf olt, %get3A_880, %get3A_872 : vector<16xf32>
        %min3A_882 = arith.minimumf %get3A_872, %get3A_880 : vector<16xf32>
        %select_n3A_883 = arith.select %lt3A_881, %broadcast_in_dim3A_746, %broadcast_in_dim3A_743 : vector<16xi1>, vector<16xi32>
        %lt3A_884 = arith.cmpf olt, %min3A_882, %min3A_713 : vector<16xf32>
        %select_n3A_885 = arith.select %lt3A_884, %select_n3A_883, %select_n3A_712 : vector<16xi1>, vector<16xi32>
        %min3A_886 = arith.minimumf %min3A_713, %min3A_882 : vector<16xf32>
        %mul3A_887 = arith.constant 2 : i32
        %mul3A_888 = arith.muli %mul3A_887, %scan3A_735 : i32
        %get3A_889 = arith.index_cast %mul3A_888 : i32 to index
        %get3A_890 = arith.constant 112 : index
        %get3A_891 = tpu.vector_load %arg5[%get3A_889, %get3A_890] {strides = array<i32>} : memref<384x128xf32, #tpu.memory_space<vmem>>, vector<1x16xf32>,
        %get3A_892 = vector.shape_cast %get3A_891 : vector<1x16xf32> to vector<16xf32>
        %mul3A_893 = arith.constant 2 : i32
        %mul3A_894 = arith.muli %mul3A_893, %scan3A_735 : i32
        %add3A_895 = arith.constant 1 : i32
        %add3A_896 = arith.addi %mul3A_894, %add3A_895 : i32
        %get3A_897 = arith.index_cast %add3A_896 : i32 to index
        %get3A_898 = arith.constant 112 : index
        %get3A_899 = tpu.vector_load %arg5[%get3A_897, %get3A_898] {strides = array<i32>} : memref<384x128xf32, #tpu.memory_space<vmem>>, vector<1x16xf32>,
        %get3A_900 = vector.shape_cast %get3A_899 : vector<1x16xf32> to vector<16xf32>
        %lt3A_901 = arith.cmpf olt, %get3A_900, %get3A_892 : vector<16xf32>
        %min3A_902 = arith.minimumf %get3A_892, %get3A_900 : vector<16xf32>
        %select_n3A_903 = arith.select %lt3A_901, %broadcast_in_dim3A_746, %broadcast_in_dim3A_743 : vector<16xi1>, vector<16xi32>
        %lt3A_904 = arith.cmpf olt, %min3A_902, %min3A_733 : vector<16xf32>
        %select_n3A_905 = arith.select %lt3A_904, %select_n3A_903, %select_n3A_732 : vector<16xi1>, vector<16xi32>
        %min3A_906 = arith.minimumf %min3A_733, %min3A_902 : vector<16xf32>
        %scan3A_907 = arith.constant 3 : i32
        %scan3A_908 = arith.addi %scan3A_376, %scan3A_907 : i32
        %mul3A_909 = arith.constant 384 : i32
        %mul3A_910 = arith.muli %add3A_329, %mul3A_909 : i32
        %add3A_911 = arith.constant 3584 : i32
        %add3A_912 = arith.addi %add3A_911, %mul3A_910 : i32
        %mul3A_913 = arith.constant 2 : i32
        %mul3A_914 = arith.muli %mul3A_913, %scan3A_908 : i32
        %add3A_915 = arith.addi %add3A_912, %mul3A_914 : i32
        %broadcast_in_dim3A_916 = vector.broadcast %add3A_915 : i32 to vector<16xi32>
        %add3A_917 = arith.constant 1 : i32
        %add3A_918 = arith.addi %add3A_915, %add3A_917 : i32
        %broadcast_in_dim3A_919 = vector.broadcast %add3A_918 : i32 to vector<16xi32>
        %mul3A_920 = arith.constant 2 : i32
        %mul3A_921 = arith.muli %mul3A_920, %scan3A_908 : i32
        %get3A_922 = arith.index_cast %mul3A_921 : i32 to index
        %get3A_923 = arith.constant 0 : index
        %get3A_924 = tpu.vector_load %arg5[%get3A_922, %get3A_923] {strides = array<i32>} : memref<384x128xf32, #tpu.memory_space<vmem>>, vector<1x16xf32>,
        %get3A_925 = vector.shape_cast %get3A_924 : vector<1x16xf32> to vector<16xf32>
        %mul3A_926 = arith.constant 2 : i32
        %mul3A_927 = arith.muli %mul3A_926, %scan3A_908 : i32
        %add3A_928 = arith.constant 1 : i32
        %add3A_929 = arith.addi %mul3A_927, %add3A_928 : i32
        %get3A_930 = arith.index_cast %add3A_929 : i32 to index
        %get3A_931 = arith.constant 0 : index
        %get3A_932 = tpu.vector_load %arg5[%get3A_930, %get3A_931] {strides = array<i32>} : memref<384x128xf32, #tpu.memory_space<vmem>>, vector<1x16xf32>,
        %get3A_933 = vector.shape_cast %get3A_932 : vector<1x16xf32> to vector<16xf32>
        %lt3A_934 = arith.cmpf olt, %get3A_933, %get3A_925 : vector<16xf32>
        %min3A_935 = arith.minimumf %get3A_925, %get3A_933 : vector<16xf32>
        %select_n3A_936 = arith.select %lt3A_934, %broadcast_in_dim3A_919, %broadcast_in_dim3A_916 : vector<16xi1>, vector<16xi32>
        %lt3A_937 = arith.cmpf olt, %min3A_935, %min3A_766 : vector<16xf32>
        %select_n3A_938 = arith.select %lt3A_937, %select_n3A_936, %select_n3A_765 : vector<16xi1>, vector<16xi32>
        %min3A_939 = arith.minimumf %min3A_766, %min3A_935 : vector<16xf32>
        %mul3A_940 = arith.constant 2 : i32
        %mul3A_941 = arith.muli %mul3A_940, %scan3A_908 : i32
        %get3A_942 = arith.index_cast %mul3A_941 : i32 to index
        %get3A_943 = arith.constant 16 : index
        %get3A_944 = tpu.vector_load %arg5[%get3A_942, %get3A_943] {strides = array<i32>} : memref<384x128xf32, #tpu.memory_space<vmem>>, vector<1x16xf32>,
        %get3A_945 = vector.shape_cast %get3A_944 : vector<1x16xf32> to vector<16xf32>
        %mul3A_946 = arith.constant 2 : i32
        %mul3A_947 = arith.muli %mul3A_946, %scan3A_908 : i32
        %add3A_948 = arith.constant 1 : i32
        %add3A_949 = arith.addi %mul3A_947, %add3A_948 : i32
        %get3A_950 = arith.index_cast %add3A_949 : i32 to index
        %get3A_951 = arith.constant 16 : index
        %get3A_952 = tpu.vector_load %arg5[%get3A_950, %get3A_951] {strides = array<i32>} : memref<384x128xf32, #tpu.memory_space<vmem>>, vector<1x16xf32>,
        %get3A_953 = vector.shape_cast %get3A_952 : vector<1x16xf32> to vector<16xf32>
        %lt3A_954 = arith.cmpf olt, %get3A_953, %get3A_945 : vector<16xf32>
        %min3A_955 = arith.minimumf %get3A_945, %get3A_953 : vector<16xf32>
        %select_n3A_956 = arith.select %lt3A_954, %broadcast_in_dim3A_919, %broadcast_in_dim3A_916 : vector<16xi1>, vector<16xi32>
        %lt3A_957 = arith.cmpf olt, %min3A_955, %min3A_786 : vector<16xf32>
        %select_n3A_958 = arith.select %lt3A_957, %select_n3A_956, %select_n3A_785 : vector<16xi1>, vector<16xi32>
        %min3A_959 = arith.minimumf %min3A_786, %min3A_955 : vector<16xf32>
        %mul3A_960 = arith.constant 2 : i32
        %mul3A_961 = arith.muli %mul3A_960, %scan3A_908 : i32
        %get3A_962 = arith.index_cast %mul3A_961 : i32 to index
        %get3A_963 = arith.constant 32 : index
        %get3A_964 = tpu.vector_load %arg5[%get3A_962, %get3A_963] {strides = array<i32>} : memref<384x128xf32, #tpu.memory_space<vmem>>, vector<1x16xf32>,
        %get3A_965 = vector.shape_cast %get3A_964 : vector<1x16xf32> to vector<16xf32>
        %mul3A_966 = arith.constant 2 : i32
        %mul3A_967 = arith.muli %mul3A_966, %scan3A_908 : i32
        %add3A_968 = arith.constant 1 : i32
        %add3A_969 = arith.addi %mul3A_967, %add3A_968 : i32
        %get3A_970 = arith.index_cast %add3A_969 : i32 to index
        %get3A_971 = arith.constant 32 : index
        %get3A_972 = tpu.vector_load %arg5[%get3A_970, %get3A_971] {strides = array<i32>} : memref<384x128xf32, #tpu.memory_space<vmem>>, vector<1x16xf32>,
        %get3A_973 = vector.shape_cast %get3A_972 : vector<1x16xf32> to vector<16xf32>
        %lt3A_974 = arith.cmpf olt, %get3A_973, %get3A_965 : vector<16xf32>
        %min3A_975 = arith.minimumf %get3A_965, %get3A_973 : vector<16xf32>
        %select_n3A_976 = arith.select %lt3A_974, %broadcast_in_dim3A_919, %broadcast_in_dim3A_916 : vector<16xi1>, vector<16xi32>
        %lt3A_977 = arith.cmpf olt, %min3A_975, %min3A_806 : vector<16xf32>
        %select_n3A_978 = arith.select %lt3A_977, %select_n3A_976, %select_n3A_805 : vector<16xi1>, vector<16xi32>
        %min3A_979 = arith.minimumf %min3A_806, %min3A_975 : vector<16xf32>
        %mul3A_980 = arith.constant 2 : i32
        %mul3A_981 = arith.muli %mul3A_980, %scan3A_908 : i32
        %get3A_982 = arith.index_cast %mul3A_981 : i32 to index
        %get3A_983 = arith.constant 48 : index
        %get3A_984 = tpu.vector_load %arg5[%get3A_982, %get3A_983] {strides = array<i32>} : memref<384x128xf32, #tpu.memory_space<vmem>>, vector<1x16xf32>,
        %get3A_985 = vector.shape_cast %get3A_984 : vector<1x16xf32> to vector<16xf32>
        %mul3A_986 = arith.constant 2 : i32
        %mul3A_987 = arith.muli %mul3A_986, %scan3A_908 : i32
        %add3A_988 = arith.constant 1 : i32
        %add3A_989 = arith.addi %mul3A_987, %add3A_988 : i32
        %get3A_990 = arith.index_cast %add3A_989 : i32 to index
        %get3A_991 = arith.constant 48 : index
        %get3A_992 = tpu.vector_load %arg5[%get3A_990, %get3A_991] {strides = array<i32>} : memref<384x128xf32, #tpu.memory_space<vmem>>, vector<1x16xf32>,
        %get3A_993 = vector.shape_cast %get3A_992 : vector<1x16xf32> to vector<16xf32>
        %lt3A_994 = arith.cmpf olt, %get3A_993, %get3A_985 : vector<16xf32>
        %min3A_995 = arith.minimumf %get3A_985, %get3A_993 : vector<16xf32>
        %select_n3A_996 = arith.select %lt3A_994, %broadcast_in_dim3A_919, %broadcast_in_dim3A_916 : vector<16xi1>, vector<16xi32>
        %lt3A_997 = arith.cmpf olt, %min3A_995, %min3A_826 : vector<16xf32>
        %select_n3A_998 = arith.select %lt3A_997, %select_n3A_996, %select_n3A_825 : vector<16xi1>, vector<16xi32>
        %min3A_999 = arith.minimumf %min3A_826, %min3A_995 : vector<16xf32>
        %mul3A_1000 = arith.constant 2 : i32
        %mul3A_1001 = arith.muli %mul3A_1000, %scan3A_908 : i32
        %get3A_1002 = arith.index_cast %mul3A_1001 : i32 to index
        %get3A_1003 = arith.constant 64 : index
        %get3A_1004 = tpu.vector_load %arg5[%get3A_1002, %get3A_1003] {strides = array<i32>} : memref<384x128xf32, #tpu.memory_space<vmem>>, vector<1x16xf32>,
        %get3A_1005 = vector.shape_cast %get3A_1004 : vector<1x16xf32> to vector<16xf32>
        %mul3A_1006 = arith.constant 2 : i32
        %mul3A_1007 = arith.muli %mul3A_1006, %scan3A_908 : i32
        %add3A_1008 = arith.constant 1 : i32
        %add3A_1009 = arith.addi %mul3A_1007, %add3A_1008 : i32
        %get3A_1010 = arith.index_cast %add3A_1009 : i32 to index
        %get3A_1011 = arith.constant 64 : index
        %get3A_1012 = tpu.vector_load %arg5[%get3A_1010, %get3A_1011] {strides = array<i32>} : memref<384x128xf32, #tpu.memory_space<vmem>>, vector<1x16xf32>,
        %get3A_1013 = vector.shape_cast %get3A_1012 : vector<1x16xf32> to vector<16xf32>
        %lt3A_1014 = arith.cmpf olt, %get3A_1013, %get3A_1005 : vector<16xf32>
        %min3A_1015 = arith.minimumf %get3A_1005, %get3A_1013 : vector<16xf32>
        %select_n3A_1016 = arith.select %lt3A_1014, %broadcast_in_dim3A_919, %broadcast_in_dim3A_916 : vector<16xi1>, vector<16xi32>
        %lt3A_1017 = arith.cmpf olt, %min3A_1015, %min3A_846 : vector<16xf32>
        %select_n3A_1018 = arith.select %lt3A_1017, %select_n3A_1016, %select_n3A_845 : vector<16xi1>, vector<16xi32>
        %min3A_1019 = arith.minimumf %min3A_846, %min3A_1015 : vector<16xf32>
        %mul3A_1020 = arith.constant 2 : i32
        %mul3A_1021 = arith.muli %mul3A_1020, %scan3A_908 : i32
        %get3A_1022 = arith.index_cast %mul3A_1021 : i32 to index
        %get3A_1023 = arith.constant 80 : index
        %get3A_1024 = tpu.vector_load %arg5[%get3A_1022, %get3A_1023] {strides = array<i32>} : memref<384x128xf32, #tpu.memory_space<vmem>>, vector<1x16xf32>,
        %get3A_1025 = vector.shape_cast %get3A_1024 : vector<1x16xf32> to vector<16xf32>
        %mul3A_1026 = arith.constant 2 : i32
        %mul3A_1027 = arith.muli %mul3A_1026, %scan3A_908 : i32
        %add3A_1028 = arith.constant 1 : i32
        %add3A_1029 = arith.addi %mul3A_1027, %add3A_1028 : i32
        %get3A_1030 = arith.index_cast %add3A_1029 : i32 to index
        %get3A_1031 = arith.constant 80 : index
        %get3A_1032 = tpu.vector_load %arg5[%get3A_1030, %get3A_1031] {strides = array<i32>} : memref<384x128xf32, #tpu.memory_space<vmem>>, vector<1x16xf32>,
        %get3A_1033 = vector.shape_cast %get3A_1032 : vector<1x16xf32> to vector<16xf32>
        %lt3A_1034 = arith.cmpf olt, %get3A_1033, %get3A_1025 : vector<16xf32>
        %min3A_1035 = arith.minimumf %get3A_1025, %get3A_1033 : vector<16xf32>
        %select_n3A_1036 = arith.select %lt3A_1034, %broadcast_in_dim3A_919, %broadcast_in_dim3A_916 : vector<16xi1>, vector<16xi32>
        %lt3A_1037 = arith.cmpf olt, %min3A_1035, %min3A_866 : vector<16xf32>
        %select_n3A_1038 = arith.select %lt3A_1037, %select_n3A_1036, %select_n3A_865 : vector<16xi1>, vector<16xi32>
        %min3A_1039 = arith.minimumf %min3A_866, %min3A_1035 : vector<16xf32>
        %mul3A_1040 = arith.constant 2 : i32
        %mul3A_1041 = arith.muli %mul3A_1040, %scan3A_908 : i32
        %get3A_1042 = arith.index_cast %mul3A_1041 : i32 to index
        %get3A_1043 = arith.constant 96 : index
        %get3A_1044 = tpu.vector_load %arg5[%get3A_1042, %get3A_1043] {strides = array<i32>} : memref<384x128xf32, #tpu.memory_space<vmem>>, vector<1x16xf32>,
        %get3A_1045 = vector.shape_cast %get3A_1044 : vector<1x16xf32> to vector<16xf32>
        %mul3A_1046 = arith.constant 2 : i32
        %mul3A_1047 = arith.muli %mul3A_1046, %scan3A_908 : i32
        %add3A_1048 = arith.constant 1 : i32
        %add3A_1049 = arith.addi %mul3A_1047, %add3A_1048 : i32
        %get3A_1050 = arith.index_cast %add3A_1049 : i32 to index
        %get3A_1051 = arith.constant 96 : index
        %get3A_1052 = tpu.vector_load %arg5[%get3A_1050, %get3A_1051] {strides = array<i32>} : memref<384x128xf32, #tpu.memory_space<vmem>>, vector<1x16xf32>,
        %get3A_1053 = vector.shape_cast %get3A_1052 : vector<1x16xf32> to vector<16xf32>
        %lt3A_1054 = arith.cmpf olt, %get3A_1053, %get3A_1045 : vector<16xf32>
        %min3A_1055 = arith.minimumf %get3A_1045, %get3A_1053 : vector<16xf32>
        %select_n3A_1056 = arith.select %lt3A_1054, %broadcast_in_dim3A_919, %broadcast_in_dim3A_916 : vector<16xi1>, vector<16xi32>
        %lt3A_1057 = arith.cmpf olt, %min3A_1055, %min3A_886 : vector<16xf32>
        %select_n3A_1058 = arith.select %lt3A_1057, %select_n3A_1056, %select_n3A_885 : vector<16xi1>, vector<16xi32>
        %min3A_1059 = arith.minimumf %min3A_886, %min3A_1055 : vector<16xf32>
        %mul3A_1060 = arith.constant 2 : i32
        %mul3A_1061 = arith.muli %mul3A_1060, %scan3A_908 : i32
        %get3A_1062 = arith.index_cast %mul3A_1061 : i32 to index
        %get3A_1063 = arith.constant 112 : index
        %get3A_1064 = tpu.vector_load %arg5[%get3A_1062, %get3A_1063] {strides = array<i32>} : memref<384x128xf32, #tpu.memory_space<vmem>>, vector<1x16xf32>,
        %get3A_1065 = vector.shape_cast %get3A_1064 : vector<1x16xf32> to vector<16xf32>
        %mul3A_1066 = arith.constant 2 : i32
        %mul3A_1067 = arith.muli %mul3A_1066, %scan3A_908 : i32
        %add3A_1068 = arith.constant 1 : i32
        %add3A_1069 = arith.addi %mul3A_1067, %add3A_1068 : i32
        %get3A_1070 = arith.index_cast %add3A_1069 : i32 to index
        %get3A_1071 = arith.constant 112 : index
        %get3A_1072 = tpu.vector_load %arg5[%get3A_1070, %get3A_1071] {strides = array<i32>} : memref<384x128xf32, #tpu.memory_space<vmem>>, vector<1x16xf32>,
        %get3A_1073 = vector.shape_cast %get3A_1072 : vector<1x16xf32> to vector<16xf32>
        %lt3A_1074 = arith.cmpf olt, %get3A_1073, %get3A_1065 : vector<16xf32>
        %min3A_1075 = arith.minimumf %get3A_1065, %get3A_1073 : vector<16xf32>
        %select_n3A_1076 = arith.select %lt3A_1074, %broadcast_in_dim3A_919, %broadcast_in_dim3A_916 : vector<16xi1>, vector<16xi32>
        %lt3A_1077 = arith.cmpf olt, %min3A_1075, %min3A_906 : vector<16xf32>
        %select_n3A_1078 = arith.select %lt3A_1077, %select_n3A_1076, %select_n3A_905 : vector<16xi1>, vector<16xi32>
        %min3A_1079 = arith.minimumf %min3A_906, %min3A_1075 : vector<16xf32>
        scf.yield %min3A_939, %min3A_959, %min3A_979, %min3A_999, %min3A_1019, %min3A_1039, %min3A_1059, %min3A_1079, %select_n3A_938, %select_n3A_958, %select_n3A_978, %select_n3A_998, %select_n3A_1018, %select_n3A_1038, %select_n3A_1058, %select_n3A_1078 : vector<16xf32>, vector<16xf32>, vector<16xf32>, vector<16xf32>, vector<16xf32>, vector<16xf32>, vector<16xf32>, vector<16xf32>, vector<16xi32>, vector<16xi32>, vector<16xi32>, vector<16xi32>, vector<16xi32>, vector<16xi32>, vector<16xi32>, vector<16xi32>
      }
      %scan3A_344 = arith.constant 192 : i32
      %add3A_345 = arith.constant 2 : i32
      %add3A_346 = arith.addi %add3A_329, %add3A_345 : i32
      %lt3A = arith.constant 12 : i32
      %lt3A_347 = arith.cmpi slt, %add3A_346, %lt3A : i32
      %convert_element_type3A = arith.extui %lt3A_347 : i1 to i32
      %cond3A = arith.constant 0 : i32
      %cond3A_348 = arith.cmpi ne, %convert_element_type3A, %cond3A : i32
      scf.if %cond3A_348 {
        %add3A_376 = arith.constant 2 : i32
        %add3A_377 = arith.addi %add3A_329, %add3A_376 : i32
        %mul3A_378 = arith.constant 384 : i32
        %mul3A_379 = arith.muli %add3A_377, %mul3A_378 : i32
        %add3A_380 = arith.constant 3584 : i32
        %add3A_381 = arith.addi %add3A_380, %mul3A_379 : i32
        %dma_start3A_382 = arith.constant 0 : i32
        %dma_start3A_383 = tpu.memref_slice %arg2[%add3A_154, %add3A_381, %dma_start3A_382] : memref<64x8192x128xf32, #tpu.memory_space<hbm>> -> memref<1x384x128xf32, #tpu.memory_space<hbm>>
        %dma_start3A_384 = tpu.memref_squeeze %dma_start3A_383 : memref<1x384x128xf32, #tpu.memory_space<hbm>> -> memref<384x128xf32, #tpu.memory_space<hbm>>
        %dma_start3A_385 = arith.constant 0 : i32
        %dma_start3A_386 = tpu.memref_slice %arg2[%add3A_154, %add3A_381, %dma_start3A_385] : memref<64x8192x128xf32, #tpu.memory_space<hbm>> -> memref<1x384x128xf32, #tpu.memory_space<hbm>>
        %dma_start3A_387 = tpu.memref_squeeze %dma_start3A_386 : memref<1x384x128xf32, #tpu.memory_space<hbm>> -> memref<384x128xf32, #tpu.memory_space<hbm>>
        tpu.enqueue_dma source(%dma_start3A_387 : memref<384x128xf32, #tpu.memory_space<hbm>>) target(%arg5 : memref<384x128xf32, #tpu.memory_space<vmem>>) target_semaphore(%arg9 : memref<!tpu.dma_semaphore, #tpu.memory_space<semaphore_mem>>)
      } else {
      }
      %mul3A_349 = arith.constant 2 : i32
      %mul3A_350 = arith.muli %scan3A_309, %mul3A_349 : i32
      %add3A_351 = arith.constant 1 : i32
      %add3A_352 = arith.addi %mul3A_350, %add3A_351 : i32
      %mul3A_353 = arith.constant 384 : i32
      %mul3A_354 = arith.muli %add3A_352, %mul3A_353 : i32
      %add3A_355 = arith.constant 3584 : i32
      %add3A_356 = arith.addi %add3A_355, %mul3A_354 : i32
      %dma_wait3A_357 = arith.constant 0 : i32
      %dma_wait3A_358 = tpu.memref_slice %arg2[%add3A_154, %add3A_356, %dma_wait3A_357] : memref<64x8192x128xf32, #tpu.memory_space<hbm>> -> memref<1x384x128xf32, #tpu.memory_space<hbm>>
      %dma_wait3A_359 = tpu.memref_squeeze %dma_wait3A_358 : memref<1x384x128xf32, #tpu.memory_space<hbm>> -> memref<384x128xf32, #tpu.memory_space<hbm>>
      %dma_wait3A_360 = arith.constant 0 : i32
      %dma_wait3A_361 = tpu.memref_slice %arg2[%add3A_154, %add3A_356, %dma_wait3A_360] : memref<64x8192x128xf32, #tpu.memory_space<hbm>> -> memref<1x384x128xf32, #tpu.memory_space<hbm>>
      %dma_wait3A_362 = tpu.memref_squeeze %dma_wait3A_361 : memref<1x384x128xf32, #tpu.memory_space<hbm>> -> memref<384x128xf32, #tpu.memory_space<hbm>>
      tpu.wait_dma2 semaphore(%arg10 : memref<!tpu.dma_semaphore, #tpu.memory_space<semaphore_mem>>) src(%dma_wait3A_362 : memref<384x128xf32, #tpu.memory_space<hbm>>) dst(%arg6 : memref<384x128xf32, #tpu.memory_space<vmem>>)
      %scan3A_363 = arith.constant 0 : i32
      %scan3A_364 = arith.constant 192 : i32
      %scan3A_365 = arith.addi %scan3A_363, %scan3A_364 : i32
      %scan3A_366 = arith.constant 4 : i32
      %scan3A_367:16 = scf.for %scan3A_376 = %scan3A_363 to %scan3A_365 step %scan3A_366 iter_args(%scan3A_377 = %scan3A_343#0, %scan3A_378 = %scan3A_343#1, %scan3A_379 = %scan3A_343#2, %scan3A_380 = %scan3A_343#3, %scan3A_381 = %scan3A_343#4, %scan3A_382 = %scan3A_343#5, %scan3A_383 = %scan3A_343#6, %scan3A_384 = %scan3A_343#7, %scan3A_385 = %scan3A_343#8, %scan3A_386 = %scan3A_343#9, %scan3A_387 = %scan3A_343#10, %scan3A_388 = %scan3A_343#11, %scan3A_389 = %scan3A_343#12, %scan3A_390 = %scan3A_343#13, %scan3A_391 = %scan3A_343#14, %scan3A_392 = %scan3A_343#15) -> (vector<16xf32>, vector<16xf32>, vector<16xf32>, vector<16xf32>, vector<16xf32>, vector<16xf32>, vector<16xf32>, vector<16xf32>, vector<16xi32>, vector<16xi32>, vector<16xi32>, vector<16xi32>, vector<16xi32>, vector<16xi32>, vector<16xi32>, vector<16xi32>)  : i32 {
        %mul3A_393 = arith.constant 384 : i32
        %mul3A_394 = arith.muli %add3A_352, %mul3A_393 : i32
        %add3A_395 = arith.constant 3584 : i32
        %add3A_396 = arith.addi %add3A_395, %mul3A_394 : i32
        %mul3A_397 = arith.constant 2 : i32
        %mul3A_398 = arith.muli %mul3A_397, %scan3A_376 : i32
        %add3A_399 = arith.addi %add3A_396, %mul3A_398 : i32
        %broadcast_in_dim3A_400 = vector.broadcast %add3A_399 : i32 to vector<16xi32>
        %add3A_401 = arith.constant 1 : i32
        %add3A_402 = arith.addi %add3A_399, %add3A_401 : i32
        %broadcast_in_dim3A_403 = vector.broadcast %add3A_402 : i32 to vector<16xi32>
        %mul3A_404 = arith.constant 2 : i32
        %mul3A_405 = arith.muli %mul3A_404, %scan3A_376 : i32
        %get3A = arith.index_cast %mul3A_405 : i32 to index
        %get3A_406 = arith.constant 0 : index
        %get3A_407 = tpu.vector_load %arg6[%get3A, %get3A_406] {strides = array<i32>} : memref<384x128xf32, #tpu.memory_space<vmem>>, vector<1x16xf32>,
        %get3A_408 = vector.shape_cast %get3A_407 : vector<1x16xf32> to vector<16xf32>
        %mul3A_409 = arith.constant 2 : i32
        %mul3A_410 = arith.muli %mul3A_409, %scan3A_376 : i32
        %add3A_411 = arith.constant 1 : i32
        %add3A_412 = arith.addi %mul3A_410, %add3A_411 : i32
        %get3A_413 = arith.index_cast %add3A_412 : i32 to index
        %get3A_414 = arith.constant 0 : index
        %get3A_415 = tpu.vector_load %arg6[%get3A_413, %get3A_414] {strides = array<i32>} : memref<384x128xf32, #tpu.memory_space<vmem>>, vector<1x16xf32>,
        %get3A_416 = vector.shape_cast %get3A_415 : vector<1x16xf32> to vector<16xf32>
        %lt3A_417 = arith.cmpf olt, %get3A_416, %get3A_408 : vector<16xf32>
        %min3A = arith.minimumf %get3A_408, %get3A_416 : vector<16xf32>
        %select_n3A = arith.select %lt3A_417, %broadcast_in_dim3A_403, %broadcast_in_dim3A_400 : vector<16xi1>, vector<16xi32>
        %lt3A_418 = arith.cmpf olt, %min3A, %scan3A_377 : vector<16xf32>
        %select_n3A_419 = arith.select %lt3A_418, %select_n3A, %scan3A_385 : vector<16xi1>, vector<16xi32>
        %min3A_420 = arith.minimumf %scan3A_377, %min3A : vector<16xf32>
        %mul3A_421 = arith.constant 2 : i32
        %mul3A_422 = arith.muli %mul3A_421, %scan3A_376 : i32
        %get3A_423 = arith.index_cast %mul3A_422 : i32 to index
        %get3A_424 = arith.constant 16 : index
        %get3A_425 = tpu.vector_load %arg6[%get3A_423, %get3A_424] {strides = array<i32>} : memref<384x128xf32, #tpu.memory_space<vmem>>, vector<1x16xf32>,
        %get3A_426 = vector.shape_cast %get3A_425 : vector<1x16xf32> to vector<16xf32>
        %mul3A_427 = arith.constant 2 : i32
        %mul3A_428 = arith.muli %mul3A_427, %scan3A_376 : i32
        %add3A_429 = arith.constant 1 : i32
        %add3A_430 = arith.addi %mul3A_428, %add3A_429 : i32
        %get3A_431 = arith.index_cast %add3A_430 : i32 to index
        %get3A_432 = arith.constant 16 : index
        %get3A_433 = tpu.vector_load %arg6[%get3A_431, %get3A_432] {strides = array<i32>} : memref<384x128xf32, #tpu.memory_space<vmem>>, vector<1x16xf32>,
        %get3A_434 = vector.shape_cast %get3A_433 : vector<1x16xf32> to vector<16xf32>
        %lt3A_435 = arith.cmpf olt, %get3A_434, %get3A_426 : vector<16xf32>
        %min3A_436 = arith.minimumf %get3A_426, %get3A_434 : vector<16xf32>
        %select_n3A_437 = arith.select %lt3A_435, %broadcast_in_dim3A_403, %broadcast_in_dim3A_400 : vector<16xi1>, vector<16xi32>
        %lt3A_438 = arith.cmpf olt, %min3A_436, %scan3A_378 : vector<16xf32>
        %select_n3A_439 = arith.select %lt3A_438, %select_n3A_437, %scan3A_386 : vector<16xi1>, vector<16xi32>
        %min3A_440 = arith.minimumf %scan3A_378, %min3A_436 : vector<16xf32>
        %mul3A_441 = arith.constant 2 : i32
        %mul3A_442 = arith.muli %mul3A_441, %scan3A_376 : i32
        %get3A_443 = arith.index_cast %mul3A_442 : i32 to index
        %get3A_444 = arith.constant 32 : index
        %get3A_445 = tpu.vector_load %arg6[%get3A_443, %get3A_444] {strides = array<i32>} : memref<384x128xf32, #tpu.memory_space<vmem>>, vector<1x16xf32>,
        %get3A_446 = vector.shape_cast %get3A_445 : vector<1x16xf32> to vector<16xf32>
        %mul3A_447 = arith.constant 2 : i32
        %mul3A_448 = arith.muli %mul3A_447, %scan3A_376 : i32
        %add3A_449 = arith.constant 1 : i32
        %add3A_450 = arith.addi %mul3A_448, %add3A_449 : i32
        %get3A_451 = arith.index_cast %add3A_450 : i32 to index
        %get3A_452 = arith.constant 32 : index
        %get3A_453 = tpu.vector_load %arg6[%get3A_451, %get3A_452] {strides = array<i32>} : memref<384x128xf32, #tpu.memory_space<vmem>>, vector<1x16xf32>,
        %get3A_454 = vector.shape_cast %get3A_453 : vector<1x16xf32> to vector<16xf32>
        %lt3A_455 = arith.cmpf olt, %get3A_454, %get3A_446 : vector<16xf32>
        %min3A_456 = arith.minimumf %get3A_446, %get3A_454 : vector<16xf32>
        %select_n3A_457 = arith.select %lt3A_455, %broadcast_in_dim3A_403, %broadcast_in_dim3A_400 : vector<16xi1>, vector<16xi32>
        %lt3A_458 = arith.cmpf olt, %min3A_456, %scan3A_379 : vector<16xf32>
        %select_n3A_459 = arith.select %lt3A_458, %select_n3A_457, %scan3A_387 : vector<16xi1>, vector<16xi32>
        %min3A_460 = arith.minimumf %scan3A_379, %min3A_456 : vector<16xf32>
        %mul3A_461 = arith.constant 2 : i32
        %mul3A_462 = arith.muli %mul3A_461, %scan3A_376 : i32
        %get3A_463 = arith.index_cast %mul3A_462 : i32 to index
        %get3A_464 = arith.constant 48 : index
        %get3A_465 = tpu.vector_load %arg6[%get3A_463, %get3A_464] {strides = array<i32>} : memref<384x128xf32, #tpu.memory_space<vmem>>, vector<1x16xf32>,
        %get3A_466 = vector.shape_cast %get3A_465 : vector<1x16xf32> to vector<16xf32>
        %mul3A_467 = arith.constant 2 : i32
        %mul3A_468 = arith.muli %mul3A_467, %scan3A_376 : i32
        %add3A_469 = arith.constant 1 : i32
        %add3A_470 = arith.addi %mul3A_468, %add3A_469 : i32
        %get3A_471 = arith.index_cast %add3A_470 : i32 to index
        %get3A_472 = arith.constant 48 : index
        %get3A_473 = tpu.vector_load %arg6[%get3A_471, %get3A_472] {strides = array<i32>} : memref<384x128xf32, #tpu.memory_space<vmem>>, vector<1x16xf32>,
        %get3A_474 = vector.shape_cast %get3A_473 : vector<1x16xf32> to vector<16xf32>
        %lt3A_475 = arith.cmpf olt, %get3A_474, %get3A_466 : vector<16xf32>
        %min3A_476 = arith.minimumf %get3A_466, %get3A_474 : vector<16xf32>
        %select_n3A_477 = arith.select %lt3A_475, %broadcast_in_dim3A_403, %broadcast_in_dim3A_400 : vector<16xi1>, vector<16xi32>
        %lt3A_478 = arith.cmpf olt, %min3A_476, %scan3A_380 : vector<16xf32>
        %select_n3A_479 = arith.select %lt3A_478, %select_n3A_477, %scan3A_388 : vector<16xi1>, vector<16xi32>
        %min3A_480 = arith.minimumf %scan3A_380, %min3A_476 : vector<16xf32>
        %mul3A_481 = arith.constant 2 : i32
        %mul3A_482 = arith.muli %mul3A_481, %scan3A_376 : i32
        %get3A_483 = arith.index_cast %mul3A_482 : i32 to index
        %get3A_484 = arith.constant 64 : index
        %get3A_485 = tpu.vector_load %arg6[%get3A_483, %get3A_484] {strides = array<i32>} : memref<384x128xf32, #tpu.memory_space<vmem>>, vector<1x16xf32>,
        %get3A_486 = vector.shape_cast %get3A_485 : vector<1x16xf32> to vector<16xf32>
        %mul3A_487 = arith.constant 2 : i32
        %mul3A_488 = arith.muli %mul3A_487, %scan3A_376 : i32
        %add3A_489 = arith.constant 1 : i32
        %add3A_490 = arith.addi %mul3A_488, %add3A_489 : i32
        %get3A_491 = arith.index_cast %add3A_490 : i32 to index
        %get3A_492 = arith.constant 64 : index
        %get3A_493 = tpu.vector_load %arg6[%get3A_491, %get3A_492] {strides = array<i32>} : memref<384x128xf32, #tpu.memory_space<vmem>>, vector<1x16xf32>,
        %get3A_494 = vector.shape_cast %get3A_493 : vector<1x16xf32> to vector<16xf32>
        %lt3A_495 = arith.cmpf olt, %get3A_494, %get3A_486 : vector<16xf32>
        %min3A_496 = arith.minimumf %get3A_486, %get3A_494 : vector<16xf32>
        %select_n3A_497 = arith.select %lt3A_495, %broadcast_in_dim3A_403, %broadcast_in_dim3A_400 : vector<16xi1>, vector<16xi32>
        %lt3A_498 = arith.cmpf olt, %min3A_496, %scan3A_381 : vector<16xf32>
        %select_n3A_499 = arith.select %lt3A_498, %select_n3A_497, %scan3A_389 : vector<16xi1>, vector<16xi32>
        %min3A_500 = arith.minimumf %scan3A_381, %min3A_496 : vector<16xf32>
        %mul3A_501 = arith.constant 2 : i32
        %mul3A_502 = arith.muli %mul3A_501, %scan3A_376 : i32
        %get3A_503 = arith.index_cast %mul3A_502 : i32 to index
        %get3A_504 = arith.constant 80 : index
        %get3A_505 = tpu.vector_load %arg6[%get3A_503, %get3A_504] {strides = array<i32>} : memref<384x128xf32, #tpu.memory_space<vmem>>, vector<1x16xf32>,
        %get3A_506 = vector.shape_cast %get3A_505 : vector<1x16xf32> to vector<16xf32>
        %mul3A_507 = arith.constant 2 : i32
        %mul3A_508 = arith.muli %mul3A_507, %scan3A_376 : i32
        %add3A_509 = arith.constant 1 : i32
        %add3A_510 = arith.addi %mul3A_508, %add3A_509 : i32
        %get3A_511 = arith.index_cast %add3A_510 : i32 to index
        %get3A_512 = arith.constant 80 : index
        %get3A_513 = tpu.vector_load %arg6[%get3A_511, %get3A_512] {strides = array<i32>} : memref<384x128xf32, #tpu.memory_space<vmem>>, vector<1x16xf32>,
        %get3A_514 = vector.shape_cast %get3A_513 : vector<1x16xf32> to vector<16xf32>
        %lt3A_515 = arith.cmpf olt, %get3A_514, %get3A_506 : vector<16xf32>
        %min3A_516 = arith.minimumf %get3A_506, %get3A_514 : vector<16xf32>
        %select_n3A_517 = arith.select %lt3A_515, %broadcast_in_dim3A_403, %broadcast_in_dim3A_400 : vector<16xi1>, vector<16xi32>
        %lt3A_518 = arith.cmpf olt, %min3A_516, %scan3A_382 : vector<16xf32>
        %select_n3A_519 = arith.select %lt3A_518, %select_n3A_517, %scan3A_390 : vector<16xi1>, vector<16xi32>
        %min3A_520 = arith.minimumf %scan3A_382, %min3A_516 : vector<16xf32>
        %mul3A_521 = arith.constant 2 : i32
        %mul3A_522 = arith.muli %mul3A_521, %scan3A_376 : i32
        %get3A_523 = arith.index_cast %mul3A_522 : i32 to index
        %get3A_524 = arith.constant 96 : index
        %get3A_525 = tpu.vector_load %arg6[%get3A_523, %get3A_524] {strides = array<i32>} : memref<384x128xf32, #tpu.memory_space<vmem>>, vector<1x16xf32>,
        %get3A_526 = vector.shape_cast %get3A_525 : vector<1x16xf32> to vector<16xf32>
        %mul3A_527 = arith.constant 2 : i32
        %mul3A_528 = arith.muli %mul3A_527, %scan3A_376 : i32
        %add3A_529 = arith.constant 1 : i32
        %add3A_530 = arith.addi %mul3A_528, %add3A_529 : i32
        %get3A_531 = arith.index_cast %add3A_530 : i32 to index
        %get3A_532 = arith.constant 96 : index
        %get3A_533 = tpu.vector_load %arg6[%get3A_531, %get3A_532] {strides = array<i32>} : memref<384x128xf32, #tpu.memory_space<vmem>>, vector<1x16xf32>,
        %get3A_534 = vector.shape_cast %get3A_533 : vector<1x16xf32> to vector<16xf32>
        %lt3A_535 = arith.cmpf olt, %get3A_534, %get3A_526 : vector<16xf32>
        %min3A_536 = arith.minimumf %get3A_526, %get3A_534 : vector<16xf32>
        %select_n3A_537 = arith.select %lt3A_535, %broadcast_in_dim3A_403, %broadcast_in_dim3A_400 : vector<16xi1>, vector<16xi32>
        %lt3A_538 = arith.cmpf olt, %min3A_536, %scan3A_383 : vector<16xf32>
        %select_n3A_539 = arith.select %lt3A_538, %select_n3A_537, %scan3A_391 : vector<16xi1>, vector<16xi32>
        %min3A_540 = arith.minimumf %scan3A_383, %min3A_536 : vector<16xf32>
        %mul3A_541 = arith.constant 2 : i32
        %mul3A_542 = arith.muli %mul3A_541, %scan3A_376 : i32
        %get3A_543 = arith.index_cast %mul3A_542 : i32 to index
        %get3A_544 = arith.constant 112 : index
        %get3A_545 = tpu.vector_load %arg6[%get3A_543, %get3A_544] {strides = array<i32>} : memref<384x128xf32, #tpu.memory_space<vmem>>, vector<1x16xf32>,
        %get3A_546 = vector.shape_cast %get3A_545 : vector<1x16xf32> to vector<16xf32>
        %mul3A_547 = arith.constant 2 : i32
        %mul3A_548 = arith.muli %mul3A_547, %scan3A_376 : i32
        %add3A_549 = arith.constant 1 : i32
        %add3A_550 = arith.addi %mul3A_548, %add3A_549 : i32
        %get3A_551 = arith.index_cast %add3A_550 : i32 to index
        %get3A_552 = arith.constant 112 : index
        %get3A_553 = tpu.vector_load %arg6[%get3A_551, %get3A_552] {strides = array<i32>} : memref<384x128xf32, #tpu.memory_space<vmem>>, vector<1x16xf32>,
        %get3A_554 = vector.shape_cast %get3A_553 : vector<1x16xf32> to vector<16xf32>
        %lt3A_555 = arith.cmpf olt, %get3A_554, %get3A_546 : vector<16xf32>
        %min3A_556 = arith.minimumf %get3A_546, %get3A_554 : vector<16xf32>
        %select_n3A_557 = arith.select %lt3A_555, %broadcast_in_dim3A_403, %broadcast_in_dim3A_400 : vector<16xi1>, vector<16xi32>
        %lt3A_558 = arith.cmpf olt, %min3A_556, %scan3A_384 : vector<16xf32>
        %select_n3A_559 = arith.select %lt3A_558, %select_n3A_557, %scan3A_392 : vector<16xi1>, vector<16xi32>
        %min3A_560 = arith.minimumf %scan3A_384, %min3A_556 : vector<16xf32>
        %scan3A_561 = arith.constant 1 : i32
        %scan3A_562 = arith.addi %scan3A_376, %scan3A_561 : i32
        %mul3A_563 = arith.constant 384 : i32
        %mul3A_564 = arith.muli %add3A_352, %mul3A_563 : i32
        %add3A_565 = arith.constant 3584 : i32
        %add3A_566 = arith.addi %add3A_565, %mul3A_564 : i32
        %mul3A_567 = arith.constant 2 : i32
        %mul3A_568 = arith.muli %mul3A_567, %scan3A_562 : i32
        %add3A_569 = arith.addi %add3A_566, %mul3A_568 : i32
        %broadcast_in_dim3A_570 = vector.broadcast %add3A_569 : i32 to vector<16xi32>
        %add3A_571 = arith.constant 1 : i32
        %add3A_572 = arith.addi %add3A_569, %add3A_571 : i32
        %broadcast_in_dim3A_573 = vector.broadcast %add3A_572 : i32 to vector<16xi32>
        %mul3A_574 = arith.constant 2 : i32
        %mul3A_575 = arith.muli %mul3A_574, %scan3A_562 : i32
        %get3A_576 = arith.index_cast %mul3A_575 : i32 to index
        %get3A_577 = arith.constant 0 : index
        %get3A_578 = tpu.vector_load %arg6[%get3A_576, %get3A_577] {strides = array<i32>} : memref<384x128xf32, #tpu.memory_space<vmem>>, vector<1x16xf32>,
        %get3A_579 = vector.shape_cast %get3A_578 : vector<1x16xf32> to vector<16xf32>
        %mul3A_580 = arith.constant 2 : i32
        %mul3A_581 = arith.muli %mul3A_580, %scan3A_562 : i32
        %add3A_582 = arith.constant 1 : i32
        %add3A_583 = arith.addi %mul3A_581, %add3A_582 : i32
        %get3A_584 = arith.index_cast %add3A_583 : i32 to index
        %get3A_585 = arith.constant 0 : index
        %get3A_586 = tpu.vector_load %arg6[%get3A_584, %get3A_585] {strides = array<i32>} : memref<384x128xf32, #tpu.memory_space<vmem>>, vector<1x16xf32>,
        %get3A_587 = vector.shape_cast %get3A_586 : vector<1x16xf32> to vector<16xf32>
        %lt3A_588 = arith.cmpf olt, %get3A_587, %get3A_579 : vector<16xf32>
        %min3A_589 = arith.minimumf %get3A_579, %get3A_587 : vector<16xf32>
        %select_n3A_590 = arith.select %lt3A_588, %broadcast_in_dim3A_573, %broadcast_in_dim3A_570 : vector<16xi1>, vector<16xi32>
        %lt3A_591 = arith.cmpf olt, %min3A_589, %min3A_420 : vector<16xf32>
        %select_n3A_592 = arith.select %lt3A_591, %select_n3A_590, %select_n3A_419 : vector<16xi1>, vector<16xi32>
        %min3A_593 = arith.minimumf %min3A_420, %min3A_589 : vector<16xf32>
        %mul3A_594 = arith.constant 2 : i32
        %mul3A_595 = arith.muli %mul3A_594, %scan3A_562 : i32
        %get3A_596 = arith.index_cast %mul3A_595 : i32 to index
        %get3A_597 = arith.constant 16 : index
        %get3A_598 = tpu.vector_load %arg6[%get3A_596, %get3A_597] {strides = array<i32>} : memref<384x128xf32, #tpu.memory_space<vmem>>, vector<1x16xf32>,
        %get3A_599 = vector.shape_cast %get3A_598 : vector<1x16xf32> to vector<16xf32>
        %mul3A_600 = arith.constant 2 : i32
        %mul3A_601 = arith.muli %mul3A_600, %scan3A_562 : i32
        %add3A_602 = arith.constant 1 : i32
        %add3A_603 = arith.addi %mul3A_601, %add3A_602 : i32
        %get3A_604 = arith.index_cast %add3A_603 : i32 to index
        %get3A_605 = arith.constant 16 : index
        %get3A_606 = tpu.vector_load %arg6[%get3A_604, %get3A_605] {strides = array<i32>} : memref<384x128xf32, #tpu.memory_space<vmem>>, vector<1x16xf32>,
        %get3A_607 = vector.shape_cast %get3A_606 : vector<1x16xf32> to vector<16xf32>
        %lt3A_608 = arith.cmpf olt, %get3A_607, %get3A_599 : vector<16xf32>
        %min3A_609 = arith.minimumf %get3A_599, %get3A_607 : vector<16xf32>
        %select_n3A_610 = arith.select %lt3A_608, %broadcast_in_dim3A_573, %broadcast_in_dim3A_570 : vector<16xi1>, vector<16xi32>
        %lt3A_611 = arith.cmpf olt, %min3A_609, %min3A_440 : vector<16xf32>
        %select_n3A_612 = arith.select %lt3A_611, %select_n3A_610, %select_n3A_439 : vector<16xi1>, vector<16xi32>
        %min3A_613 = arith.minimumf %min3A_440, %min3A_609 : vector<16xf32>
        %mul3A_614 = arith.constant 2 : i32
        %mul3A_615 = arith.muli %mul3A_614, %scan3A_562 : i32
        %get3A_616 = arith.index_cast %mul3A_615 : i32 to index
        %get3A_617 = arith.constant 32 : index
        %get3A_618 = tpu.vector_load %arg6[%get3A_616, %get3A_617] {strides = array<i32>} : memref<384x128xf32, #tpu.memory_space<vmem>>, vector<1x16xf32>,
        %get3A_619 = vector.shape_cast %get3A_618 : vector<1x16xf32> to vector<16xf32>
        %mul3A_620 = arith.constant 2 : i32
        %mul3A_621 = arith.muli %mul3A_620, %scan3A_562 : i32
        %add3A_622 = arith.constant 1 : i32
        %add3A_623 = arith.addi %mul3A_621, %add3A_622 : i32
        %get3A_624 = arith.index_cast %add3A_623 : i32 to index
        %get3A_625 = arith.constant 32 : index
        %get3A_626 = tpu.vector_load %arg6[%get3A_624, %get3A_625] {strides = array<i32>} : memref<384x128xf32, #tpu.memory_space<vmem>>, vector<1x16xf32>,
        %get3A_627 = vector.shape_cast %get3A_626 : vector<1x16xf32> to vector<16xf32>
        %lt3A_628 = arith.cmpf olt, %get3A_627, %get3A_619 : vector<16xf32>
        %min3A_629 = arith.minimumf %get3A_619, %get3A_627 : vector<16xf32>
        %select_n3A_630 = arith.select %lt3A_628, %broadcast_in_dim3A_573, %broadcast_in_dim3A_570 : vector<16xi1>, vector<16xi32>
        %lt3A_631 = arith.cmpf olt, %min3A_629, %min3A_460 : vector<16xf32>
        %select_n3A_632 = arith.select %lt3A_631, %select_n3A_630, %select_n3A_459 : vector<16xi1>, vector<16xi32>
        %min3A_633 = arith.minimumf %min3A_460, %min3A_629 : vector<16xf32>
        %mul3A_634 = arith.constant 2 : i32
        %mul3A_635 = arith.muli %mul3A_634, %scan3A_562 : i32
        %get3A_636 = arith.index_cast %mul3A_635 : i32 to index
        %get3A_637 = arith.constant 48 : index
        %get3A_638 = tpu.vector_load %arg6[%get3A_636, %get3A_637] {strides = array<i32>} : memref<384x128xf32, #tpu.memory_space<vmem>>, vector<1x16xf32>,
        %get3A_639 = vector.shape_cast %get3A_638 : vector<1x16xf32> to vector<16xf32>
        %mul3A_640 = arith.constant 2 : i32
        %mul3A_641 = arith.muli %mul3A_640, %scan3A_562 : i32
        %add3A_642 = arith.constant 1 : i32
        %add3A_643 = arith.addi %mul3A_641, %add3A_642 : i32
        %get3A_644 = arith.index_cast %add3A_643 : i32 to index
        %get3A_645 = arith.constant 48 : index
        %get3A_646 = tpu.vector_load %arg6[%get3A_644, %get3A_645] {strides = array<i32>} : memref<384x128xf32, #tpu.memory_space<vmem>>, vector<1x16xf32>,
        %get3A_647 = vector.shape_cast %get3A_646 : vector<1x16xf32> to vector<16xf32>
        %lt3A_648 = arith.cmpf olt, %get3A_647, %get3A_639 : vector<16xf32>
        %min3A_649 = arith.minimumf %get3A_639, %get3A_647 : vector<16xf32>
        %select_n3A_650 = arith.select %lt3A_648, %broadcast_in_dim3A_573, %broadcast_in_dim3A_570 : vector<16xi1>, vector<16xi32>
        %lt3A_651 = arith.cmpf olt, %min3A_649, %min3A_480 : vector<16xf32>
        %select_n3A_652 = arith.select %lt3A_651, %select_n3A_650, %select_n3A_479 : vector<16xi1>, vector<16xi32>
        %min3A_653 = arith.minimumf %min3A_480, %min3A_649 : vector<16xf32>
        %mul3A_654 = arith.constant 2 : i32
        %mul3A_655 = arith.muli %mul3A_654, %scan3A_562 : i32
        %get3A_656 = arith.index_cast %mul3A_655 : i32 to index
        %get3A_657 = arith.constant 64 : index
        %get3A_658 = tpu.vector_load %arg6[%get3A_656, %get3A_657] {strides = array<i32>} : memref<384x128xf32, #tpu.memory_space<vmem>>, vector<1x16xf32>,
        %get3A_659 = vector.shape_cast %get3A_658 : vector<1x16xf32> to vector<16xf32>
        %mul3A_660 = arith.constant 2 : i32
        %mul3A_661 = arith.muli %mul3A_660, %scan3A_562 : i32
        %add3A_662 = arith.constant 1 : i32
        %add3A_663 = arith.addi %mul3A_661, %add3A_662 : i32
        %get3A_664 = arith.index_cast %add3A_663 : i32 to index
        %get3A_665 = arith.constant 64 : index
        %get3A_666 = tpu.vector_load %arg6[%get3A_664, %get3A_665] {strides = array<i32>} : memref<384x128xf32, #tpu.memory_space<vmem>>, vector<1x16xf32>,
        %get3A_667 = vector.shape_cast %get3A_666 : vector<1x16xf32> to vector<16xf32>
        %lt3A_668 = arith.cmpf olt, %get3A_667, %get3A_659 : vector<16xf32>
        %min3A_669 = arith.minimumf %get3A_659, %get3A_667 : vector<16xf32>
        %select_n3A_670 = arith.select %lt3A_668, %broadcast_in_dim3A_573, %broadcast_in_dim3A_570 : vector<16xi1>, vector<16xi32>
        %lt3A_671 = arith.cmpf olt, %min3A_669, %min3A_500 : vector<16xf32>
        %select_n3A_672 = arith.select %lt3A_671, %select_n3A_670, %select_n3A_499 : vector<16xi1>, vector<16xi32>
        %min3A_673 = arith.minimumf %min3A_500, %min3A_669 : vector<16xf32>
        %mul3A_674 = arith.constant 2 : i32
        %mul3A_675 = arith.muli %mul3A_674, %scan3A_562 : i32
        %get3A_676 = arith.index_cast %mul3A_675 : i32 to index
        %get3A_677 = arith.constant 80 : index
        %get3A_678 = tpu.vector_load %arg6[%get3A_676, %get3A_677] {strides = array<i32>} : memref<384x128xf32, #tpu.memory_space<vmem>>, vector<1x16xf32>,
        %get3A_679 = vector.shape_cast %get3A_678 : vector<1x16xf32> to vector<16xf32>
        %mul3A_680 = arith.constant 2 : i32
        %mul3A_681 = arith.muli %mul3A_680, %scan3A_562 : i32
        %add3A_682 = arith.constant 1 : i32
        %add3A_683 = arith.addi %mul3A_681, %add3A_682 : i32
        %get3A_684 = arith.index_cast %add3A_683 : i32 to index
        %get3A_685 = arith.constant 80 : index
        %get3A_686 = tpu.vector_load %arg6[%get3A_684, %get3A_685] {strides = array<i32>} : memref<384x128xf32, #tpu.memory_space<vmem>>, vector<1x16xf32>,
        %get3A_687 = vector.shape_cast %get3A_686 : vector<1x16xf32> to vector<16xf32>
        %lt3A_688 = arith.cmpf olt, %get3A_687, %get3A_679 : vector<16xf32>
        %min3A_689 = arith.minimumf %get3A_679, %get3A_687 : vector<16xf32>
        %select_n3A_690 = arith.select %lt3A_688, %broadcast_in_dim3A_573, %broadcast_in_dim3A_570 : vector<16xi1>, vector<16xi32>
        %lt3A_691 = arith.cmpf olt, %min3A_689, %min3A_520 : vector<16xf32>
        %select_n3A_692 = arith.select %lt3A_691, %select_n3A_690, %select_n3A_519 : vector<16xi1>, vector<16xi32>
        %min3A_693 = arith.minimumf %min3A_520, %min3A_689 : vector<16xf32>
        %mul3A_694 = arith.constant 2 : i32
        %mul3A_695 = arith.muli %mul3A_694, %scan3A_562 : i32
        %get3A_696 = arith.index_cast %mul3A_695 : i32 to index
        %get3A_697 = arith.constant 96 : index
        %get3A_698 = tpu.vector_load %arg6[%get3A_696, %get3A_697] {strides = array<i32>} : memref<384x128xf32, #tpu.memory_space<vmem>>, vector<1x16xf32>,
        %get3A_699 = vector.shape_cast %get3A_698 : vector<1x16xf32> to vector<16xf32>
        %mul3A_700 = arith.constant 2 : i32
        %mul3A_701 = arith.muli %mul3A_700, %scan3A_562 : i32
        %add3A_702 = arith.constant 1 : i32
        %add3A_703 = arith.addi %mul3A_701, %add3A_702 : i32
        %get3A_704 = arith.index_cast %add3A_703 : i32 to index
        %get3A_705 = arith.constant 96 : index
        %get3A_706 = tpu.vector_load %arg6[%get3A_704, %get3A_705] {strides = array<i32>} : memref<384x128xf32, #tpu.memory_space<vmem>>, vector<1x16xf32>,
        %get3A_707 = vector.shape_cast %get3A_706 : vector<1x16xf32> to vector<16xf32>
        %lt3A_708 = arith.cmpf olt, %get3A_707, %get3A_699 : vector<16xf32>
        %min3A_709 = arith.minimumf %get3A_699, %get3A_707 : vector<16xf32>
        %select_n3A_710 = arith.select %lt3A_708, %broadcast_in_dim3A_573, %broadcast_in_dim3A_570 : vector<16xi1>, vector<16xi32>
        %lt3A_711 = arith.cmpf olt, %min3A_709, %min3A_540 : vector<16xf32>
        %select_n3A_712 = arith.select %lt3A_711, %select_n3A_710, %select_n3A_539 : vector<16xi1>, vector<16xi32>
        %min3A_713 = arith.minimumf %min3A_540, %min3A_709 : vector<16xf32>
        %mul3A_714 = arith.constant 2 : i32
        %mul3A_715 = arith.muli %mul3A_714, %scan3A_562 : i32
        %get3A_716 = arith.index_cast %mul3A_715 : i32 to index
        %get3A_717 = arith.constant 112 : index
        %get3A_718 = tpu.vector_load %arg6[%get3A_716, %get3A_717] {strides = array<i32>} : memref<384x128xf32, #tpu.memory_space<vmem>>, vector<1x16xf32>,
        %get3A_719 = vector.shape_cast %get3A_718 : vector<1x16xf32> to vector<16xf32>
        %mul3A_720 = arith.constant 2 : i32
        %mul3A_721 = arith.muli %mul3A_720, %scan3A_562 : i32
        %add3A_722 = arith.constant 1 : i32
        %add3A_723 = arith.addi %mul3A_721, %add3A_722 : i32
        %get3A_724 = arith.index_cast %add3A_723 : i32 to index
        %get3A_725 = arith.constant 112 : index
        %get3A_726 = tpu.vector_load %arg6[%get3A_724, %get3A_725] {strides = array<i32>} : memref<384x128xf32, #tpu.memory_space<vmem>>, vector<1x16xf32>,
        %get3A_727 = vector.shape_cast %get3A_726 : vector<1x16xf32> to vector<16xf32>
        %lt3A_728 = arith.cmpf olt, %get3A_727, %get3A_719 : vector<16xf32>
        %min3A_729 = arith.minimumf %get3A_719, %get3A_727 : vector<16xf32>
        %select_n3A_730 = arith.select %lt3A_728, %broadcast_in_dim3A_573, %broadcast_in_dim3A_570 : vector<16xi1>, vector<16xi32>
        %lt3A_731 = arith.cmpf olt, %min3A_729, %min3A_560 : vector<16xf32>
        %select_n3A_732 = arith.select %lt3A_731, %select_n3A_730, %select_n3A_559 : vector<16xi1>, vector<16xi32>
        %min3A_733 = arith.minimumf %min3A_560, %min3A_729 : vector<16xf32>
        %scan3A_734 = arith.constant 2 : i32
        %scan3A_735 = arith.addi %scan3A_376, %scan3A_734 : i32
        %mul3A_736 = arith.constant 384 : i32
        %mul3A_737 = arith.muli %add3A_352, %mul3A_736 : i32
        %add3A_738 = arith.constant 3584 : i32
        %add3A_739 = arith.addi %add3A_738, %mul3A_737 : i32
        %mul3A_740 = arith.constant 2 : i32
        %mul3A_741 = arith.muli %mul3A_740, %scan3A_735 : i32
        %add3A_742 = arith.addi %add3A_739, %mul3A_741 : i32
        %broadcast_in_dim3A_743 = vector.broadcast %add3A_742 : i32 to vector<16xi32>
        %add3A_744 = arith.constant 1 : i32
        %add3A_745 = arith.addi %add3A_742, %add3A_744 : i32
        %broadcast_in_dim3A_746 = vector.broadcast %add3A_745 : i32 to vector<16xi32>
        %mul3A_747 = arith.constant 2 : i32
        %mul3A_748 = arith.muli %mul3A_747, %scan3A_735 : i32
        %get3A_749 = arith.index_cast %mul3A_748 : i32 to index
        %get3A_750 = arith.constant 0 : index
        %get3A_751 = tpu.vector_load %arg6[%get3A_749, %get3A_750] {strides = array<i32>} : memref<384x128xf32, #tpu.memory_space<vmem>>, vector<1x16xf32>,
        %get3A_752 = vector.shape_cast %get3A_751 : vector<1x16xf32> to vector<16xf32>
        %mul3A_753 = arith.constant 2 : i32
        %mul3A_754 = arith.muli %mul3A_753, %scan3A_735 : i32
        %add3A_755 = arith.constant 1 : i32
        %add3A_756 = arith.addi %mul3A_754, %add3A_755 : i32
        %get3A_757 = arith.index_cast %add3A_756 : i32 to index
        %get3A_758 = arith.constant 0 : index
        %get3A_759 = tpu.vector_load %arg6[%get3A_757, %get3A_758] {strides = array<i32>} : memref<384x128xf32, #tpu.memory_space<vmem>>, vector<1x16xf32>,
        %get3A_760 = vector.shape_cast %get3A_759 : vector<1x16xf32> to vector<16xf32>
        %lt3A_761 = arith.cmpf olt, %get3A_760, %get3A_752 : vector<16xf32>
        %min3A_762 = arith.minimumf %get3A_752, %get3A_760 : vector<16xf32>
        %select_n3A_763 = arith.select %lt3A_761, %broadcast_in_dim3A_746, %broadcast_in_dim3A_743 : vector<16xi1>, vector<16xi32>
        %lt3A_764 = arith.cmpf olt, %min3A_762, %min3A_593 : vector<16xf32>
        %select_n3A_765 = arith.select %lt3A_764, %select_n3A_763, %select_n3A_592 : vector<16xi1>, vector<16xi32>
        %min3A_766 = arith.minimumf %min3A_593, %min3A_762 : vector<16xf32>
        %mul3A_767 = arith.constant 2 : i32
        %mul3A_768 = arith.muli %mul3A_767, %scan3A_735 : i32
        %get3A_769 = arith.index_cast %mul3A_768 : i32 to index
        %get3A_770 = arith.constant 16 : index
        %get3A_771 = tpu.vector_load %arg6[%get3A_769, %get3A_770] {strides = array<i32>} : memref<384x128xf32, #tpu.memory_space<vmem>>, vector<1x16xf32>,
        %get3A_772 = vector.shape_cast %get3A_771 : vector<1x16xf32> to vector<16xf32>
        %mul3A_773 = arith.constant 2 : i32
        %mul3A_774 = arith.muli %mul3A_773, %scan3A_735 : i32
        %add3A_775 = arith.constant 1 : i32
        %add3A_776 = arith.addi %mul3A_774, %add3A_775 : i32
        %get3A_777 = arith.index_cast %add3A_776 : i32 to index
        %get3A_778 = arith.constant 16 : index
        %get3A_779 = tpu.vector_load %arg6[%get3A_777, %get3A_778] {strides = array<i32>} : memref<384x128xf32, #tpu.memory_space<vmem>>, vector<1x16xf32>,
        %get3A_780 = vector.shape_cast %get3A_779 : vector<1x16xf32> to vector<16xf32>
        %lt3A_781 = arith.cmpf olt, %get3A_780, %get3A_772 : vector<16xf32>
        %min3A_782 = arith.minimumf %get3A_772, %get3A_780 : vector<16xf32>
        %select_n3A_783 = arith.select %lt3A_781, %broadcast_in_dim3A_746, %broadcast_in_dim3A_743 : vector<16xi1>, vector<16xi32>
        %lt3A_784 = arith.cmpf olt, %min3A_782, %min3A_613 : vector<16xf32>
        %select_n3A_785 = arith.select %lt3A_784, %select_n3A_783, %select_n3A_612 : vector<16xi1>, vector<16xi32>
        %min3A_786 = arith.minimumf %min3A_613, %min3A_782 : vector<16xf32>
        %mul3A_787 = arith.constant 2 : i32
        %mul3A_788 = arith.muli %mul3A_787, %scan3A_735 : i32
        %get3A_789 = arith.index_cast %mul3A_788 : i32 to index
        %get3A_790 = arith.constant 32 : index
        %get3A_791 = tpu.vector_load %arg6[%get3A_789, %get3A_790] {strides = array<i32>} : memref<384x128xf32, #tpu.memory_space<vmem>>, vector<1x16xf32>,
        %get3A_792 = vector.shape_cast %get3A_791 : vector<1x16xf32> to vector<16xf32>
        %mul3A_793 = arith.constant 2 : i32
        %mul3A_794 = arith.muli %mul3A_793, %scan3A_735 : i32
        %add3A_795 = arith.constant 1 : i32
        %add3A_796 = arith.addi %mul3A_794, %add3A_795 : i32
        %get3A_797 = arith.index_cast %add3A_796 : i32 to index
        %get3A_798 = arith.constant 32 : index
        %get3A_799 = tpu.vector_load %arg6[%get3A_797, %get3A_798] {strides = array<i32>} : memref<384x128xf32, #tpu.memory_space<vmem>>, vector<1x16xf32>,
        %get3A_800 = vector.shape_cast %get3A_799 : vector<1x16xf32> to vector<16xf32>
        %lt3A_801 = arith.cmpf olt, %get3A_800, %get3A_792 : vector<16xf32>
        %min3A_802 = arith.minimumf %get3A_792, %get3A_800 : vector<16xf32>
        %select_n3A_803 = arith.select %lt3A_801, %broadcast_in_dim3A_746, %broadcast_in_dim3A_743 : vector<16xi1>, vector<16xi32>
        %lt3A_804 = arith.cmpf olt, %min3A_802, %min3A_633 : vector<16xf32>
        %select_n3A_805 = arith.select %lt3A_804, %select_n3A_803, %select_n3A_632 : vector<16xi1>, vector<16xi32>
        %min3A_806 = arith.minimumf %min3A_633, %min3A_802 : vector<16xf32>
        %mul3A_807 = arith.constant 2 : i32
        %mul3A_808 = arith.muli %mul3A_807, %scan3A_735 : i32
        %get3A_809 = arith.index_cast %mul3A_808 : i32 to index
        %get3A_810 = arith.constant 48 : index
        %get3A_811 = tpu.vector_load %arg6[%get3A_809, %get3A_810] {strides = array<i32>} : memref<384x128xf32, #tpu.memory_space<vmem>>, vector<1x16xf32>,
        %get3A_812 = vector.shape_cast %get3A_811 : vector<1x16xf32> to vector<16xf32>
        %mul3A_813 = arith.constant 2 : i32
        %mul3A_814 = arith.muli %mul3A_813, %scan3A_735 : i32
        %add3A_815 = arith.constant 1 : i32
        %add3A_816 = arith.addi %mul3A_814, %add3A_815 : i32
        %get3A_817 = arith.index_cast %add3A_816 : i32 to index
        %get3A_818 = arith.constant 48 : index
        %get3A_819 = tpu.vector_load %arg6[%get3A_817, %get3A_818] {strides = array<i32>} : memref<384x128xf32, #tpu.memory_space<vmem>>, vector<1x16xf32>,
        %get3A_820 = vector.shape_cast %get3A_819 : vector<1x16xf32> to vector<16xf32>
        %lt3A_821 = arith.cmpf olt, %get3A_820, %get3A_812 : vector<16xf32>
        %min3A_822 = arith.minimumf %get3A_812, %get3A_820 : vector<16xf32>
        %select_n3A_823 = arith.select %lt3A_821, %broadcast_in_dim3A_746, %broadcast_in_dim3A_743 : vector<16xi1>, vector<16xi32>
        %lt3A_824 = arith.cmpf olt, %min3A_822, %min3A_653 : vector<16xf32>
        %select_n3A_825 = arith.select %lt3A_824, %select_n3A_823, %select_n3A_652 : vector<16xi1>, vector<16xi32>
        %min3A_826 = arith.minimumf %min3A_653, %min3A_822 : vector<16xf32>
        %mul3A_827 = arith.constant 2 : i32
        %mul3A_828 = arith.muli %mul3A_827, %scan3A_735 : i32
        %get3A_829 = arith.index_cast %mul3A_828 : i32 to index
        %get3A_830 = arith.constant 64 : index
        %get3A_831 = tpu.vector_load %arg6[%get3A_829, %get3A_830] {strides = array<i32>} : memref<384x128xf32, #tpu.memory_space<vmem>>, vector<1x16xf32>,
        %get3A_832 = vector.shape_cast %get3A_831 : vector<1x16xf32> to vector<16xf32>
        %mul3A_833 = arith.constant 2 : i32
        %mul3A_834 = arith.muli %mul3A_833, %scan3A_735 : i32
        %add3A_835 = arith.constant 1 : i32
        %add3A_836 = arith.addi %mul3A_834, %add3A_835 : i32
        %get3A_837 = arith.index_cast %add3A_836 : i32 to index
        %get3A_838 = arith.constant 64 : index
        %get3A_839 = tpu.vector_load %arg6[%get3A_837, %get3A_838] {strides = array<i32>} : memref<384x128xf32, #tpu.memory_space<vmem>>, vector<1x16xf32>,
        %get3A_840 = vector.shape_cast %get3A_839 : vector<1x16xf32> to vector<16xf32>
        %lt3A_841 = arith.cmpf olt, %get3A_840, %get3A_832 : vector<16xf32>
        %min3A_842 = arith.minimumf %get3A_832, %get3A_840 : vector<16xf32>
        %select_n3A_843 = arith.select %lt3A_841, %broadcast_in_dim3A_746, %broadcast_in_dim3A_743 : vector<16xi1>, vector<16xi32>
        %lt3A_844 = arith.cmpf olt, %min3A_842, %min3A_673 : vector<16xf32>
        %select_n3A_845 = arith.select %lt3A_844, %select_n3A_843, %select_n3A_672 : vector<16xi1>, vector<16xi32>
        %min3A_846 = arith.minimumf %min3A_673, %min3A_842 : vector<16xf32>
        %mul3A_847 = arith.constant 2 : i32
        %mul3A_848 = arith.muli %mul3A_847, %scan3A_735 : i32
        %get3A_849 = arith.index_cast %mul3A_848 : i32 to index
        %get3A_850 = arith.constant 80 : index
        %get3A_851 = tpu.vector_load %arg6[%get3A_849, %get3A_850] {strides = array<i32>} : memref<384x128xf32, #tpu.memory_space<vmem>>, vector<1x16xf32>,
        %get3A_852 = vector.shape_cast %get3A_851 : vector<1x16xf32> to vector<16xf32>
        %mul3A_853 = arith.constant 2 : i32
        %mul3A_854 = arith.muli %mul3A_853, %scan3A_735 : i32
        %add3A_855 = arith.constant 1 : i32
        %add3A_856 = arith.addi %mul3A_854, %add3A_855 : i32
        %get3A_857 = arith.index_cast %add3A_856 : i32 to index
        %get3A_858 = arith.constant 80 : index
        %get3A_859 = tpu.vector_load %arg6[%get3A_857, %get3A_858] {strides = array<i32>} : memref<384x128xf32, #tpu.memory_space<vmem>>, vector<1x16xf32>,
        %get3A_860 = vector.shape_cast %get3A_859 : vector<1x16xf32> to vector<16xf32>
        %lt3A_861 = arith.cmpf olt, %get3A_860, %get3A_852 : vector<16xf32>
        %min3A_862 = arith.minimumf %get3A_852, %get3A_860 : vector<16xf32>
        %select_n3A_863 = arith.select %lt3A_861, %broadcast_in_dim3A_746, %broadcast_in_dim3A_743 : vector<16xi1>, vector<16xi32>
        %lt3A_864 = arith.cmpf olt, %min3A_862, %min3A_693 : vector<16xf32>
        %select_n3A_865 = arith.select %lt3A_864, %select_n3A_863, %select_n3A_692 : vector<16xi1>, vector<16xi32>
        %min3A_866 = arith.minimumf %min3A_693, %min3A_862 : vector<16xf32>
        %mul3A_867 = arith.constant 2 : i32
        %mul3A_868 = arith.muli %mul3A_867, %scan3A_735 : i32
        %get3A_869 = arith.index_cast %mul3A_868 : i32 to index
        %get3A_870 = arith.constant 96 : index
        %get3A_871 = tpu.vector_load %arg6[%get3A_869, %get3A_870] {strides = array<i32>} : memref<384x128xf32, #tpu.memory_space<vmem>>, vector<1x16xf32>,
        %get3A_872 = vector.shape_cast %get3A_871 : vector<1x16xf32> to vector<16xf32>
        %mul3A_873 = arith.constant 2 : i32
        %mul3A_874 = arith.muli %mul3A_873, %scan3A_735 : i32
        %add3A_875 = arith.constant 1 : i32
        %add3A_876 = arith.addi %mul3A_874, %add3A_875 : i32
        %get3A_877 = arith.index_cast %add3A_876 : i32 to index
        %get3A_878 = arith.constant 96 : index
        %get3A_879 = tpu.vector_load %arg6[%get3A_877, %get3A_878] {strides = array<i32>} : memref<384x128xf32, #tpu.memory_space<vmem>>, vector<1x16xf32>,
        %get3A_880 = vector.shape_cast %get3A_879 : vector<1x16xf32> to vector<16xf32>
        %lt3A_881 = arith.cmpf olt, %get3A_880, %get3A_872 : vector<16xf32>
        %min3A_882 = arith.minimumf %get3A_872, %get3A_880 : vector<16xf32>
        %select_n3A_883 = arith.select %lt3A_881, %broadcast_in_dim3A_746, %broadcast_in_dim3A_743 : vector<16xi1>, vector<16xi32>
        %lt3A_884 = arith.cmpf olt, %min3A_882, %min3A_713 : vector<16xf32>
        %select_n3A_885 = arith.select %lt3A_884, %select_n3A_883, %select_n3A_712 : vector<16xi1>, vector<16xi32>
        %min3A_886 = arith.minimumf %min3A_713, %min3A_882 : vector<16xf32>
        %mul3A_887 = arith.constant 2 : i32
        %mul3A_888 = arith.muli %mul3A_887, %scan3A_735 : i32
        %get3A_889 = arith.index_cast %mul3A_888 : i32 to index
        %get3A_890 = arith.constant 112 : index
        %get3A_891 = tpu.vector_load %arg6[%get3A_889, %get3A_890] {strides = array<i32>} : memref<384x128xf32, #tpu.memory_space<vmem>>, vector<1x16xf32>,
        %get3A_892 = vector.shape_cast %get3A_891 : vector<1x16xf32> to vector<16xf32>
        %mul3A_893 = arith.constant 2 : i32
        %mul3A_894 = arith.muli %mul3A_893, %scan3A_735 : i32
        %add3A_895 = arith.constant 1 : i32
        %add3A_896 = arith.addi %mul3A_894, %add3A_895 : i32
        %get3A_897 = arith.index_cast %add3A_896 : i32 to index
        %get3A_898 = arith.constant 112 : index
        %get3A_899 = tpu.vector_load %arg6[%get3A_897, %get3A_898] {strides = array<i32>} : memref<384x128xf32, #tpu.memory_space<vmem>>, vector<1x16xf32>,
        %get3A_900 = vector.shape_cast %get3A_899 : vector<1x16xf32> to vector<16xf32>
        %lt3A_901 = arith.cmpf olt, %get3A_900, %get3A_892 : vector<16xf32>
        %min3A_902 = arith.minimumf %get3A_892, %get3A_900 : vector<16xf32>
        %select_n3A_903 = arith.select %lt3A_901, %broadcast_in_dim3A_746, %broadcast_in_dim3A_743 : vector<16xi1>, vector<16xi32>
        %lt3A_904 = arith.cmpf olt, %min3A_902, %min3A_733 : vector<16xf32>
        %select_n3A_905 = arith.select %lt3A_904, %select_n3A_903, %select_n3A_732 : vector<16xi1>, vector<16xi32>
        %min3A_906 = arith.minimumf %min3A_733, %min3A_902 : vector<16xf32>
        %scan3A_907 = arith.constant 3 : i32
        %scan3A_908 = arith.addi %scan3A_376, %scan3A_907 : i32
        %mul3A_909 = arith.constant 384 : i32
        %mul3A_910 = arith.muli %add3A_352, %mul3A_909 : i32
        %add3A_911 = arith.constant 3584 : i32
        %add3A_912 = arith.addi %add3A_911, %mul3A_910 : i32
        %mul3A_913 = arith.constant 2 : i32
        %mul3A_914 = arith.muli %mul3A_913, %scan3A_908 : i32
        %add3A_915 = arith.addi %add3A_912, %mul3A_914 : i32
        %broadcast_in_dim3A_916 = vector.broadcast %add3A_915 : i32 to vector<16xi32>
        %add3A_917 = arith.constant 1 : i32
        %add3A_918 = arith.addi %add3A_915, %add3A_917 : i32
        %broadcast_in_dim3A_919 = vector.broadcast %add3A_918 : i32 to vector<16xi32>
        %mul3A_920 = arith.constant 2 : i32
        %mul3A_921 = arith.muli %mul3A_920, %scan3A_908 : i32
        %get3A_922 = arith.index_cast %mul3A_921 : i32 to index
        %get3A_923 = arith.constant 0 : index
        %get3A_924 = tpu.vector_load %arg6[%get3A_922, %get3A_923] {strides = array<i32>} : memref<384x128xf32, #tpu.memory_space<vmem>>, vector<1x16xf32>,
        %get3A_925 = vector.shape_cast %get3A_924 : vector<1x16xf32> to vector<16xf32>
        %mul3A_926 = arith.constant 2 : i32
        %mul3A_927 = arith.muli %mul3A_926, %scan3A_908 : i32
        %add3A_928 = arith.constant 1 : i32
        %add3A_929 = arith.addi %mul3A_927, %add3A_928 : i32
        %get3A_930 = arith.index_cast %add3A_929 : i32 to index
        %get3A_931 = arith.constant 0 : index
        %get3A_932 = tpu.vector_load %arg6[%get3A_930, %get3A_931] {strides = array<i32>} : memref<384x128xf32, #tpu.memory_space<vmem>>, vector<1x16xf32>,
        %get3A_933 = vector.shape_cast %get3A_932 : vector<1x16xf32> to vector<16xf32>
        %lt3A_934 = arith.cmpf olt, %get3A_933, %get3A_925 : vector<16xf32>
        %min3A_935 = arith.minimumf %get3A_925, %get3A_933 : vector<16xf32>
        %select_n3A_936 = arith.select %lt3A_934, %broadcast_in_dim3A_919, %broadcast_in_dim3A_916 : vector<16xi1>, vector<16xi32>
        %lt3A_937 = arith.cmpf olt, %min3A_935, %min3A_766 : vector<16xf32>
        %select_n3A_938 = arith.select %lt3A_937, %select_n3A_936, %select_n3A_765 : vector<16xi1>, vector<16xi32>
        %min3A_939 = arith.minimumf %min3A_766, %min3A_935 : vector<16xf32>
        %mul3A_940 = arith.constant 2 : i32
        %mul3A_941 = arith.muli %mul3A_940, %scan3A_908 : i32
        %get3A_942 = arith.index_cast %mul3A_941 : i32 to index
        %get3A_943 = arith.constant 16 : index
        %get3A_944 = tpu.vector_load %arg6[%get3A_942, %get3A_943] {strides = array<i32>} : memref<384x128xf32, #tpu.memory_space<vmem>>, vector<1x16xf32>,
        %get3A_945 = vector.shape_cast %get3A_944 : vector<1x16xf32> to vector<16xf32>
        %mul3A_946 = arith.constant 2 : i32
        %mul3A_947 = arith.muli %mul3A_946, %scan3A_908 : i32
        %add3A_948 = arith.constant 1 : i32
        %add3A_949 = arith.addi %mul3A_947, %add3A_948 : i32
        %get3A_950 = arith.index_cast %add3A_949 : i32 to index
        %get3A_951 = arith.constant 16 : index
        %get3A_952 = tpu.vector_load %arg6[%get3A_950, %get3A_951] {strides = array<i32>} : memref<384x128xf32, #tpu.memory_space<vmem>>, vector<1x16xf32>,
        %get3A_953 = vector.shape_cast %get3A_952 : vector<1x16xf32> to vector<16xf32>
        %lt3A_954 = arith.cmpf olt, %get3A_953, %get3A_945 : vector<16xf32>
        %min3A_955 = arith.minimumf %get3A_945, %get3A_953 : vector<16xf32>
        %select_n3A_956 = arith.select %lt3A_954, %broadcast_in_dim3A_919, %broadcast_in_dim3A_916 : vector<16xi1>, vector<16xi32>
        %lt3A_957 = arith.cmpf olt, %min3A_955, %min3A_786 : vector<16xf32>
        %select_n3A_958 = arith.select %lt3A_957, %select_n3A_956, %select_n3A_785 : vector<16xi1>, vector<16xi32>
        %min3A_959 = arith.minimumf %min3A_786, %min3A_955 : vector<16xf32>
        %mul3A_960 = arith.constant 2 : i32
        %mul3A_961 = arith.muli %mul3A_960, %scan3A_908 : i32
        %get3A_962 = arith.index_cast %mul3A_961 : i32 to index
        %get3A_963 = arith.constant 32 : index
        %get3A_964 = tpu.vector_load %arg6[%get3A_962, %get3A_963] {strides = array<i32>} : memref<384x128xf32, #tpu.memory_space<vmem>>, vector<1x16xf32>,
        %get3A_965 = vector.shape_cast %get3A_964 : vector<1x16xf32> to vector<16xf32>
        %mul3A_966 = arith.constant 2 : i32
        %mul3A_967 = arith.muli %mul3A_966, %scan3A_908 : i32
        %add3A_968 = arith.constant 1 : i32
        %add3A_969 = arith.addi %mul3A_967, %add3A_968 : i32
        %get3A_970 = arith.index_cast %add3A_969 : i32 to index
        %get3A_971 = arith.constant 32 : index
        %get3A_972 = tpu.vector_load %arg6[%get3A_970, %get3A_971] {strides = array<i32>} : memref<384x128xf32, #tpu.memory_space<vmem>>, vector<1x16xf32>,
        %get3A_973 = vector.shape_cast %get3A_972 : vector<1x16xf32> to vector<16xf32>
        %lt3A_974 = arith.cmpf olt, %get3A_973, %get3A_965 : vector<16xf32>
        %min3A_975 = arith.minimumf %get3A_965, %get3A_973 : vector<16xf32>
        %select_n3A_976 = arith.select %lt3A_974, %broadcast_in_dim3A_919, %broadcast_in_dim3A_916 : vector<16xi1>, vector<16xi32>
        %lt3A_977 = arith.cmpf olt, %min3A_975, %min3A_806 : vector<16xf32>
        %select_n3A_978 = arith.select %lt3A_977, %select_n3A_976, %select_n3A_805 : vector<16xi1>, vector<16xi32>
        %min3A_979 = arith.minimumf %min3A_806, %min3A_975 : vector<16xf32>
        %mul3A_980 = arith.constant 2 : i32
        %mul3A_981 = arith.muli %mul3A_980, %scan3A_908 : i32
        %get3A_982 = arith.index_cast %mul3A_981 : i32 to index
        %get3A_983 = arith.constant 48 : index
        %get3A_984 = tpu.vector_load %arg6[%get3A_982, %get3A_983] {strides = array<i32>} : memref<384x128xf32, #tpu.memory_space<vmem>>, vector<1x16xf32>,
        %get3A_985 = vector.shape_cast %get3A_984 : vector<1x16xf32> to vector<16xf32>
        %mul3A_986 = arith.constant 2 : i32
        %mul3A_987 = arith.muli %mul3A_986, %scan3A_908 : i32
        %add3A_988 = arith.constant 1 : i32
        %add3A_989 = arith.addi %mul3A_987, %add3A_988 : i32
        %get3A_990 = arith.index_cast %add3A_989 : i32 to index
        %get3A_991 = arith.constant 48 : index
        %get3A_992 = tpu.vector_load %arg6[%get3A_990, %get3A_991] {strides = array<i32>} : memref<384x128xf32, #tpu.memory_space<vmem>>, vector<1x16xf32>,
        %get3A_993 = vector.shape_cast %get3A_992 : vector<1x16xf32> to vector<16xf32>
        %lt3A_994 = arith.cmpf olt, %get3A_993, %get3A_985 : vector<16xf32>
        %min3A_995 = arith.minimumf %get3A_985, %get3A_993 : vector<16xf32>
        %select_n3A_996 = arith.select %lt3A_994, %broadcast_in_dim3A_919, %broadcast_in_dim3A_916 : vector<16xi1>, vector<16xi32>
        %lt3A_997 = arith.cmpf olt, %min3A_995, %min3A_826 : vector<16xf32>
        %select_n3A_998 = arith.select %lt3A_997, %select_n3A_996, %select_n3A_825 : vector<16xi1>, vector<16xi32>
        %min3A_999 = arith.minimumf %min3A_826, %min3A_995 : vector<16xf32>
        %mul3A_1000 = arith.constant 2 : i32
        %mul3A_1001 = arith.muli %mul3A_1000, %scan3A_908 : i32
        %get3A_1002 = arith.index_cast %mul3A_1001 : i32 to index
        %get3A_1003 = arith.constant 64 : index
        %get3A_1004 = tpu.vector_load %arg6[%get3A_1002, %get3A_1003] {strides = array<i32>} : memref<384x128xf32, #tpu.memory_space<vmem>>, vector<1x16xf32>,
        %get3A_1005 = vector.shape_cast %get3A_1004 : vector<1x16xf32> to vector<16xf32>
        %mul3A_1006 = arith.constant 2 : i32
        %mul3A_1007 = arith.muli %mul3A_1006, %scan3A_908 : i32
        %add3A_1008 = arith.constant 1 : i32
        %add3A_1009 = arith.addi %mul3A_1007, %add3A_1008 : i32
        %get3A_1010 = arith.index_cast %add3A_1009 : i32 to index
        %get3A_1011 = arith.constant 64 : index
        %get3A_1012 = tpu.vector_load %arg6[%get3A_1010, %get3A_1011] {strides = array<i32>} : memref<384x128xf32, #tpu.memory_space<vmem>>, vector<1x16xf32>,
        %get3A_1013 = vector.shape_cast %get3A_1012 : vector<1x16xf32> to vector<16xf32>
        %lt3A_1014 = arith.cmpf olt, %get3A_1013, %get3A_1005 : vector<16xf32>
        %min3A_1015 = arith.minimumf %get3A_1005, %get3A_1013 : vector<16xf32>
        %select_n3A_1016 = arith.select %lt3A_1014, %broadcast_in_dim3A_919, %broadcast_in_dim3A_916 : vector<16xi1>, vector<16xi32>
        %lt3A_1017 = arith.cmpf olt, %min3A_1015, %min3A_846 : vector<16xf32>
        %select_n3A_1018 = arith.select %lt3A_1017, %select_n3A_1016, %select_n3A_845 : vector<16xi1>, vector<16xi32>
        %min3A_1019 = arith.minimumf %min3A_846, %min3A_1015 : vector<16xf32>
        %mul3A_1020 = arith.constant 2 : i32
        %mul3A_1021 = arith.muli %mul3A_1020, %scan3A_908 : i32
        %get3A_1022 = arith.index_cast %mul3A_1021 : i32 to index
        %get3A_1023 = arith.constant 80 : index
        %get3A_1024 = tpu.vector_load %arg6[%get3A_1022, %get3A_1023] {strides = array<i32>} : memref<384x128xf32, #tpu.memory_space<vmem>>, vector<1x16xf32>,
        %get3A_1025 = vector.shape_cast %get3A_1024 : vector<1x16xf32> to vector<16xf32>
        %mul3A_1026 = arith.constant 2 : i32
        %mul3A_1027 = arith.muli %mul3A_1026, %scan3A_908 : i32
        %add3A_1028 = arith.constant 1 : i32
        %add3A_1029 = arith.addi %mul3A_1027, %add3A_1028 : i32
        %get3A_1030 = arith.index_cast %add3A_1029 : i32 to index
        %get3A_1031 = arith.constant 80 : index
        %get3A_1032 = tpu.vector_load %arg6[%get3A_1030, %get3A_1031] {strides = array<i32>} : memref<384x128xf32, #tpu.memory_space<vmem>>, vector<1x16xf32>,
        %get3A_1033 = vector.shape_cast %get3A_1032 : vector<1x16xf32> to vector<16xf32>
        %lt3A_1034 = arith.cmpf olt, %get3A_1033, %get3A_1025 : vector<16xf32>
        %min3A_1035 = arith.minimumf %get3A_1025, %get3A_1033 : vector<16xf32>
        %select_n3A_1036 = arith.select %lt3A_1034, %broadcast_in_dim3A_919, %broadcast_in_dim3A_916 : vector<16xi1>, vector<16xi32>
        %lt3A_1037 = arith.cmpf olt, %min3A_1035, %min3A_866 : vector<16xf32>
        %select_n3A_1038 = arith.select %lt3A_1037, %select_n3A_1036, %select_n3A_865 : vector<16xi1>, vector<16xi32>
        %min3A_1039 = arith.minimumf %min3A_866, %min3A_1035 : vector<16xf32>
        %mul3A_1040 = arith.constant 2 : i32
        %mul3A_1041 = arith.muli %mul3A_1040, %scan3A_908 : i32
        %get3A_1042 = arith.index_cast %mul3A_1041 : i32 to index
        %get3A_1043 = arith.constant 96 : index
        %get3A_1044 = tpu.vector_load %arg6[%get3A_1042, %get3A_1043] {strides = array<i32>} : memref<384x128xf32, #tpu.memory_space<vmem>>, vector<1x16xf32>,
        %get3A_1045 = vector.shape_cast %get3A_1044 : vector<1x16xf32> to vector<16xf32>
        %mul3A_1046 = arith.constant 2 : i32
        %mul3A_1047 = arith.muli %mul3A_1046, %scan3A_908 : i32
        %add3A_1048 = arith.constant 1 : i32
        %add3A_1049 = arith.addi %mul3A_1047, %add3A_1048 : i32
        %get3A_1050 = arith.index_cast %add3A_1049 : i32 to index
        %get3A_1051 = arith.constant 96 : index
        %get3A_1052 = tpu.vector_load %arg6[%get3A_1050, %get3A_1051] {strides = array<i32>} : memref<384x128xf32, #tpu.memory_space<vmem>>, vector<1x16xf32>,
        %get3A_1053 = vector.shape_cast %get3A_1052 : vector<1x16xf32> to vector<16xf32>
        %lt3A_1054 = arith.cmpf olt, %get3A_1053, %get3A_1045 : vector<16xf32>
        %min3A_1055 = arith.minimumf %get3A_1045, %get3A_1053 : vector<16xf32>
        %select_n3A_1056 = arith.select %lt3A_1054, %broadcast_in_dim3A_919, %broadcast_in_dim3A_916 : vector<16xi1>, vector<16xi32>
        %lt3A_1057 = arith.cmpf olt, %min3A_1055, %min3A_886 : vector<16xf32>
        %select_n3A_1058 = arith.select %lt3A_1057, %select_n3A_1056, %select_n3A_885 : vector<16xi1>, vector<16xi32>
        %min3A_1059 = arith.minimumf %min3A_886, %min3A_1055 : vector<16xf32>
        %mul3A_1060 = arith.constant 2 : i32
        %mul3A_1061 = arith.muli %mul3A_1060, %scan3A_908 : i32
        %get3A_1062 = arith.index_cast %mul3A_1061 : i32 to index
        %get3A_1063 = arith.constant 112 : index
        %get3A_1064 = tpu.vector_load %arg6[%get3A_1062, %get3A_1063] {strides = array<i32>} : memref<384x128xf32, #tpu.memory_space<vmem>>, vector<1x16xf32>,
        %get3A_1065 = vector.shape_cast %get3A_1064 : vector<1x16xf32> to vector<16xf32>
        %mul3A_1066 = arith.constant 2 : i32
        %mul3A_1067 = arith.muli %mul3A_1066, %scan3A_908 : i32
        %add3A_1068 = arith.constant 1 : i32
        %add3A_1069 = arith.addi %mul3A_1067, %add3A_1068 : i32
        %get3A_1070 = arith.index_cast %add3A_1069 : i32 to index
        %get3A_1071 = arith.constant 112 : index
        %get3A_1072 = tpu.vector_load %arg6[%get3A_1070, %get3A_1071] {strides = array<i32>} : memref<384x128xf32, #tpu.memory_space<vmem>>, vector<1x16xf32>,
        %get3A_1073 = vector.shape_cast %get3A_1072 : vector<1x16xf32> to vector<16xf32>
        %lt3A_1074 = arith.cmpf olt, %get3A_1073, %get3A_1065 : vector<16xf32>
        %min3A_1075 = arith.minimumf %get3A_1065, %get3A_1073 : vector<16xf32>
        %select_n3A_1076 = arith.select %lt3A_1074, %broadcast_in_dim3A_919, %broadcast_in_dim3A_916 : vector<16xi1>, vector<16xi32>
        %lt3A_1077 = arith.cmpf olt, %min3A_1075, %min3A_906 : vector<16xf32>
        %select_n3A_1078 = arith.select %lt3A_1077, %select_n3A_1076, %select_n3A_905 : vector<16xi1>, vector<16xi32>
        %min3A_1079 = arith.minimumf %min3A_906, %min3A_1075 : vector<16xf32>
        scf.yield %min3A_939, %min3A_959, %min3A_979, %min3A_999, %min3A_1019, %min3A_1039, %min3A_1059, %min3A_1079, %select_n3A_938, %select_n3A_958, %select_n3A_978, %select_n3A_998, %select_n3A_1018, %select_n3A_1038, %select_n3A_1058, %select_n3A_1078 : vector<16xf32>, vector<16xf32>, vector<16xf32>, vector<16xf32>, vector<16xf32>, vector<16xf32>, vector<16xf32>, vector<16xf32>, vector<16xi32>, vector<16xi32>, vector<16xi32>, vector<16xi32>, vector<16xi32>, vector<16xi32>, vector<16xi32>, vector<16xi32>
      }
      %scan3A_368 = arith.constant 192 : i32
      %add3A_369 = arith.constant 2 : i32
      %add3A_370 = arith.addi %add3A_352, %add3A_369 : i32
      %lt3A_371 = arith.constant 12 : i32
      %lt3A_372 = arith.cmpi slt, %add3A_370, %lt3A_371 : i32
      %convert_element_type3A_373 = arith.extui %lt3A_372 : i1 to i32
      %cond3A_374 = arith.constant 0 : i32
      %cond3A_375 = arith.cmpi ne, %convert_element_type3A_373, %cond3A_374 : i32
      scf.if %cond3A_375 {
        %add3A_376 = arith.constant 2 : i32
        %add3A_377 = arith.addi %add3A_352, %add3A_376 : i32
        %mul3A_378 = arith.constant 384 : i32
        %mul3A_379 = arith.muli %add3A_377, %mul3A_378 : i32
        %add3A_380 = arith.constant 3584 : i32
        %add3A_381 = arith.addi %add3A_380, %mul3A_379 : i32
        %dma_start3A_382 = arith.constant 0 : i32
        %dma_start3A_383 = tpu.memref_slice %arg2[%add3A_154, %add3A_381, %dma_start3A_382] : memref<64x8192x128xf32, #tpu.memory_space<hbm>> -> memref<1x384x128xf32, #tpu.memory_space<hbm>>
        %dma_start3A_384 = tpu.memref_squeeze %dma_start3A_383 : memref<1x384x128xf32, #tpu.memory_space<hbm>> -> memref<384x128xf32, #tpu.memory_space<hbm>>
        %dma_start3A_385 = arith.constant 0 : i32
        %dma_start3A_386 = tpu.memref_slice %arg2[%add3A_154, %add3A_381, %dma_start3A_385] : memref<64x8192x128xf32, #tpu.memory_space<hbm>> -> memref<1x384x128xf32, #tpu.memory_space<hbm>>
        %dma_start3A_387 = tpu.memref_squeeze %dma_start3A_386 : memref<1x384x128xf32, #tpu.memory_space<hbm>> -> memref<384x128xf32, #tpu.memory_space<hbm>>
        tpu.enqueue_dma source(%dma_start3A_387 : memref<384x128xf32, #tpu.memory_space<hbm>>) target(%arg6 : memref<384x128xf32, #tpu.memory_space<vmem>>) target_semaphore(%arg10 : memref<!tpu.dma_semaphore, #tpu.memory_space<semaphore_mem>>)
      } else {
      }
      scf.yield %scan3A_367#0, %scan3A_367#1, %scan3A_367#2, %scan3A_367#3, %scan3A_367#4, %scan3A_367#5, %scan3A_367#6, %scan3A_367#7, %scan3A_367#8, %scan3A_367#9, %scan3A_367#10, %scan3A_367#11, %scan3A_367#12, %scan3A_367#13, %scan3A_367#14, %scan3A_367#15 : vector<16xf32>, vector<16xf32>, vector<16xf32>, vector<16xf32>, vector<16xf32>, vector<16xf32>, vector<16xf32>, vector<16xf32>, vector<16xi32>, vector<16xi32>, vector<16xi32>, vector<16xi32>, vector<16xi32>, vector<16xi32>, vector<16xi32>, vector<16xi32>
    }
    %scan3A_208 = arith.constant 6 : i32
    %swap3A_209 = arith.constant 1 : i32
    %swap3A_210 = arith.index_cast %swap3A_209 : i32 to index
    %swap3A_211 = arith.constant 0 : index
    %swap3A_212 = tpu.vector_load %arg8[%swap3A_210, %swap3A_211] {strides = array<i32>} : memref<2x128xf32, #tpu.memory_space<vmem>>, vector<1x16xf32>,
    %swap3A_213 = vector.shape_cast %swap3A_212 : vector<1x16xf32> to vector<16xf32>
    %swap3A_214 = vector.shape_cast %scan3A_207#0 : vector<16xf32> to vector<1x16xf32>
    tpu.vector_store %arg8[%swap3A_210, %swap3A_211], %swap3A_214 {strides = array<i32>} : memref<2x128xf32, #tpu.memory_space<vmem>>, vector<1x16xf32>,
    %swap3A_215 = arith.constant 1 : i32
    %swap3A_216 = arith.index_cast %swap3A_215 : i32 to index
    %swap3A_217 = arith.constant 0 : index
    %swap3A_218 = tpu.vector_load %arg7[%swap3A_216, %swap3A_217] {strides = array<i32>} : memref<2x128xi32, #tpu.memory_space<vmem>>, vector<1x16xi32>,
    %swap3A_219 = vector.shape_cast %swap3A_218 : vector<1x16xi32> to vector<16xi32>
    %swap3A_220 = vector.shape_cast %scan3A_207#8 : vector<16xi32> to vector<1x16xi32>
    tpu.vector_store %arg7[%swap3A_216, %swap3A_217], %swap3A_220 {strides = array<i32>} : memref<2x128xi32, #tpu.memory_space<vmem>>, vector<1x16xi32>,
    %swap3A_221 = arith.constant 1 : i32
    %swap3A_222 = arith.index_cast %swap3A_221 : i32 to index
    %swap3A_223 = arith.constant 16 : index
    %swap3A_224 = tpu.vector_load %arg8[%swap3A_222, %swap3A_223] {strides = array<i32>} : memref<2x128xf32, #tpu.memory_space<vmem>>, vector<1x16xf32>,
    %swap3A_225 = vector.shape_cast %swap3A_224 : vector<1x16xf32> to vector<16xf32>
    %swap3A_226 = vector.shape_cast %scan3A_207#1 : vector<16xf32> to vector<1x16xf32>
    tpu.vector_store %arg8[%swap3A_222, %swap3A_223], %swap3A_226 {strides = array<i32>} : memref<2x128xf32, #tpu.memory_space<vmem>>, vector<1x16xf32>,
    %swap3A_227 = arith.constant 1 : i32
    %swap3A_228 = arith.index_cast %swap3A_227 : i32 to index
    %swap3A_229 = arith.constant 16 : index
    %swap3A_230 = tpu.vector_load %arg7[%swap3A_228, %swap3A_229] {strides = array<i32>} : memref<2x128xi32, #tpu.memory_space<vmem>>, vector<1x16xi32>,
    %swap3A_231 = vector.shape_cast %swap3A_230 : vector<1x16xi32> to vector<16xi32>
    %swap3A_232 = vector.shape_cast %scan3A_207#9 : vector<16xi32> to vector<1x16xi32>
    tpu.vector_store %arg7[%swap3A_228, %swap3A_229], %swap3A_232 {strides = array<i32>} : memref<2x128xi32, #tpu.memory_space<vmem>>, vector<1x16xi32>,
    %swap3A_233 = arith.constant 1 : i32
    %swap3A_234 = arith.index_cast %swap3A_233 : i32 to index
    %swap3A_235 = arith.constant 32 : index
    %swap3A_236 = tpu.vector_load %arg8[%swap3A_234, %swap3A_235] {strides = array<i32>} : memref<2x128xf32, #tpu.memory_space<vmem>>, vector<1x16xf32>,
    %swap3A_237 = vector.shape_cast %swap3A_236 : vector<1x16xf32> to vector<16xf32>
    %swap3A_238 = vector.shape_cast %scan3A_207#2 : vector<16xf32> to vector<1x16xf32>
    tpu.vector_store %arg8[%swap3A_234, %swap3A_235], %swap3A_238 {strides = array<i32>} : memref<2x128xf32, #tpu.memory_space<vmem>>, vector<1x16xf32>,
    %swap3A_239 = arith.constant 1 : i32
    %swap3A_240 = arith.index_cast %swap3A_239 : i32 to index
    %swap3A_241 = arith.constant 32 : index
    %swap3A_242 = tpu.vector_load %arg7[%swap3A_240, %swap3A_241] {strides = array<i32>} : memref<2x128xi32, #tpu.memory_space<vmem>>, vector<1x16xi32>,
    %swap3A_243 = vector.shape_cast %swap3A_242 : vector<1x16xi32> to vector<16xi32>
    %swap3A_244 = vector.shape_cast %scan3A_207#10 : vector<16xi32> to vector<1x16xi32>
    tpu.vector_store %arg7[%swap3A_240, %swap3A_241], %swap3A_244 {strides = array<i32>} : memref<2x128xi32, #tpu.memory_space<vmem>>, vector<1x16xi32>,
    %swap3A_245 = arith.constant 1 : i32
    %swap3A_246 = arith.index_cast %swap3A_245 : i32 to index
    %swap3A_247 = arith.constant 48 : index
    %swap3A_248 = tpu.vector_load %arg8[%swap3A_246, %swap3A_247] {strides = array<i32>} : memref<2x128xf32, #tpu.memory_space<vmem>>, vector<1x16xf32>,
    %swap3A_249 = vector.shape_cast %swap3A_248 : vector<1x16xf32> to vector<16xf32>
    %swap3A_250 = vector.shape_cast %scan3A_207#3 : vector<16xf32> to vector<1x16xf32>
    tpu.vector_store %arg8[%swap3A_246, %swap3A_247], %swap3A_250 {strides = array<i32>} : memref<2x128xf32, #tpu.memory_space<vmem>>, vector<1x16xf32>,
    %swap3A_251 = arith.constant 1 : i32
    %swap3A_252 = arith.index_cast %swap3A_251 : i32 to index
    %swap3A_253 = arith.constant 48 : index
    %swap3A_254 = tpu.vector_load %arg7[%swap3A_252, %swap3A_253] {strides = array<i32>} : memref<2x128xi32, #tpu.memory_space<vmem>>, vector<1x16xi32>,
    %swap3A_255 = vector.shape_cast %swap3A_254 : vector<1x16xi32> to vector<16xi32>
    %swap3A_256 = vector.shape_cast %scan3A_207#11 : vector<16xi32> to vector<1x16xi32>
    tpu.vector_store %arg7[%swap3A_252, %swap3A_253], %swap3A_256 {strides = array<i32>} : memref<2x128xi32, #tpu.memory_space<vmem>>, vector<1x16xi32>,
    %swap3A_257 = arith.constant 1 : i32
    %swap3A_258 = arith.index_cast %swap3A_257 : i32 to index
    %swap3A_259 = arith.constant 64 : index
    %swap3A_260 = tpu.vector_load %arg8[%swap3A_258, %swap3A_259] {strides = array<i32>} : memref<2x128xf32, #tpu.memory_space<vmem>>, vector<1x16xf32>,
    %swap3A_261 = vector.shape_cast %swap3A_260 : vector<1x16xf32> to vector<16xf32>
    %swap3A_262 = vector.shape_cast %scan3A_207#4 : vector<16xf32> to vector<1x16xf32>
    tpu.vector_store %arg8[%swap3A_258, %swap3A_259], %swap3A_262 {strides = array<i32>} : memref<2x128xf32, #tpu.memory_space<vmem>>, vector<1x16xf32>,
    %swap3A_263 = arith.constant 1 : i32
    %swap3A_264 = arith.index_cast %swap3A_263 : i32 to index
    %swap3A_265 = arith.constant 64 : index
    %swap3A_266 = tpu.vector_load %arg7[%swap3A_264, %swap3A_265] {strides = array<i32>} : memref<2x128xi32, #tpu.memory_space<vmem>>, vector<1x16xi32>,
    %swap3A_267 = vector.shape_cast %swap3A_266 : vector<1x16xi32> to vector<16xi32>
    %swap3A_268 = vector.shape_cast %scan3A_207#12 : vector<16xi32> to vector<1x16xi32>
    tpu.vector_store %arg7[%swap3A_264, %swap3A_265], %swap3A_268 {strides = array<i32>} : memref<2x128xi32, #tpu.memory_space<vmem>>, vector<1x16xi32>,
    %swap3A_269 = arith.constant 1 : i32
    %swap3A_270 = arith.index_cast %swap3A_269 : i32 to index
    %swap3A_271 = arith.constant 80 : index
    %swap3A_272 = tpu.vector_load %arg8[%swap3A_270, %swap3A_271] {strides = array<i32>} : memref<2x128xf32, #tpu.memory_space<vmem>>, vector<1x16xf32>,
    %swap3A_273 = vector.shape_cast %swap3A_272 : vector<1x16xf32> to vector<16xf32>
    %swap3A_274 = vector.shape_cast %scan3A_207#5 : vector<16xf32> to vector<1x16xf32>
    tpu.vector_store %arg8[%swap3A_270, %swap3A_271], %swap3A_274 {strides = array<i32>} : memref<2x128xf32, #tpu.memory_space<vmem>>, vector<1x16xf32>,
    %swap3A_275 = arith.constant 1 : i32
    %swap3A_276 = arith.index_cast %swap3A_275 : i32 to index
    %swap3A_277 = arith.constant 80 : index
    %swap3A_278 = tpu.vector_load %arg7[%swap3A_276, %swap3A_277] {strides = array<i32>} : memref<2x128xi32, #tpu.memory_space<vmem>>, vector<1x16xi32>,
    %swap3A_279 = vector.shape_cast %swap3A_278 : vector<1x16xi32> to vector<16xi32>
    %swap3A_280 = vector.shape_cast %scan3A_207#13 : vector<16xi32> to vector<1x16xi32>
    tpu.vector_store %arg7[%swap3A_276, %swap3A_277], %swap3A_280 {strides = array<i32>} : memref<2x128xi32, #tpu.memory_space<vmem>>, vector<1x16xi32>,
    %swap3A_281 = arith.constant 1 : i32
    %swap3A_282 = arith.index_cast %swap3A_281 : i32 to index
    %swap3A_283 = arith.constant 96 : index
    %swap3A_284 = tpu.vector_load %arg8[%swap3A_282, %swap3A_283] {strides = array<i32>} : memref<2x128xf32, #tpu.memory_space<vmem>>, vector<1x16xf32>,
    %swap3A_285 = vector.shape_cast %swap3A_284 : vector<1x16xf32> to vector<16xf32>
    %swap3A_286 = vector.shape_cast %scan3A_207#6 : vector<16xf32> to vector<1x16xf32>
    tpu.vector_store %arg8[%swap3A_282, %swap3A_283], %swap3A_286 {strides = array<i32>} : memref<2x128xf32, #tpu.memory_space<vmem>>, vector<1x16xf32>,
    %swap3A_287 = arith.constant 1 : i32
    %swap3A_288 = arith.index_cast %swap3A_287 : i32 to index
    %swap3A_289 = arith.constant 96 : index
    %swap3A_290 = tpu.vector_load %arg7[%swap3A_288, %swap3A_289] {strides = array<i32>} : memref<2x128xi32, #tpu.memory_space<vmem>>, vector<1x16xi32>,
    %swap3A_291 = vector.shape_cast %swap3A_290 : vector<1x16xi32> to vector<16xi32>
    %swap3A_292 = vector.shape_cast %scan3A_207#14 : vector<16xi32> to vector<1x16xi32>
    tpu.vector_store %arg7[%swap3A_288, %swap3A_289], %swap3A_292 {strides = array<i32>} : memref<2x128xi32, #tpu.memory_space<vmem>>, vector<1x16xi32>,
    %swap3A_293 = arith.constant 1 : i32
    %swap3A_294 = arith.index_cast %swap3A_293 : i32 to index
    %swap3A_295 = arith.constant 112 : index
    %swap3A_296 = tpu.vector_load %arg8[%swap3A_294, %swap3A_295] {strides = array<i32>} : memref<2x128xf32, #tpu.memory_space<vmem>>, vector<1x16xf32>,
    %swap3A_297 = vector.shape_cast %swap3A_296 : vector<1x16xf32> to vector<16xf32>
    %swap3A_298 = vector.shape_cast %scan3A_207#7 : vector<16xf32> to vector<1x16xf32>
    tpu.vector_store %arg8[%swap3A_294, %swap3A_295], %swap3A_298 {strides = array<i32>} : memref<2x128xf32, #tpu.memory_space<vmem>>, vector<1x16xf32>,
    %swap3A_299 = arith.constant 1 : i32
    %swap3A_300 = arith.index_cast %swap3A_299 : i32 to index
    %swap3A_301 = arith.constant 112 : index
    %swap3A_302 = tpu.vector_load %arg7[%swap3A_300, %swap3A_301] {strides = array<i32>} : memref<2x128xi32, #tpu.memory_space<vmem>>, vector<1x16xi32>,
    %swap3A_303 = vector.shape_cast %swap3A_302 : vector<1x16xi32> to vector<16xi32>
    %swap3A_304 = vector.shape_cast %scan3A_207#15 : vector<16xi32> to vector<1x16xi32>
    tpu.vector_store %arg7[%swap3A_300, %swap3A_301], %swap3A_304 {strides = array<i32>} : memref<2x128xi32, #tpu.memory_space<vmem>>, vector<1x16xi32>,
    %mul3A_305 = arith.constant 2 : i32
    %mul3A_306 = arith.muli %add3A, %mul3A_305 : i32
    "tpu.region"() ({
      %run_scoped3A = tpu.sem_alloc : memref<!tpu.dma_semaphore, #tpu.memory_space<semaphore_mem>>
      %dma_start3A_309 = arith.constant 0 : i32
      %dma_start3A_310 = tpu.memref_slice %arg3[%mul3A_306, %dma_start3A_309] : memref<64x128xi32, #tpu.memory_space<hbm>> -> memref<2x128xi32, #tpu.memory_space<hbm>>
      %dma_start3A_311 = arith.constant 0 : i32
      %dma_start3A_312 = tpu.memref_slice %arg3[%mul3A_306, %dma_start3A_311] : memref<64x128xi32, #tpu.memory_space<hbm>> -> memref<2x128xi32, #tpu.memory_space<hbm>>
      tpu.enqueue_dma source(%arg7 : memref<2x128xi32, #tpu.memory_space<vmem>>) target(%dma_start3A_312 : memref<2x128xi32, #tpu.memory_space<hbm>>) target_semaphore(%run_scoped3A : memref<!tpu.dma_semaphore, #tpu.memory_space<semaphore_mem>>)
      %dma_wait3A = arith.constant 0 : i32
      %dma_wait3A_313 = tpu.memref_slice %arg3[%mul3A_306, %dma_wait3A] : memref<64x128xi32, #tpu.memory_space<hbm>> -> memref<2x128xi32, #tpu.memory_space<hbm>>
      %dma_wait3A_314 = arith.constant 0 : i32
      %dma_wait3A_315 = tpu.memref_slice %arg3[%mul3A_306, %dma_wait3A_314] : memref<64x128xi32, #tpu.memory_space<hbm>> -> memref<2x128xi32, #tpu.memory_space<hbm>>
      tpu.wait_dma2 semaphore(%run_scoped3A : memref<!tpu.dma_semaphore, #tpu.memory_space<semaphore_mem>>) src(%arg7 : memref<2x128xi32, #tpu.memory_space<vmem>>) dst(%dma_wait3A_315 : memref<2x128xi32, #tpu.memory_space<hbm>>)
      tpu.yield
    }) : () -> ()
    %mul3A_307 = arith.constant 2 : i32
    %mul3A_308 = arith.muli %add3A, %mul3A_307 : i32
    "tpu.region"() ({
      %run_scoped3A = tpu.sem_alloc : memref<!tpu.dma_semaphore, #tpu.memory_space<semaphore_mem>>
      %dma_start3A_309 = arith.constant 0 : i32
      %dma_start3A_310 = tpu.memref_slice %arg4[%mul3A_308, %dma_start3A_309] : memref<64x128xf32, #tpu.memory_space<hbm>> -> memref<2x128xf32, #tpu.memory_space<hbm>>
      %dma_start3A_311 = arith.constant 0 : i32
      %dma_start3A_312 = tpu.memref_slice %arg4[%mul3A_308, %dma_start3A_311] : memref<64x128xf32, #tpu.memory_space<hbm>> -> memref<2x128xf32, #tpu.memory_space<hbm>>
      tpu.enqueue_dma source(%arg8 : memref<2x128xf32, #tpu.memory_space<vmem>>) target(%dma_start3A_312 : memref<2x128xf32, #tpu.memory_space<hbm>>) target_semaphore(%run_scoped3A : memref<!tpu.dma_semaphore, #tpu.memory_space<semaphore_mem>>)
      %dma_wait3A = arith.constant 0 : i32
      %dma_wait3A_313 = tpu.memref_slice %arg4[%mul3A_308, %dma_wait3A] : memref<64x128xf32, #tpu.memory_space<hbm>> -> memref<2x128xf32, #tpu.memory_space<hbm>>
      %dma_wait3A_314 = arith.constant 0 : i32
      %dma_wait3A_315 = tpu.memref_slice %arg4[%mul3A_308, %dma_wait3A_314] : memref<64x128xf32, #tpu.memory_space<hbm>> -> memref<2x128xf32, #tpu.memory_space<hbm>>
      tpu.wait_dma2 semaphore(%run_scoped3A : memref<!tpu.dma_semaphore, #tpu.memory_space<semaphore_mem>>) src(%arg8 : memref<2x128xf32, #tpu.memory_space<vmem>>) dst(%dma_wait3A_315 : memref<2x128xf32, #tpu.memory_space<hbm>>)
      tpu.yield
    }) : () -> ()
    return
  }
}

module attributes {stable_mosaic.version = 14 : i64} {
  func.func @_tc_body(%arg0: i32, %arg1: memref<1x3584x128xf32, #tpu.memory_space<vmem>>, %arg2: memref<1x1x128xf32, #tpu.memory_space<vmem>>, %arg3: memref<1x1x128xi32, #tpu.memory_space<vmem>>) attributes {dimension_semantics = [#tpu.dimension_semantics<arbitrary>], iteration_bounds = array<i64: 64>, scalar_prefetch = 0 : i64, scratch_operands = 0 : i64, tpu.core_type = #tpu.core_type<tc>, window_params = [{transform_indices = @transform_0, window_bounds = array<i64: 1, 3584, 128>}, {transform_indices = @transform_1, window_bounds = array<i64: 1, 1, 128>}, {transform_indices = @transform_2, window_bounds = array<i64: 1, 1, 128>}]} {
    %iota3A = tpu.iota {dimensions = array<i32: 0>} : vector<8x128xi32>
    %broadcast_in_dim3A = arith.constant 0x7F800000 : f32
    %broadcast_in_dim3A_0 = vector.broadcast %broadcast_in_dim3A : f32 to vector<8x128xf32>
    %broadcast_in_dim3A_1 = arith.constant 0 : i32
    %broadcast_in_dim3A_2 = vector.broadcast %broadcast_in_dim3A_1 : i32 to vector<8x128xi32>
    %scan3A = arith.constant 0 : i32
    %scan3A_3 = arith.constant 56 : i32
    %scan3A_4 = arith.addi %scan3A, %scan3A_3 : i32
    %scan3A_5 = arith.constant 1 : i32
    %scan3A_6:2 = scf.for %scan3A_25 = %scan3A to %scan3A_4 step %scan3A_5 iter_args(%scan3A_26 = %broadcast_in_dim3A_0, %scan3A_27 = %broadcast_in_dim3A_2) -> (vector<8x128xf32>, vector<8x128xi32>)  : i32 {
      %mul3A = arith.constant 64 : i32
      %mul3A_28 = arith.muli %scan3A_25, %mul3A : i32
      %get3A = arith.constant 0 : index
      %get3A_29 = arith.index_cast %mul3A_28 : i32 to index
      %get3A_30 = arith.constant 0 : index
      %get3A_31 = vector.load %arg1[%get3A, %get3A_29, %get3A_30] : memref<1x3584x128xf32, #tpu.memory_space<vmem>>, vector<1x64x128xf32>
      %get3A_32 = vector.shape_cast %get3A_31 : vector<1x64x128xf32> to vector<64x128xf32>
      %reshape3A = vector.shape_cast %get3A_32 : vector<64x128xf32> to vector<8x8x128xf32>
      %mul3A_33 = arith.constant 64 : i32
      %mul3A_34 = arith.muli %scan3A_25, %mul3A_33 : i32
      %slice3A = vector.extract_strided_slice %reshape3A {offsets = [0, 0, 0], sizes = [1, 8, 128], strides = [1, 1, 1]} : vector<8x8x128xf32> to vector<1x8x128xf32>
      %squeeze3A = vector.shape_cast %slice3A : vector<1x8x128xf32> to vector<8x128xf32>
      %lt3A = arith.cmpf olt, %squeeze3A, %scan3A_26 : vector<8x128xf32>
      %add3A = arith.constant 0 : i32
      %add3A_35 = arith.addi %mul3A_34, %add3A : i32
      %add3A_36 = vector.broadcast %add3A_35 : i32 to vector<8x128xi32>
      %add3A_37 = arith.addi %iota3A, %add3A_36 : vector<8x128xi32>
      %select_n3A_38 = arith.select %lt3A, %add3A_37, %scan3A_27 : vector<8x128xi1>, vector<8x128xi32>
      %select_n3A_39 = arith.select %lt3A, %squeeze3A, %scan3A_26 : vector<8x128xi1>, vector<8x128xf32>
      %slice3A_40 = vector.extract_strided_slice %reshape3A {offsets = [1, 0, 0], sizes = [1, 8, 128], strides = [1, 1, 1]} : vector<8x8x128xf32> to vector<1x8x128xf32>
      %squeeze3A_41 = vector.shape_cast %slice3A_40 : vector<1x8x128xf32> to vector<8x128xf32>
      %lt3A_42 = arith.cmpf olt, %squeeze3A_41, %select_n3A_39 : vector<8x128xf32>
      %add3A_43 = arith.constant 8 : i32
      %add3A_44 = arith.addi %mul3A_34, %add3A_43 : i32
      %add3A_45 = vector.broadcast %add3A_44 : i32 to vector<8x128xi32>
      %add3A_46 = arith.addi %iota3A, %add3A_45 : vector<8x128xi32>
      %select_n3A_47 = arith.select %lt3A_42, %add3A_46, %select_n3A_38 : vector<8x128xi1>, vector<8x128xi32>
      %select_n3A_48 = arith.select %lt3A_42, %squeeze3A_41, %select_n3A_39 : vector<8x128xi1>, vector<8x128xf32>
      %slice3A_49 = vector.extract_strided_slice %reshape3A {offsets = [2, 0, 0], sizes = [1, 8, 128], strides = [1, 1, 1]} : vector<8x8x128xf32> to vector<1x8x128xf32>
      %squeeze3A_50 = vector.shape_cast %slice3A_49 : vector<1x8x128xf32> to vector<8x128xf32>
      %lt3A_51 = arith.cmpf olt, %squeeze3A_50, %select_n3A_48 : vector<8x128xf32>
      %add3A_52 = arith.constant 16 : i32
      %add3A_53 = arith.addi %mul3A_34, %add3A_52 : i32
      %add3A_54 = vector.broadcast %add3A_53 : i32 to vector<8x128xi32>
      %add3A_55 = arith.addi %iota3A, %add3A_54 : vector<8x128xi32>
      %select_n3A_56 = arith.select %lt3A_51, %add3A_55, %select_n3A_47 : vector<8x128xi1>, vector<8x128xi32>
      %select_n3A_57 = arith.select %lt3A_51, %squeeze3A_50, %select_n3A_48 : vector<8x128xi1>, vector<8x128xf32>
      %slice3A_58 = vector.extract_strided_slice %reshape3A {offsets = [3, 0, 0], sizes = [1, 8, 128], strides = [1, 1, 1]} : vector<8x8x128xf32> to vector<1x8x128xf32>
      %squeeze3A_59 = vector.shape_cast %slice3A_58 : vector<1x8x128xf32> to vector<8x128xf32>
      %lt3A_60 = arith.cmpf olt, %squeeze3A_59, %select_n3A_57 : vector<8x128xf32>
      %add3A_61 = arith.constant 24 : i32
      %add3A_62 = arith.addi %mul3A_34, %add3A_61 : i32
      %add3A_63 = vector.broadcast %add3A_62 : i32 to vector<8x128xi32>
      %add3A_64 = arith.addi %iota3A, %add3A_63 : vector<8x128xi32>
      %select_n3A_65 = arith.select %lt3A_60, %add3A_64, %select_n3A_56 : vector<8x128xi1>, vector<8x128xi32>
      %select_n3A_66 = arith.select %lt3A_60, %squeeze3A_59, %select_n3A_57 : vector<8x128xi1>, vector<8x128xf32>
      %slice3A_67 = vector.extract_strided_slice %reshape3A {offsets = [4, 0, 0], sizes = [1, 8, 128], strides = [1, 1, 1]} : vector<8x8x128xf32> to vector<1x8x128xf32>
      %squeeze3A_68 = vector.shape_cast %slice3A_67 : vector<1x8x128xf32> to vector<8x128xf32>
      %lt3A_69 = arith.cmpf olt, %squeeze3A_68, %select_n3A_66 : vector<8x128xf32>
      %add3A_70 = arith.constant 32 : i32
      %add3A_71 = arith.addi %mul3A_34, %add3A_70 : i32
      %add3A_72 = vector.broadcast %add3A_71 : i32 to vector<8x128xi32>
      %add3A_73 = arith.addi %iota3A, %add3A_72 : vector<8x128xi32>
      %select_n3A_74 = arith.select %lt3A_69, %add3A_73, %select_n3A_65 : vector<8x128xi1>, vector<8x128xi32>
      %select_n3A_75 = arith.select %lt3A_69, %squeeze3A_68, %select_n3A_66 : vector<8x128xi1>, vector<8x128xf32>
      %slice3A_76 = vector.extract_strided_slice %reshape3A {offsets = [5, 0, 0], sizes = [1, 8, 128], strides = [1, 1, 1]} : vector<8x8x128xf32> to vector<1x8x128xf32>
      %squeeze3A_77 = vector.shape_cast %slice3A_76 : vector<1x8x128xf32> to vector<8x128xf32>
      %lt3A_78 = arith.cmpf olt, %squeeze3A_77, %select_n3A_75 : vector<8x128xf32>
      %add3A_79 = arith.constant 40 : i32
      %add3A_80 = arith.addi %mul3A_34, %add3A_79 : i32
      %add3A_81 = vector.broadcast %add3A_80 : i32 to vector<8x128xi32>
      %add3A_82 = arith.addi %iota3A, %add3A_81 : vector<8x128xi32>
      %select_n3A_83 = arith.select %lt3A_78, %add3A_82, %select_n3A_74 : vector<8x128xi1>, vector<8x128xi32>
      %select_n3A_84 = arith.select %lt3A_78, %squeeze3A_77, %select_n3A_75 : vector<8x128xi1>, vector<8x128xf32>
      %slice3A_85 = vector.extract_strided_slice %reshape3A {offsets = [6, 0, 0], sizes = [1, 8, 128], strides = [1, 1, 1]} : vector<8x8x128xf32> to vector<1x8x128xf32>
      %squeeze3A_86 = vector.shape_cast %slice3A_85 : vector<1x8x128xf32> to vector<8x128xf32>
      %lt3A_87 = arith.cmpf olt, %squeeze3A_86, %select_n3A_84 : vector<8x128xf32>
      %add3A_88 = arith.constant 48 : i32
      %add3A_89 = arith.addi %mul3A_34, %add3A_88 : i32
      %add3A_90 = vector.broadcast %add3A_89 : i32 to vector<8x128xi32>
      %add3A_91 = arith.addi %iota3A, %add3A_90 : vector<8x128xi32>
      %select_n3A_92 = arith.select %lt3A_87, %add3A_91, %select_n3A_83 : vector<8x128xi1>, vector<8x128xi32>
      %select_n3A_93 = arith.select %lt3A_87, %squeeze3A_86, %select_n3A_84 : vector<8x128xi1>, vector<8x128xf32>
      %slice3A_94 = vector.extract_strided_slice %reshape3A {offsets = [7, 0, 0], sizes = [1, 8, 128], strides = [1, 1, 1]} : vector<8x8x128xf32> to vector<1x8x128xf32>
      %squeeze3A_95 = vector.shape_cast %slice3A_94 : vector<1x8x128xf32> to vector<8x128xf32>
      %lt3A_96 = arith.cmpf olt, %squeeze3A_95, %select_n3A_93 : vector<8x128xf32>
      %add3A_97 = arith.constant 56 : i32
      %add3A_98 = arith.addi %mul3A_34, %add3A_97 : i32
      %add3A_99 = vector.broadcast %add3A_98 : i32 to vector<8x128xi32>
      %add3A_100 = arith.addi %iota3A, %add3A_99 : vector<8x128xi32>
      %select_n3A_101 = arith.select %lt3A_96, %add3A_100, %select_n3A_92 : vector<8x128xi1>, vector<8x128xi32>
      %select_n3A_102 = arith.select %lt3A_96, %squeeze3A_95, %select_n3A_93 : vector<8x128xi1>, vector<8x128xf32>
      scf.yield %select_n3A_102, %select_n3A_101 : vector<8x128xf32>, vector<8x128xi32>
    }
    %scan3A_7 = arith.constant 56 : i32
    %reduce_min3A = arith.constant dense<0x7F800000> : vector<128xf32>
    %reduce_min3A_8 = vector.multi_reduction <minimumf>, %scan3A_6#0, %reduce_min3A [0] : vector<8x128xf32> to vector<128xf32>
    %broadcast_in_dim3A_9 = vector.shape_cast %reduce_min3A_8 : vector<128xf32> to vector<1x128xf32>
    %eq3A = vector.broadcast %broadcast_in_dim3A_9 : vector<1x128xf32> to vector<8x128xf32>
    %eq3A_10 = arith.cmpf oeq, %scan3A_6#0, %eq3A : vector<8x128xf32>
    %jit3A = arith.constant 1073741824 : i32
    %broadcast_in_dim3A_11 = vector.broadcast %jit3A : i32 to vector<8x128xi32>
    %select_n3A = arith.select %eq3A_10, %scan3A_6#1, %broadcast_in_dim3A_11 : vector<8x128xi1>, vector<8x128xi32>
    %reduce_min3A_12 = arith.constant dense<2147483647> : vector<128xi32>
    %reduce_min3A_13 = vector.multi_reduction <minsi>, %select_n3A, %reduce_min3A_12 [0] : vector<8x128xi32> to vector<128xi32>
    %swap3A = arith.constant 0 : index
    %swap3A_14 = arith.constant 0 : index
    %swap3A_15 = arith.constant 0 : index
    %swap3A_16 = vector.load %arg2[%swap3A, %swap3A_14, %swap3A_15] : memref<1x1x128xf32, #tpu.memory_space<vmem>>, vector<1x1x128xf32>
    %swap3A_17 = vector.shape_cast %swap3A_16 : vector<1x1x128xf32> to vector<128xf32>
    %swap3A_18 = vector.shape_cast %reduce_min3A_8 : vector<128xf32> to vector<1x1x128xf32>
    tpu.vector_store %arg2[%swap3A, %swap3A_14, %swap3A_15], %swap3A_18 {strides = array<i32>} : memref<1x1x128xf32, #tpu.memory_space<vmem>>, vector<1x1x128xf32>,
    %swap3A_19 = arith.constant 0 : index
    %swap3A_20 = arith.constant 0 : index
    %swap3A_21 = arith.constant 0 : index
    %swap3A_22 = vector.load %arg3[%swap3A_19, %swap3A_20, %swap3A_21] : memref<1x1x128xi32, #tpu.memory_space<vmem>>, vector<1x1x128xi32>
    %swap3A_23 = vector.shape_cast %swap3A_22 : vector<1x1x128xi32> to vector<128xi32>
    %swap3A_24 = vector.shape_cast %reduce_min3A_13 : vector<128xi32> to vector<1x1x128xi32>
    tpu.vector_store %arg3[%swap3A_19, %swap3A_20, %swap3A_21], %swap3A_24 {strides = array<i32>} : memref<1x1x128xi32, #tpu.memory_space<vmem>>, vector<1x1x128xi32>,
    return
  }
  func.func @transform_0(%arg0: i32) -> (i32, i32, i32) {
    %c0_i32 = arith.constant 0 : i32
    %c0_i32_0 = arith.constant 0 : i32
    %c0_i32_1 = arith.constant 0 : i32
    return %arg0, %c0_i32, %c0_i32_0 : i32, i32, i32
  }
  func.func @transform_1(%arg0: i32) -> (i32, i32, i32) {
    %c0_i32 = arith.constant 0 : i32
    %c0_i32_0 = arith.constant 0 : i32
    %c0_i32_1 = arith.constant 0 : i32
    return %arg0, %c0_i32, %c0_i32_0 : i32, i32, i32
  }
  func.func @transform_2(%arg0: i32) -> (i32, i32, i32) {
    %c0_i32 = arith.constant 0 : i32
    %c0_i32_0 = arith.constant 0 : i32
    %c0_i32_1 = arith.constant 0 : i32
    return %arg0, %c0_i32, %c0_i32_0 : i32, i32, i32
  }
}

module attributes {stable_mosaic.version = 14 : i64} {
  func.func @_merge_body(%arg0: memref<64x1x128xf32, #tpu.memory_space<vmem>>, %arg1: memref<64x1x128xi32, #tpu.memory_space<vmem>>, %arg2: memref<64x128xf32, #tpu.memory_space<vmem>>, %arg3: memref<64x128xi32, #tpu.memory_space<vmem>>, %arg4: memref<64x128xi32, #tpu.memory_space<vmem>>) attributes {dimension_semantics = [], scalar_prefetch = 0 : i64, scratch_operands = 0 : i64, tpu.core_type = #tpu.core_type<tc>} {
    %get3A = arith.constant 0 : index
    %get3A_0 = arith.constant 0 : index
    %get3A_1 = vector.load %arg2[%get3A, %get3A_0] : memref<64x128xf32, #tpu.memory_space<vmem>>, vector<64x128xf32>
    %get3A_2 = arith.constant 0 : index
    %get3A_3 = arith.constant 0 : index
    %get3A_4 = arith.constant 0 : index
    %get3A_5 = vector.load %arg0[%get3A_2, %get3A_3, %get3A_4] : memref<64x1x128xf32, #tpu.memory_space<vmem>>, vector<64x1x128xf32>
    %get3A_6 = vector.shape_cast %get3A_5 : vector<64x1x128xf32> to vector<64x128xf32>
    %lt3A = arith.cmpf olt, %get3A_1, %get3A_6 : vector<64x128xf32>
    %get3A_7 = arith.constant 0 : index
    %get3A_8 = arith.constant 0 : index
    %get3A_9 = vector.load %arg3[%get3A_7, %get3A_8] : memref<64x128xi32, #tpu.memory_space<vmem>>, vector<64x128xi32>
    %get3A_10 = arith.constant 0 : index
    %get3A_11 = arith.constant 0 : index
    %get3A_12 = arith.constant 0 : index
    %get3A_13 = vector.load %arg1[%get3A_10, %get3A_11, %get3A_12] : memref<64x1x128xi32, #tpu.memory_space<vmem>>, vector<64x1x128xi32>
    %get3A_14 = vector.shape_cast %get3A_13 : vector<64x1x128xi32> to vector<64x128xi32>
    %select_n3A = arith.select %lt3A, %get3A_9, %get3A_14 : vector<64x128xi1>, vector<64x128xi32>
    %swap3A = arith.constant 0 : index
    %swap3A_15 = arith.constant 0 : index
    %swap3A_16 = vector.load %arg4[%swap3A, %swap3A_15] : memref<64x128xi32, #tpu.memory_space<vmem>>, vector<64x128xi32>
    tpu.vector_store %arg4[%swap3A, %swap3A_15], %select_n3A {strides = array<i32>} : memref<64x128xi32, #tpu.memory_space<vmem>>, vector<64x128xi32>,
    return
  }
}

</mosaic_0001>

<sc_bundles>
// kernel: kernel.5.cloned.1.call-start
scs
__scs_entry_jumppad:
0x0: {  	(pc) =	sbr.rel $0x88, $3  }
0x1: {  	(tag) =	ssettag $0x0;
	lr =	simm.s32 $0x1  }
0x2: {  	[smem:$0x3FA0] =	sst lr;
	_ =	strace $0xD0000000  }
0x3: {  	_ = 	snop  }
0x4: {  	_ = 	snop  }
0x5: {  	_ = 	snop  }
0x6: {  	_ = 	snop  }
0x7: {  	_ = 	snop  }
__scs_overlays_trampoline_lowered:
0x8: {  	[smem:$0x3FAF] =	sst s0  }
0x9: {  	[smem:$0x3FB0] =	sst s1  }
0xa: {  	[smem:$0x3FB1] =	sst s2  }
0xb: {  	[smem:$0x3FB2] =	sst s3  }
0xc: {  	[smem:$0x3FB3] =	sst s4  }
0xd: {  	[smem:$0x3FB4] =	sst s5  }
0xe: {  	[smem:$0x3FB5] =	sst s6  }
0xf: {  	[smem:$0x3FB6] =	sst s7  }
0x10: {  	[smem:$0x3FB7] =	sst s8  }
0x11: {  	[smem:$0x3FB8] =	sst s9;
	s0 =	simm.s32 @!p0 $0x0  }
0x12: {  	s1 =	sld [smem:$0x3F9E];
	s0 =	simm.s32 @p0 $0x1  }
0x13: {  	[smem:$0x3FB9] =	sst s0;
	s0 =	simm.s32 @!p1 $0x0  }
0x14: {  	s2 =	sld [smem:$0x3F9D];
	s0 =	simm.s32 @p1 $0x1  }
0x15: {  	[smem:$0x3FBA] =	sst s0;
	s0 =	simm.s32 @!p2 $0x0  }
0x16: {  	s3 =	sld [smem:$0x3FDB];
	s0 =	simm.s32 @p2 $0x1  }
0x17: {  	s4 =	simm.s32 $0x1BF5;
	[smem:$0x3FBC] =	sst s0  }
0x18: {  	s0 =	sld [smem:$0x3F9F];
	_ =	swait.ge [sflag:s4], $0x0  }
0x19: {  	s7 =	sld [smem:$0x3FA0]  }
0x1a: {  	s8 =	sadd.s32 $0xFFFFE003, lr  }
0x1b: {  	s9 =	sadd.s32 $0xFFFFFEF7, lr;
	s5 =	simm.s32 $0xFFFFFFFF;
	p2 =	slt.u32 s8, $0xFFFFF086  }
0x1c: {  	p1 =	slt.u32 s9, $0xF7A;
	s5 =	simm.s32 @!p2 $0x0  }
0x1d: {  	s5 =	simm.s32 @p1 $0x1;
	p0 =	seq.s32 s7, s2  }
0x1e: {  	s7 =	smul.u32 @!p0 $0xF7A, s2;
	p2 =	seq.s32 @!p0 s5, $0x0  }
0x1f: {  	s9 =	smul.u32 $0xF7A, s1;
	s8 =	simm.s32 @!p0 $0x1BF5;
	p2 =	por !p2, p0  }
0x20: {  	[sflag:s8] =	ssyncset.s32 @!p0 $0xFFFFF086;
	s6 =	sadd.s32 @!p0 s3, s7;
	s7 =	simm.s32 @!p0 $0x108  }
0x21: {  	s3 =	sadd.s32 s3, s9;
	s6 =	sadd.s32 @!p0 $0x88, s6;
	s7 =	simm.s32 @p2 $0x1082  }
0x22: {  	[simem:s7], [sflag:s8] =	dma.local @!p0 [hbm:s6], $0xF7A  }
0x23: {  	s9 =	sor.u32 $0xD0000000, s2;
	s6 =	simm.s32 $0x108;
	_ =	swait.ge @!p0 [sflag:s8], $0x0  }
0x24: {  	s3 =	sadd.s32 $0x88, s3;
	s6 =	simm.s32 @!p1 $0x1082;
	[sflag:s4] =	ssyncset.s32 $0xFFFFF086  }
0x25: {  	[simem:s6], [sflag:s4] =	dma.local [hbm:s3], $0xF7A  }
0x26: {  	[smem:$0x3FA0] =	sst s1;
	(tag) =	ssettag s2;
	_ =	strace s9  }
0x27: {  	s1 =	sld [smem:$0x3FB0]  }
0x28: {  	s2 =	sld [smem:$0x3FB1]  }
0x29: {  	s4 =	sld [smem:$0x3FB3]  }
0x2a: {  	p0 =	seq.s32 s5, $0x0;
	s5 =	sld [smem:$0x3FB4]  }
0x2b: {  	s6 =	sld [smem:$0x3FB5]  }
0x2c: {  	s7 =	sld [smem:$0x3FB6]  }
0x2d: {  	s3 =	simm.s32 $0x108;
	s8 =	sld [smem:$0x3FB7]  }
0x2e: {  	s3 =	simm.s32 @!p0 $0x1082;
	s9 =	sld [smem:$0x3FB8]  }
0x2f: {  	lr =	sadd.s32 s0, s3;
	s0 =	sld [smem:$0x3FAF]  }
0x30: {  	s3 =	sld [smem:$0x3FB2]  }
0x31: {  	[smem:$0x3FBB] =	sst s10  }
0x32: {  	s10 =	sld [smem:$0x3FB9];
	_ =	sdelay $0x3  }
0x33: {  	p0 =	seq.s32 s10, $0x1;
	s10 =	sld [smem:$0x3FBB];
	_ =	sdelay $0x3  }
0x34: {  	[smem:$0x3FBB] =	sst s10  }
0x35: {  	s10 =	sld [smem:$0x3FBA];
	_ =	sdelay $0x3  }
0x36: {  	p1 =	seq.s32 s10, $0x1;
	s10 =	sld [smem:$0x3FBB];
	_ =	sdelay $0x3  }
0x37: {  	[smem:$0x3FBB] =	sst s10  }
0x38: {  	s10 =	sld [smem:$0x3FBC]  }
0x39: {  	_ = 	snop;
	(pc) =	sbr.ind lr, $3  }
0x3a: {  	_ = 	snop  }
0x3b: {  	_ = 	snop  }
0x3c: {  	p2 =	seq.s32 s10, $0x1;
	s10 =	sld [smem:$0x3FBB]  }
0x3d: {  	_ =	shalt  }
0x3e: {  	_ =	shalt  }
0x3f: {  	_ =	shalt  }
0x40: {  	_ =	shalt  }
0x41: {  	_ =	shalt  }
0x42: {  	_ =	shalt  }
0x43: {  	_ =	shalt  }
0x44: {  	_ =	shalt  }
0x45: {  	_ =	shalt  }
0x46: {  	_ =	shalt  }
0x47: {  	_ =	shalt  }
0x48: {  	_ =	shalt  }
0x49: {  	_ =	shalt  }
0x4a: {  	_ =	shalt  }
0x4b: {  	_ =	shalt  }
0x4c: {  	_ =	shalt  }
0x4d: {  	_ =	shalt  }
0x4e: {  	_ =	shalt  }
0x4f: {  	_ =	shalt  }
0x50: {  	_ =	shalt  }
0x51: {  	_ =	shalt  }
0x52: {  	_ =	shalt  }
0x53: {  	_ =	shalt  }
0x54: {  	_ =	shalt  }
0x55: {  	_ =	shalt  }
0x56: {  	_ =	shalt  }
0x57: {  	_ =	shalt  }
0x58: {  	_ =	shalt  }
0x59: {  	_ =	shalt  }
0x5a: {  	_ =	shalt  }
0x5b: {  	_ =	shalt  }
0x5c: {  	_ =	shalt  }
0x5d: {  	_ =	shalt  }
0x5e: {  	_ =	shalt  }
0x5f: {  	_ =	shalt  }
0x60: {  	_ =	shalt  }
0x61: {  	_ =	shalt  }
0x62: {  	_ =	shalt  }
0x63: {  	_ =	shalt  }
0x64: {  	_ =	shalt  }
0x65: {  	_ =	shalt  }
0x66: {  	_ =	shalt  }
0x67: {  	_ =	shalt  }
0x68: {  	_ =	shalt  }
0x69: {  	_ =	shalt  }
0x6a: {  	_ =	shalt  }
0x6b: {  	_ =	shalt  }
0x6c: {  	_ =	shalt  }
0x6d: {  	_ =	shalt  }
0x6e: {  	_ =	shalt  }
0x6f: {  	_ =	shalt  }
0x70: {  	_ =	shalt  }
0x71: {  	_ =	shalt  }
0x72: {  	_ =	shalt  }
0x73: {  	_ =	shalt  }
0x74: {  	_ =	shalt  }
0x75: {  	_ =	shalt  }
0x76: {  	_ =	shalt  }
0x77: {  	_ =	shalt  }
0x78: {  	_ =	shalt  }
0x79: {  	_ =	shalt  }
0x7a: {  	_ =	shalt  }
0x7b: {  	_ =	shalt  }
0x7c: {  	_ =	shalt  }
0x7d: {  	_ =	shalt  }
0x7e: {  	_ =	shalt  }
0x7f: {  	_ =	shalt  }
0x80: {  	_ =	shalt  }
0x81: {  	_ =	shalt  }
0x82: {  	_ =	shalt  }
0x83: {  	_ =	shalt  }
0x84: {  	_ =	shalt  }
0x85: {  	_ =	shalt  }
0x86: {  	_ =	shalt  }
0x87: {  	_ =	shalt  }
.Lfunc_end0:
.L_simem_size_0:
called_computation_lowered:
.L_overlay_start_0:
0x88: {  	s2 =	sld [smem:$0x3FD9]  }
0x89: {  	s3 =	sld [smem:$0x3FFE];
	_ =	sdelay $0x1  }
0x8a: {  	s1 =	srdreg.scid  }
0x8b: {  	s0 =	sand.u32 $0x1, s1  }
0x8c: {  	s17 =	sshll.u32 s0, $0xA;
	s2 =	sadd.s32 s3, s2  }
0x8d: {  	s2 =	sadd.s32 s2, s17  }
0x8e: {  	[smem:$0x3FC7] =	sst s2  }
0x8f: {  	_ = 	snop  }
0x90: {  	s2 =	sld [smem:$0x3FC9]  }
0x91: {  	s18 =	sld [smem:$0x3FD0];
	(tm) =	ssettm $0x1  }
0x92: {  	s4 =	sld [smem:$0x3FFB];
	_ =	sdelay $0x3  }
0x93: {  	_ =	strace s4  }
0x94: {  	s4 =	sld [smem:$0x3FFC];
	_ =	sdelay $0x3  }
0x95: {  	_ =	strace s4  }
0x96: {  	s4 =	sld [smem:$0x3FFD];
	_ =	sdelay $0x3  }
0x97: {  	_ =	strace s4  }
0x98: {  	_ =	strace $0x8FFFFFFF  }
0x99: {  	s19 =	sld [smem:$0x3FDB];
	_ =	sdelay $0x1  }
0x9a: {  	s5 =	simm.s32 $_scs_section_size  }
0x9b: {  	s6 =	simm.s32 $_size__tile_overlayer_lowered;
	s7 =	simm.s32 $_tile_overlayer_lowered  }
0x9c: {  	s22 =	simm.s32 $0x1BFF;
	s21 =	sshll.u32 s7, $0x1;
	s4 =	sadd.s32 s5, s19  }
0x9d: {  	s8 =	simm.s32 $0x0;
	s20 =	sshll.u32 s6, $0x1;
	s6 =	sadd.s32 s21, s4  }
0x9e: {  	[timem:s8], [sflag:s22] =	dma.local [hbm:s6], s20  }
0x9f: {  	_ =	swait.ge [sflag:s22], s20  }
0xa0: {  	s5 =	ssub.s32 $0x0, s20;
	[sflag:s22] =	ssyncset.done $0x0  }
0xa1: {  	[sflag:s22] =	ssyncadd.s32 s5;
	_ =	sdelay $0x1  }
0xa2: {  	s23 =	simm.s32 $0x1B8B  }
0xa3: {  	_ =	swait.ge [sflag:s23], $0x1  }
0xa4: {  	[sflag:s23] =	ssyncset.done $0x0  }
0xa5: {  	s25 =	simm.s32 $0x1B8E;
	s24 =	sld [smem:$0x3FFE];
	[sflag:s23] =	ssyncadd.s32 $0xFFFFFFFF  }
0xa6: {  	s26 =	simm.s32 $execute0_lowered;
	[smem:$0x3FD2] =	sst s25  }
0xa7: {  	s6 =	sshll.u32 s26, $0x1;
	_ =	strace $0x80000046;
	[dreg:$0x1] =	wrdreg $0xFFFFFFFF  }
0xa8: {  	s28 =	simm.s32 $_size_execute0_lowered;
	s4 =	sadd.s32 s4, s6;
	[dreg:$0x0] =	wrdreg $0x0  }
0xa9: {  	s6 =	sshll.u32 s28, $0x1;
	[dreg:$0x2] =	wrdreg s4  }
0xaa: {  	[dreg:$0x3] =	wrdreg s6  }
0xab: {  	[dreg:$0x4] =	wrdreg $0xC0  }
0xac: {  	_ =	task [dreg:s8], $0x5FFFF  }
0xad: {  	[dreg:$0x1] =	wrdreg $0xFFFFFFFF  }
0xae: {  	[dreg:$0x0] =	wrdreg $0x60  }
0xaf: {  	[dreg:$0x2] =	wrdreg s2  }
0xb0: {  	[dreg:$0x3] =	wrdreg s18  }
0xb1: {  	[dreg:$0x4] =	wrdreg s24  }
0xb2: {  	[dreg:$0x5] =	wrdreg $0x9  }
0xb3: {  	_ =	task.clear_ibuf [dreg:s8], $0x6FFFF;
	_ =	strace $0x90000046  }
0xb4: {  	s29 =	simm.s32 $0x9;
	_ =	strace $0x80000048  }
0xb5: {  	_ =	swait.ge [sflag:s29], $0x1  }
0xb6: {  	[sflag:s29] =	ssyncadd.s32 $0xFFFFFFFF  }
0xb7: {  	_ =	strace $0x90000048  }
0xb8: {  	_ =	sfence  }
0xb9: {  	s30 =	sld [smem:$0x0];
	_ =	sdelay $0x2  }
0xba: {  	s31 =	sshll.u32 s1, $0xD;
	s1 =	sshrl.u32 s1, $0x2  }
0xbb: {  	s3 =	sand.u32 $0x4000, s31;
	s1 =	sadd.s32 s1, s30  }
0xbc: {  	s0 =	sor.u32 s3, s0;
	s1 =	sshll.u32 s1, $0x11  }
0xbd: {  	s0 =	sor.u32 s1, s0  }
0xbe: {  	s0 =	sadd.s32 $0x8F2B, s0  }
0xbf: {  	[sflag:s0] =	ssyncadd.remote.s32 $0x1  }
0xc0: {  	_ =	sfence.sel $0xFFFF  }
0xc1: {  	[dreg:$0x0] =	wrdreg $0xFFFFFFFF;
	(pc) =	sbr.abs _section_cstart, $3  }
0xc2: {  	[dreg:$0x1] =	wrdreg $0xFFFFFFFF  }
0xc3: {  	_ =	task.clear_ibuf [dreg:s8], $0x2FFFF;
	_ =	strace $0x9FFFFFFF  }
0xc4: {  	(tm) =	ssettm $0x7FFFFFFF  }
0xc5: {  	_ =	shalt  }
tec
execute0_lowered:
.L_overlay_start_1:
0x0: {  	(tag) =	ssettag $0x1  }
0x1: {  	s1 =	rddreg [dreg:$0x0]  }
0x2: {  	s12 =	rddreg [dreg:$0x1]  }
0x3: {  	s4 =	rddreg [dreg:$0x2];
	s3 =	srdreg.scid  }
0x4: {  	s0 =	rddreg [dreg:$0x3];
	s2 =	stileid.u32;
	s16 =	simm.s32 $0x1  }
0x5: {  	s17 =	simm.s32 $0x2;
	s18 =	simm.s32 $0x18000;
	s19 =	simm.s32 $0x3  }
0x6: {  	s20 =	simm.s32 $0x18100;
	s21 =	simm.s32 $0x0;
	s5 =	sand.u32 $0x1, s3  }
0x7: {  	s3 =	simm.s32 $0x0;
	s6 =	sshll.u32 s2, $0x2;
	s7 =	sshll.u32 s5, $0x1  }
0x8: {  	[smem:$0x7FF] =	sst s3;
	s5 =	ssub.s32 $0x2, s5;
	s6 =	sor.u32 s7, s6  }
0x9: {  	_ =	strace $0x80000047;
	s31 =	sshrl.u32 s5, $0x1;
	s13 =	sshll.u32 s6, $0x4  }
0xa: {  	s7 =	sshll.u32 s6, $0x11;
	s15 =	ssub.s32 s5, s31;
	s11 =	sshll.u32 s6, $0x14  }
.Ltmp0:
0xb: {  	s14 =	sadd.s32 s13, s4;
	s9 =	sadd.s32 s7, s1;
	(pc) =	sbr.rel .LBB2_1-.Ltmp0, $4  }
0xc: {  	s6 =	sor.u32 $0x88000, s11;
	s7 =	sor.u32 $0x94000, s11;
	s10 =	sor.u32 $0x188000, s11  }
0xd: {  	s11 =	sor.u32 $0x194000, s11;
	s12 =	sadd.s32 s12, s13;
	s4 =	sadd.s32 $0xE000, s9  }
0xe: {  	s5 =	sadd.s32 $0xF800, s9;
	s8 =	sadd.s32 $0x2E000, s9;
	s9 =	sadd.s32 $0x2F800, s9  }
0xf: {  	s13 =	sadd.s32 $0xE00, s14;
	s14 =	smax.u32 s15, $0x1;
	s15 =	simm.s32 $0xC000  }
.LBB2_15:
0x10: {  	[tilespmem:$0x18180] =	vst v5  }
0x11: {  	[tilespmem:$0x18080] =	vst v12  }
0x12: {  	[tilespmem:$0x18190] =	vst v7  }
0x13: {  	[tilespmem:$0x18090] =	vst v15  }
0x14: {  	[tilespmem:$0x181A0] =	vst v6  }
0x15: {  	[tilespmem:$0x180A0] =	vst v13  }
0x16: {  	[tilespmem:$0x181B0] =	vst v4  }
0x17: {  	[tilespmem:$0x180B0] =	vst v11  }
0x18: {  	[tilespmem:$0x181C0] =	vst v3  }
0x19: {  	[tilespmem:$0x180C0] =	vst v14  }
0x1a: {  	[tilespmem:$0x181D0] =	vst v2  }
0x1b: {  	[tilespmem:$0x180D0] =	vst v10  }
0x1c: {  	[tilespmem:$0x181E0] =	vst v1  }
0x1d: {  	[tilespmem:$0x180E0] =	vst v8  }
0x1e: {  	[tilespmem:$0x181F0] =	vst v0  }
0x1f: {  	[tilespmem:$0x180F0] =	vst v9  }
0x20: {  	[hbm4b:s12+s3] =	stream.linear.scatter [tilespmem:s18], [sflag:$0x3], $0x100, $0x38;
	[tilespmem:$0x18200] =	vst v63  }
0x21: {  	s21 =	sadd.s32 $0x1, s21;
	_ =	swait.ge [sflag:s19], $0x100  }
0x22: {  	p0 =	sne.s32 s21, s14;
	[sflag:s19] =	ssyncset.done $0x0  }
.Ltmp1:
0x23: {  	[sflag:s19] =	ssyncadd.s32 $0xFFFFFF00;
	(pc) =	sbr.rel @!p0 .LBB2_16-.Ltmp1, $4  }
0x24: {  	[hbm4b:s13+s3] =	stream.linear.scatter [tilespmem:s20], [sflag:$0x3], $0x100, $0x38;
	[tilespmem:$0x18200] =	vst v63  }
0x25: {  	_ =	swait.ge [sflag:s19], $0x100  }
0x26: {  	[sflag:s19] =	ssyncset.done $0x0  }
0x27: {  	[sflag:s19] =	ssyncadd.s32 $0xFFFFFF00  }
.LBB2_1:
0x28: {  	v0 =	vimm.f32 $+Inf  }
0x29: {  	v9 =	vimm.s32 $0x0;
	v8 =	vimm.s32 $0x0;
	v10 =	vimm.s32 $0x0  }
0x2a: {  	v14 =	vimm.s32 $0x0;
	v11 =	vimm.s32 $0x0;
	v13 =	vimm.s32 $0x0  }
0x2b: {  	[tilespmem:s3], [sflag:$0x1] =	stream.linear.gather [hbm4b:s4+s3], $0xC000, $0x38;
	v15 =	vimm.s32 $0x0;
	v12 =	vimm.s32 $0x0;
	v1 =	vimm.f32 $+Inf;
	[tilespmem:$0x18200] =	vst v63  }
0x2c: {  	v2 =	vimm.f32 $+Inf;
	v3 =	vimm.f32 $+Inf;
	v4 =	vimm.f32 $+Inf;
	s22 =	simm.s32 $0xE07;
	s23 =	simm.s32 $0xF87;
	s24 =	simm.s32 $0x0  }
0x2d: {  	v6 =	vimm.f32 $+Inf;
	v7 =	vimm.f32 $+Inf;
	v5 =	vimm.f32 $+Inf;
	[tilespmem:s15], [sflag:$0x2] =	stream.linear.gather [hbm4b:s5+s3], $0xC000, $0x38;
	[tilespmem:$0x18200] =	vst v63  }
.LBB2_2:
0x2e: {  	_ =	swait.ge [sflag:s16], $0xC000  }
0x2f: {  	s25 =	simm.s32 $0xFFFFFFFC;
	[sflag:s16] =	ssyncset.done $0x0  }
0x30: {  	s26 =	simm.s32 $0x200;
	s28 =	smov.u32 s22;
	[sflag:s16] =	ssyncadd.s32 $0xFFFF4000  }
.LBB2_3:
0x31: {  	v16 =	vld [tilespmem:s26+$0xFFFFFE00]  }
0x32: {  	v17 =	vld [tilespmem:s26+$0xFFFFFE80]  }
0x33: {  	v18 =	vld [tilespmem:s26+$0xFFFFFE10]  }
0x34: {  	v19 =	vld [tilespmem:s26+$0xFFFFFE90]  }
0x35: {  	v20 =	vld [tilespmem:s26+$0xFFFFFE20]  }
0x36: {  	v21 =	vld [tilespmem:s26+$0xFFFFFEA0]  }
0x37: {  	v22 =	vld [tilespmem:s26+$0xFFFFFE30]  }
0x38: {  	v23 =	vld [tilespmem:s26+$0xFFFFFEB0]  }
0x39: {  	v25 =	vld [tilespmem:s26+$0xFFFFFE40]  }
0x3a: {  	v26 =	vld [tilespmem:s26+$0xFFFFFEC0]  }
0x3b: {  	v48 =	vld [tilespmem:s26+$0xFFFFFE50]  }
0x3c: {  	v27 =	vld [tilespmem:s26+$0xFFFFFED0]  }
0x3d: {  	v49 =	vld [tilespmem:s26+$0xFFFFFE60]  }
0x3e: {  	v28 =	vld [tilespmem:s26+$0xFFFFFEE0]  }
0x3f: {  	v53 =	vld [tilespmem:s26+$0xFFFFFE70]  }
0x40: {  	v54 =	vld [tilespmem:s26+$0xFFFFFEF0]  }
0x41: {  	v56 =	vld [tilespmem:s26+$0xFFFFFF00]  }
0x42: {  	v29 =	vld [tilespmem:s26+$0xFFFFFF80]  }
0x43: {  	v33 =	vld [tilespmem:s26+$0xFFFFFF40]  }
0x44: {  	s29 =	sadd.s32 $0xFFFFFFF9, s28;
	v35 =	vld [tilespmem:s26+$0xFFFFFFC0]  }
0x45: {  	s31 =	sadd.s32 $0xFFFFFFFB, s28;
	v36 =	vld [tilespmem:s26+$0xFFFFFF50];
	v24 =	vmov s29  }
0x46: {  	v38 =	vld [tilespmem:s26+$0xFFFFFFD0];
	v62 =	vmov s31;
	vm0 =	vlt.f32 v17, v16;
	v16 =	vmin.f32 v16, v17  }
0x47: {  	vm1 =	vlt.f32 v19, v18;
	v18 =	vmin.f32 v18, v19;
	vm4 =	vlt.f32 v21, v20  }
0x48: {  	vm6 =	vlt.f32 v23, v22;
	v51 =	vmin.f32 v22, v23;
	vm8 =	vlt.f32 v26, v25  }
0x49: {  	v59 =	vld [tilespmem:s26+$0xFFFFFF10];
	v25 =	vmin.f32 v25, v26;
	vm10 =	vlt.f32 v27, v48;
	v19 =	vmin.f32 v48, v27  }
0x4a: {  	s30 =	sadd.s32 $0xFFFFFFFA, s28;
	v60 =	vld [tilespmem:s26+$0xFFFFFF90];
	vm12 =	vlt.f32 v28, v49;
	v23 =	vmin.f32 v53, v54;
	v22 =	vmin.f32 v56, v29  }
0x4b: {  	v63 =	vld [tilespmem:s26+$0xFFFFFF30];
	v42 =	vmin.f32 v33, v35;
	v46 =	vmin.f32 v36, v38;
	v17 =	vsel vm0, s30, v24  }
0x4c: {  	v32 =	vld [tilespmem:s26+$0xFFFFFFB0];
	vm14 =	vlt.f32 v16, v5;
	vm15 =	vlt.f32 v18, v7;
	v50 =	vsel vm4, s30, v24  }
0x4d: {  	v52 =	vsel vm6, s30, v24;
	vm7 =	vlt.f32 v51, v4;
	v55 =	vsel vm8, s30, v24  }
0x4e: {  	v43 =	vld [tilespmem:s26+$0xFFFFFF70];
	vm9 =	vlt.f32 v25, v3;
	v57 =	vsel vm10, s30, v24;
	vm11 =	vlt.f32 v19, v2  }
0x4f: {  	v45 =	vld [tilespmem:s26+$0xFFFFFFF0];
	v58 =	vsel vm12, s30, v24;
	v5 =	vmin.f32 v5, v16;
	v7 =	vmin.f32 v7, v18  }
0x50: {  	vm4 =	vlt.f32 v29, v56;
	vm6 =	vlt.f32 v60, v59;
	v4 =	vmin.f32 v4, v51  }
0x51: {  	v39 =	vld [tilespmem:s26+$0xFFFFFF60];
	v3 =	vmin.f32 v3, v25;
	vm10 =	vlt.f32 v32, v63;
	v2 =	vmin.f32 v2, v19  }
0x52: {  	v41 =	vld [tilespmem:s26+$0xFFFFFFE0];
	vm12 =	vlt.f32 v35, v33;
	v12 =	vsel vm14, v17, v12;
	v17 =	vsel vm1, s30, v24  }
0x53: {  	v11 =	vsel vm7, v52, v11;
	v14 =	vsel vm9, v55, v14;
	v10 =	vsel vm11, v57, v10  }
0x54: {  	vm14 =	vlt.f32 v54, v53;
	v53 =	vmin.f32 v43, v45;
	v15 =	vsel vm15, v17, v15  }
0x55: {  	v17 =	vmin.f32 v20, v21;
	v20 =	vmin.f32 v49, v28;
	v24 =	vsel vm14, s30, v24  }
0x56: {  	v61 =	vld [tilespmem:s26+$0xFFFFFF20];
	vm15 =	vlt.f32 v23, v0;
	vm14 =	vlt.f32 v38, v36;
	v0 =	vmin.f32 v0, v23  }
0x57: {  	v30 =	vld [tilespmem:s26+$0xD0];
	s30 =	sadd.s32 $0xFFFFFFFC, s28;
	v49 =	vmin.f32 v39, v41;
	vm5 =	vlt.f32 v17, v6;
	vm13 =	vlt.f32 v20, v1  }
0x58: {  	v48 =	vld [tilespmem:s26+$0x0];
	v9 =	vsel vm15, v24, v9;
	v6 =	vmin.f32 v6, v17;
	v17 =	vsel vm4, s30, v62  }
0x59: {  	v16 =	vld [tilespmem:s26+$0xFFFFFFA0];
	v34 =	vsel vm6, s30, v62;
	v24 =	vmin.f32 v63, v32;
	v40 =	vsel vm10, s30, v62  }
0x5a: {  	v56 =	vld [tilespmem:s26+$0x30];
	v1 =	vmin.f32 v1, v20;
	v44 =	vsel vm12, s30, v62;
	v47 =	vsel vm14, s30, v62  }
0x5b: {  	v52 =	vld [tilespmem:s26+$0x10];
	vm15 =	vlt.f32 v46, v2;
	vm4 =	vlt.f32 v41, v39;
	vm6 =	vlt.f32 v45, v43  }
0x5c: {  	v54 =	vld [tilespmem:s26+$0x90];
	v2 =	vmin.f32 v2, v46;
	v13 =	vsel vm5, v50, v13;
	v8 =	vsel vm13, v58, v8  }
0x5d: {  	v55 =	vld [tilespmem:s26+$0x20];
	vm5 =	vlt.f32 v22, v5;
	vm11 =	vlt.f32 v24, v4;
	vm13 =	vlt.f32 v42, v3  }
0x5e: {  	v36 =	vld [tilespmem:s26+$0x70];
	v10 =	vsel vm15, v47, v10;
	v5 =	vmin.f32 v5, v22;
	v51 =	vsel vm4, s30, v62  }
0x5f: {  	v38 =	vld [tilespmem:s26+$0xF0];
	v4 =	vmin.f32 v4, v24;
	v3 =	vmin.f32 v3, v42;
	v12 =	vsel vm5, v17, v12  }
0x60: {  	v63 =	vld [tilespmem:s26+$0x50];
	v17 =	vmin.f32 v59, v60;
	vm8 =	vlt.f32 v16, v61;
	v16 =	vmin.f32 v61, v16  }
0x61: {  	v32 =	vld [tilespmem:s26+$0x60];
	v11 =	vsel vm11, v40, v11;
	v14 =	vsel vm13, v44, v14;
	vm5 =	vlt.f32 v49, v1  }
0x62: {  	v43 =	vld [tilespmem:s26+$0x110];
	v1 =	vmin.f32 v1, v49;
	vm7 =	vlt.f32 v17, v7;
	v37 =	vsel vm8, s30, v62  }
0x63: {  	v50 =	vld [tilespmem:s26+$0x80];
	vm9 =	vlt.f32 v16, v6;
	v8 =	vsel vm5, v51, v8;
	v7 =	vmin.f32 v7, v17  }
0x64: {  	v58 =	vld [tilespmem:s26+$0xB0];
	v17 =	vsel vm6, s30, v62;
	v6 =	vmin.f32 v6, v16;
	vm10 =	vlt.f32 v54, v52  }
0x65: {  	v42 =	vld [tilespmem:s26+$0x180];
	v59 =	vmin.f32 v52, v54;
	v15 =	vsel vm7, v34, v15;
	v13 =	vsel vm9, v37, v13  }
0x66: {  	s31 =	sadd.s32 $0xFFFFFFFD, s28;
	v47 =	vld [tilespmem:s26+$0x130];
	vm7 =	vlt.f32 v53, v0;
	vm11 =	vlt.f32 v59, v7;
	v0 =	vmin.f32 v0, v53  }
0x67: {  	v60 =	vld [tilespmem:s26+$0x40];
	v7 =	vmin.f32 v7, v59;
	v9 =	vsel vm7, v17, v9;
	v17 =	vmov s31  }
0x68: {  	v40 =	vld [tilespmem:s26+$0x100];
	s30 =	sadd.s32 $0xFFFFFFFE, s28;
	vm6 =	vlt.f32 v30, v63;
	v18 =	vmin.f32 v63, v30;
	vm8 =	vlt.f32 v50, v48  }
0x69: {  	v44 =	vld [tilespmem:s26+$0x190];
	v23 =	vmin.f32 v48, v50;
	v61 =	vsel vm10, s30, v17;
	vm14 =	vlt.f32 v58, v56  }
0x6a: {  	v49 =	vld [tilespmem:s26+$0x1B0];
	s31 =	sadd.s32 $0xFFFFFFFF, s28;
	v31 =	vmin.f32 v56, v58;
	v39 =	vsel vm6, s30, v17;
	vm7 =	vlt.f32 v18, v2  }
0x6b: {  	v16 =	vld [tilespmem:s26+$0xA0];
	vm10 =	vlt.f32 v38, v36;
	v2 =	vmin.f32 v2, v18;
	v46 =	vmov s31  }
0x6c: {  	v62 =	vld [tilespmem:s26+$0xC0];
	v57 =	vsel vm8, s30, v17;
	vm9 =	vlt.f32 v23, v5;
	v15 =	vsel vm11, v61, v15  }
0x6d: {  	v51 =	vld [tilespmem:s26+$0x140];
	v33 =	vsel vm14, s30, v17;
	vm15 =	vlt.f32 v31, v4;
	v5 =	vmin.f32 v5, v23  }
0x6e: {  	v52 =	vld [tilespmem:s26+$0x1C0];
	v10 =	vsel vm7, v39, v10;
	v4 =	vmin.f32 v4, v31;
	v21 =	vmin.f32 v40, v42  }
0x6f: {  	v34 =	vld [tilespmem:s26+$0xE0];
	vm14 =	vlt.f32 v44, v43;
	v50 =	vmin.f32 v43, v44;
	vm6 =	vlt.f32 v49, v47  }
0x70: {  	v12 =	vsel vm9, v57, v12;
	vm12 =	vlt.f32 v16, v55;
	v16 =	vmin.f32 v55, v16  }
0x71: {  	v11 =	vsel vm15, v33, v11;
	vm4 =	vlt.f32 v62, v60;
	v35 =	vmin.f32 v60, v62  }
0x72: {  	vm15 =	vlt.f32 v50, v7;
	v55 =	vmin.f32 v47, v49;
	v7 =	vmin.f32 v7, v50  }
0x73: {  	v57 =	vsel vm6, s28, v46;
	v59 =	vmin.f32 v51, v52;
	v29 =	vsel vm12, s30, v17  }
0x74: {  	vm13 =	vlt.f32 v16, v6;
	vm8 =	vlt.f32 v34, v32;
	v41 =	vmin.f32 v32, v34  }
0x75: {  	v45 =	vld [tilespmem:s26+$0x120];
	v6 =	vmin.f32 v6, v16;
	v16 =	vsel vm8, s30, v17;
	vm9 =	vlt.f32 v41, v1  }
0x76: {  	v56 =	vld [tilespmem:s26+$0x160];
	v37 =	vsel vm4, s30, v17;
	v8 =	vsel vm9, v16, v8;
	v16 =	vmin.f32 v36, v38  }
0x77: {  	v58 =	vld [tilespmem:s26+$0x1E0];
	vm5 =	vlt.f32 v35, v3;
	v17 =	vsel vm10, s30, v17;
	vm11 =	vlt.f32 v16, v0  }
0x78: {  	v3 =	vmin.f32 v3, v35;
	vm12 =	vlt.f32 v42, v40;
	v9 =	vsel vm11, v17, v9;
	v17 =	vld [tilespmem:s26+$0x1A0]  }
0x79: {  	v61 =	vld [tilespmem:s26+$0x1F0];
	vm7 =	vlt.f32 v55, v4;
	v4 =	vmin.f32 v4, v55;
	v13 =	vsel vm13, v29, v13  }
0x7a: {  	v60 =	vld [tilespmem:s26+$0x170];
	v14 =	vsel vm5, v37, v14;
	v1 =	vmin.f32 v1, v41;
	v48 =	vsel vm12, s28, v46  }
0x7b: {  	vm13 =	vlt.f32 v21, v5;
	v5 =	vmin.f32 v5, v21;
	v11 =	vsel vm7, v57, v11  }
0x7c: {  	v54 =	vld [tilespmem:s26+$0x1D0];
	vm8 =	vlt.f32 v52, v51;
	v0 =	vmin.f32 v0, v16;
	v16 =	vsel vm14, s28, v46  }
0x7d: {  	v15 =	vsel vm15, v16, v15;
	vm4 =	vlt.f32 v17, v45;
	v16 =	vmin.f32 v45, v17;
	v17 =	vld [tilespmem:s26+$0x150]  }
0x7e: {  	v12 =	vsel vm13, v48, v12;
	vm9 =	vlt.f32 v59, v3;
	vm12 =	vlt.f32 v58, v56  }
0x7f: {  	v3 =	vmin.f32 v3, v59;
	v62 =	vsel vm12, s28, v46;
	v63 =	vmin.f32 v60, v61  }
0x80: {  	s25 =	sadd.s32 $0x4, s25;
	vm14 =	vlt.f32 v61, v60;
	vm15 =	vlt.f32 v63, v0;
	v0 =	vmin.f32 v0, v63  }
0x81: {  	p0 =	slt.u32 s25, $0xBC;
	vm5 =	vlt.f32 v16, v6;
	v6 =	vmin.f32 v6, v16;
	v16 =	vsel vm8, s28, v46  }
.Ltmp2:
0x82: {  	v14 =	vsel vm9, v16, v14;
	vm10 =	vlt.f32 v54, v17;
	v16 =	vmin.f32 v17, v54;
	(pc) =	sbr.rel @p0 .LBB2_3-.Ltmp2, $4  }
0x83: {  	v53 =	vsel vm4, s28, v46;
	v17 =	vsel vm10, s28, v46;
	vm11 =	vlt.f32 v16, v2  }
0x84: {  	v13 =	vsel vm5, v53, v13;
	v10 =	vsel vm11, v17, v10;
	v17 =	vmin.f32 v56, v58  }
0x85: {  	v2 =	vmin.f32 v2, v16;
	v16 =	vsel vm14, s28, v46;
	vm13 =	vlt.f32 v17, v1  }
0x86: {  	s26 =	sadd.s32 $0x400, s26;
	s28 =	sadd.s32 $0x8, s28;
	v9 =	vsel vm15, v16, v9;
	v1 =	vmin.f32 v1, v17;
	v8 =	vsel vm13, v62, v8  }
0x87: {  	p0 =	seq.s32 s24, $0x5  }
0x88: {  	s25 =	smul.u32 @!p0 $0x18000, s24;
	_ =	sdelay $0x1  }
0x89: {  	s25 =	sadd.s32 @!p0 s6, s25  }
0x8a: {  	s25 =	sshrl.u32 @!p0 s25, $0x3  }
0x8b: {  	s26 =	simm.s32 @!p0 $0x0;
	s25 =	sadd.s32 @!p0 s1, s25  }
0x8c: {  	[tilespmem:s26], [sflag:$0x1] =	stream.linear.gather @!p0 [hbm4b:s25+s26], $0xC000, $0x38;
	[tilespmem:$0x18200] =	vst v63  }
0x8d: {  	_ =	swait.ge [sflag:s17], $0xC000  }
0x8e: {  	s28 =	smov.u32 s23;
	[sflag:s17] =	ssyncset.done $0x0  }
0x8f: {  	s25 =	simm.s32 $0xFFFFFFFC;
	s26 =	simm.s32 $0xC200;
	[sflag:s17] =	ssyncadd.s32 $0xFFFF4000  }
.LBB2_5:
0x90: {  	v16 =	vld [tilespmem:s26+$0xFFFFFE00]  }
0x91: {  	v17 =	vld [tilespmem:s26+$0xFFFFFE80]  }
0x92: {  	v18 =	vld [tilespmem:s26+$0xFFFFFE10]  }
0x93: {  	v19 =	vld [tilespmem:s26+$0xFFFFFE90]  }
0x94: {  	v20 =	vld [tilespmem:s26+$0xFFFFFE20]  }
0x95: {  	v21 =	vld [tilespmem:s26+$0xFFFFFEA0]  }
0x96: {  	v22 =	vld [tilespmem:s26+$0xFFFFFE30]  }
0x97: {  	v23 =	vld [tilespmem:s26+$0xFFFFFEB0]  }
0x98: {  	v25 =	vld [tilespmem:s26+$0xFFFFFE40]  }
0x99: {  	v26 =	vld [tilespmem:s26+$0xFFFFFEC0]  }
0x9a: {  	v48 =	vld [tilespmem:s26+$0xFFFFFE50]  }
0x9b: {  	v27 =	vld [tilespmem:s26+$0xFFFFFED0]  }
0x9c: {  	v49 =	vld [tilespmem:s26+$0xFFFFFE60]  }
0x9d: {  	v28 =	vld [tilespmem:s26+$0xFFFFFEE0]  }
0x9e: {  	v53 =	vld [tilespmem:s26+$0xFFFFFE70]  }
0x9f: {  	v54 =	vld [tilespmem:s26+$0xFFFFFEF0]  }
0xa0: {  	v56 =	vld [tilespmem:s26+$0xFFFFFF00]  }
0xa1: {  	v29 =	vld [tilespmem:s26+$0xFFFFFF80]  }
0xa2: {  	v33 =	vld [tilespmem:s26+$0xFFFFFF40]  }
0xa3: {  	s29 =	sadd.s32 $0xFFFFFFF9, s28;
	v35 =	vld [tilespmem:s26+$0xFFFFFFC0]  }
0xa4: {  	s31 =	sadd.s32 $0xFFFFFFFB, s28;
	v36 =	vld [tilespmem:s26+$0xFFFFFF50];
	v24 =	vmov s29  }
0xa5: {  	v38 =	vld [tilespmem:s26+$0xFFFFFFD0];
	v62 =	vmov s31;
	vm0 =	vlt.f32 v17, v16;
	v16 =	vmin.f32 v16, v17  }
0xa6: {  	vm1 =	vlt.f32 v19, v18;
	v18 =	vmin.f32 v18, v19;
	vm4 =	vlt.f32 v21, v20  }
0xa7: {  	vm6 =	vlt.f32 v23, v22;
	v51 =	vmin.f32 v22, v23;
	vm8 =	vlt.f32 v26, v25  }
0xa8: {  	v59 =	vld [tilespmem:s26+$0xFFFFFF10];
	v25 =	vmin.f32 v25, v26;
	vm10 =	vlt.f32 v27, v48;
	v19 =	vmin.f32 v48, v27  }
0xa9: {  	s30 =	sadd.s32 $0xFFFFFFFA, s28;
	v60 =	vld [tilespmem:s26+$0xFFFFFF90];
	vm12 =	vlt.f32 v28, v49;
	v23 =	vmin.f32 v53, v54;
	v22 =	vmin.f32 v56, v29  }
0xaa: {  	v63 =	vld [tilespmem:s26+$0xFFFFFF30];
	v42 =	vmin.f32 v33, v35;
	v46 =	vmin.f32 v36, v38;
	v17 =	vsel vm0, s30, v24  }
0xab: {  	v32 =	vld [tilespmem:s26+$0xFFFFFFB0];
	vm14 =	vlt.f32 v16, v5;
	vm15 =	vlt.f32 v18, v7;
	v50 =	vsel vm4, s30, v24  }
0xac: {  	v52 =	vsel vm6, s30, v24;
	vm7 =	vlt.f32 v51, v4;
	v55 =	vsel vm8, s30, v24  }
0xad: {  	v43 =	vld [tilespmem:s26+$0xFFFFFF70];
	vm9 =	vlt.f32 v25, v3;
	v57 =	vsel vm10, s30, v24;
	vm11 =	vlt.f32 v19, v2  }
0xae: {  	v45 =	vld [tilespmem:s26+$0xFFFFFFF0];
	v58 =	vsel vm12, s30, v24;
	v5 =	vmin.f32 v5, v16;
	v7 =	vmin.f32 v7, v18  }
0xaf: {  	vm4 =	vlt.f32 v29, v56;
	vm6 =	vlt.f32 v60, v59;
	v4 =	vmin.f32 v4, v51  }
0xb0: {  	v39 =	vld [tilespmem:s26+$0xFFFFFF60];
	v3 =	vmin.f32 v3, v25;
	vm10 =	vlt.f32 v32, v63;
	v2 =	vmin.f32 v2, v19  }
0xb1: {  	v41 =	vld [tilespmem:s26+$0xFFFFFFE0];
	vm12 =	vlt.f32 v35, v33;
	v12 =	vsel vm14, v17, v12;
	v17 =	vsel vm1, s30, v24  }
0xb2: {  	v11 =	vsel vm7, v52, v11;
	v14 =	vsel vm9, v55, v14;
	v10 =	vsel vm11, v57, v10  }
0xb3: {  	vm14 =	vlt.f32 v54, v53;
	v53 =	vmin.f32 v43, v45;
	v15 =	vsel vm15, v17, v15  }
0xb4: {  	v17 =	vmin.f32 v20, v21;
	v20 =	vmin.f32 v49, v28;
	v24 =	vsel vm14, s30, v24  }
0xb5: {  	v61 =	vld [tilespmem:s26+$0xFFFFFF20];
	vm15 =	vlt.f32 v23, v0;
	vm14 =	vlt.f32 v38, v36;
	v0 =	vmin.f32 v0, v23  }
0xb6: {  	v30 =	vld [tilespmem:s26+$0xD0];
	s30 =	sadd.s32 $0xFFFFFFFC, s28;
	v49 =	vmin.f32 v39, v41;
	vm5 =	vlt.f32 v17, v6;
	vm13 =	vlt.f32 v20, v1  }
0xb7: {  	v48 =	vld [tilespmem:s26+$0x0];
	v9 =	vsel vm15, v24, v9;
	v6 =	vmin.f32 v6, v17;
	v17 =	vsel vm4, s30, v62  }
0xb8: {  	v16 =	vld [tilespmem:s26+$0xFFFFFFA0];
	v34 =	vsel vm6, s30, v62;
	v24 =	vmin.f32 v63, v32;
	v40 =	vsel vm10, s30, v62  }
0xb9: {  	v56 =	vld [tilespmem:s26+$0x30];
	v1 =	vmin.f32 v1, v20;
	v44 =	vsel vm12, s30, v62;
	v47 =	vsel vm14, s30, v62  }
0xba: {  	v52 =	vld [tilespmem:s26+$0x10];
	vm15 =	vlt.f32 v46, v2;
	vm4 =	vlt.f32 v41, v39;
	vm6 =	vlt.f32 v45, v43  }
0xbb: {  	v54 =	vld [tilespmem:s26+$0x90];
	v2 =	vmin.f32 v2, v46;
	v13 =	vsel vm5, v50, v13;
	v8 =	vsel vm13, v58, v8  }
0xbc: {  	v55 =	vld [tilespmem:s26+$0x20];
	vm5 =	vlt.f32 v22, v5;
	vm11 =	vlt.f32 v24, v4;
	vm13 =	vlt.f32 v42, v3  }
0xbd: {  	v36 =	vld [tilespmem:s26+$0x70];
	v10 =	vsel vm15, v47, v10;
	v5 =	vmin.f32 v5, v22;
	v51 =	vsel vm4, s30, v62  }
0xbe: {  	v38 =	vld [tilespmem:s26+$0xF0];
	v4 =	vmin.f32 v4, v24;
	v3 =	vmin.f32 v3, v42;
	v12 =	vsel vm5, v17, v12  }
0xbf: {  	v63 =	vld [tilespmem:s26+$0x50];
	v17 =	vmin.f32 v59, v60;
	vm8 =	vlt.f32 v16, v61;
	v16 =	vmin.f32 v61, v16  }
0xc0: {  	v32 =	vld [tilespmem:s26+$0x60];
	v11 =	vsel vm11, v40, v11;
	v14 =	vsel vm13, v44, v14;
	vm5 =	vlt.f32 v49, v1  }
0xc1: {  	v43 =	vld [tilespmem:s26+$0x110];
	v1 =	vmin.f32 v1, v49;
	vm7 =	vlt.f32 v17, v7;
	v37 =	vsel vm8, s30, v62  }
0xc2: {  	v50 =	vld [tilespmem:s26+$0x80];
	vm9 =	vlt.f32 v16, v6;
	v8 =	vsel vm5, v51, v8;
	v7 =	vmin.f32 v7, v17  }
0xc3: {  	v58 =	vld [tilespmem:s26+$0xB0];
	v17 =	vsel vm6, s30, v62;
	v6 =	vmin.f32 v6, v16;
	vm10 =	vlt.f32 v54, v52  }
0xc4: {  	v42 =	vld [tilespmem:s26+$0x180];
	v59 =	vmin.f32 v52, v54;
	v15 =	vsel vm7, v34, v15;
	v13 =	vsel vm9, v37, v13  }
0xc5: {  	s31 =	sadd.s32 $0xFFFFFFFD, s28;
	v47 =	vld [tilespmem:s26+$0x130];
	vm7 =	vlt.f32 v53, v0;
	vm11 =	vlt.f32 v59, v7;
	v0 =	vmin.f32 v0, v53  }
0xc6: {  	v60 =	vld [tilespmem:s26+$0x40];
	v7 =	vmin.f32 v7, v59;
	v9 =	vsel vm7, v17, v9;
	v17 =	vmov s31  }
0xc7: {  	v40 =	vld [tilespmem:s26+$0x100];
	s30 =	sadd.s32 $0xFFFFFFFE, s28;
	vm6 =	vlt.f32 v30, v63;
	v18 =	vmin.f32 v63, v30;
	vm8 =	vlt.f32 v50, v48  }
0xc8: {  	v44 =	vld [tilespmem:s26+$0x190];
	v23 =	vmin.f32 v48, v50;
	v61 =	vsel vm10, s30, v17;
	vm14 =	vlt.f32 v58, v56  }
0xc9: {  	v49 =	vld [tilespmem:s26+$0x1B0];
	s31 =	sadd.s32 $0xFFFFFFFF, s28;
	v31 =	vmin.f32 v56, v58;
	v39 =	vsel vm6, s30, v17;
	vm7 =	vlt.f32 v18, v2  }
0xca: {  	v16 =	vld [tilespmem:s26+$0xA0];
	vm10 =	vlt.f32 v38, v36;
	v2 =	vmin.f32 v2, v18;
	v46 =	vmov s31  }
0xcb: {  	v62 =	vld [tilespmem:s26+$0xC0];
	v57 =	vsel vm8, s30, v17;
	vm9 =	vlt.f32 v23, v5;
	v15 =	vsel vm11, v61, v15  }
0xcc: {  	v51 =	vld [tilespmem:s26+$0x140];
	v33 =	vsel vm14, s30, v17;
	vm15 =	vlt.f32 v31, v4;
	v5 =	vmin.f32 v5, v23  }
0xcd: {  	v52 =	vld [tilespmem:s26+$0x1C0];
	v10 =	vsel vm7, v39, v10;
	v4 =	vmin.f32 v4, v31;
	v21 =	vmin.f32 v40, v42  }
0xce: {  	v34 =	vld [tilespmem:s26+$0xE0];
	vm14 =	vlt.f32 v44, v43;
	v50 =	vmin.f32 v43, v44;
	vm6 =	vlt.f32 v49, v47  }
0xcf: {  	v12 =	vsel vm9, v57, v12;
	vm12 =	vlt.f32 v16, v55;
	v16 =	vmin.f32 v55, v16  }
0xd0: {  	v11 =	vsel vm15, v33, v11;
	vm4 =	vlt.f32 v62, v60;
	v35 =	vmin.f32 v60, v62  }
0xd1: {  	vm15 =	vlt.f32 v50, v7;
	v55 =	vmin.f32 v47, v49;
	v7 =	vmin.f32 v7, v50  }
0xd2: {  	v57 =	vsel vm6, s28, v46;
	v59 =	vmin.f32 v51, v52;
	v29 =	vsel vm12, s30, v17  }
0xd3: {  	vm13 =	vlt.f32 v16, v6;
	vm8 =	vlt.f32 v34, v32;
	v41 =	vmin.f32 v32, v34  }
0xd4: {  	v45 =	vld [tilespmem:s26+$0x120];
	v6 =	vmin.f32 v6, v16;
	v16 =	vsel vm8, s30, v17;
	vm9 =	vlt.f32 v41, v1  }
0xd5: {  	v56 =	vld [tilespmem:s26+$0x160];
	v37 =	vsel vm4, s30, v17;
	v8 =	vsel vm9, v16, v8;
	v16 =	vmin.f32 v36, v38  }
0xd6: {  	v58 =	vld [tilespmem:s26+$0x1E0];
	vm5 =	vlt.f32 v35, v3;
	v17 =	vsel vm10, s30, v17;
	vm11 =	vlt.f32 v16, v0  }
0xd7: {  	v3 =	vmin.f32 v3, v35;
	vm12 =	vlt.f32 v42, v40;
	v9 =	vsel vm11, v17, v9;
	v17 =	vld [tilespmem:s26+$0x1A0]  }
0xd8: {  	v61 =	vld [tilespmem:s26+$0x1F0];
	vm7 =	vlt.f32 v55, v4;
	v4 =	vmin.f32 v4, v55;
	v13 =	vsel vm13, v29, v13  }
0xd9: {  	v60 =	vld [tilespmem:s26+$0x170];
	v14 =	vsel vm5, v37, v14;
	v1 =	vmin.f32 v1, v41;
	v48 =	vsel vm12, s28, v46  }
0xda: {  	vm13 =	vlt.f32 v21, v5;
	v5 =	vmin.f32 v5, v21;
	v11 =	vsel vm7, v57, v11  }
0xdb: {  	v54 =	vld [tilespmem:s26+$0x1D0];
	vm8 =	vlt.f32 v52, v51;
	v0 =	vmin.f32 v0, v16;
	v16 =	vsel vm14, s28, v46  }
0xdc: {  	v15 =	vsel vm15, v16, v15;
	vm4 =	vlt.f32 v17, v45;
	v16 =	vmin.f32 v45, v17;
	v17 =	vld [tilespmem:s26+$0x150]  }
0xdd: {  	v12 =	vsel vm13, v48, v12;
	vm9 =	vlt.f32 v59, v3;
	vm12 =	vlt.f32 v58, v56  }
0xde: {  	v3 =	vmin.f32 v3, v59;
	v62 =	vsel vm12, s28, v46;
	v63 =	vmin.f32 v60, v61  }
0xdf: {  	s25 =	sadd.s32 $0x4, s25;
	vm14 =	vlt.f32 v61, v60;
	vm15 =	vlt.f32 v63, v0;
	v0 =	vmin.f32 v0, v63  }
0xe0: {  	p1 =	slt.u32 s25, $0xBC;
	vm5 =	vlt.f32 v16, v6;
	v6 =	vmin.f32 v6, v16;
	v16 =	vsel vm8, s28, v46  }
.Ltmp3:
0xe1: {  	v14 =	vsel vm9, v16, v14;
	vm10 =	vlt.f32 v54, v17;
	v16 =	vmin.f32 v17, v54;
	(pc) =	sbr.rel @p1 .LBB2_5-.Ltmp3, $4  }
0xe2: {  	v53 =	vsel vm4, s28, v46;
	v17 =	vsel vm10, s28, v46;
	vm11 =	vlt.f32 v16, v2  }
0xe3: {  	v13 =	vsel vm5, v53, v13;
	v10 =	vsel vm11, v17, v10;
	v17 =	vmin.f32 v56, v58  }
0xe4: {  	v2 =	vmin.f32 v2, v16;
	v16 =	vsel vm14, s28, v46;
	vm13 =	vlt.f32 v17, v1  }
0xe5: {  	s26 =	sadd.s32 $0x400, s26;
	s28 =	sadd.s32 $0x8, s28;
	v9 =	vsel vm15, v16, v9;
	v1 =	vmin.f32 v1, v17;
	v8 =	vsel vm13, v62, v8  }
.Ltmp4:
0xe6: {  	(pc) =	sbr.rel @p0 .LBB2_8-.Ltmp4, $1  }
0xe7: {  	_ =	sdelay $0x3  }
0xe8: {  	s25 =	smul.u32 $0x18000, s24  }
.Ltmp5:
0xe9: {  	_ = 	snop;
	(pc) =	sbr.rel .LBB2_2-.Ltmp5, $4  }
0xea: {  	s25 =	sadd.s32 s7, s25  }
0xeb: {  	s24 =	sadd.s32 $0x1, s24;
	s25 =	sshrl.u32 s25, $0x3  }
0xec: {  	s22 =	sadd.s32 $0x300, s22;
	s23 =	sadd.s32 $0x300, s23;
	s25 =	sadd.s32 s1, s25  }
0xed: {  	[tilespmem:s15], [sflag:$0x2] =	stream.linear.gather [hbm4b:s25+s3], $0xC000, $0x38;
	[tilespmem:$0x18200] =	vst v63  }
.LBB2_8:
0xee: {  	[tilespmem:$0x18100] =	vst v5  }
0xef: {  	[tilespmem:$0x18000] =	vst v12  }
0xf0: {  	[tilespmem:$0x18110] =	vst v7  }
0xf1: {  	[tilespmem:$0x18010] =	vst v15  }
0xf2: {  	[tilespmem:$0x18120] =	vst v6  }
0xf3: {  	[tilespmem:$0x18020] =	vst v13  }
0xf4: {  	[tilespmem:$0x18130] =	vst v4  }
0xf5: {  	[tilespmem:$0x18030] =	vst v11  }
0xf6: {  	[tilespmem:$0x18140] =	vst v3  }
0xf7: {  	[tilespmem:$0x18040] =	vst v14  }
0xf8: {  	[tilespmem:$0x18150] =	vst v2  }
0xf9: {  	[tilespmem:$0x18050] =	vst v10  }
0xfa: {  	[tilespmem:$0x18060] =	vst v8  }
0xfb: {  	[tilespmem:$0x18170] =	vst v0;
	v0 =	vimm.f32 $+Inf  }
0xfc: {  	[tilespmem:$0x18070] =	vst v9;
	v9 =	vimm.s32 $0x0;
	v8 =	vimm.s32 $0x0;
	v10 =	vimm.s32 $0x0  }
0xfd: {  	[tilespmem:$0x18160] =	vst v1;
	s22 =	simm.s32 $0x0;
	v14 =	vimm.s32 $0x0;
	v11 =	vimm.s32 $0x0;
	v13 =	vimm.s32 $0x0  }
0xfe: {  	v15 =	vimm.s32 $0x0;
	v12 =	vimm.s32 $0x0;
	v1 =	vimm.f32 $+Inf;
	[tilespmem:s22], [sflag:$0x1] =	stream.linear.gather [hbm4b:s8+s22], $0xC000, $0x38;
	[tilespmem:$0x18200] =	vst v63  }
0xff: {  	v2 =	vimm.f32 $+Inf;
	v3 =	vimm.f32 $+Inf;
	v4 =	vimm.f32 $+Inf;
	s23 =	simm.s32 $0xE07;
	s24 =	simm.s32 $0xF87  }
0x100: {  	v6 =	vimm.f32 $+Inf;
	v7 =	vimm.f32 $+Inf;
	v5 =	vimm.f32 $+Inf;
	[tilespmem:s15], [sflag:$0x2] =	stream.linear.gather [hbm4b:s9+s22], $0xC000, $0x38;
	[tilespmem:$0x18200] =	vst v63  }
.LBB2_9:
0x101: {  	_ =	swait.ge [sflag:s16], $0xC000  }
0x102: {  	s25 =	simm.s32 $0xFFFFFFFC;
	[sflag:s16] =	ssyncset.done $0x0  }
0x103: {  	s26 =	simm.s32 $0x200;
	s28 =	smov.u32 s23;
	[sflag:s16] =	ssyncadd.s32 $0xFFFF4000  }
.LBB2_10:
0x104: {  	v16 =	vld [tilespmem:s26+$0xFFFFFE00]  }
0x105: {  	v17 =	vld [tilespmem:s26+$0xFFFFFE80]  }
0x106: {  	v18 =	vld [tilespmem:s26+$0xFFFFFE10]  }
0x107: {  	v19 =	vld [tilespmem:s26+$0xFFFFFE90]  }
0x108: {  	v20 =	vld [tilespmem:s26+$0xFFFFFE20]  }
0x109: {  	v21 =	vld [tilespmem:s26+$0xFFFFFEA0]  }
0x10a: {  	v22 =	vld [tilespmem:s26+$0xFFFFFE30]  }
0x10b: {  	v23 =	vld [tilespmem:s26+$0xFFFFFEB0]  }
0x10c: {  	v25 =	vld [tilespmem:s26+$0xFFFFFE40]  }
0x10d: {  	v26 =	vld [tilespmem:s26+$0xFFFFFEC0]  }
0x10e: {  	v48 =	vld [tilespmem:s26+$0xFFFFFE50]  }
0x10f: {  	v27 =	vld [tilespmem:s26+$0xFFFFFED0]  }
0x110: {  	v49 =	vld [tilespmem:s26+$0xFFFFFE60]  }
0x111: {  	v28 =	vld [tilespmem:s26+$0xFFFFFEE0]  }
0x112: {  	v53 =	vld [tilespmem:s26+$0xFFFFFE70]  }
0x113: {  	v54 =	vld [tilespmem:s26+$0xFFFFFEF0]  }
0x114: {  	v56 =	vld [tilespmem:s26+$0xFFFFFF00]  }
0x115: {  	v29 =	vld [tilespmem:s26+$0xFFFFFF80]  }
0x116: {  	v33 =	vld [tilespmem:s26+$0xFFFFFF40]  }
0x117: {  	s29 =	sadd.s32 $0xFFFFFFF9, s28;
	v35 =	vld [tilespmem:s26+$0xFFFFFFC0]  }
0x118: {  	s31 =	sadd.s32 $0xFFFFFFFB, s28;
	v36 =	vld [tilespmem:s26+$0xFFFFFF50];
	v24 =	vmov s29  }
0x119: {  	v38 =	vld [tilespmem:s26+$0xFFFFFFD0];
	v62 =	vmov s31;
	vm0 =	vlt.f32 v17, v16;
	v16 =	vmin.f32 v16, v17  }
0x11a: {  	vm1 =	vlt.f32 v19, v18;
	v18 =	vmin.f32 v18, v19;
	vm4 =	vlt.f32 v21, v20  }
0x11b: {  	vm6 =	vlt.f32 v23, v22;
	v51 =	vmin.f32 v22, v23;
	vm8 =	vlt.f32 v26, v25  }
0x11c: {  	v59 =	vld [tilespmem:s26+$0xFFFFFF10];
	v25 =	vmin.f32 v25, v26;
	vm10 =	vlt.f32 v27, v48;
	v19 =	vmin.f32 v48, v27  }
0x11d: {  	s30 =	sadd.s32 $0xFFFFFFFA, s28;
	v60 =	vld [tilespmem:s26+$0xFFFFFF90];
	vm12 =	vlt.f32 v28, v49;
	v23 =	vmin.f32 v53, v54;
	v22 =	vmin.f32 v56, v29  }
0x11e: {  	v63 =	vld [tilespmem:s26+$0xFFFFFF30];
	v42 =	vmin.f32 v33, v35;
	v46 =	vmin.f32 v36, v38;
	v17 =	vsel vm0, s30, v24  }
0x11f: {  	v32 =	vld [tilespmem:s26+$0xFFFFFFB0];
	vm14 =	vlt.f32 v16, v5;
	vm15 =	vlt.f32 v18, v7;
	v50 =	vsel vm4, s30, v24  }
0x120: {  	v52 =	vsel vm6, s30, v24;
	vm7 =	vlt.f32 v51, v4;
	v55 =	vsel vm8, s30, v24  }
0x121: {  	v43 =	vld [tilespmem:s26+$0xFFFFFF70];
	vm9 =	vlt.f32 v25, v3;
	v57 =	vsel vm10, s30, v24;
	vm11 =	vlt.f32 v19, v2  }
0x122: {  	v45 =	vld [tilespmem:s26+$0xFFFFFFF0];
	v58 =	vsel vm12, s30, v24;
	v5 =	vmin.f32 v5, v16;
	v7 =	vmin.f32 v7, v18  }
0x123: {  	vm4 =	vlt.f32 v29, v56;
	vm6 =	vlt.f32 v60, v59;
	v4 =	vmin.f32 v4, v51  }
0x124: {  	v39 =	vld [tilespmem:s26+$0xFFFFFF60];
	v3 =	vmin.f32 v3, v25;
	vm10 =	vlt.f32 v32, v63;
	v2 =	vmin.f32 v2, v19  }
0x125: {  	v41 =	vld [tilespmem:s26+$0xFFFFFFE0];
	vm12 =	vlt.f32 v35, v33;
	v12 =	vsel vm14, v17, v12;
	v17 =	vsel vm1, s30, v24  }
0x126: {  	v11 =	vsel vm7, v52, v11;
	v14 =	vsel vm9, v55, v14;
	v10 =	vsel vm11, v57, v10  }
0x127: {  	vm14 =	vlt.f32 v54, v53;
	v53 =	vmin.f32 v43, v45;
	v15 =	vsel vm15, v17, v15  }
0x128: {  	v17 =	vmin.f32 v20, v21;
	v20 =	vmin.f32 v49, v28;
	v24 =	vsel vm14, s30, v24  }
0x129: {  	v61 =	vld [tilespmem:s26+$0xFFFFFF20];
	vm15 =	vlt.f32 v23, v0;
	vm14 =	vlt.f32 v38, v36;
	v0 =	vmin.f32 v0, v23  }
0x12a: {  	v30 =	vld [tilespmem:s26+$0xD0];
	s30 =	sadd.s32 $0xFFFFFFFC, s28;
	v49 =	vmin.f32 v39, v41;
	vm5 =	vlt.f32 v17, v6;
	vm13 =	vlt.f32 v20, v1  }
0x12b: {  	v48 =	vld [tilespmem:s26+$0x0];
	v9 =	vsel vm15, v24, v9;
	v6 =	vmin.f32 v6, v17;
	v17 =	vsel vm4, s30, v62  }
0x12c: {  	v16 =	vld [tilespmem:s26+$0xFFFFFFA0];
	v34 =	vsel vm6, s30, v62;
	v24 =	vmin.f32 v63, v32;
	v40 =	vsel vm10, s30, v62  }
0x12d: {  	v56 =	vld [tilespmem:s26+$0x30];
	v1 =	vmin.f32 v1, v20;
	v44 =	vsel vm12, s30, v62;
	v47 =	vsel vm14, s30, v62  }
0x12e: {  	v52 =	vld [tilespmem:s26+$0x10];
	vm15 =	vlt.f32 v46, v2;
	vm4 =	vlt.f32 v41, v39;
	vm6 =	vlt.f32 v45, v43  }
0x12f: {  	v54 =	vld [tilespmem:s26+$0x90];
	v2 =	vmin.f32 v2, v46;
	v13 =	vsel vm5, v50, v13;
	v8 =	vsel vm13, v58, v8  }
0x130: {  	v55 =	vld [tilespmem:s26+$0x20];
	vm5 =	vlt.f32 v22, v5;
	vm11 =	vlt.f32 v24, v4;
	vm13 =	vlt.f32 v42, v3  }
0x131: {  	v36 =	vld [tilespmem:s26+$0x70];
	v10 =	vsel vm15, v47, v10;
	v5 =	vmin.f32 v5, v22;
	v51 =	vsel vm4, s30, v62  }
0x132: {  	v38 =	vld [tilespmem:s26+$0xF0];
	v4 =	vmin.f32 v4, v24;
	v3 =	vmin.f32 v3, v42;
	v12 =	vsel vm5, v17, v12  }
0x133: {  	v63 =	vld [tilespmem:s26+$0x50];
	v17 =	vmin.f32 v59, v60;
	vm8 =	vlt.f32 v16, v61;
	v16 =	vmin.f32 v61, v16  }
0x134: {  	v32 =	vld [tilespmem:s26+$0x60];
	v11 =	vsel vm11, v40, v11;
	v14 =	vsel vm13, v44, v14;
	vm5 =	vlt.f32 v49, v1  }
0x135: {  	v43 =	vld [tilespmem:s26+$0x110];
	v1 =	vmin.f32 v1, v49;
	vm7 =	vlt.f32 v17, v7;
	v37 =	vsel vm8, s30, v62  }
0x136: {  	v50 =	vld [tilespmem:s26+$0x80];
	vm9 =	vlt.f32 v16, v6;
	v8 =	vsel vm5, v51, v8;
	v7 =	vmin.f32 v7, v17  }
0x137: {  	v58 =	vld [tilespmem:s26+$0xB0];
	v17 =	vsel vm6, s30, v62;
	v6 =	vmin.f32 v6, v16;
	vm10 =	vlt.f32 v54, v52  }
0x138: {  	v42 =	vld [tilespmem:s26+$0x180];
	v59 =	vmin.f32 v52, v54;
	v15 =	vsel vm7, v34, v15;
	v13 =	vsel vm9, v37, v13  }
0x139: {  	s31 =	sadd.s32 $0xFFFFFFFD, s28;
	v47 =	vld [tilespmem:s26+$0x130];
	vm7 =	vlt.f32 v53, v0;
	vm11 =	vlt.f32 v59, v7;
	v0 =	vmin.f32 v0, v53  }
0x13a: {  	v60 =	vld [tilespmem:s26+$0x40];
	v7 =	vmin.f32 v7, v59;
	v9 =	vsel vm7, v17, v9;
	v17 =	vmov s31  }
0x13b: {  	v40 =	vld [tilespmem:s26+$0x100];
	s30 =	sadd.s32 $0xFFFFFFFE, s28;
	vm6 =	vlt.f32 v30, v63;
	v18 =	vmin.f32 v63, v30;
	vm8 =	vlt.f32 v50, v48  }
0x13c: {  	v44 =	vld [tilespmem:s26+$0x190];
	v23 =	vmin.f32 v48, v50;
	v61 =	vsel vm10, s30, v17;
	vm14 =	vlt.f32 v58, v56  }
0x13d: {  	v49 =	vld [tilespmem:s26+$0x1B0];
	s31 =	sadd.s32 $0xFFFFFFFF, s28;
	v31 =	vmin.f32 v56, v58;
	v39 =	vsel vm6, s30, v17;
	vm7 =	vlt.f32 v18, v2  }
0x13e: {  	v16 =	vld [tilespmem:s26+$0xA0];
	vm10 =	vlt.f32 v38, v36;
	v2 =	vmin.f32 v2, v18;
	v46 =	vmov s31  }
0x13f: {  	v62 =	vld [tilespmem:s26+$0xC0];
	v57 =	vsel vm8, s30, v17;
	vm9 =	vlt.f32 v23, v5;
	v15 =	vsel vm11, v61, v15  }
0x140: {  	v51 =	vld [tilespmem:s26+$0x140];
	v33 =	vsel vm14, s30, v17;
	vm15 =	vlt.f32 v31, v4;
	v5 =	vmin.f32 v5, v23  }
0x141: {  	v52 =	vld [tilespmem:s26+$0x1C0];
	v10 =	vsel vm7, v39, v10;
	v4 =	vmin.f32 v4, v31;
	v21 =	vmin.f32 v40, v42  }
0x142: {  	v34 =	vld [tilespmem:s26+$0xE0];
	vm14 =	vlt.f32 v44, v43;
	v50 =	vmin.f32 v43, v44;
	vm6 =	vlt.f32 v49, v47  }
0x143: {  	v12 =	vsel vm9, v57, v12;
	vm12 =	vlt.f32 v16, v55;
	v16 =	vmin.f32 v55, v16  }
0x144: {  	v11 =	vsel vm15, v33, v11;
	vm4 =	vlt.f32 v62, v60;
	v35 =	vmin.f32 v60, v62  }
0x145: {  	vm15 =	vlt.f32 v50, v7;
	v55 =	vmin.f32 v47, v49;
	v7 =	vmin.f32 v7, v50  }
0x146: {  	v57 =	vsel vm6, s28, v46;
	v59 =	vmin.f32 v51, v52;
	v29 =	vsel vm12, s30, v17  }
0x147: {  	vm13 =	vlt.f32 v16, v6;
	vm8 =	vlt.f32 v34, v32;
	v41 =	vmin.f32 v32, v34  }
0x148: {  	v45 =	vld [tilespmem:s26+$0x120];
	v6 =	vmin.f32 v6, v16;
	v16 =	vsel vm8, s30, v17;
	vm9 =	vlt.f32 v41, v1  }
0x149: {  	v56 =	vld [tilespmem:s26+$0x160];
	v37 =	vsel vm4, s30, v17;
	v8 =	vsel vm9, v16, v8;
	v16 =	vmin.f32 v36, v38  }
0x14a: {  	v58 =	vld [tilespmem:s26+$0x1E0];
	vm5 =	vlt.f32 v35, v3;
	v17 =	vsel vm10, s30, v17;
	vm11 =	vlt.f32 v16, v0  }
0x14b: {  	v3 =	vmin.f32 v3, v35;
	vm12 =	vlt.f32 v42, v40;
	v9 =	vsel vm11, v17, v9;
	v17 =	vld [tilespmem:s26+$0x1A0]  }
0x14c: {  	v61 =	vld [tilespmem:s26+$0x1F0];
	vm7 =	vlt.f32 v55, v4;
	v4 =	vmin.f32 v4, v55;
	v13 =	vsel vm13, v29, v13  }
0x14d: {  	v60 =	vld [tilespmem:s26+$0x170];
	v14 =	vsel vm5, v37, v14;
	v1 =	vmin.f32 v1, v41;
	v48 =	vsel vm12, s28, v46  }
0x14e: {  	vm13 =	vlt.f32 v21, v5;
	v5 =	vmin.f32 v5, v21;
	v11 =	vsel vm7, v57, v11  }
0x14f: {  	v54 =	vld [tilespmem:s26+$0x1D0];
	vm8 =	vlt.f32 v52, v51;
	v0 =	vmin.f32 v0, v16;
	v16 =	vsel vm14, s28, v46  }
0x150: {  	v15 =	vsel vm15, v16, v15;
	vm4 =	vlt.f32 v17, v45;
	v16 =	vmin.f32 v45, v17;
	v17 =	vld [tilespmem:s26+$0x150]  }
0x151: {  	v12 =	vsel vm13, v48, v12;
	vm9 =	vlt.f32 v59, v3;
	vm12 =	vlt.f32 v58, v56  }
0x152: {  	v3 =	vmin.f32 v3, v59;
	v62 =	vsel vm12, s28, v46;
	v63 =	vmin.f32 v60, v61  }
0x153: {  	s25 =	sadd.s32 $0x4, s25;
	vm14 =	vlt.f32 v61, v60;
	vm15 =	vlt.f32 v63, v0;
	v0 =	vmin.f32 v0, v63  }
0x154: {  	p0 =	slt.u32 s25, $0xBC;
	vm5 =	vlt.f32 v16, v6;
	v6 =	vmin.f32 v6, v16;
	v16 =	vsel vm8, s28, v46  }
.Ltmp6:
0x155: {  	v14 =	vsel vm9, v16, v14;
	vm10 =	vlt.f32 v54, v17;
	v16 =	vmin.f32 v17, v54;
	(pc) =	sbr.rel @p0 .LBB2_10-.Ltmp6, $4  }
0x156: {  	v53 =	vsel vm4, s28, v46;
	v17 =	vsel vm10, s28, v46;
	vm11 =	vlt.f32 v16, v2  }
0x157: {  	v13 =	vsel vm5, v53, v13;
	v10 =	vsel vm11, v17, v10;
	v17 =	vmin.f32 v56, v58  }
0x158: {  	v2 =	vmin.f32 v2, v16;
	v16 =	vsel vm14, s28, v46;
	vm13 =	vlt.f32 v17, v1  }
0x159: {  	s26 =	sadd.s32 $0x400, s26;
	s28 =	sadd.s32 $0x8, s28;
	v9 =	vsel vm15, v16, v9;
	v1 =	vmin.f32 v1, v17;
	v8 =	vsel vm13, v62, v8  }
0x15a: {  	p0 =	seq.s32 s22, $0x5  }
0x15b: {  	s25 =	smul.u32 @!p0 $0x18000, s22;
	_ =	sdelay $0x1  }
0x15c: {  	s25 =	sadd.s32 @!p0 s25, s10  }
0x15d: {  	s25 =	sshrl.u32 @!p0 s25, $0x3  }
0x15e: {  	s26 =	simm.s32 @!p0 $0x0;
	s25 =	sadd.s32 @!p0 s1, s25  }
0x15f: {  	[tilespmem:s26], [sflag:$0x1] =	stream.linear.gather @!p0 [hbm4b:s25+s26], $0xC000, $0x38;
	[tilespmem:$0x18200] =	vst v63  }
0x160: {  	_ =	swait.ge [sflag:s17], $0xC000  }
0x161: {  	s28 =	smov.u32 s24;
	[sflag:s17] =	ssyncset.done $0x0  }
0x162: {  	s25 =	simm.s32 $0xFFFFFFFC;
	s26 =	simm.s32 $0xC200;
	[sflag:s17] =	ssyncadd.s32 $0xFFFF4000  }
.LBB2_12:
0x163: {  	v16 =	vld [tilespmem:s26+$0xFFFFFE00]  }
0x164: {  	v17 =	vld [tilespmem:s26+$0xFFFFFE80]  }
0x165: {  	v18 =	vld [tilespmem:s26+$0xFFFFFE10]  }
0x166: {  	v19 =	vld [tilespmem:s26+$0xFFFFFE90]  }
0x167: {  	v20 =	vld [tilespmem:s26+$0xFFFFFE20]  }
0x168: {  	v21 =	vld [tilespmem:s26+$0xFFFFFEA0]  }
0x169: {  	v22 =	vld [tilespmem:s26+$0xFFFFFE30]  }
0x16a: {  	v23 =	vld [tilespmem:s26+$0xFFFFFEB0]  }
0x16b: {  	v25 =	vld [tilespmem:s26+$0xFFFFFE40]  }
0x16c: {  	v26 =	vld [tilespmem:s26+$0xFFFFFEC0]  }
0x16d: {  	v48 =	vld [tilespmem:s26+$0xFFFFFE50]  }
0x16e: {  	v27 =	vld [tilespmem:s26+$0xFFFFFED0]  }
0x16f: {  	v49 =	vld [tilespmem:s26+$0xFFFFFE60]  }
0x170: {  	v28 =	vld [tilespmem:s26+$0xFFFFFEE0]  }
0x171: {  	v53 =	vld [tilespmem:s26+$0xFFFFFE70]  }
0x172: {  	v54 =	vld [tilespmem:s26+$0xFFFFFEF0]  }
0x173: {  	v56 =	vld [tilespmem:s26+$0xFFFFFF00]  }
0x174: {  	v29 =	vld [tilespmem:s26+$0xFFFFFF80]  }
0x175: {  	v33 =	vld [tilespmem:s26+$0xFFFFFF40]  }
0x176: {  	s29 =	sadd.s32 $0xFFFFFFF9, s28;
	v35 =	vld [tilespmem:s26+$0xFFFFFFC0]  }
0x177: {  	s31 =	sadd.s32 $0xFFFFFFFB, s28;
	v36 =	vld [tilespmem:s26+$0xFFFFFF50];
	v24 =	vmov s29  }
0x178: {  	v38 =	vld [tilespmem:s26+$0xFFFFFFD0];
	v62 =	vmov s31;
	vm0 =	vlt.f32 v17, v16;
	v16 =	vmin.f32 v16, v17  }
0x179: {  	vm1 =	vlt.f32 v19, v18;
	v18 =	vmin.f32 v18, v19;
	vm4 =	vlt.f32 v21, v20  }
0x17a: {  	vm6 =	vlt.f32 v23, v22;
	v51 =	vmin.f32 v22, v23;
	vm8 =	vlt.f32 v26, v25  }
0x17b: {  	v59 =	vld [tilespmem:s26+$0xFFFFFF10];
	v25 =	vmin.f32 v25, v26;
	vm10 =	vlt.f32 v27, v48;
	v19 =	vmin.f32 v48, v27  }
0x17c: {  	s30 =	sadd.s32 $0xFFFFFFFA, s28;
	v60 =	vld [tilespmem:s26+$0xFFFFFF90];
	vm12 =	vlt.f32 v28, v49;
	v23 =	vmin.f32 v53, v54;
	v22 =	vmin.f32 v56, v29  }
0x17d: {  	v63 =	vld [tilespmem:s26+$0xFFFFFF30];
	v42 =	vmin.f32 v33, v35;
	v46 =	vmin.f32 v36, v38;
	v17 =	vsel vm0, s30, v24  }
0x17e: {  	v32 =	vld [tilespmem:s26+$0xFFFFFFB0];
	vm14 =	vlt.f32 v16, v5;
	vm15 =	vlt.f32 v18, v7;
	v50 =	vsel vm4, s30, v24  }
0x17f: {  	v52 =	vsel vm6, s30, v24;
	vm7 =	vlt.f32 v51, v4;
	v55 =	vsel vm8, s30, v24  }
0x180: {  	v43 =	vld [tilespmem:s26+$0xFFFFFF70];
	vm9 =	vlt.f32 v25, v3;
	v57 =	vsel vm10, s30, v24;
	vm11 =	vlt.f32 v19, v2  }
0x181: {  	v45 =	vld [tilespmem:s26+$0xFFFFFFF0];
	v58 =	vsel vm12, s30, v24;
	v5 =	vmin.f32 v5, v16;
	v7 =	vmin.f32 v7, v18  }
0x182: {  	vm4 =	vlt.f32 v29, v56;
	vm6 =	vlt.f32 v60, v59;
	v4 =	vmin.f32 v4, v51  }
0x183: {  	v39 =	vld [tilespmem:s26+$0xFFFFFF60];
	v3 =	vmin.f32 v3, v25;
	vm10 =	vlt.f32 v32, v63;
	v2 =	vmin.f32 v2, v19  }
0x184: {  	v41 =	vld [tilespmem:s26+$0xFFFFFFE0];
	vm12 =	vlt.f32 v35, v33;
	v12 =	vsel vm14, v17, v12;
	v17 =	vsel vm1, s30, v24  }
0x185: {  	v11 =	vsel vm7, v52, v11;
	v14 =	vsel vm9, v55, v14;
	v10 =	vsel vm11, v57, v10  }
0x186: {  	vm14 =	vlt.f32 v54, v53;
	v53 =	vmin.f32 v43, v45;
	v15 =	vsel vm15, v17, v15  }
0x187: {  	v17 =	vmin.f32 v20, v21;
	v20 =	vmin.f32 v49, v28;
	v24 =	vsel vm14, s30, v24  }
0x188: {  	v61 =	vld [tilespmem:s26+$0xFFFFFF20];
	vm15 =	vlt.f32 v23, v0;
	vm14 =	vlt.f32 v38, v36;
	v0 =	vmin.f32 v0, v23  }
0x189: {  	v30 =	vld [tilespmem:s26+$0xD0];
	s30 =	sadd.s32 $0xFFFFFFFC, s28;
	v49 =	vmin.f32 v39, v41;
	vm5 =	vlt.f32 v17, v6;
	vm13 =	vlt.f32 v20, v1  }
0x18a: {  	v48 =	vld [tilespmem:s26+$0x0];
	v9 =	vsel vm15, v24, v9;
	v6 =	vmin.f32 v6, v17;
	v17 =	vsel vm4, s30, v62  }
0x18b: {  	v16 =	vld [tilespmem:s26+$0xFFFFFFA0];
	v34 =	vsel vm6, s30, v62;
	v24 =	vmin.f32 v63, v32;
	v40 =	vsel vm10, s30, v62  }
0x18c: {  	v56 =	vld [tilespmem:s26+$0x30];
	v1 =	vmin.f32 v1, v20;
	v44 =	vsel vm12, s30, v62;
	v47 =	vsel vm14, s30, v62  }
0x18d: {  	v52 =	vld [tilespmem:s26+$0x10];
	vm15 =	vlt.f32 v46, v2;
	vm4 =	vlt.f32 v41, v39;
	vm6 =	vlt.f32 v45, v43  }
0x18e: {  	v54 =	vld [tilespmem:s26+$0x90];
	v2 =	vmin.f32 v2, v46;
	v13 =	vsel vm5, v50, v13;
	v8 =	vsel vm13, v58, v8  }
0x18f: {  	v55 =	vld [tilespmem:s26+$0x20];
	vm5 =	vlt.f32 v22, v5;
	vm11 =	vlt.f32 v24, v4;
	vm13 =	vlt.f32 v42, v3  }
0x190: {  	v36 =	vld [tilespmem:s26+$0x70];
	v10 =	vsel vm15, v47, v10;
	v5 =	vmin.f32 v5, v22;
	v51 =	vsel vm4, s30, v62  }
0x191: {  	v38 =	vld [tilespmem:s26+$0xF0];
	v4 =	vmin.f32 v4, v24;
	v3 =	vmin.f32 v3, v42;
	v12 =	vsel vm5, v17, v12  }
0x192: {  	v63 =	vld [tilespmem:s26+$0x50];
	v17 =	vmin.f32 v59, v60;
	vm8 =	vlt.f32 v16, v61;
	v16 =	vmin.f32 v61, v16  }
0x193: {  	v32 =	vld [tilespmem:s26+$0x60];
	v11 =	vsel vm11, v40, v11;
	v14 =	vsel vm13, v44, v14;
	vm5 =	vlt.f32 v49, v1  }
0x194: {  	v43 =	vld [tilespmem:s26+$0x110];
	v1 =	vmin.f32 v1, v49;
	vm7 =	vlt.f32 v17, v7;
	v37 =	vsel vm8, s30, v62  }
0x195: {  	v50 =	vld [tilespmem:s26+$0x80];
	vm9 =	vlt.f32 v16, v6;
	v8 =	vsel vm5, v51, v8;
	v7 =	vmin.f32 v7, v17  }
0x196: {  	v58 =	vld [tilespmem:s26+$0xB0];
	v17 =	vsel vm6, s30, v62;
	v6 =	vmin.f32 v6, v16;
	vm10 =	vlt.f32 v54, v52  }
0x197: {  	v42 =	vld [tilespmem:s26+$0x180];
	v59 =	vmin.f32 v52, v54;
	v15 =	vsel vm7, v34, v15;
	v13 =	vsel vm9, v37, v13  }
0x198: {  	s31 =	sadd.s32 $0xFFFFFFFD, s28;
	v47 =	vld [tilespmem:s26+$0x130];
	vm7 =	vlt.f32 v53, v0;
	vm11 =	vlt.f32 v59, v7;
	v0 =	vmin.f32 v0, v53  }
0x199: {  	v60 =	vld [tilespmem:s26+$0x40];
	v7 =	vmin.f32 v7, v59;
	v9 =	vsel vm7, v17, v9;
	v17 =	vmov s31  }
0x19a: {  	v40 =	vld [tilespmem:s26+$0x100];
	s30 =	sadd.s32 $0xFFFFFFFE, s28;
	vm6 =	vlt.f32 v30, v63;
	v18 =	vmin.f32 v63, v30;
	vm8 =	vlt.f32 v50, v48  }
0x19b: {  	v44 =	vld [tilespmem:s26+$0x190];
	v23 =	vmin.f32 v48, v50;
	v61 =	vsel vm10, s30, v17;
	vm14 =	vlt.f32 v58, v56  }
0x19c: {  	v49 =	vld [tilespmem:s26+$0x1B0];
	s31 =	sadd.s32 $0xFFFFFFFF, s28;
	v31 =	vmin.f32 v56, v58;
	v39 =	vsel vm6, s30, v17;
	vm7 =	vlt.f32 v18, v2  }
0x19d: {  	v16 =	vld [tilespmem:s26+$0xA0];
	vm10 =	vlt.f32 v38, v36;
	v2 =	vmin.f32 v2, v18;
	v46 =	vmov s31  }
0x19e: {  	v62 =	vld [tilespmem:s26+$0xC0];
	v57 =	vsel vm8, s30, v17;
	vm9 =	vlt.f32 v23, v5;
	v15 =	vsel vm11, v61, v15  }
0x19f: {  	v51 =	vld [tilespmem:s26+$0x140];
	v33 =	vsel vm14, s30, v17;
	vm15 =	vlt.f32 v31, v4;
	v5 =	vmin.f32 v5, v23  }
0x1a0: {  	v52 =	vld [tilespmem:s26+$0x1C0];
	v10 =	vsel vm7, v39, v10;
	v4 =	vmin.f32 v4, v31;
	v21 =	vmin.f32 v40, v42  }
0x1a1: {  	v34 =	vld [tilespmem:s26+$0xE0];
	vm14 =	vlt.f32 v44, v43;
	v50 =	vmin.f32 v43, v44;
	vm6 =	vlt.f32 v49, v47  }
0x1a2: {  	v12 =	vsel vm9, v57, v12;
	vm12 =	vlt.f32 v16, v55;
	v16 =	vmin.f32 v55, v16  }
0x1a3: {  	v11 =	vsel vm15, v33, v11;
	vm4 =	vlt.f32 v62, v60;
	v35 =	vmin.f32 v60, v62  }
0x1a4: {  	vm15 =	vlt.f32 v50, v7;
	v55 =	vmin.f32 v47, v49;
	v7 =	vmin.f32 v7, v50  }
0x1a5: {  	v57 =	vsel vm6, s28, v46;
	v59 =	vmin.f32 v51, v52;
	v29 =	vsel vm12, s30, v17  }
0x1a6: {  	vm13 =	vlt.f32 v16, v6;
	vm8 =	vlt.f32 v34, v32;
	v41 =	vmin.f32 v32, v34  }
0x1a7: {  	v45 =	vld [tilespmem:s26+$0x120];
	v6 =	vmin.f32 v6, v16;
	v16 =	vsel vm8, s30, v17;
	vm9 =	vlt.f32 v41, v1  }
0x1a8: {  	v56 =	vld [tilespmem:s26+$0x160];
	v37 =	vsel vm4, s30, v17;
	v8 =	vsel vm9, v16, v8;
	v16 =	vmin.f32 v36, v38  }
0x1a9: {  	v58 =	vld [tilespmem:s26+$0x1E0];
	vm5 =	vlt.f32 v35, v3;
	v17 =	vsel vm10, s30, v17;
	vm11 =	vlt.f32 v16, v0  }
0x1aa: {  	v3 =	vmin.f32 v3, v35;
	vm12 =	vlt.f32 v42, v40;
	v9 =	vsel vm11, v17, v9;
	v17 =	vld [tilespmem:s26+$0x1A0]  }
0x1ab: {  	v61 =	vld [tilespmem:s26+$0x1F0];
	vm7 =	vlt.f32 v55, v4;
	v4 =	vmin.f32 v4, v55;
	v13 =	vsel vm13, v29, v13  }
0x1ac: {  	v60 =	vld [tilespmem:s26+$0x170];
	v14 =	vsel vm5, v37, v14;
	v1 =	vmin.f32 v1, v41;
	v48 =	vsel vm12, s28, v46  }
0x1ad: {  	vm13 =	vlt.f32 v21, v5;
	v5 =	vmin.f32 v5, v21;
	v11 =	vsel vm7, v57, v11  }
0x1ae: {  	v54 =	vld [tilespmem:s26+$0x1D0];
	vm8 =	vlt.f32 v52, v51;
	v0 =	vmin.f32 v0, v16;
	v16 =	vsel vm14, s28, v46  }
0x1af: {  	v15 =	vsel vm15, v16, v15;
	vm4 =	vlt.f32 v17, v45;
	v16 =	vmin.f32 v45, v17;
	v17 =	vld [tilespmem:s26+$0x150]  }
0x1b0: {  	v12 =	vsel vm13, v48, v12;
	vm9 =	vlt.f32 v59, v3;
	vm12 =	vlt.f32 v58, v56  }
0x1b1: {  	v3 =	vmin.f32 v3, v59;
	v62 =	vsel vm12, s28, v46;
	v63 =	vmin.f32 v60, v61  }
0x1b2: {  	s25 =	sadd.s32 $0x4, s25;
	vm14 =	vlt.f32 v61, v60;
	vm15 =	vlt.f32 v63, v0;
	v0 =	vmin.f32 v0, v63  }
0x1b3: {  	p1 =	slt.u32 s25, $0xBC;
	vm5 =	vlt.f32 v16, v6;
	v6 =	vmin.f32 v6, v16;
	v16 =	vsel vm8, s28, v46  }
.Ltmp7:
0x1b4: {  	v14 =	vsel vm9, v16, v14;
	vm10 =	vlt.f32 v54, v17;
	v16 =	vmin.f32 v17, v54;
	(pc) =	sbr.rel @p1 .LBB2_12-.Ltmp7, $4  }
0x1b5: {  	v53 =	vsel vm4, s28, v46;
	v17 =	vsel vm10, s28, v46;
	vm11 =	vlt.f32 v16, v2  }
0x1b6: {  	v13 =	vsel vm5, v53, v13;
	v10 =	vsel vm11, v17, v10;
	v17 =	vmin.f32 v56, v58  }
0x1b7: {  	v2 =	vmin.f32 v2, v16;
	v16 =	vsel vm14, s28, v46;
	vm13 =	vlt.f32 v17, v1  }
0x1b8: {  	s26 =	sadd.s32 $0x400, s26;
	s28 =	sadd.s32 $0x8, s28;
	v9 =	vsel vm15, v16, v9;
	v1 =	vmin.f32 v1, v17;
	v8 =	vsel vm13, v62, v8  }
.Ltmp8:
0x1b9: {  	(pc) =	sbr.rel @p0 .LBB2_15-.Ltmp8, $1  }
0x1ba: {  	_ =	sdelay $0x3  }
0x1bb: {  	s25 =	smul.u32 $0x18000, s22  }
.Ltmp9:
0x1bc: {  	_ = 	snop;
	(pc) =	sbr.rel .LBB2_9-.Ltmp9, $4  }
0x1bd: {  	s25 =	sadd.s32 s25, s11  }
0x1be: {  	s22 =	sadd.s32 $0x1, s22;
	s25 =	sshrl.u32 s25, $0x3  }
0x1bf: {  	s23 =	sadd.s32 $0x300, s23;
	s24 =	sadd.s32 $0x300, s24;
	s25 =	sadd.s32 s1, s25  }
0x1c0: {  	[tilespmem:s15], [sflag:$0x2] =	stream.linear.gather [hbm4b:s25+s3], $0xC000, $0x38;
	[tilespmem:$0x18200] =	vst v63  }
.LBB2_16:
0x1c1: {  	_ =	sfence.sel $0x180000  }
0x1c2: {  	[bflag:$0x0] =	sbarrier.arrive $0xFFFF  }
0x1c3: {  	p0 =	sne.s32 s2, $0x0;
	_ =	strace $0x90000047  }
0x1c4: {  	s0 =	sadd.s32 @!p0 $0x100000, s0;
	[bflag:$0x2] =	sbarrier.arrive $0xFFFF  }
0x1c5: {  	[sflag:s0] =	ssyncadd.tile.s32 @!p0 $0x1;
	_ =	shalt  }
.Lfunc_end2:
_tile_overlayer_lowered:
.L_overlay_start_2:
0x1c6: {  	(tag) =	ssettag $0x2  }
0x1c7: {  	s0 =	rddreg [dreg:$0x0];
	s2 =	stileid.u32  }
0x1c8: {  	s1 =	rddreg [dreg:$0x1];
	p0 =	sne.s32 s2, $0x0  }
0x1c9: {  	s3 =	rddreg [dreg:$0x2];
	[bflag:$0x3] =	sbarrier.arrive $0xFFFF;
	s2 =	simm.s32 @!p0 $0x1C03  }
0x1ca: {  	[timem:s3], [sflag:s2] =	dma.local @!p0 [hbm:s0], s1  }
0x1cb: {  	s0 =	simm.s32 @!p0 $0x3  }
0x1cc: {  	_ =	swait.ge @!p0 [sflag:s0], s1  }
0x1cd: {  	s1 =	ssub.s32 @!p0 $0x0, s1;
	[sflag:s0] =	ssyncset.done @!p0 $0x0  }
0x1ce: {  	[sflag:s0] =	ssyncadd.s32 @!p0 s1  }
0x1cf: {  	[bflag:$0x3] =	sbarrier.arrive $0xFFFF  }
0x1d0: {  	_ =	shalt  }

</sc_bundles>
